<compile_context>
chip_gen: v7x
topology: tpu7x:2x2x1
jax: 0.10.2.dev20260603
libtpu: 0.0.44.dev20260713+nightly
codegen_flags: <defaults>
</compile_context>

<pallas_src>
import functools

import jax
import jax.numpy as jnp
from jax import lax
from jax.experimental import pallas as pl
from jax.experimental.pallas import tpu as pltpu
from jax.experimental.pallas import tpu_sc as plsc

D = 128
F = 64
LEVELS = 3
STEPS = 4

NC = 2
NS = 16
NW = NC * NS
CHUNK = 32
NBUF = 4
GRP = 40
DEG_CHUNK = 128
N_PAD = 10240
ROWS_PER_SUB = N_PAD // NS
DEG_W = 128
INV_W = 8
BLK = 512

_MESH = plsc.VectorSubcoreMesh(
    core_axis_name="c", subcore_axis_name="s", num_cores=NC, num_subcores=NS
)


def _make_edge_kernel(e_pad: int):
    chunks_per_tile = e_pad // (NW * CHUNK)
    ngroups = chunks_per_tile // GRP

    def body(h_hbm, src_hbm, dst_hbm, p_out, srcg, dstg, *scr):
        bufs = list(scr[:NBUF])
        acc = scr[NBUF]
        sems = list(scr[NBUF + 1:])
        b0 = bufs[0]
        cc = lax.axis_index("c")
        ss = lax.axis_index("s")
        wid = ss * NC + cc
        zeros16 = jnp.zeros((16,), jnp.float32)

        def gstart(r, b):
            pltpu.async_copy(h_hbm.at[srcg.at[r]], bufs[b], sems[b])

        def gwait(r, b):
            pltpu.make_async_copy(h_hbm.at[srcg.at[r]], bufs[b], sems[b]).wait()

        def scat(r, b):
            pltpu.sync_copy(bufs[b], acc.at[dstg.at[r]], add=True)

        tile_row0 = wid * chunks_per_tile

        pltpu.sync_copy(src_hbm.at[pl.ds(tile_row0, GRP)], srcg)
        pltpu.sync_copy(dst_hbm.at[pl.ds(tile_row0, GRP)], dstg)
        for b in range(1, NBUF):
            gstart(b, b)

        @pl.loop(0, CHUNK)
        def _(i):
            for j in range(D // 16):
                b0[i, pl.ds(j * 16, 16)] = zeros16

        rows0 = ss * ROWS_PER_SUB
        for k in range(ROWS_PER_SUB // CHUNK):
            pltpu.sync_copy(b0, acc.at[pl.ds(rows0 + k * CHUNK, CHUNK)])
        gstart(0, 0)
        plsc.subcore_barrier()

        @pl.loop(0, ngroups)
        def _(g):
            row0 = tile_row0 + g * GRP

            @pl.when(g > 0)
            def _():
                pltpu.sync_copy(src_hbm.at[pl.ds(row0, GRP)], srcg)
                pltpu.sync_copy(dst_hbm.at[pl.ds(row0, GRP)], dstg)
                for b in range(NBUF):
                    gstart(b, b)

            @pl.loop(0, GRP // NBUF)
            def _(p):
                for b in range(NBUF):
                    r = p * NBUF + b
                    gwait(r, b)
                    scat(r, b)

                    @pl.when(r + NBUF < GRP)
                    def _():
                        gstart(r + NBUF, b)

        plsc.subcore_barrier()
        pltpu.sync_copy(
            acc.at[pl.ds(rows0, ROWS_PER_SUB)],
            p_out.at[cc, pl.ds(rows0, ROWS_PER_SUB)],
        )

    return pl.kernel(
        body,
        out_type=jax.ShapeDtypeStruct((NC, N_PAD, D), jnp.float32),
        mesh=_MESH,
        scratch_types=(
            [
                pltpu.VMEM((GRP, CHUNK), jnp.int32),
                pltpu.VMEM((GRP, CHUNK), jnp.int32),
            ]
            + [pltpu.VMEM((CHUNK, D), jnp.float32) for _ in range(NBUF)]
            + [pltpu.VMEM_SHARED((N_PAD, D), jnp.float32)]
            + [pltpu.SemaphoreType.DMA for _ in range(NBUF)]
        ),
    )


def _make_deg_kernel(e_pad: int):
    chunks_per_tile = e_pad // (NW * DEG_CHUNK)
    per_tile = chunks_per_tile * DEG_CHUNK

    def body(dst_hbm, pd_out, dst_v, ones_v, accd):
        cc = lax.axis_index("c")
        ss = lax.axis_index("s")
        wid = ss * NC + cc
        zeros16 = jnp.zeros((16,), jnp.float32)
        ones16 = jnp.ones((16,), jnp.float32)

        @pl.loop(0, DEG_CHUNK)
        def _(i):
            for j in range(DEG_W // 16):
                ones_v[i, pl.ds(j * 16, 16)] = zeros16

        rows0 = ss * ROWS_PER_SUB
        for k in range(ROWS_PER_SUB // DEG_CHUNK):
            pltpu.sync_copy(ones_v, accd.at[pl.ds(rows0 + k * DEG_CHUNK, DEG_CHUNK)])

        @pl.loop(0, DEG_CHUNK)
        def _(i):
            for j in range(DEG_W // 16):
                ones_v[i, pl.ds(j * 16, 16)] = ones16

        plsc.subcore_barrier()

        base = wid * per_tile

        @pl.loop(0, chunks_per_tile)
        def _(ci):
            off = base + ci * DEG_CHUNK
            pltpu.sync_copy(dst_hbm.at[pl.ds(off, DEG_CHUNK)], dst_v)
            pltpu.sync_copy(ones_v, accd.at[dst_v], add=True)

        plsc.subcore_barrier()
        pltpu.sync_copy(
            accd.at[pl.ds(rows0, ROWS_PER_SUB)],
            pd_out.at[cc, pl.ds(rows0, ROWS_PER_SUB)],
        )

    return pl.kernel(
        body,
        out_type=jax.ShapeDtypeStruct((NC, N_PAD, DEG_W), jnp.float32),
        mesh=_MESH,
        scratch_types=[
            pltpu.VMEM((DEG_CHUNK,), jnp.int32),
            pltpu.VMEM((DEG_CHUNK, DEG_W), jnp.float32),
            pltpu.VMEM_SHARED((N_PAD, DEG_W), jnp.float32),
        ],
    )


def _inv_deg_body(pd_ref, inv_ref):
    pd = pd_ref[...]
    deg = pd[0, :, :1] + pd[1, :, :1] + 1.0
    inv_ref[...] = jnp.broadcast_to(1.0 / deg, (deg.shape[0], INV_W))


_inv_deg = pl.pallas_call(
    _inv_deg_body,
    grid=(N_PAD // BLK,),
    in_specs=[pl.BlockSpec((NC, BLK, DEG_W), lambda i: (0, i, 0))],
    out_specs=pl.BlockSpec((BLK, INV_W), lambda i: (i, 0)),
    out_shape=jax.ShapeDtypeStruct((N_PAD, INV_W), jnp.float32),
)


def _combine_body(inv_ref, hp_ref, p_ref, h_ref):
    inv = inv_ref[...][:, :1]
    p = p_ref[...]
    h_ref[...] = (p[0] + p[1] + hp_ref[...]) * inv


_combine = pl.pallas_call(
    _combine_body,
    grid=(N_PAD // BLK,),
    in_specs=[
        pl.BlockSpec((BLK, INV_W), lambda i: (i, 0)),
        pl.BlockSpec((BLK, D), lambda i: (i, 0)),
        pl.BlockSpec((NC, BLK, D), lambda i: (0, i, 0)),
    ],
    out_specs=pl.BlockSpec((BLK, D), lambda i: (i, 0)),
    out_shape=jax.ShapeDtypeStruct((N_PAD, D), jnp.float32),
)


def _ls2t_body(h0, h1, h2, h3, p4_ref, inv_ref, k_ref, b_ref, e_ref, o_ref):
    p4 = p4_ref[...]
    h3v = h3[...]
    h4 = (p4[0] + p4[1] + h3v) * inv_ref[...][:, :1]
    hs = [h0[...], h1[...], h2[...], h3v, h4]
    diffs = [hs[0]] + [hs[l + 1] - hs[l] for l in range(STEPS)]
    K = k_ref[...]
    b = b_ref[...]
    M = [
        [
            jnp.dot(diffs[l], K[m], preferred_element_type=jnp.float32) + b[m]
            for l in range(STEPS + 1)
        ]
        for m in range(LEVELS)
    ]
    Y = M[0]
    res = [sum(Y[1:], Y[0])]
    for m in range(1, LEVELS):
        c = jnp.zeros_like(Y[0])
        newY = []
        for l in range(STEPS + 1):
            newY.append(M[m][l] * c)
            c = c + Y[l]
        Y = newY
        res.append(sum(Y[1:], Y[0]))
    e = e_ref[...]
    o_ref[...] = jnp.concatenate([res[m] * e[m] for m in range(LEVELS)], axis=1)


@functools.cache
def _make_ls2t(n: int):
    return pl.pallas_call(
        _ls2t_body,
        grid=(N_PAD // BLK,),
        in_specs=[pl.BlockSpec((BLK, D), lambda i: (i, 0)) for _ in range(STEPS)]
        + [
            pl.BlockSpec((NC, BLK, D), lambda i: (0, i, 0)),
            pl.BlockSpec((BLK, INV_W), lambda i: (i, 0)),
        ]
        + [
            pl.BlockSpec((LEVELS, D, F), lambda i: (0, 0, 0)),
            pl.BlockSpec((LEVELS, F), lambda i: (0, 0)),
            pl.BlockSpec((LEVELS, F), lambda i: (0, 0)),
        ],
        out_specs=pl.BlockSpec((BLK, LEVELS * F), lambda i: (i, 0)),
        out_shape=jax.ShapeDtypeStruct((n, LEVELS * F), jnp.float32),
    )


def kernel(x, edge_index, kernel, bias, embed_coeffs):
    n = x.shape[0]
    dst = edge_index[:, 0]
    src = edge_index[:, 1]
    e = dst.shape[0]
    gran = NW * CHUNK * GRP
    e_pad = ((e + gran - 1) // gran) * gran
    pad_idx = n + (jnp.arange(e_pad - e, dtype=jnp.int32) % (N_PAD - n))
    dst_p = jnp.concatenate([dst, pad_idx])
    src_p = jnp.concatenate([src, pad_idx])
    src2 = src_p.reshape(-1, CHUNK)
    dst2 = dst_p.reshape(-1, CHUNK)
    x_p = jnp.zeros((N_PAD, D), jnp.float32).at[:n].set(x)

    step = _make_edge_kernel(e_pad)
    deg = _make_deg_kernel(e_pad)

    pd = deg(dst_p)
    inv = _inv_deg(pd)
    hs = [x_p]
    h = x_p
    for _ in range(STEPS - 1):
        p = step(h, src2, dst2)
        h = _combine(inv, h, p)
        hs.append(h)
    p4 = step(h, src2, dst2)

    ls2t = _make_ls2t(n)
    out = ls2t(hs[0], hs[1], hs[2], hs[3], p4, inv, kernel, bias, embed_coeffs)
    return out.reshape(n, LEVELS, F)

# --- scband reference (transcript-rebuilt; emitter-appended) ---
"""Pipeline reference for scband-gsn-35433480192471 (READ-ONLY COPY).

The authoritative reference and input builder live on the scoring server;
editing this copy changes nothing except your own understanding.
"""

import jax, jax.numpy as jnp
import numpy as np
import math

N_NODES = 10000
N_EDGES = 320000
D_FEAT = 128
N_LEVELS = 3
N_STEPS = 4
N_FEATURES = 64
DIFF = True
BASEPOINT = True


def setup_inputs(seed: int = 0) -> dict:
    key = jax.random.key(seed)
    k1, k2, k3 = jax.random.split(key, 3)
    x = jax.random.normal(k1, (N_NODES, D_FEAT), dtype=jnp.float32)
    edge_index = jax.random.randint(k2, (N_EDGES, 2), 0, N_NODES, dtype=jnp.int32)
    # GSN uniform kernel init: per-level uniform, scaled by fan-in
    kernel = (jax.random.uniform(k3, (N_LEVELS, D_FEAT, N_FEATURES), dtype=jnp.float32, minval=-1.0, maxval=1.0)
              / np.sqrt(D_FEAT).astype(np.float32))
    bias = jnp.zeros((N_LEVELS, N_FEATURES), dtype=jnp.float32)
    # FactorialInit: level-m coefficients initialized to 1/m!
    fact = np.array([1.0 / math.factorial(m + 1) for m in range(N_LEVELS)], dtype=np.float32)
    embed_coeffs = jnp.asarray(np.tile(fact[:, None], (1, N_FEATURES)))
    return {"x": x, "edge_index": edge_index, "kernel": kernel, "bias": bias, "embed_coeffs": embed_coeffs}


def reference(x, edge_index, kernel, bias, embed_coeffs):
    # --- build edge list with self loops (add_self_loops=True) ---
    row = edge_index[:, 0]
    col = edge_index[:, 1]
    loop = jnp.arange(N_NODES, dtype=row.dtype)
    dst = jnp.concatenate([row, loop])
    src = jnp.concatenate([col, loop])
    # random-walk normalized adjacency D^{-1} A_hat
    deg = jax.ops.segment_sum(jnp.ones_like(dst, dtype=x.dtype), dst, num_segments=N_NODES)
    inv_deg = 1.0 / jnp.maximum(deg, 1.0)
    # --- diffusion sequence over n_steps propagation steps ---
    seq = [x]
    h = x
    for _ in range(N_STEPS):
        msg = h[src]                                              # gather
        agg = jax.ops.segment_sum(msg, dst, num_segments=N_NODES)  # scatter-add
        h = agg * inv_deg[:, None]
        seq.append(h)
    X = jnp.stack(seq, axis=1)  # [N, n_steps+1, d]
    if BASEPOINT:
        X = jnp.concatenate([jnp.zeros_like(X[:, :1]), X], axis=1)
    if DIFF:
        X = X[:, 1:] - X[:, :-1]
    # --- low-rank signature transform (LS2T) over the diffusion sequence ---
    # M: [N, n_levels, L, n_features]
    M = jnp.einsum('nld,mdf->nmlf', X, kernel) + bias[None, :, None, :]
    Y = M[:, 0]
    results = [jnp.sum(Y, axis=1)]
    for m in range(1, N_LEVELS):
        csum = jnp.cumsum(Y, axis=1)
        csum = jnp.concatenate([jnp.zeros_like(csum[:, :1]), csum[:, :-1]], axis=1)  # exclusive cumsum
        Y = M[:, m] * csum
        results.append(jnp.sum(Y, axis=1))
    out = jnp.stack(results, axis=1)  # [N, n_levels, n_features]
    out = out * embed_coeffs[None]    # learned level embedding coefficients
    return out

if __name__ == "__main__":
    import jax
    _d = setup_inputs()
    print(jax.jit(kernel)(*tuple(_d.values())))

</pallas_src>

<mosaic_0001>
#map = affine_map<(d0, d1) -> (0, 0)>
#map1 = affine_map<(d0, d1) -> (0, 0, 0)>
module attributes {stable_mosaic.version = 14 : i64} {
  func.func @body(%arg0: i32, %arg1: i32, %arg2: memref<10240x128xf32, #tpu.memory_space<hbm>>, %arg3: memref<10240x32xi32, #tpu.memory_space<hbm>>, %arg4: memref<10240x32xi32, #tpu.memory_space<hbm>>, %arg5: memref<2x10240x128xf32, #tpu.memory_space<hbm>>, %arg6: memref<40x32xi32, #tpu.memory_space<vmem>>, %arg7: memref<40x32xi32, #tpu.memory_space<vmem>>, %arg8: memref<32x128xf32, #tpu.memory_space<vmem>>, %arg9: memref<32x128xf32, #tpu.memory_space<vmem>>, %arg10: memref<32x128xf32, #tpu.memory_space<vmem>>, %arg11: memref<32x128xf32, #tpu.memory_space<vmem>>, %arg12: memref<10240x128xf32, #tpu.memory_space<vmem_shared>>, %arg13: memref<!tpu.dma_semaphore, #tpu.memory_space<semaphore_mem>>, %arg14: memref<!tpu.dma_semaphore, #tpu.memory_space<semaphore_mem>>, %arg15: memref<!tpu.dma_semaphore, #tpu.memory_space<semaphore_mem>>, %arg16: memref<!tpu.dma_semaphore, #tpu.memory_space<semaphore_mem>>) attributes {dimension_semantics = [#tpu.dimension_semantics<core_parallel>, #tpu.dimension_semantics<subcore_parallel>], iteration_bounds = array<i64: 2, 16>, scalar_prefetch = 0 : i64, scratch_operands = 11 : i64, tpu.core_type = #tpu.core_type<sc_vector_subcore>, window_params = [{transform_indices = #map}, {transform_indices = #map}, {transform_indices = #map}, {transform_indices = #map1}]} {
    %mul3A = arith.constant 2 : i32
    %mul3A_0 = arith.muli %arg1, %mul3A : i32
    %add3A = arith.addi %mul3A_0, %arg0 : i32
    %broadcast_in_dim3A = arith.constant 0.000000e+00 : f32
    %broadcast_in_dim3A_1 = vector.broadcast %broadcast_in_dim3A : f32 to vector<16xf32>
    %mul3A_2 = arith.constant 320 : i32
    %mul3A_3 = arith.muli %add3A, %mul3A_2 : i32
    "tpu.region"() ({
      %run_scoped3A = tpu.sem_alloc : memref<!tpu.dma_semaphore, #tpu.memory_space<semaphore_mem>>
      %dma_start3A_83 = arith.constant 0 : i32
      %dma_start3A_84 = tpu.memref_slice %arg3[%mul3A_3, %dma_start3A_83] : memref<10240x32xi32, #tpu.memory_space<hbm>> -> memref<40x32xi32, #tpu.memory_space<hbm>>
      %dma_start3A_85 = arith.constant 0 : i32
      %dma_start3A_86 = tpu.memref_slice %arg3[%mul3A_3, %dma_start3A_85] : memref<10240x32xi32, #tpu.memory_space<hbm>> -> memref<40x32xi32, #tpu.memory_space<hbm>>
      tpu.enqueue_dma source(%dma_start3A_86 : memref<40x32xi32, #tpu.memory_space<hbm>>) target(%arg6 : memref<40x32xi32, #tpu.memory_space<vmem>>) target_semaphore(%run_scoped3A : memref<!tpu.dma_semaphore, #tpu.memory_space<semaphore_mem>>)
      %dma_wait3A = arith.constant 0 : i32
      %dma_wait3A_87 = tpu.memref_slice %arg3[%mul3A_3, %dma_wait3A] : memref<10240x32xi32, #tpu.memory_space<hbm>> -> memref<40x32xi32, #tpu.memory_space<hbm>>
      %dma_wait3A_88 = arith.constant 0 : i32
      %dma_wait3A_89 = tpu.memref_slice %arg3[%mul3A_3, %dma_wait3A_88] : memref<10240x32xi32, #tpu.memory_space<hbm>> -> memref<40x32xi32, #tpu.memory_space<hbm>>
      tpu.wait_dma2 semaphore(%run_scoped3A : memref<!tpu.dma_semaphore, #tpu.memory_space<semaphore_mem>>) src(%dma_wait3A_89 : memref<40x32xi32, #tpu.memory_space<hbm>>) dst(%arg6 : memref<40x32xi32, #tpu.memory_space<vmem>>)
      tpu.yield
    }) : () -> ()
    "tpu.region"() ({
      %run_scoped3A = tpu.sem_alloc : memref<!tpu.dma_semaphore, #tpu.memory_space<semaphore_mem>>
      %dma_start3A_83 = arith.constant 0 : i32
      %dma_start3A_84 = tpu.memref_slice %arg4[%mul3A_3, %dma_start3A_83] : memref<10240x32xi32, #tpu.memory_space<hbm>> -> memref<40x32xi32, #tpu.memory_space<hbm>>
      %dma_start3A_85 = arith.constant 0 : i32
      %dma_start3A_86 = tpu.memref_slice %arg4[%mul3A_3, %dma_start3A_85] : memref<10240x32xi32, #tpu.memory_space<hbm>> -> memref<40x32xi32, #tpu.memory_space<hbm>>
      tpu.enqueue_dma source(%dma_start3A_86 : memref<40x32xi32, #tpu.memory_space<hbm>>) target(%arg7 : memref<40x32xi32, #tpu.memory_space<vmem>>) target_semaphore(%run_scoped3A : memref<!tpu.dma_semaphore, #tpu.memory_space<semaphore_mem>>)
      %dma_wait3A = arith.constant 0 : i32
      %dma_wait3A_87 = tpu.memref_slice %arg4[%mul3A_3, %dma_wait3A] : memref<10240x32xi32, #tpu.memory_space<hbm>> -> memref<40x32xi32, #tpu.memory_space<hbm>>
      %dma_wait3A_88 = arith.constant 0 : i32
      %dma_wait3A_89 = tpu.memref_slice %arg4[%mul3A_3, %dma_wait3A_88] : memref<10240x32xi32, #tpu.memory_space<hbm>> -> memref<40x32xi32, #tpu.memory_space<hbm>>
      tpu.wait_dma2 semaphore(%run_scoped3A : memref<!tpu.dma_semaphore, #tpu.memory_space<semaphore_mem>>) src(%dma_wait3A_89 : memref<40x32xi32, #tpu.memory_space<hbm>>) dst(%arg7 : memref<40x32xi32, #tpu.memory_space<vmem>>)
      tpu.yield
    }) : () -> ()
    %dma_start3A = arith.constant 1 : i32
    %dma_start3A_4 = arith.constant 0 : i32
    %dma_start3A_5 = tpu.memref_slice %arg6[%dma_start3A, %dma_start3A_4] : memref<40x32xi32, #tpu.memory_space<vmem>> -> memref<1x32xi32, #tpu.memory_space<vmem>>
    %dma_start3A_6 = tpu.memref_squeeze %dma_start3A_5 : memref<1x32xi32, #tpu.memory_space<vmem>> -> memref<32xi32, #tpu.memory_space<vmem>>
    %dma_start3A_7 = arith.constant 0 : i32
    %dma_start3A_8 = arith.constant 0 : i32
    %dma_start3A_9 = tpu.memref_slice %arg2[%dma_start3A_7, %dma_start3A_8] : memref<10240x128xf32, #tpu.memory_space<hbm>> -> memref<10240x128xf32, #tpu.memory_space<hbm>>
    tpu.enqueue_indirect_dma source(%dma_start3A_9 : memref<10240x128xf32, #tpu.memory_space<hbm>>) target(%arg9 : memref<32x128xf32, #tpu.memory_space<vmem>>) offsets(%dma_start3A_6 : memref<32xi32, #tpu.memory_space<vmem>>) semaphore(%arg14 : memref<!tpu.dma_semaphore, #tpu.memory_space<semaphore_mem>>)
    %dma_start3A_10 = arith.constant 2 : i32
    %dma_start3A_11 = arith.constant 0 : i32
    %dma_start3A_12 = tpu.memref_slice %arg6[%dma_start3A_10, %dma_start3A_11] : memref<40x32xi32, #tpu.memory_space<vmem>> -> memref<1x32xi32, #tpu.memory_space<vmem>>
    %dma_start3A_13 = tpu.memref_squeeze %dma_start3A_12 : memref<1x32xi32, #tpu.memory_space<vmem>> -> memref<32xi32, #tpu.memory_space<vmem>>
    %dma_start3A_14 = arith.constant 0 : i32
    %dma_start3A_15 = arith.constant 0 : i32
    %dma_start3A_16 = tpu.memref_slice %arg2[%dma_start3A_14, %dma_start3A_15] : memref<10240x128xf32, #tpu.memory_space<hbm>> -> memref<10240x128xf32, #tpu.memory_space<hbm>>
    tpu.enqueue_indirect_dma source(%dma_start3A_16 : memref<10240x128xf32, #tpu.memory_space<hbm>>) target(%arg10 : memref<32x128xf32, #tpu.memory_space<vmem>>) offsets(%dma_start3A_13 : memref<32xi32, #tpu.memory_space<vmem>>) semaphore(%arg15 : memref<!tpu.dma_semaphore, #tpu.memory_space<semaphore_mem>>)
    %dma_start3A_17 = arith.constant 3 : i32
    %dma_start3A_18 = arith.constant 0 : i32
    %dma_start3A_19 = tpu.memref_slice %arg6[%dma_start3A_17, %dma_start3A_18] : memref<40x32xi32, #tpu.memory_space<vmem>> -> memref<1x32xi32, #tpu.memory_space<vmem>>
    %dma_start3A_20 = tpu.memref_squeeze %dma_start3A_19 : memref<1x32xi32, #tpu.memory_space<vmem>> -> memref<32xi32, #tpu.memory_space<vmem>>
    %dma_start3A_21 = arith.constant 0 : i32
    %dma_start3A_22 = arith.constant 0 : i32
    %dma_start3A_23 = tpu.memref_slice %arg2[%dma_start3A_21, %dma_start3A_22] : memref<10240x128xf32, #tpu.memory_space<hbm>> -> memref<10240x128xf32, #tpu.memory_space<hbm>>
    tpu.enqueue_indirect_dma source(%dma_start3A_23 : memref<10240x128xf32, #tpu.memory_space<hbm>>) target(%arg11 : memref<32x128xf32, #tpu.memory_space<vmem>>) offsets(%dma_start3A_20 : memref<32xi32, #tpu.memory_space<vmem>>) semaphore(%arg16 : memref<!tpu.dma_semaphore, #tpu.memory_space<semaphore_mem>>)
    %scan3A = arith.constant 0 : i32
    %scan3A_24 = arith.constant 32 : i32
    %scan3A_25 = arith.addi %scan3A, %scan3A_24 : i32
    %scan3A_26 = arith.constant 1 : i32
    scf.for %scan3A_83 = %scan3A to %scan3A_25 step %scan3A_26  : i32 {
      %mul3A_84 = arith.constant 1 : i32
      %mul3A_85 = arith.muli %scan3A_83, %mul3A_84 : i32
      %add3A_86 = arith.constant 0 : i32
      %add3A_87 = arith.addi %add3A_86, %mul3A_85 : i32
      %swap3A = arith.index_cast %add3A_87 : i32 to index
      %swap3A_88 = arith.constant 0 : index
      %swap3A_89 = tpu.vector_load %arg8[%swap3A, %swap3A_88] {strides = array<i32>} : memref<32x128xf32, #tpu.memory_space<vmem>>, vector<1x16xf32>,
      %swap3A_90 = vector.shape_cast %swap3A_89 : vector<1x16xf32> to vector<16xf32>
      %swap3A_91 = vector.shape_cast %broadcast_in_dim3A_1 : vector<16xf32> to vector<1x16xf32>
      tpu.vector_store %arg8[%swap3A, %swap3A_88], %swap3A_91 {strides = array<i32>} : memref<32x128xf32, #tpu.memory_space<vmem>>, vector<1x16xf32>,
      %swap3A_92 = arith.index_cast %add3A_87 : i32 to index
      %swap3A_93 = arith.constant 16 : index
      %swap3A_94 = tpu.vector_load %arg8[%swap3A_92, %swap3A_93] {strides = array<i32>} : memref<32x128xf32, #tpu.memory_space<vmem>>, vector<1x16xf32>,
      %swap3A_95 = vector.shape_cast %swap3A_94 : vector<1x16xf32> to vector<16xf32>
      %swap3A_96 = vector.shape_cast %broadcast_in_dim3A_1 : vector<16xf32> to vector<1x16xf32>
      tpu.vector_store %arg8[%swap3A_92, %swap3A_93], %swap3A_96 {strides = array<i32>} : memref<32x128xf32, #tpu.memory_space<vmem>>, vector<1x16xf32>,
      %swap3A_97 = arith.index_cast %add3A_87 : i32 to index
      %swap3A_98 = arith.constant 32 : index
      %swap3A_99 = tpu.vector_load %arg8[%swap3A_97, %swap3A_98] {strides = array<i32>} : memref<32x128xf32, #tpu.memory_space<vmem>>, vector<1x16xf32>,
      %swap3A_100 = vector.shape_cast %swap3A_99 : vector<1x16xf32> to vector<16xf32>
      %swap3A_101 = vector.shape_cast %broadcast_in_dim3A_1 : vector<16xf32> to vector<1x16xf32>
      tpu.vector_store %arg8[%swap3A_97, %swap3A_98], %swap3A_101 {strides = array<i32>} : memref<32x128xf32, #tpu.memory_space<vmem>>, vector<1x16xf32>,
      %swap3A_102 = arith.index_cast %add3A_87 : i32 to index
      %swap3A_103 = arith.constant 48 : index
      %swap3A_104 = tpu.vector_load %arg8[%swap3A_102, %swap3A_103] {strides = array<i32>} : memref<32x128xf32, #tpu.memory_space<vmem>>, vector<1x16xf32>,
      %swap3A_105 = vector.shape_cast %swap3A_104 : vector<1x16xf32> to vector<16xf32>
      %swap3A_106 = vector.shape_cast %broadcast_in_dim3A_1 : vector<16xf32> to vector<1x16xf32>
      tpu.vector_store %arg8[%swap3A_102, %swap3A_103], %swap3A_106 {strides = array<i32>} : memref<32x128xf32, #tpu.memory_space<vmem>>, vector<1x16xf32>,
      %swap3A_107 = arith.index_cast %add3A_87 : i32 to index
      %swap3A_108 = arith.constant 64 : index
      %swap3A_109 = tpu.vector_load %arg8[%swap3A_107, %swap3A_108] {strides = array<i32>} : memref<32x128xf32, #tpu.memory_space<vmem>>, vector<1x16xf32>,
      %swap3A_110 = vector.shape_cast %swap3A_109 : vector<1x16xf32> to vector<16xf32>
      %swap3A_111 = vector.shape_cast %broadcast_in_dim3A_1 : vector<16xf32> to vector<1x16xf32>
      tpu.vector_store %arg8[%swap3A_107, %swap3A_108], %swap3A_111 {strides = array<i32>} : memref<32x128xf32, #tpu.memory_space<vmem>>, vector<1x16xf32>,
      %swap3A_112 = arith.index_cast %add3A_87 : i32 to index
      %swap3A_113 = arith.constant 80 : index
      %swap3A_114 = tpu.vector_load %arg8[%swap3A_112, %swap3A_113] {strides = array<i32>} : memref<32x128xf32, #tpu.memory_space<vmem>>, vector<1x16xf32>,
      %swap3A_115 = vector.shape_cast %swap3A_114 : vector<1x16xf32> to vector<16xf32>
      %swap3A_116 = vector.shape_cast %broadcast_in_dim3A_1 : vector<16xf32> to vector<1x16xf32>
      tpu.vector_store %arg8[%swap3A_112, %swap3A_113], %swap3A_116 {strides = array<i32>} : memref<32x128xf32, #tpu.memory_space<vmem>>, vector<1x16xf32>,
      %swap3A_117 = arith.index_cast %add3A_87 : i32 to index
      %swap3A_118 = arith.constant 96 : index
      %swap3A_119 = tpu.vector_load %arg8[%swap3A_117, %swap3A_118] {strides = array<i32>} : memref<32x128xf32, #tpu.memory_space<vmem>>, vector<1x16xf32>,
      %swap3A_120 = vector.shape_cast %swap3A_119 : vector<1x16xf32> to vector<16xf32>
      %swap3A_121 = vector.shape_cast %broadcast_in_dim3A_1 : vector<16xf32> to vector<1x16xf32>
      tpu.vector_store %arg8[%swap3A_117, %swap3A_118], %swap3A_121 {strides = array<i32>} : memref<32x128xf32, #tpu.memory_space<vmem>>, vector<1x16xf32>,
      %swap3A_122 = arith.index_cast %add3A_87 : i32 to index
      %swap3A_123 = arith.constant 112 : index
      %swap3A_124 = tpu.vector_load %arg8[%swap3A_122, %swap3A_123] {strides = array<i32>} : memref<32x128xf32, #tpu.memory_space<vmem>>, vector<1x16xf32>,
      %swap3A_125 = vector.shape_cast %swap3A_124 : vector<1x16xf32> to vector<16xf32>
      %swap3A_126 = vector.shape_cast %broadcast_in_dim3A_1 : vector<16xf32> to vector<1x16xf32>
      tpu.vector_store %arg8[%swap3A_122, %swap3A_123], %swap3A_126 {strides = array<i32>} : memref<32x128xf32, #tpu.memory_space<vmem>>, vector<1x16xf32>,
    }
    %scan3A_27 = arith.constant 32 : i32
    %mul3A_28 = arith.constant 640 : i32
    %mul3A_29 = arith.muli %arg1, %mul3A_28 : i32
    %add3A_30 = arith.constant 0 : i32
    %add3A_31 = arith.addi %mul3A_29, %add3A_30 : i32
    "tpu.region"() ({
      %run_scoped3A = tpu.sem_alloc : memref<!tpu.dma_semaphore, #tpu.memory_space<semaphore_mem>>
      %dma_start3A_83 = arith.constant 0 : i32
      %dma_start3A_84 = tpu.memref_slice %arg12[%add3A_31, %dma_start3A_83] : memref<10240x128xf32, #tpu.memory_space<vmem_shared>> -> memref<32x128xf32, #tpu.memory_space<vmem_shared>>
      %dma_start3A_85 = arith.constant 0 : i32
      %dma_start3A_86 = tpu.memref_slice %arg12[%add3A_31, %dma_start3A_85] : memref<10240x128xf32, #tpu.memory_space<vmem_shared>> -> memref<32x128xf32, #tpu.memory_space<vmem_shared>>
      tpu.enqueue_dma source(%arg8 : memref<32x128xf32, #tpu.memory_space<vmem>>) target(%dma_start3A_86 : memref<32x128xf32, #tpu.memory_space<vmem_shared>>) target_semaphore(%run_scoped3A : memref<!tpu.dma_semaphore, #tpu.memory_space<semaphore_mem>>)
      %dma_wait3A = arith.constant 0 : i32
      %dma_wait3A_87 = tpu.memref_slice %arg12[%add3A_31, %dma_wait3A] : memref<10240x128xf32, #tpu.memory_space<vmem_shared>> -> memref<32x128xf32, #tpu.memory_space<vmem_shared>>
      %dma_wait3A_88 = arith.constant 0 : i32
      %dma_wait3A_89 = tpu.memref_slice %arg12[%add3A_31, %dma_wait3A_88] : memref<10240x128xf32, #tpu.memory_space<vmem_shared>> -> memref<32x128xf32, #tpu.memory_space<vmem_shared>>
      tpu.wait_dma2 semaphore(%run_scoped3A : memref<!tpu.dma_semaphore, #tpu.memory_space<semaphore_mem>>) src(%arg8 : memref<32x128xf32, #tpu.memory_space<vmem>>) dst(%dma_wait3A_89 : memref<32x128xf32, #tpu.memory_space<vmem_shared>>)
      tpu.yield
    }) : () -> ()
    %add3A_32 = arith.constant 32 : i32
    %add3A_33 = arith.addi %mul3A_29, %add3A_32 : i32
    "tpu.region"() ({
      %run_scoped3A = tpu.sem_alloc : memref<!tpu.dma_semaphore, #tpu.memory_space<semaphore_mem>>
      %dma_start3A_83 = arith.constant 0 : i32
      %dma_start3A_84 = tpu.memref_slice %arg12[%add3A_33, %dma_start3A_83] : memref<10240x128xf32, #tpu.memory_space<vmem_shared>> -> memref<32x128xf32, #tpu.memory_space<vmem_shared>>
      %dma_start3A_85 = arith.constant 0 : i32
      %dma_start3A_86 = tpu.memref_slice %arg12[%add3A_33, %dma_start3A_85] : memref<10240x128xf32, #tpu.memory_space<vmem_shared>> -> memref<32x128xf32, #tpu.memory_space<vmem_shared>>
      tpu.enqueue_dma source(%arg8 : memref<32x128xf32, #tpu.memory_space<vmem>>) target(%dma_start3A_86 : memref<32x128xf32, #tpu.memory_space<vmem_shared>>) target_semaphore(%run_scoped3A : memref<!tpu.dma_semaphore, #tpu.memory_space<semaphore_mem>>)
      %dma_wait3A = arith.constant 0 : i32
      %dma_wait3A_87 = tpu.memref_slice %arg12[%add3A_33, %dma_wait3A] : memref<10240x128xf32, #tpu.memory_space<vmem_shared>> -> memref<32x128xf32, #tpu.memory_space<vmem_shared>>
      %dma_wait3A_88 = arith.constant 0 : i32
      %dma_wait3A_89 = tpu.memref_slice %arg12[%add3A_33, %dma_wait3A_88] : memref<10240x128xf32, #tpu.memory_space<vmem_shared>> -> memref<32x128xf32, #tpu.memory_space<vmem_shared>>
      tpu.wait_dma2 semaphore(%run_scoped3A : memref<!tpu.dma_semaphore, #tpu.memory_space<semaphore_mem>>) src(%arg8 : memref<32x128xf32, #tpu.memory_space<vmem>>) dst(%dma_wait3A_89 : memref<32x128xf32, #tpu.memory_space<vmem_shared>>)
      tpu.yield
    }) : () -> ()
    %add3A_34 = arith.constant 64 : i32
    %add3A_35 = arith.addi %mul3A_29, %add3A_34 : i32
    "tpu.region"() ({
      %run_scoped3A = tpu.sem_alloc : memref<!tpu.dma_semaphore, #tpu.memory_space<semaphore_mem>>
      %dma_start3A_83 = arith.constant 0 : i32
      %dma_start3A_84 = tpu.memref_slice %arg12[%add3A_35, %dma_start3A_83] : memref<10240x128xf32, #tpu.memory_space<vmem_shared>> -> memref<32x128xf32, #tpu.memory_space<vmem_shared>>
      %dma_start3A_85 = arith.constant 0 : i32
      %dma_start3A_86 = tpu.memref_slice %arg12[%add3A_35, %dma_start3A_85] : memref<10240x128xf32, #tpu.memory_space<vmem_shared>> -> memref<32x128xf32, #tpu.memory_space<vmem_shared>>
      tpu.enqueue_dma source(%arg8 : memref<32x128xf32, #tpu.memory_space<vmem>>) target(%dma_start3A_86 : memref<32x128xf32, #tpu.memory_space<vmem_shared>>) target_semaphore(%run_scoped3A : memref<!tpu.dma_semaphore, #tpu.memory_space<semaphore_mem>>)
      %dma_wait3A = arith.constant 0 : i32
      %dma_wait3A_87 = tpu.memref_slice %arg12[%add3A_35, %dma_wait3A] : memref<10240x128xf32, #tpu.memory_space<vmem_shared>> -> memref<32x128xf32, #tpu.memory_space<vmem_shared>>
      %dma_wait3A_88 = arith.constant 0 : i32
      %dma_wait3A_89 = tpu.memref_slice %arg12[%add3A_35, %dma_wait3A_88] : memref<10240x128xf32, #tpu.memory_space<vmem_shared>> -> memref<32x128xf32, #tpu.memory_space<vmem_shared>>
      tpu.wait_dma2 semaphore(%run_scoped3A : memref<!tpu.dma_semaphore, #tpu.memory_space<semaphore_mem>>) src(%arg8 : memref<32x128xf32, #tpu.memory_space<vmem>>) dst(%dma_wait3A_89 : memref<32x128xf32, #tpu.memory_space<vmem_shared>>)
      tpu.yield
    }) : () -> ()
    %add3A_36 = arith.constant 96 : i32
    %add3A_37 = arith.addi %mul3A_29, %add3A_36 : i32
    "tpu.region"() ({
      %run_scoped3A = tpu.sem_alloc : memref<!tpu.dma_semaphore, #tpu.memory_space<semaphore_mem>>
      %dma_start3A_83 = arith.constant 0 : i32
      %dma_start3A_84 = tpu.memref_slice %arg12[%add3A_37, %dma_start3A_83] : memref<10240x128xf32, #tpu.memory_space<vmem_shared>> -> memref<32x128xf32, #tpu.memory_space<vmem_shared>>
      %dma_start3A_85 = arith.constant 0 : i32
      %dma_start3A_86 = tpu.memref_slice %arg12[%add3A_37, %dma_start3A_85] : memref<10240x128xf32, #tpu.memory_space<vmem_shared>> -> memref<32x128xf32, #tpu.memory_space<vmem_shared>>
      tpu.enqueue_dma source(%arg8 : memref<32x128xf32, #tpu.memory_space<vmem>>) target(%dma_start3A_86 : memref<32x128xf32, #tpu.memory_space<vmem_shared>>) target_semaphore(%run_scoped3A : memref<!tpu.dma_semaphore, #tpu.memory_space<semaphore_mem>>)
      %dma_wait3A = arith.constant 0 : i32
      %dma_wait3A_87 = tpu.memref_slice %arg12[%add3A_37, %dma_wait3A] : memref<10240x128xf32, #tpu.memory_space<vmem_shared>> -> memref<32x128xf32, #tpu.memory_space<vmem_shared>>
      %dma_wait3A_88 = arith.constant 0 : i32
      %dma_wait3A_89 = tpu.memref_slice %arg12[%add3A_37, %dma_wait3A_88] : memref<10240x128xf32, #tpu.memory_space<vmem_shared>> -> memref<32x128xf32, #tpu.memory_space<vmem_shared>>
      tpu.wait_dma2 semaphore(%run_scoped3A : memref<!tpu.dma_semaphore, #tpu.memory_space<semaphore_mem>>) src(%arg8 : memref<32x128xf32, #tpu.memory_space<vmem>>) dst(%dma_wait3A_89 : memref<32x128xf32, #tpu.memory_space<vmem_shared>>)
      tpu.yield
    }) : () -> ()
    %add3A_38 = arith.constant 128 : i32
    %add3A_39 = arith.addi %mul3A_29, %add3A_38 : i32
    "tpu.region"() ({
      %run_scoped3A = tpu.sem_alloc : memref<!tpu.dma_semaphore, #tpu.memory_space<semaphore_mem>>
      %dma_start3A_83 = arith.constant 0 : i32
      %dma_start3A_84 = tpu.memref_slice %arg12[%add3A_39, %dma_start3A_83] : memref<10240x128xf32, #tpu.memory_space<vmem_shared>> -> memref<32x128xf32, #tpu.memory_space<vmem_shared>>
      %dma_start3A_85 = arith.constant 0 : i32
      %dma_start3A_86 = tpu.memref_slice %arg12[%add3A_39, %dma_start3A_85] : memref<10240x128xf32, #tpu.memory_space<vmem_shared>> -> memref<32x128xf32, #tpu.memory_space<vmem_shared>>
      tpu.enqueue_dma source(%arg8 : memref<32x128xf32, #tpu.memory_space<vmem>>) target(%dma_start3A_86 : memref<32x128xf32, #tpu.memory_space<vmem_shared>>) target_semaphore(%run_scoped3A : memref<!tpu.dma_semaphore, #tpu.memory_space<semaphore_mem>>)
      %dma_wait3A = arith.constant 0 : i32
      %dma_wait3A_87 = tpu.memref_slice %arg12[%add3A_39, %dma_wait3A] : memref<10240x128xf32, #tpu.memory_space<vmem_shared>> -> memref<32x128xf32, #tpu.memory_space<vmem_shared>>
      %dma_wait3A_88 = arith.constant 0 : i32
      %dma_wait3A_89 = tpu.memref_slice %arg12[%add3A_39, %dma_wait3A_88] : memref<10240x128xf32, #tpu.memory_space<vmem_shared>> -> memref<32x128xf32, #tpu.memory_space<vmem_shared>>
      tpu.wait_dma2 semaphore(%run_scoped3A : memref<!tpu.dma_semaphore, #tpu.memory_space<semaphore_mem>>) src(%arg8 : memref<32x128xf32, #tpu.memory_space<vmem>>) dst(%dma_wait3A_89 : memref<32x128xf32, #tpu.memory_space<vmem_shared>>)
      tpu.yield
    }) : () -> ()
    %add3A_40 = arith.constant 160 : i32
    %add3A_41 = arith.addi %mul3A_29, %add3A_40 : i32
    "tpu.region"() ({
      %run_scoped3A = tpu.sem_alloc : memref<!tpu.dma_semaphore, #tpu.memory_space<semaphore_mem>>
      %dma_start3A_83 = arith.constant 0 : i32
      %dma_start3A_84 = tpu.memref_slice %arg12[%add3A_41, %dma_start3A_83] : memref<10240x128xf32, #tpu.memory_space<vmem_shared>> -> memref<32x128xf32, #tpu.memory_space<vmem_shared>>
      %dma_start3A_85 = arith.constant 0 : i32
      %dma_start3A_86 = tpu.memref_slice %arg12[%add3A_41, %dma_start3A_85] : memref<10240x128xf32, #tpu.memory_space<vmem_shared>> -> memref<32x128xf32, #tpu.memory_space<vmem_shared>>
      tpu.enqueue_dma source(%arg8 : memref<32x128xf32, #tpu.memory_space<vmem>>) target(%dma_start3A_86 : memref<32x128xf32, #tpu.memory_space<vmem_shared>>) target_semaphore(%run_scoped3A : memref<!tpu.dma_semaphore, #tpu.memory_space<semaphore_mem>>)
      %dma_wait3A = arith.constant 0 : i32
      %dma_wait3A_87 = tpu.memref_slice %arg12[%add3A_41, %dma_wait3A] : memref<10240x128xf32, #tpu.memory_space<vmem_shared>> -> memref<32x128xf32, #tpu.memory_space<vmem_shared>>
      %dma_wait3A_88 = arith.constant 0 : i32
      %dma_wait3A_89 = tpu.memref_slice %arg12[%add3A_41, %dma_wait3A_88] : memref<10240x128xf32, #tpu.memory_space<vmem_shared>> -> memref<32x128xf32, #tpu.memory_space<vmem_shared>>
      tpu.wait_dma2 semaphore(%run_scoped3A : memref<!tpu.dma_semaphore, #tpu.memory_space<semaphore_mem>>) src(%arg8 : memref<32x128xf32, #tpu.memory_space<vmem>>) dst(%dma_wait3A_89 : memref<32x128xf32, #tpu.memory_space<vmem_shared>>)
      tpu.yield
    }) : () -> ()
    %add3A_42 = arith.constant 192 : i32
    %add3A_43 = arith.addi %mul3A_29, %add3A_42 : i32
    "tpu.region"() ({
      %run_scoped3A = tpu.sem_alloc : memref<!tpu.dma_semaphore, #tpu.memory_space<semaphore_mem>>
      %dma_start3A_83 = arith.constant 0 : i32
      %dma_start3A_84 = tpu.memref_slice %arg12[%add3A_43, %dma_start3A_83] : memref<10240x128xf32, #tpu.memory_space<vmem_shared>> -> memref<32x128xf32, #tpu.memory_space<vmem_shared>>
      %dma_start3A_85 = arith.constant 0 : i32
      %dma_start3A_86 = tpu.memref_slice %arg12[%add3A_43, %dma_start3A_85] : memref<10240x128xf32, #tpu.memory_space<vmem_shared>> -> memref<32x128xf32, #tpu.memory_space<vmem_shared>>
      tpu.enqueue_dma source(%arg8 : memref<32x128xf32, #tpu.memory_space<vmem>>) target(%dma_start3A_86 : memref<32x128xf32, #tpu.memory_space<vmem_shared>>) target_semaphore(%run_scoped3A : memref<!tpu.dma_semaphore, #tpu.memory_space<semaphore_mem>>)
      %dma_wait3A = arith.constant 0 : i32
      %dma_wait3A_87 = tpu.memref_slice %arg12[%add3A_43, %dma_wait3A] : memref<10240x128xf32, #tpu.memory_space<vmem_shared>> -> memref<32x128xf32, #tpu.memory_space<vmem_shared>>
      %dma_wait3A_88 = arith.constant 0 : i32
      %dma_wait3A_89 = tpu.memref_slice %arg12[%add3A_43, %dma_wait3A_88] : memref<10240x128xf32, #tpu.memory_space<vmem_shared>> -> memref<32x128xf32, #tpu.memory_space<vmem_shared>>
      tpu.wait_dma2 semaphore(%run_scoped3A : memref<!tpu.dma_semaphore, #tpu.memory_space<semaphore_mem>>) src(%arg8 : memref<32x128xf32, #tpu.memory_space<vmem>>) dst(%dma_wait3A_89 : memref<32x128xf32, #tpu.memory_space<vmem_shared>>)
      tpu.yield
    }) : () -> ()
    %add3A_44 = arith.constant 224 : i32
    %add3A_45 = arith.addi %mul3A_29, %add3A_44 : i32
    "tpu.region"() ({
      %run_scoped3A = tpu.sem_alloc : memref<!tpu.dma_semaphore, #tpu.memory_space<semaphore_mem>>
      %dma_start3A_83 = arith.constant 0 : i32
      %dma_start3A_84 = tpu.memref_slice %arg12[%add3A_45, %dma_start3A_83] : memref<10240x128xf32, #tpu.memory_space<vmem_shared>> -> memref<32x128xf32, #tpu.memory_space<vmem_shared>>
      %dma_start3A_85 = arith.constant 0 : i32
      %dma_start3A_86 = tpu.memref_slice %arg12[%add3A_45, %dma_start3A_85] : memref<10240x128xf32, #tpu.memory_space<vmem_shared>> -> memref<32x128xf32, #tpu.memory_space<vmem_shared>>
      tpu.enqueue_dma source(%arg8 : memref<32x128xf32, #tpu.memory_space<vmem>>) target(%dma_start3A_86 : memref<32x128xf32, #tpu.memory_space<vmem_shared>>) target_semaphore(%run_scoped3A : memref<!tpu.dma_semaphore, #tpu.memory_space<semaphore_mem>>)
      %dma_wait3A = arith.constant 0 : i32
      %dma_wait3A_87 = tpu.memref_slice %arg12[%add3A_45, %dma_wait3A] : memref<10240x128xf32, #tpu.memory_space<vmem_shared>> -> memref<32x128xf32, #tpu.memory_space<vmem_shared>>
      %dma_wait3A_88 = arith.constant 0 : i32
      %dma_wait3A_89 = tpu.memref_slice %arg12[%add3A_45, %dma_wait3A_88] : memref<10240x128xf32, #tpu.memory_space<vmem_shared>> -> memref<32x128xf32, #tpu.memory_space<vmem_shared>>
      tpu.wait_dma2 semaphore(%run_scoped3A : memref<!tpu.dma_semaphore, #tpu.memory_space<semaphore_mem>>) src(%arg8 : memref<32x128xf32, #tpu.memory_space<vmem>>) dst(%dma_wait3A_89 : memref<32x128xf32, #tpu.memory_space<vmem_shared>>)
      tpu.yield
    }) : () -> ()
    %add3A_46 = arith.constant 256 : i32
    %add3A_47 = arith.addi %mul3A_29, %add3A_46 : i32
    "tpu.region"() ({
      %run_scoped3A = tpu.sem_alloc : memref<!tpu.dma_semaphore, #tpu.memory_space<semaphore_mem>>
      %dma_start3A_83 = arith.constant 0 : i32
      %dma_start3A_84 = tpu.memref_slice %arg12[%add3A_47, %dma_start3A_83] : memref<10240x128xf32, #tpu.memory_space<vmem_shared>> -> memref<32x128xf32, #tpu.memory_space<vmem_shared>>
      %dma_start3A_85 = arith.constant 0 : i32
      %dma_start3A_86 = tpu.memref_slice %arg12[%add3A_47, %dma_start3A_85] : memref<10240x128xf32, #tpu.memory_space<vmem_shared>> -> memref<32x128xf32, #tpu.memory_space<vmem_shared>>
      tpu.enqueue_dma source(%arg8 : memref<32x128xf32, #tpu.memory_space<vmem>>) target(%dma_start3A_86 : memref<32x128xf32, #tpu.memory_space<vmem_shared>>) target_semaphore(%run_scoped3A : memref<!tpu.dma_semaphore, #tpu.memory_space<semaphore_mem>>)
      %dma_wait3A = arith.constant 0 : i32
      %dma_wait3A_87 = tpu.memref_slice %arg12[%add3A_47, %dma_wait3A] : memref<10240x128xf32, #tpu.memory_space<vmem_shared>> -> memref<32x128xf32, #tpu.memory_space<vmem_shared>>
      %dma_wait3A_88 = arith.constant 0 : i32
      %dma_wait3A_89 = tpu.memref_slice %arg12[%add3A_47, %dma_wait3A_88] : memref<10240x128xf32, #tpu.memory_space<vmem_shared>> -> memref<32x128xf32, #tpu.memory_space<vmem_shared>>
      tpu.wait_dma2 semaphore(%run_scoped3A : memref<!tpu.dma_semaphore, #tpu.memory_space<semaphore_mem>>) src(%arg8 : memref<32x128xf32, #tpu.memory_space<vmem>>) dst(%dma_wait3A_89 : memref<32x128xf32, #tpu.memory_space<vmem_shared>>)
      tpu.yield
    }) : () -> ()
    %add3A_48 = arith.constant 288 : i32
    %add3A_49 = arith.addi %mul3A_29, %add3A_48 : i32
    "tpu.region"() ({
      %run_scoped3A = tpu.sem_alloc : memref<!tpu.dma_semaphore, #tpu.memory_space<semaphore_mem>>
      %dma_start3A_83 = arith.constant 0 : i32
      %dma_start3A_84 = tpu.memref_slice %arg12[%add3A_49, %dma_start3A_83] : memref<10240x128xf32, #tpu.memory_space<vmem_shared>> -> memref<32x128xf32, #tpu.memory_space<vmem_shared>>
      %dma_start3A_85 = arith.constant 0 : i32
      %dma_start3A_86 = tpu.memref_slice %arg12[%add3A_49, %dma_start3A_85] : memref<10240x128xf32, #tpu.memory_space<vmem_shared>> -> memref<32x128xf32, #tpu.memory_space<vmem_shared>>
      tpu.enqueue_dma source(%arg8 : memref<32x128xf32, #tpu.memory_space<vmem>>) target(%dma_start3A_86 : memref<32x128xf32, #tpu.memory_space<vmem_shared>>) target_semaphore(%run_scoped3A : memref<!tpu.dma_semaphore, #tpu.memory_space<semaphore_mem>>)
      %dma_wait3A = arith.constant 0 : i32
      %dma_wait3A_87 = tpu.memref_slice %arg12[%add3A_49, %dma_wait3A] : memref<10240x128xf32, #tpu.memory_space<vmem_shared>> -> memref<32x128xf32, #tpu.memory_space<vmem_shared>>
      %dma_wait3A_88 = arith.constant 0 : i32
      %dma_wait3A_89 = tpu.memref_slice %arg12[%add3A_49, %dma_wait3A_88] : memref<10240x128xf32, #tpu.memory_space<vmem_shared>> -> memref<32x128xf32, #tpu.memory_space<vmem_shared>>
      tpu.wait_dma2 semaphore(%run_scoped3A : memref<!tpu.dma_semaphore, #tpu.memory_space<semaphore_mem>>) src(%arg8 : memref<32x128xf32, #tpu.memory_space<vmem>>) dst(%dma_wait3A_89 : memref<32x128xf32, #tpu.memory_space<vmem_shared>>)
      tpu.yield
    }) : () -> ()
    %add3A_50 = arith.constant 320 : i32
    %add3A_51 = arith.addi %mul3A_29, %add3A_50 : i32
    "tpu.region"() ({
      %run_scoped3A = tpu.sem_alloc : memref<!tpu.dma_semaphore, #tpu.memory_space<semaphore_mem>>
      %dma_start3A_83 = arith.constant 0 : i32
      %dma_start3A_84 = tpu.memref_slice %arg12[%add3A_51, %dma_start3A_83] : memref<10240x128xf32, #tpu.memory_space<vmem_shared>> -> memref<32x128xf32, #tpu.memory_space<vmem_shared>>
      %dma_start3A_85 = arith.constant 0 : i32
      %dma_start3A_86 = tpu.memref_slice %arg12[%add3A_51, %dma_start3A_85] : memref<10240x128xf32, #tpu.memory_space<vmem_shared>> -> memref<32x128xf32, #tpu.memory_space<vmem_shared>>
      tpu.enqueue_dma source(%arg8 : memref<32x128xf32, #tpu.memory_space<vmem>>) target(%dma_start3A_86 : memref<32x128xf32, #tpu.memory_space<vmem_shared>>) target_semaphore(%run_scoped3A : memref<!tpu.dma_semaphore, #tpu.memory_space<semaphore_mem>>)
      %dma_wait3A = arith.constant 0 : i32
      %dma_wait3A_87 = tpu.memref_slice %arg12[%add3A_51, %dma_wait3A] : memref<10240x128xf32, #tpu.memory_space<vmem_shared>> -> memref<32x128xf32, #tpu.memory_space<vmem_shared>>
      %dma_wait3A_88 = arith.constant 0 : i32
      %dma_wait3A_89 = tpu.memref_slice %arg12[%add3A_51, %dma_wait3A_88] : memref<10240x128xf32, #tpu.memory_space<vmem_shared>> -> memref<32x128xf32, #tpu.memory_space<vmem_shared>>
      tpu.wait_dma2 semaphore(%run_scoped3A : memref<!tpu.dma_semaphore, #tpu.memory_space<semaphore_mem>>) src(%arg8 : memref<32x128xf32, #tpu.memory_space<vmem>>) dst(%dma_wait3A_89 : memref<32x128xf32, #tpu.memory_space<vmem_shared>>)
      tpu.yield
    }) : () -> ()
    %add3A_52 = arith.constant 352 : i32
    %add3A_53 = arith.addi %mul3A_29, %add3A_52 : i32
    "tpu.region"() ({
      %run_scoped3A = tpu.sem_alloc : memref<!tpu.dma_semaphore, #tpu.memory_space<semaphore_mem>>
      %dma_start3A_83 = arith.constant 0 : i32
      %dma_start3A_84 = tpu.memref_slice %arg12[%add3A_53, %dma_start3A_83] : memref<10240x128xf32, #tpu.memory_space<vmem_shared>> -> memref<32x128xf32, #tpu.memory_space<vmem_shared>>
      %dma_start3A_85 = arith.constant 0 : i32
      %dma_start3A_86 = tpu.memref_slice %arg12[%add3A_53, %dma_start3A_85] : memref<10240x128xf32, #tpu.memory_space<vmem_shared>> -> memref<32x128xf32, #tpu.memory_space<vmem_shared>>
      tpu.enqueue_dma source(%arg8 : memref<32x128xf32, #tpu.memory_space<vmem>>) target(%dma_start3A_86 : memref<32x128xf32, #tpu.memory_space<vmem_shared>>) target_semaphore(%run_scoped3A : memref<!tpu.dma_semaphore, #tpu.memory_space<semaphore_mem>>)
      %dma_wait3A = arith.constant 0 : i32
      %dma_wait3A_87 = tpu.memref_slice %arg12[%add3A_53, %dma_wait3A] : memref<10240x128xf32, #tpu.memory_space<vmem_shared>> -> memref<32x128xf32, #tpu.memory_space<vmem_shared>>
      %dma_wait3A_88 = arith.constant 0 : i32
      %dma_wait3A_89 = tpu.memref_slice %arg12[%add3A_53, %dma_wait3A_88] : memref<10240x128xf32, #tpu.memory_space<vmem_shared>> -> memref<32x128xf32, #tpu.memory_space<vmem_shared>>
      tpu.wait_dma2 semaphore(%run_scoped3A : memref<!tpu.dma_semaphore, #tpu.memory_space<semaphore_mem>>) src(%arg8 : memref<32x128xf32, #tpu.memory_space<vmem>>) dst(%dma_wait3A_89 : memref<32x128xf32, #tpu.memory_space<vmem_shared>>)
      tpu.yield
    }) : () -> ()
    %add3A_54 = arith.constant 384 : i32
    %add3A_55 = arith.addi %mul3A_29, %add3A_54 : i32
    "tpu.region"() ({
      %run_scoped3A = tpu.sem_alloc : memref<!tpu.dma_semaphore, #tpu.memory_space<semaphore_mem>>
      %dma_start3A_83 = arith.constant 0 : i32
      %dma_start3A_84 = tpu.memref_slice %arg12[%add3A_55, %dma_start3A_83] : memref<10240x128xf32, #tpu.memory_space<vmem_shared>> -> memref<32x128xf32, #tpu.memory_space<vmem_shared>>
      %dma_start3A_85 = arith.constant 0 : i32
      %dma_start3A_86 = tpu.memref_slice %arg12[%add3A_55, %dma_start3A_85] : memref<10240x128xf32, #tpu.memory_space<vmem_shared>> -> memref<32x128xf32, #tpu.memory_space<vmem_shared>>
      tpu.enqueue_dma source(%arg8 : memref<32x128xf32, #tpu.memory_space<vmem>>) target(%dma_start3A_86 : memref<32x128xf32, #tpu.memory_space<vmem_shared>>) target_semaphore(%run_scoped3A : memref<!tpu.dma_semaphore, #tpu.memory_space<semaphore_mem>>)
      %dma_wait3A = arith.constant 0 : i32
      %dma_wait3A_87 = tpu.memref_slice %arg12[%add3A_55, %dma_wait3A] : memref<10240x128xf32, #tpu.memory_space<vmem_shared>> -> memref<32x128xf32, #tpu.memory_space<vmem_shared>>
      %dma_wait3A_88 = arith.constant 0 : i32
      %dma_wait3A_89 = tpu.memref_slice %arg12[%add3A_55, %dma_wait3A_88] : memref<10240x128xf32, #tpu.memory_space<vmem_shared>> -> memref<32x128xf32, #tpu.memory_space<vmem_shared>>
      tpu.wait_dma2 semaphore(%run_scoped3A : memref<!tpu.dma_semaphore, #tpu.memory_space<semaphore_mem>>) src(%arg8 : memref<32x128xf32, #tpu.memory_space<vmem>>) dst(%dma_wait3A_89 : memref<32x128xf32, #tpu.memory_space<vmem_shared>>)
      tpu.yield
    }) : () -> ()
    %add3A_56 = arith.constant 416 : i32
    %add3A_57 = arith.addi %mul3A_29, %add3A_56 : i32
    "tpu.region"() ({
      %run_scoped3A = tpu.sem_alloc : memref<!tpu.dma_semaphore, #tpu.memory_space<semaphore_mem>>
      %dma_start3A_83 = arith.constant 0 : i32
      %dma_start3A_84 = tpu.memref_slice %arg12[%add3A_57, %dma_start3A_83] : memref<10240x128xf32, #tpu.memory_space<vmem_shared>> -> memref<32x128xf32, #tpu.memory_space<vmem_shared>>
      %dma_start3A_85 = arith.constant 0 : i32
      %dma_start3A_86 = tpu.memref_slice %arg12[%add3A_57, %dma_start3A_85] : memref<10240x128xf32, #tpu.memory_space<vmem_shared>> -> memref<32x128xf32, #tpu.memory_space<vmem_shared>>
      tpu.enqueue_dma source(%arg8 : memref<32x128xf32, #tpu.memory_space<vmem>>) target(%dma_start3A_86 : memref<32x128xf32, #tpu.memory_space<vmem_shared>>) target_semaphore(%run_scoped3A : memref<!tpu.dma_semaphore, #tpu.memory_space<semaphore_mem>>)
      %dma_wait3A = arith.constant 0 : i32
      %dma_wait3A_87 = tpu.memref_slice %arg12[%add3A_57, %dma_wait3A] : memref<10240x128xf32, #tpu.memory_space<vmem_shared>> -> memref<32x128xf32, #tpu.memory_space<vmem_shared>>
      %dma_wait3A_88 = arith.constant 0 : i32
      %dma_wait3A_89 = tpu.memref_slice %arg12[%add3A_57, %dma_wait3A_88] : memref<10240x128xf32, #tpu.memory_space<vmem_shared>> -> memref<32x128xf32, #tpu.memory_space<vmem_shared>>
      tpu.wait_dma2 semaphore(%run_scoped3A : memref<!tpu.dma_semaphore, #tpu.memory_space<semaphore_mem>>) src(%arg8 : memref<32x128xf32, #tpu.memory_space<vmem>>) dst(%dma_wait3A_89 : memref<32x128xf32, #tpu.memory_space<vmem_shared>>)
      tpu.yield
    }) : () -> ()
    %add3A_58 = arith.constant 448 : i32
    %add3A_59 = arith.addi %mul3A_29, %add3A_58 : i32
    "tpu.region"() ({
      %run_scoped3A = tpu.sem_alloc : memref<!tpu.dma_semaphore, #tpu.memory_space<semaphore_mem>>
      %dma_start3A_83 = arith.constant 0 : i32
      %dma_start3A_84 = tpu.memref_slice %arg12[%add3A_59, %dma_start3A_83] : memref<10240x128xf32, #tpu.memory_space<vmem_shared>> -> memref<32x128xf32, #tpu.memory_space<vmem_shared>>
      %dma_start3A_85 = arith.constant 0 : i32
      %dma_start3A_86 = tpu.memref_slice %arg12[%add3A_59, %dma_start3A_85] : memref<10240x128xf32, #tpu.memory_space<vmem_shared>> -> memref<32x128xf32, #tpu.memory_space<vmem_shared>>
      tpu.enqueue_dma source(%arg8 : memref<32x128xf32, #tpu.memory_space<vmem>>) target(%dma_start3A_86 : memref<32x128xf32, #tpu.memory_space<vmem_shared>>) target_semaphore(%run_scoped3A : memref<!tpu.dma_semaphore, #tpu.memory_space<semaphore_mem>>)
      %dma_wait3A = arith.constant 0 : i32
      %dma_wait3A_87 = tpu.memref_slice %arg12[%add3A_59, %dma_wait3A] : memref<10240x128xf32, #tpu.memory_space<vmem_shared>> -> memref<32x128xf32, #tpu.memory_space<vmem_shared>>
      %dma_wait3A_88 = arith.constant 0 : i32
      %dma_wait3A_89 = tpu.memref_slice %arg12[%add3A_59, %dma_wait3A_88] : memref<10240x128xf32, #tpu.memory_space<vmem_shared>> -> memref<32x128xf32, #tpu.memory_space<vmem_shared>>
      tpu.wait_dma2 semaphore(%run_scoped3A : memref<!tpu.dma_semaphore, #tpu.memory_space<semaphore_mem>>) src(%arg8 : memref<32x128xf32, #tpu.memory_space<vmem>>) dst(%dma_wait3A_89 : memref<32x128xf32, #tpu.memory_space<vmem_shared>>)
      tpu.yield
    }) : () -> ()
    %add3A_60 = arith.constant 480 : i32
    %add3A_61 = arith.addi %mul3A_29, %add3A_60 : i32
    "tpu.region"() ({
      %run_scoped3A = tpu.sem_alloc : memref<!tpu.dma_semaphore, #tpu.memory_space<semaphore_mem>>
      %dma_start3A_83 = arith.constant 0 : i32
      %dma_start3A_84 = tpu.memref_slice %arg12[%add3A_61, %dma_start3A_83] : memref<10240x128xf32, #tpu.memory_space<vmem_shared>> -> memref<32x128xf32, #tpu.memory_space<vmem_shared>>
      %dma_start3A_85 = arith.constant 0 : i32
      %dma_start3A_86 = tpu.memref_slice %arg12[%add3A_61, %dma_start3A_85] : memref<10240x128xf32, #tpu.memory_space<vmem_shared>> -> memref<32x128xf32, #tpu.memory_space<vmem_shared>>
      tpu.enqueue_dma source(%arg8 : memref<32x128xf32, #tpu.memory_space<vmem>>) target(%dma_start3A_86 : memref<32x128xf32, #tpu.memory_space<vmem_shared>>) target_semaphore(%run_scoped3A : memref<!tpu.dma_semaphore, #tpu.memory_space<semaphore_mem>>)
      %dma_wait3A = arith.constant 0 : i32
      %dma_wait3A_87 = tpu.memref_slice %arg12[%add3A_61, %dma_wait3A] : memref<10240x128xf32, #tpu.memory_space<vmem_shared>> -> memref<32x128xf32, #tpu.memory_space<vmem_shared>>
      %dma_wait3A_88 = arith.constant 0 : i32
      %dma_wait3A_89 = tpu.memref_slice %arg12[%add3A_61, %dma_wait3A_88] : memref<10240x128xf32, #tpu.memory_space<vmem_shared>> -> memref<32x128xf32, #tpu.memory_space<vmem_shared>>
      tpu.wait_dma2 semaphore(%run_scoped3A : memref<!tpu.dma_semaphore, #tpu.memory_space<semaphore_mem>>) src(%arg8 : memref<32x128xf32, #tpu.memory_space<vmem>>) dst(%dma_wait3A_89 : memref<32x128xf32, #tpu.memory_space<vmem_shared>>)
      tpu.yield
    }) : () -> ()
    %add3A_62 = arith.constant 512 : i32
    %add3A_63 = arith.addi %mul3A_29, %add3A_62 : i32
    "tpu.region"() ({
      %run_scoped3A = tpu.sem_alloc : memref<!tpu.dma_semaphore, #tpu.memory_space<semaphore_mem>>
      %dma_start3A_83 = arith.constant 0 : i32
      %dma_start3A_84 = tpu.memref_slice %arg12[%add3A_63, %dma_start3A_83] : memref<10240x128xf32, #tpu.memory_space<vmem_shared>> -> memref<32x128xf32, #tpu.memory_space<vmem_shared>>
      %dma_start3A_85 = arith.constant 0 : i32
      %dma_start3A_86 = tpu.memref_slice %arg12[%add3A_63, %dma_start3A_85] : memref<10240x128xf32, #tpu.memory_space<vmem_shared>> -> memref<32x128xf32, #tpu.memory_space<vmem_shared>>
      tpu.enqueue_dma source(%arg8 : memref<32x128xf32, #tpu.memory_space<vmem>>) target(%dma_start3A_86 : memref<32x128xf32, #tpu.memory_space<vmem_shared>>) target_semaphore(%run_scoped3A : memref<!tpu.dma_semaphore, #tpu.memory_space<semaphore_mem>>)
      %dma_wait3A = arith.constant 0 : i32
      %dma_wait3A_87 = tpu.memref_slice %arg12[%add3A_63, %dma_wait3A] : memref<10240x128xf32, #tpu.memory_space<vmem_shared>> -> memref<32x128xf32, #tpu.memory_space<vmem_shared>>
      %dma_wait3A_88 = arith.constant 0 : i32
      %dma_wait3A_89 = tpu.memref_slice %arg12[%add3A_63, %dma_wait3A_88] : memref<10240x128xf32, #tpu.memory_space<vmem_shared>> -> memref<32x128xf32, #tpu.memory_space<vmem_shared>>
      tpu.wait_dma2 semaphore(%run_scoped3A : memref<!tpu.dma_semaphore, #tpu.memory_space<semaphore_mem>>) src(%arg8 : memref<32x128xf32, #tpu.memory_space<vmem>>) dst(%dma_wait3A_89 : memref<32x128xf32, #tpu.memory_space<vmem_shared>>)
      tpu.yield
    }) : () -> ()
    %add3A_64 = arith.constant 544 : i32
    %add3A_65 = arith.addi %mul3A_29, %add3A_64 : i32
    "tpu.region"() ({
      %run_scoped3A = tpu.sem_alloc : memref<!tpu.dma_semaphore, #tpu.memory_space<semaphore_mem>>
      %dma_start3A_83 = arith.constant 0 : i32
      %dma_start3A_84 = tpu.memref_slice %arg12[%add3A_65, %dma_start3A_83] : memref<10240x128xf32, #tpu.memory_space<vmem_shared>> -> memref<32x128xf32, #tpu.memory_space<vmem_shared>>
      %dma_start3A_85 = arith.constant 0 : i32
      %dma_start3A_86 = tpu.memref_slice %arg12[%add3A_65, %dma_start3A_85] : memref<10240x128xf32, #tpu.memory_space<vmem_shared>> -> memref<32x128xf32, #tpu.memory_space<vmem_shared>>
      tpu.enqueue_dma source(%arg8 : memref<32x128xf32, #tpu.memory_space<vmem>>) target(%dma_start3A_86 : memref<32x128xf32, #tpu.memory_space<vmem_shared>>) target_semaphore(%run_scoped3A : memref<!tpu.dma_semaphore, #tpu.memory_space<semaphore_mem>>)
      %dma_wait3A = arith.constant 0 : i32
      %dma_wait3A_87 = tpu.memref_slice %arg12[%add3A_65, %dma_wait3A] : memref<10240x128xf32, #tpu.memory_space<vmem_shared>> -> memref<32x128xf32, #tpu.memory_space<vmem_shared>>
      %dma_wait3A_88 = arith.constant 0 : i32
      %dma_wait3A_89 = tpu.memref_slice %arg12[%add3A_65, %dma_wait3A_88] : memref<10240x128xf32, #tpu.memory_space<vmem_shared>> -> memref<32x128xf32, #tpu.memory_space<vmem_shared>>
      tpu.wait_dma2 semaphore(%run_scoped3A : memref<!tpu.dma_semaphore, #tpu.memory_space<semaphore_mem>>) src(%arg8 : memref<32x128xf32, #tpu.memory_space<vmem>>) dst(%dma_wait3A_89 : memref<32x128xf32, #tpu.memory_space<vmem_shared>>)
      tpu.yield
    }) : () -> ()
    %add3A_66 = arith.constant 576 : i32
    %add3A_67 = arith.addi %mul3A_29, %add3A_66 : i32
    "tpu.region"() ({
      %run_scoped3A = tpu.sem_alloc : memref<!tpu.dma_semaphore, #tpu.memory_space<semaphore_mem>>
      %dma_start3A_83 = arith.constant 0 : i32
      %dma_start3A_84 = tpu.memref_slice %arg12[%add3A_67, %dma_start3A_83] : memref<10240x128xf32, #tpu.memory_space<vmem_shared>> -> memref<32x128xf32, #tpu.memory_space<vmem_shared>>
      %dma_start3A_85 = arith.constant 0 : i32
      %dma_start3A_86 = tpu.memref_slice %arg12[%add3A_67, %dma_start3A_85] : memref<10240x128xf32, #tpu.memory_space<vmem_shared>> -> memref<32x128xf32, #tpu.memory_space<vmem_shared>>
      tpu.enqueue_dma source(%arg8 : memref<32x128xf32, #tpu.memory_space<vmem>>) target(%dma_start3A_86 : memref<32x128xf32, #tpu.memory_space<vmem_shared>>) target_semaphore(%run_scoped3A : memref<!tpu.dma_semaphore, #tpu.memory_space<semaphore_mem>>)
      %dma_wait3A = arith.constant 0 : i32
      %dma_wait3A_87 = tpu.memref_slice %arg12[%add3A_67, %dma_wait3A] : memref<10240x128xf32, #tpu.memory_space<vmem_shared>> -> memref<32x128xf32, #tpu.memory_space<vmem_shared>>
      %dma_wait3A_88 = arith.constant 0 : i32
      %dma_wait3A_89 = tpu.memref_slice %arg12[%add3A_67, %dma_wait3A_88] : memref<10240x128xf32, #tpu.memory_space<vmem_shared>> -> memref<32x128xf32, #tpu.memory_space<vmem_shared>>
      tpu.wait_dma2 semaphore(%run_scoped3A : memref<!tpu.dma_semaphore, #tpu.memory_space<semaphore_mem>>) src(%arg8 : memref<32x128xf32, #tpu.memory_space<vmem>>) dst(%dma_wait3A_89 : memref<32x128xf32, #tpu.memory_space<vmem_shared>>)
      tpu.yield
    }) : () -> ()
    %add3A_68 = arith.constant 608 : i32
    %add3A_69 = arith.addi %mul3A_29, %add3A_68 : i32
    "tpu.region"() ({
      %run_scoped3A = tpu.sem_alloc : memref<!tpu.dma_semaphore, #tpu.memory_space<semaphore_mem>>
      %dma_start3A_83 = arith.constant 0 : i32
      %dma_start3A_84 = tpu.memref_slice %arg12[%add3A_69, %dma_start3A_83] : memref<10240x128xf32, #tpu.memory_space<vmem_shared>> -> memref<32x128xf32, #tpu.memory_space<vmem_shared>>
      %dma_start3A_85 = arith.constant 0 : i32
      %dma_start3A_86 = tpu.memref_slice %arg12[%add3A_69, %dma_start3A_85] : memref<10240x128xf32, #tpu.memory_space<vmem_shared>> -> memref<32x128xf32, #tpu.memory_space<vmem_shared>>
      tpu.enqueue_dma source(%arg8 : memref<32x128xf32, #tpu.memory_space<vmem>>) target(%dma_start3A_86 : memref<32x128xf32, #tpu.memory_space<vmem_shared>>) target_semaphore(%run_scoped3A : memref<!tpu.dma_semaphore, #tpu.memory_space<semaphore_mem>>)
      %dma_wait3A = arith.constant 0 : i32
      %dma_wait3A_87 = tpu.memref_slice %arg12[%add3A_69, %dma_wait3A] : memref<10240x128xf32, #tpu.memory_space<vmem_shared>> -> memref<32x128xf32, #tpu.memory_space<vmem_shared>>
      %dma_wait3A_88 = arith.constant 0 : i32
      %dma_wait3A_89 = tpu.memref_slice %arg12[%add3A_69, %dma_wait3A_88] : memref<10240x128xf32, #tpu.memory_space<vmem_shared>> -> memref<32x128xf32, #tpu.memory_space<vmem_shared>>
      tpu.wait_dma2 semaphore(%run_scoped3A : memref<!tpu.dma_semaphore, #tpu.memory_space<semaphore_mem>>) src(%arg8 : memref<32x128xf32, #tpu.memory_space<vmem>>) dst(%dma_wait3A_89 : memref<32x128xf32, #tpu.memory_space<vmem_shared>>)
      tpu.yield
    }) : () -> ()
    %dma_start3A_70 = arith.constant 0 : i32
    %dma_start3A_71 = arith.constant 0 : i32
    %dma_start3A_72 = tpu.memref_slice %arg6[%dma_start3A_70, %dma_start3A_71] : memref<40x32xi32, #tpu.memory_space<vmem>> -> memref<1x32xi32, #tpu.memory_space<vmem>>
    %dma_start3A_73 = tpu.memref_squeeze %dma_start3A_72 : memref<1x32xi32, #tpu.memory_space<vmem>> -> memref<32xi32, #tpu.memory_space<vmem>>
    %dma_start3A_74 = arith.constant 0 : i32
    %dma_start3A_75 = arith.constant 0 : i32
    %dma_start3A_76 = tpu.memref_slice %arg2[%dma_start3A_74, %dma_start3A_75] : memref<10240x128xf32, #tpu.memory_space<hbm>> -> memref<10240x128xf32, #tpu.memory_space<hbm>>
    tpu.enqueue_indirect_dma source(%dma_start3A_76 : memref<10240x128xf32, #tpu.memory_space<hbm>>) target(%arg8 : memref<32x128xf32, #tpu.memory_space<vmem>>) offsets(%dma_start3A_73 : memref<32xi32, #tpu.memory_space<vmem>>) semaphore(%arg13 : memref<!tpu.dma_semaphore, #tpu.memory_space<semaphore_mem>>)
    %barrier3A = arith.constant 0 : index
    tpu.barrier barrier_id(%barrier3A)
    %scan3A_77 = arith.constant 0 : i32
    %scan3A_78 = arith.constant 8 : i32
    %scan3A_79 = arith.addi %scan3A_77, %scan3A_78 : i32
    %scan3A_80 = arith.constant 1 : i32
    scf.for %scan3A_83 = %scan3A_77 to %scan3A_79 step %scan3A_80  : i32 {
      %mul3A_84 = arith.constant 1 : i32
      %mul3A_85 = arith.muli %scan3A_83, %mul3A_84 : i32
      %add3A_86 = arith.constant 0 : i32
      %add3A_87 = arith.addi %add3A_86, %mul3A_85 : i32
      %mul3A_88 = arith.constant 40 : i32
      %mul3A_89 = arith.muli %add3A_87, %mul3A_88 : i32
      %add3A_90 = arith.addi %mul3A_3, %mul3A_89 : i32
      %gt3A = arith.constant 0 : i32
      %gt3A_91 = arith.cmpi sgt, %add3A_87, %gt3A : i32
      %convert_element_type3A = arith.extui %gt3A_91 : i1 to i32
      %cond3A = arith.constant 0 : i32
      %cond3A_92 = arith.cmpi ne, %convert_element_type3A, %cond3A : i32
      scf.if %cond3A_92 {
        "tpu.region"() ({
          %run_scoped3A = tpu.sem_alloc : memref<!tpu.dma_semaphore, #tpu.memory_space<semaphore_mem>>
          %dma_start3A_126 = arith.constant 0 : i32
          %dma_start3A_127 = tpu.memref_slice %arg3[%add3A_90, %dma_start3A_126] : memref<10240x32xi32, #tpu.memory_space<hbm>> -> memref<40x32xi32, #tpu.memory_space<hbm>>
          %dma_start3A_128 = arith.constant 0 : i32
          %dma_start3A_129 = tpu.memref_slice %arg3[%add3A_90, %dma_start3A_128] : memref<10240x32xi32, #tpu.memory_space<hbm>> -> memref<40x32xi32, #tpu.memory_space<hbm>>
          tpu.enqueue_dma source(%dma_start3A_129 : memref<40x32xi32, #tpu.memory_space<hbm>>) target(%arg6 : memref<40x32xi32, #tpu.memory_space<vmem>>) target_semaphore(%run_scoped3A : memref<!tpu.dma_semaphore, #tpu.memory_space<semaphore_mem>>)
          %dma_wait3A = arith.constant 0 : i32
          %dma_wait3A_130 = tpu.memref_slice %arg3[%add3A_90, %dma_wait3A] : memref<10240x32xi32, #tpu.memory_space<hbm>> -> memref<40x32xi32, #tpu.memory_space<hbm>>
          %dma_wait3A_131 = arith.constant 0 : i32
          %dma_wait3A_132 = tpu.memref_slice %arg3[%add3A_90, %dma_wait3A_131] : memref<10240x32xi32, #tpu.memory_space<hbm>> -> memref<40x32xi32, #tpu.memory_space<hbm>>
          tpu.wait_dma2 semaphore(%run_scoped3A : memref<!tpu.dma_semaphore, #tpu.memory_space<semaphore_mem>>) src(%dma_wait3A_132 : memref<40x32xi32, #tpu.memory_space<hbm>>) dst(%arg6 : memref<40x32xi32, #tpu.memory_space<vmem>>)
          tpu.yield
        }) : () -> ()
        "tpu.region"() ({
          %run_scoped3A = tpu.sem_alloc : memref<!tpu.dma_semaphore, #tpu.memory_space<semaphore_mem>>
          %dma_start3A_126 = arith.constant 0 : i32
          %dma_start3A_127 = tpu.memref_slice %arg4[%add3A_90, %dma_start3A_126] : memref<10240x32xi32, #tpu.memory_space<hbm>> -> memref<40x32xi32, #tpu.memory_space<hbm>>
          %dma_start3A_128 = arith.constant 0 : i32
          %dma_start3A_129 = tpu.memref_slice %arg4[%add3A_90, %dma_start3A_128] : memref<10240x32xi32, #tpu.memory_space<hbm>> -> memref<40x32xi32, #tpu.memory_space<hbm>>
          tpu.enqueue_dma source(%dma_start3A_129 : memref<40x32xi32, #tpu.memory_space<hbm>>) target(%arg7 : memref<40x32xi32, #tpu.memory_space<vmem>>) target_semaphore(%run_scoped3A : memref<!tpu.dma_semaphore, #tpu.memory_space<semaphore_mem>>)
          %dma_wait3A = arith.constant 0 : i32
          %dma_wait3A_130 = tpu.memref_slice %arg4[%add3A_90, %dma_wait3A] : memref<10240x32xi32, #tpu.memory_space<hbm>> -> memref<40x32xi32, #tpu.memory_space<hbm>>
          %dma_wait3A_131 = arith.constant 0 : i32
          %dma_wait3A_132 = tpu.memref_slice %arg4[%add3A_90, %dma_wait3A_131] : memref<10240x32xi32, #tpu.memory_space<hbm>> -> memref<40x32xi32, #tpu.memory_space<hbm>>
          tpu.wait_dma2 semaphore(%run_scoped3A : memref<!tpu.dma_semaphore, #tpu.memory_space<semaphore_mem>>) src(%dma_wait3A_132 : memref<40x32xi32, #tpu.memory_space<hbm>>) dst(%arg7 : memref<40x32xi32, #tpu.memory_space<vmem>>)
          tpu.yield
        }) : () -> ()
        %dma_start3A_98 = arith.constant 0 : i32
        %dma_start3A_99 = arith.constant 0 : i32
        %dma_start3A_100 = tpu.memref_slice %arg6[%dma_start3A_98, %dma_start3A_99] : memref<40x32xi32, #tpu.memory_space<vmem>> -> memref<1x32xi32, #tpu.memory_space<vmem>>
        %dma_start3A_101 = tpu.memref_squeeze %dma_start3A_100 : memref<1x32xi32, #tpu.memory_space<vmem>> -> memref<32xi32, #tpu.memory_space<vmem>>
        %dma_start3A_102 = arith.constant 0 : i32
        %dma_start3A_103 = arith.constant 0 : i32
        %dma_start3A_104 = tpu.memref_slice %arg2[%dma_start3A_102, %dma_start3A_103] : memref<10240x128xf32, #tpu.memory_space<hbm>> -> memref<10240x128xf32, #tpu.memory_space<hbm>>
        tpu.enqueue_indirect_dma source(%dma_start3A_104 : memref<10240x128xf32, #tpu.memory_space<hbm>>) target(%arg8 : memref<32x128xf32, #tpu.memory_space<vmem>>) offsets(%dma_start3A_101 : memref<32xi32, #tpu.memory_space<vmem>>) semaphore(%arg13 : memref<!tpu.dma_semaphore, #tpu.memory_space<semaphore_mem>>)
        %dma_start3A_105 = arith.constant 1 : i32
        %dma_start3A_106 = arith.constant 0 : i32
        %dma_start3A_107 = tpu.memref_slice %arg6[%dma_start3A_105, %dma_start3A_106] : memref<40x32xi32, #tpu.memory_space<vmem>> -> memref<1x32xi32, #tpu.memory_space<vmem>>
        %dma_start3A_108 = tpu.memref_squeeze %dma_start3A_107 : memref<1x32xi32, #tpu.memory_space<vmem>> -> memref<32xi32, #tpu.memory_space<vmem>>
        %dma_start3A_109 = arith.constant 0 : i32
        %dma_start3A_110 = arith.constant 0 : i32
        %dma_start3A_111 = tpu.memref_slice %arg2[%dma_start3A_109, %dma_start3A_110] : memref<10240x128xf32, #tpu.memory_space<hbm>> -> memref<10240x128xf32, #tpu.memory_space<hbm>>
        tpu.enqueue_indirect_dma source(%dma_start3A_111 : memref<10240x128xf32, #tpu.memory_space<hbm>>) target(%arg9 : memref<32x128xf32, #tpu.memory_space<vmem>>) offsets(%dma_start3A_108 : memref<32xi32, #tpu.memory_space<vmem>>) semaphore(%arg14 : memref<!tpu.dma_semaphore, #tpu.memory_space<semaphore_mem>>)
        %dma_start3A_112 = arith.constant 2 : i32
        %dma_start3A_113 = arith.constant 0 : i32
        %dma_start3A_114 = tpu.memref_slice %arg6[%dma_start3A_112, %dma_start3A_113] : memref<40x32xi32, #tpu.memory_space<vmem>> -> memref<1x32xi32, #tpu.memory_space<vmem>>
        %dma_start3A_115 = tpu.memref_squeeze %dma_start3A_114 : memref<1x32xi32, #tpu.memory_space<vmem>> -> memref<32xi32, #tpu.memory_space<vmem>>
        %dma_start3A_116 = arith.constant 0 : i32
        %dma_start3A_117 = arith.constant 0 : i32
        %dma_start3A_118 = tpu.memref_slice %arg2[%dma_start3A_116, %dma_start3A_117] : memref<10240x128xf32, #tpu.memory_space<hbm>> -> memref<10240x128xf32, #tpu.memory_space<hbm>>
        tpu.enqueue_indirect_dma source(%dma_start3A_118 : memref<10240x128xf32, #tpu.memory_space<hbm>>) target(%arg10 : memref<32x128xf32, #tpu.memory_space<vmem>>) offsets(%dma_start3A_115 : memref<32xi32, #tpu.memory_space<vmem>>) semaphore(%arg15 : memref<!tpu.dma_semaphore, #tpu.memory_space<semaphore_mem>>)
        %dma_start3A_119 = arith.constant 3 : i32
        %dma_start3A_120 = arith.constant 0 : i32
        %dma_start3A_121 = tpu.memref_slice %arg6[%dma_start3A_119, %dma_start3A_120] : memref<40x32xi32, #tpu.memory_space<vmem>> -> memref<1x32xi32, #tpu.memory_space<vmem>>
        %dma_start3A_122 = tpu.memref_squeeze %dma_start3A_121 : memref<1x32xi32, #tpu.memory_space<vmem>> -> memref<32xi32, #tpu.memory_space<vmem>>
        %dma_start3A_123 = arith.constant 0 : i32
        %dma_start3A_124 = arith.constant 0 : i32
        %dma_start3A_125 = tpu.memref_slice %arg2[%dma_start3A_123, %dma_start3A_124] : memref<10240x128xf32, #tpu.memory_space<hbm>> -> memref<10240x128xf32, #tpu.memory_space<hbm>>
        tpu.enqueue_indirect_dma source(%dma_start3A_125 : memref<10240x128xf32, #tpu.memory_space<hbm>>) target(%arg11 : memref<32x128xf32, #tpu.memory_space<vmem>>) offsets(%dma_start3A_122 : memref<32xi32, #tpu.memory_space<vmem>>) semaphore(%arg16 : memref<!tpu.dma_semaphore, #tpu.memory_space<semaphore_mem>>)
      } else {
      }
      %scan3A_93 = arith.constant 0 : i32
      %scan3A_94 = arith.constant 10 : i32
      %scan3A_95 = arith.addi %scan3A_93, %scan3A_94 : i32
      %scan3A_96 = arith.constant 1 : i32
      scf.for %scan3A_98 = %scan3A_93 to %scan3A_95 step %scan3A_96  : i32 {
        %mul3A_99 = arith.constant 1 : i32
        %mul3A_100 = arith.muli %scan3A_98, %mul3A_99 : i32
        %add3A_101 = arith.constant 0 : i32
        %add3A_102 = arith.addi %add3A_101, %mul3A_100 : i32
        %mul3A_103 = arith.constant 4 : i32
        %mul3A_104 = arith.muli %add3A_102, %mul3A_103 : i32
        %add3A_105 = arith.constant 0 : i32
        %add3A_106 = arith.addi %mul3A_104, %add3A_105 : i32
        %dma_wait3A = arith.constant 0 : i32
        %dma_wait3A_107 = tpu.memref_slice %arg6[%add3A_106, %dma_wait3A] : memref<40x32xi32, #tpu.memory_space<vmem>> -> memref<1x32xi32, #tpu.memory_space<vmem>>
        %dma_wait3A_108 = tpu.memref_squeeze %dma_wait3A_107 : memref<1x32xi32, #tpu.memory_space<vmem>> -> memref<32xi32, #tpu.memory_space<vmem>>
        %dma_wait3A_109 = arith.constant 0 : i32
        %dma_wait3A_110 = arith.constant 0 : i32
        %dma_wait3A_111 = tpu.memref_slice %arg2[%dma_wait3A_109, %dma_wait3A_110] : memref<10240x128xf32, #tpu.memory_space<hbm>> -> memref<10240x128xf32, #tpu.memory_space<hbm>>
        tpu.wait_indirect_dma semaphore(%arg13 : memref<!tpu.dma_semaphore, #tpu.memory_space<semaphore_mem>>) src(%dma_wait3A_111 : memref<10240x128xf32, #tpu.memory_space<hbm>>) dst(%arg8 : memref<32x128xf32, #tpu.memory_space<vmem>>)
        "tpu.region"() ({
          %run_scoped3A = tpu.sem_alloc : memref<!tpu.dma_semaphore, #tpu.memory_space<semaphore_mem>>
          %dma_start3A_169 = arith.constant 0 : i32
          %dma_start3A_170 = tpu.memref_slice %arg7[%add3A_106, %dma_start3A_169] : memref<40x32xi32, #tpu.memory_space<vmem>> -> memref<1x32xi32, #tpu.memory_space<vmem>>
          %dma_start3A_171 = tpu.memref_squeeze %dma_start3A_170 : memref<1x32xi32, #tpu.memory_space<vmem>> -> memref<32xi32, #tpu.memory_space<vmem>>
          %dma_start3A_172 = arith.constant 0 : i32
          %dma_start3A_173 = arith.constant 0 : i32
          %dma_start3A_174 = tpu.memref_slice %arg12[%dma_start3A_172, %dma_start3A_173] : memref<10240x128xf32, #tpu.memory_space<vmem_shared>> -> memref<10240x128xf32, #tpu.memory_space<vmem_shared>>
          tpu.enqueue_indirect_dma source(%arg8 : memref<32x128xf32, #tpu.memory_space<vmem>>) target(%dma_start3A_174 : memref<10240x128xf32, #tpu.memory_space<vmem_shared>>) offsets(%dma_start3A_171 : memref<32xi32, #tpu.memory_space<vmem>>) semaphore(%run_scoped3A : memref<!tpu.dma_semaphore, #tpu.memory_space<semaphore_mem>>) {add = true}
          %dma_wait3A_175 = arith.constant 0 : i32
          %dma_wait3A_176 = tpu.memref_slice %arg7[%add3A_106, %dma_wait3A_175] : memref<40x32xi32, #tpu.memory_space<vmem>> -> memref<1x32xi32, #tpu.memory_space<vmem>>
          %dma_wait3A_177 = tpu.memref_squeeze %dma_wait3A_176 : memref<1x32xi32, #tpu.memory_space<vmem>> -> memref<32xi32, #tpu.memory_space<vmem>>
          %dma_wait3A_178 = arith.constant 0 : i32
          %dma_wait3A_179 = arith.constant 0 : i32
          %dma_wait3A_180 = tpu.memref_slice %arg12[%dma_wait3A_178, %dma_wait3A_179] : memref<10240x128xf32, #tpu.memory_space<vmem_shared>> -> memref<10240x128xf32, #tpu.memory_space<vmem_shared>>
          tpu.wait_indirect_dma semaphore(%run_scoped3A : memref<!tpu.dma_semaphore, #tpu.memory_space<semaphore_mem>>) src(%arg8 : memref<32x128xf32, #tpu.memory_space<vmem>>) dst(%dma_wait3A_180 : memref<10240x128xf32, #tpu.memory_space<vmem_shared>>)
          tpu.yield
        }) : () -> ()
        %add3A_112 = arith.constant 4 : i32
        %add3A_113 = arith.addi %add3A_106, %add3A_112 : i32
        %lt3A = arith.constant 40 : i32
        %lt3A_114 = arith.cmpi slt, %add3A_113, %lt3A : i32
        %convert_element_type3A_115 = arith.extui %lt3A_114 : i1 to i32
        %cond3A_116 = arith.constant 0 : i32
        %cond3A_117 = arith.cmpi ne, %convert_element_type3A_115, %cond3A_116 : i32
        scf.if %cond3A_117 {
          %add3A_169 = arith.constant 4 : i32
          %add3A_170 = arith.addi %add3A_106, %add3A_169 : i32
          %dma_start3A_171 = arith.constant 0 : i32
          %dma_start3A_172 = tpu.memref_slice %arg6[%add3A_170, %dma_start3A_171] : memref<40x32xi32, #tpu.memory_space<vmem>> -> memref<1x32xi32, #tpu.memory_space<vmem>>
          %dma_start3A_173 = tpu.memref_squeeze %dma_start3A_172 : memref<1x32xi32, #tpu.memory_space<vmem>> -> memref<32xi32, #tpu.memory_space<vmem>>
          %dma_start3A_174 = arith.constant 0 : i32
          %dma_start3A_175 = arith.constant 0 : i32
          %dma_start3A_176 = tpu.memref_slice %arg2[%dma_start3A_174, %dma_start3A_175] : memref<10240x128xf32, #tpu.memory_space<hbm>> -> memref<10240x128xf32, #tpu.memory_space<hbm>>
          tpu.enqueue_indirect_dma source(%dma_start3A_176 : memref<10240x128xf32, #tpu.memory_space<hbm>>) target(%arg8 : memref<32x128xf32, #tpu.memory_space<vmem>>) offsets(%dma_start3A_173 : memref<32xi32, #tpu.memory_space<vmem>>) semaphore(%arg13 : memref<!tpu.dma_semaphore, #tpu.memory_space<semaphore_mem>>)
        } else {
        }
        %mul3A_118 = arith.constant 4 : i32
        %mul3A_119 = arith.muli %add3A_102, %mul3A_118 : i32
        %add3A_120 = arith.constant 1 : i32
        %add3A_121 = arith.addi %mul3A_119, %add3A_120 : i32
        %dma_wait3A_122 = arith.constant 0 : i32
        %dma_wait3A_123 = tpu.memref_slice %arg6[%add3A_121, %dma_wait3A_122] : memref<40x32xi32, #tpu.memory_space<vmem>> -> memref<1x32xi32, #tpu.memory_space<vmem>>
        %dma_wait3A_124 = tpu.memref_squeeze %dma_wait3A_123 : memref<1x32xi32, #tpu.memory_space<vmem>> -> memref<32xi32, #tpu.memory_space<vmem>>
        %dma_wait3A_125 = arith.constant 0 : i32
        %dma_wait3A_126 = arith.constant 0 : i32
        %dma_wait3A_127 = tpu.memref_slice %arg2[%dma_wait3A_125, %dma_wait3A_126] : memref<10240x128xf32, #tpu.memory_space<hbm>> -> memref<10240x128xf32, #tpu.memory_space<hbm>>
        tpu.wait_indirect_dma semaphore(%arg14 : memref<!tpu.dma_semaphore, #tpu.memory_space<semaphore_mem>>) src(%dma_wait3A_127 : memref<10240x128xf32, #tpu.memory_space<hbm>>) dst(%arg9 : memref<32x128xf32, #tpu.memory_space<vmem>>)
        "tpu.region"() ({
          %run_scoped3A = tpu.sem_alloc : memref<!tpu.dma_semaphore, #tpu.memory_space<semaphore_mem>>
          %dma_start3A_169 = arith.constant 0 : i32
          %dma_start3A_170 = tpu.memref_slice %arg7[%add3A_121, %dma_start3A_169] : memref<40x32xi32, #tpu.memory_space<vmem>> -> memref<1x32xi32, #tpu.memory_space<vmem>>
          %dma_start3A_171 = tpu.memref_squeeze %dma_start3A_170 : memref<1x32xi32, #tpu.memory_space<vmem>> -> memref<32xi32, #tpu.memory_space<vmem>>
          %dma_start3A_172 = arith.constant 0 : i32
          %dma_start3A_173 = arith.constant 0 : i32
          %dma_start3A_174 = tpu.memref_slice %arg12[%dma_start3A_172, %dma_start3A_173] : memref<10240x128xf32, #tpu.memory_space<vmem_shared>> -> memref<10240x128xf32, #tpu.memory_space<vmem_shared>>
          tpu.enqueue_indirect_dma source(%arg9 : memref<32x128xf32, #tpu.memory_space<vmem>>) target(%dma_start3A_174 : memref<10240x128xf32, #tpu.memory_space<vmem_shared>>) offsets(%dma_start3A_171 : memref<32xi32, #tpu.memory_space<vmem>>) semaphore(%run_scoped3A : memref<!tpu.dma_semaphore, #tpu.memory_space<semaphore_mem>>) {add = true}
          %dma_wait3A_175 = arith.constant 0 : i32
          %dma_wait3A_176 = tpu.memref_slice %arg7[%add3A_121, %dma_wait3A_175] : memref<40x32xi32, #tpu.memory_space<vmem>> -> memref<1x32xi32, #tpu.memory_space<vmem>>
          %dma_wait3A_177 = tpu.memref_squeeze %dma_wait3A_176 : memref<1x32xi32, #tpu.memory_space<vmem>> -> memref<32xi32, #tpu.memory_space<vmem>>
          %dma_wait3A_178 = arith.constant 0 : i32
          %dma_wait3A_179 = arith.constant 0 : i32
          %dma_wait3A_180 = tpu.memref_slice %arg12[%dma_wait3A_178, %dma_wait3A_179] : memref<10240x128xf32, #tpu.memory_space<vmem_shared>> -> memref<10240x128xf32, #tpu.memory_space<vmem_shared>>
          tpu.wait_indirect_dma semaphore(%run_scoped3A : memref<!tpu.dma_semaphore, #tpu.memory_space<semaphore_mem>>) src(%arg9 : memref<32x128xf32, #tpu.memory_space<vmem>>) dst(%dma_wait3A_180 : memref<10240x128xf32, #tpu.memory_space<vmem_shared>>)
          tpu.yield
        }) : () -> ()
        %add3A_128 = arith.constant 4 : i32
        %add3A_129 = arith.addi %add3A_121, %add3A_128 : i32
        %lt3A_130 = arith.constant 40 : i32
        %lt3A_131 = arith.cmpi slt, %add3A_129, %lt3A_130 : i32
        %convert_element_type3A_132 = arith.extui %lt3A_131 : i1 to i32
        %cond3A_133 = arith.constant 0 : i32
        %cond3A_134 = arith.cmpi ne, %convert_element_type3A_132, %cond3A_133 : i32
        scf.if %cond3A_134 {
          %add3A_169 = arith.constant 4 : i32
          %add3A_170 = arith.addi %add3A_121, %add3A_169 : i32
          %dma_start3A_171 = arith.constant 0 : i32
          %dma_start3A_172 = tpu.memref_slice %arg6[%add3A_170, %dma_start3A_171] : memref<40x32xi32, #tpu.memory_space<vmem>> -> memref<1x32xi32, #tpu.memory_space<vmem>>
          %dma_start3A_173 = tpu.memref_squeeze %dma_start3A_172 : memref<1x32xi32, #tpu.memory_space<vmem>> -> memref<32xi32, #tpu.memory_space<vmem>>
          %dma_start3A_174 = arith.constant 0 : i32
          %dma_start3A_175 = arith.constant 0 : i32
          %dma_start3A_176 = tpu.memref_slice %arg2[%dma_start3A_174, %dma_start3A_175] : memref<10240x128xf32, #tpu.memory_space<hbm>> -> memref<10240x128xf32, #tpu.memory_space<hbm>>
          tpu.enqueue_indirect_dma source(%dma_start3A_176 : memref<10240x128xf32, #tpu.memory_space<hbm>>) target(%arg9 : memref<32x128xf32, #tpu.memory_space<vmem>>) offsets(%dma_start3A_173 : memref<32xi32, #tpu.memory_space<vmem>>) semaphore(%arg14 : memref<!tpu.dma_semaphore, #tpu.memory_space<semaphore_mem>>)
        } else {
        }
        %mul3A_135 = arith.constant 4 : i32
        %mul3A_136 = arith.muli %add3A_102, %mul3A_135 : i32
        %add3A_137 = arith.constant 2 : i32
        %add3A_138 = arith.addi %mul3A_136, %add3A_137 : i32
        %dma_wait3A_139 = arith.constant 0 : i32
        %dma_wait3A_140 = tpu.memref_slice %arg6[%add3A_138, %dma_wait3A_139] : memref<40x32xi32, #tpu.memory_space<vmem>> -> memref<1x32xi32, #tpu.memory_space<vmem>>
        %dma_wait3A_141 = tpu.memref_squeeze %dma_wait3A_140 : memref<1x32xi32, #tpu.memory_space<vmem>> -> memref<32xi32, #tpu.memory_space<vmem>>
        %dma_wait3A_142 = arith.constant 0 : i32
        %dma_wait3A_143 = arith.constant 0 : i32
        %dma_wait3A_144 = tpu.memref_slice %arg2[%dma_wait3A_142, %dma_wait3A_143] : memref<10240x128xf32, #tpu.memory_space<hbm>> -> memref<10240x128xf32, #tpu.memory_space<hbm>>
        tpu.wait_indirect_dma semaphore(%arg15 : memref<!tpu.dma_semaphore, #tpu.memory_space<semaphore_mem>>) src(%dma_wait3A_144 : memref<10240x128xf32, #tpu.memory_space<hbm>>) dst(%arg10 : memref<32x128xf32, #tpu.memory_space<vmem>>)
        "tpu.region"() ({
          %run_scoped3A = tpu.sem_alloc : memref<!tpu.dma_semaphore, #tpu.memory_space<semaphore_mem>>
          %dma_start3A_169 = arith.constant 0 : i32
          %dma_start3A_170 = tpu.memref_slice %arg7[%add3A_138, %dma_start3A_169] : memref<40x32xi32, #tpu.memory_space<vmem>> -> memref<1x32xi32, #tpu.memory_space<vmem>>
          %dma_start3A_171 = tpu.memref_squeeze %dma_start3A_170 : memref<1x32xi32, #tpu.memory_space<vmem>> -> memref<32xi32, #tpu.memory_space<vmem>>
          %dma_start3A_172 = arith.constant 0 : i32
          %dma_start3A_173 = arith.constant 0 : i32
          %dma_start3A_174 = tpu.memref_slice %arg12[%dma_start3A_172, %dma_start3A_173] : memref<10240x128xf32, #tpu.memory_space<vmem_shared>> -> memref<10240x128xf32, #tpu.memory_space<vmem_shared>>
          tpu.enqueue_indirect_dma source(%arg10 : memref<32x128xf32, #tpu.memory_space<vmem>>) target(%dma_start3A_174 : memref<10240x128xf32, #tpu.memory_space<vmem_shared>>) offsets(%dma_start3A_171 : memref<32xi32, #tpu.memory_space<vmem>>) semaphore(%run_scoped3A : memref<!tpu.dma_semaphore, #tpu.memory_space<semaphore_mem>>) {add = true}
          %dma_wait3A_175 = arith.constant 0 : i32
          %dma_wait3A_176 = tpu.memref_slice %arg7[%add3A_138, %dma_wait3A_175] : memref<40x32xi32, #tpu.memory_space<vmem>> -> memref<1x32xi32, #tpu.memory_space<vmem>>
          %dma_wait3A_177 = tpu.memref_squeeze %dma_wait3A_176 : memref<1x32xi32, #tpu.memory_space<vmem>> -> memref<32xi32, #tpu.memory_space<vmem>>
          %dma_wait3A_178 = arith.constant 0 : i32
          %dma_wait3A_179 = arith.constant 0 : i32
          %dma_wait3A_180 = tpu.memref_slice %arg12[%dma_wait3A_178, %dma_wait3A_179] : memref<10240x128xf32, #tpu.memory_space<vmem_shared>> -> memref<10240x128xf32, #tpu.memory_space<vmem_shared>>
          tpu.wait_indirect_dma semaphore(%run_scoped3A : memref<!tpu.dma_semaphore, #tpu.memory_space<semaphore_mem>>) src(%arg10 : memref<32x128xf32, #tpu.memory_space<vmem>>) dst(%dma_wait3A_180 : memref<10240x128xf32, #tpu.memory_space<vmem_shared>>)
          tpu.yield
        }) : () -> ()
        %add3A_145 = arith.constant 4 : i32
        %add3A_146 = arith.addi %add3A_138, %add3A_145 : i32
        %lt3A_147 = arith.constant 40 : i32
        %lt3A_148 = arith.cmpi slt, %add3A_146, %lt3A_147 : i32
        %convert_element_type3A_149 = arith.extui %lt3A_148 : i1 to i32
        %cond3A_150 = arith.constant 0 : i32
        %cond3A_151 = arith.cmpi ne, %convert_element_type3A_149, %cond3A_150 : i32
        scf.if %cond3A_151 {
          %add3A_169 = arith.constant 4 : i32
          %add3A_170 = arith.addi %add3A_138, %add3A_169 : i32
          %dma_start3A_171 = arith.constant 0 : i32
          %dma_start3A_172 = tpu.memref_slice %arg6[%add3A_170, %dma_start3A_171] : memref<40x32xi32, #tpu.memory_space<vmem>> -> memref<1x32xi32, #tpu.memory_space<vmem>>
          %dma_start3A_173 = tpu.memref_squeeze %dma_start3A_172 : memref<1x32xi32, #tpu.memory_space<vmem>> -> memref<32xi32, #tpu.memory_space<vmem>>
          %dma_start3A_174 = arith.constant 0 : i32
          %dma_start3A_175 = arith.constant 0 : i32
          %dma_start3A_176 = tpu.memref_slice %arg2[%dma_start3A_174, %dma_start3A_175] : memref<10240x128xf32, #tpu.memory_space<hbm>> -> memref<10240x128xf32, #tpu.memory_space<hbm>>
          tpu.enqueue_indirect_dma source(%dma_start3A_176 : memref<10240x128xf32, #tpu.memory_space<hbm>>) target(%arg10 : memref<32x128xf32, #tpu.memory_space<vmem>>) offsets(%dma_start3A_173 : memref<32xi32, #tpu.memory_space<vmem>>) semaphore(%arg15 : memref<!tpu.dma_semaphore, #tpu.memory_space<semaphore_mem>>)
        } else {
        }
        %mul3A_152 = arith.constant 4 : i32
        %mul3A_153 = arith.muli %add3A_102, %mul3A_152 : i32
        %add3A_154 = arith.constant 3 : i32
        %add3A_155 = arith.addi %mul3A_153, %add3A_154 : i32
        %dma_wait3A_156 = arith.constant 0 : i32
        %dma_wait3A_157 = tpu.memref_slice %arg6[%add3A_155, %dma_wait3A_156] : memref<40x32xi32, #tpu.memory_space<vmem>> -> memref<1x32xi32, #tpu.memory_space<vmem>>
        %dma_wait3A_158 = tpu.memref_squeeze %dma_wait3A_157 : memref<1x32xi32, #tpu.memory_space<vmem>> -> memref<32xi32, #tpu.memory_space<vmem>>
        %dma_wait3A_159 = arith.constant 0 : i32
        %dma_wait3A_160 = arith.constant 0 : i32
        %dma_wait3A_161 = tpu.memref_slice %arg2[%dma_wait3A_159, %dma_wait3A_160] : memref<10240x128xf32, #tpu.memory_space<hbm>> -> memref<10240x128xf32, #tpu.memory_space<hbm>>
        tpu.wait_indirect_dma semaphore(%arg16 : memref<!tpu.dma_semaphore, #tpu.memory_space<semaphore_mem>>) src(%dma_wait3A_161 : memref<10240x128xf32, #tpu.memory_space<hbm>>) dst(%arg11 : memref<32x128xf32, #tpu.memory_space<vmem>>)
        "tpu.region"() ({
          %run_scoped3A = tpu.sem_alloc : memref<!tpu.dma_semaphore, #tpu.memory_space<semaphore_mem>>
          %dma_start3A_169 = arith.constant 0 : i32
          %dma_start3A_170 = tpu.memref_slice %arg7[%add3A_155, %dma_start3A_169] : memref<40x32xi32, #tpu.memory_space<vmem>> -> memref<1x32xi32, #tpu.memory_space<vmem>>
          %dma_start3A_171 = tpu.memref_squeeze %dma_start3A_170 : memref<1x32xi32, #tpu.memory_space<vmem>> -> memref<32xi32, #tpu.memory_space<vmem>>
          %dma_start3A_172 = arith.constant 0 : i32
          %dma_start3A_173 = arith.constant 0 : i32
          %dma_start3A_174 = tpu.memref_slice %arg12[%dma_start3A_172, %dma_start3A_173] : memref<10240x128xf32, #tpu.memory_space<vmem_shared>> -> memref<10240x128xf32, #tpu.memory_space<vmem_shared>>
          tpu.enqueue_indirect_dma source(%arg11 : memref<32x128xf32, #tpu.memory_space<vmem>>) target(%dma_start3A_174 : memref<10240x128xf32, #tpu.memory_space<vmem_shared>>) offsets(%dma_start3A_171 : memref<32xi32, #tpu.memory_space<vmem>>) semaphore(%run_scoped3A : memref<!tpu.dma_semaphore, #tpu.memory_space<semaphore_mem>>) {add = true}
          %dma_wait3A_175 = arith.constant 0 : i32
          %dma_wait3A_176 = tpu.memref_slice %arg7[%add3A_155, %dma_wait3A_175] : memref<40x32xi32, #tpu.memory_space<vmem>> -> memref<1x32xi32, #tpu.memory_space<vmem>>
          %dma_wait3A_177 = tpu.memref_squeeze %dma_wait3A_176 : memref<1x32xi32, #tpu.memory_space<vmem>> -> memref<32xi32, #tpu.memory_space<vmem>>
          %dma_wait3A_178 = arith.constant 0 : i32
          %dma_wait3A_179 = arith.constant 0 : i32
          %dma_wait3A_180 = tpu.memref_slice %arg12[%dma_wait3A_178, %dma_wait3A_179] : memref<10240x128xf32, #tpu.memory_space<vmem_shared>> -> memref<10240x128xf32, #tpu.memory_space<vmem_shared>>
          tpu.wait_indirect_dma semaphore(%run_scoped3A : memref<!tpu.dma_semaphore, #tpu.memory_space<semaphore_mem>>) src(%arg11 : memref<32x128xf32, #tpu.memory_space<vmem>>) dst(%dma_wait3A_180 : memref<10240x128xf32, #tpu.memory_space<vmem_shared>>)
          tpu.yield
        }) : () -> ()
        %add3A_162 = arith.constant 4 : i32
        %add3A_163 = arith.addi %add3A_155, %add3A_162 : i32
        %lt3A_164 = arith.constant 40 : i32
        %lt3A_165 = arith.cmpi slt, %add3A_163, %lt3A_164 : i32
        %convert_element_type3A_166 = arith.extui %lt3A_165 : i1 to i32
        %cond3A_167 = arith.constant 0 : i32
        %cond3A_168 = arith.cmpi ne, %convert_element_type3A_166, %cond3A_167 : i32
        scf.if %cond3A_168 {
          %add3A_169 = arith.constant 4 : i32
          %add3A_170 = arith.addi %add3A_155, %add3A_169 : i32
          %dma_start3A_171 = arith.constant 0 : i32
          %dma_start3A_172 = tpu.memref_slice %arg6[%add3A_170, %dma_start3A_171] : memref<40x32xi32, #tpu.memory_space<vmem>> -> memref<1x32xi32, #tpu.memory_space<vmem>>
          %dma_start3A_173 = tpu.memref_squeeze %dma_start3A_172 : memref<1x32xi32, #tpu.memory_space<vmem>> -> memref<32xi32, #tpu.memory_space<vmem>>
          %dma_start3A_174 = arith.constant 0 : i32
          %dma_start3A_175 = arith.constant 0 : i32
          %dma_start3A_176 = tpu.memref_slice %arg2[%dma_start3A_174, %dma_start3A_175] : memref<10240x128xf32, #tpu.memory_space<hbm>> -> memref<10240x128xf32, #tpu.memory_space<hbm>>
          tpu.enqueue_indirect_dma source(%dma_start3A_176 : memref<10240x128xf32, #tpu.memory_space<hbm>>) target(%arg11 : memref<32x128xf32, #tpu.memory_space<vmem>>) offsets(%dma_start3A_173 : memref<32xi32, #tpu.memory_space<vmem>>) semaphore(%arg16 : memref<!tpu.dma_semaphore, #tpu.memory_space<semaphore_mem>>)
        } else {
        }
      }
      %scan3A_97 = arith.constant 10 : i32
    }
    %scan3A_81 = arith.constant 8 : i32
    %barrier3A_82 = arith.constant 0 : index
    tpu.barrier barrier_id(%barrier3A_82)
    "tpu.region"() ({
      %run_scoped3A = tpu.sem_alloc : memref<!tpu.dma_semaphore, #tpu.memory_space<semaphore_mem>>
      %dma_start3A_83 = arith.constant 0 : i32
      %dma_start3A_84 = tpu.memref_slice %arg5[%arg0, %mul3A_29, %dma_start3A_83] : memref<2x10240x128xf32, #tpu.memory_space<hbm>> -> memref<1x640x128xf32, #tpu.memory_space<hbm>>
      %dma_start3A_85 = tpu.memref_squeeze %dma_start3A_84 : memref<1x640x128xf32, #tpu.memory_space<hbm>> -> memref<640x128xf32, #tpu.memory_space<hbm>>
      %dma_start3A_86 = arith.constant 0 : i32
      %dma_start3A_87 = tpu.memref_slice %arg12[%mul3A_29, %dma_start3A_86] : memref<10240x128xf32, #tpu.memory_space<vmem_shared>> -> memref<640x128xf32, #tpu.memory_space<vmem_shared>>
      tpu.enqueue_dma source(%dma_start3A_87 : memref<640x128xf32, #tpu.memory_space<vmem_shared>>) target(%dma_start3A_85 : memref<640x128xf32, #tpu.memory_space<hbm>>) target_semaphore(%run_scoped3A : memref<!tpu.dma_semaphore, #tpu.memory_space<semaphore_mem>>)
      %dma_wait3A = arith.constant 0 : i32
      %dma_wait3A_88 = tpu.memref_slice %arg5[%arg0, %mul3A_29, %dma_wait3A] : memref<2x10240x128xf32, #tpu.memory_space<hbm>> -> memref<1x640x128xf32, #tpu.memory_space<hbm>>
      %dma_wait3A_89 = tpu.memref_squeeze %dma_wait3A_88 : memref<1x640x128xf32, #tpu.memory_space<hbm>> -> memref<640x128xf32, #tpu.memory_space<hbm>>
      %dma_wait3A_90 = arith.constant 0 : i32
      %dma_wait3A_91 = tpu.memref_slice %arg12[%mul3A_29, %dma_wait3A_90] : memref<10240x128xf32, #tpu.memory_space<vmem_shared>> -> memref<640x128xf32, #tpu.memory_space<vmem_shared>>
      tpu.wait_dma2 semaphore(%run_scoped3A : memref<!tpu.dma_semaphore, #tpu.memory_space<semaphore_mem>>) src(%dma_wait3A_91 : memref<640x128xf32, #tpu.memory_space<vmem_shared>>) dst(%dma_wait3A_89 : memref<640x128xf32, #tpu.memory_space<hbm>>)
      tpu.yield
    }) : () -> ()
    return
  }
}

#map = affine_map<(d0, d1) -> (0)>
#map1 = affine_map<(d0, d1) -> (0, 0, 0)>
module attributes {stable_mosaic.version = 14 : i64} {
  func.func @body(%arg0: i32, %arg1: i32, %arg2: memref<327680xi32, #tpu.memory_space<hbm>>, %arg3: memref<2x10240x128xf32, #tpu.memory_space<hbm>>, %arg4: memref<128xi32, #tpu.memory_space<vmem>>, %arg5: memref<128x128xf32, #tpu.memory_space<vmem>>, %arg6: memref<10240x128xf32, #tpu.memory_space<vmem_shared>>) attributes {dimension_semantics = [#tpu.dimension_semantics<core_parallel>, #tpu.dimension_semantics<subcore_parallel>], iteration_bounds = array<i64: 2, 16>, scalar_prefetch = 0 : i64, scratch_operands = 3 : i64, tpu.core_type = #tpu.core_type<sc_vector_subcore>, window_params = [{transform_indices = #map}, {transform_indices = #map1}]} {
    %mul3A = arith.constant 2 : i32
    %mul3A_0 = arith.muli %arg1, %mul3A : i32
    %add3A = arith.addi %mul3A_0, %arg0 : i32
    %broadcast_in_dim3A = arith.constant 0.000000e+00 : f32
    %broadcast_in_dim3A_1 = vector.broadcast %broadcast_in_dim3A : f32 to vector<16xf32>
    %broadcast_in_dim3A_2 = arith.constant 1.000000e+00 : f32
    %broadcast_in_dim3A_3 = vector.broadcast %broadcast_in_dim3A_2 : f32 to vector<16xf32>
    %scan3A = arith.constant 0 : i32
    %scan3A_4 = arith.constant 128 : i32
    %scan3A_5 = arith.addi %scan3A, %scan3A_4 : i32
    %scan3A_6 = arith.constant 1 : i32
    scf.for %scan3A_33 = %scan3A to %scan3A_5 step %scan3A_6  : i32 {
      %mul3A_34 = arith.constant 1 : i32
      %mul3A_35 = arith.muli %scan3A_33, %mul3A_34 : i32
      %add3A_36 = arith.constant 0 : i32
      %add3A_37 = arith.addi %add3A_36, %mul3A_35 : i32
      %swap3A = arith.index_cast %add3A_37 : i32 to index
      %swap3A_38 = arith.constant 0 : index
      %swap3A_39 = tpu.vector_load %arg5[%swap3A, %swap3A_38] {strides = array<i32>} : memref<128x128xf32, #tpu.memory_space<vmem>>, vector<1x16xf32>,
      %swap3A_40 = vector.shape_cast %swap3A_39 : vector<1x16xf32> to vector<16xf32>
      %swap3A_41 = vector.shape_cast %broadcast_in_dim3A_1 : vector<16xf32> to vector<1x16xf32>
      tpu.vector_store %arg5[%swap3A, %swap3A_38], %swap3A_41 {strides = array<i32>} : memref<128x128xf32, #tpu.memory_space<vmem>>, vector<1x16xf32>,
      %swap3A_42 = arith.index_cast %add3A_37 : i32 to index
      %swap3A_43 = arith.constant 16 : index
      %swap3A_44 = tpu.vector_load %arg5[%swap3A_42, %swap3A_43] {strides = array<i32>} : memref<128x128xf32, #tpu.memory_space<vmem>>, vector<1x16xf32>,
      %swap3A_45 = vector.shape_cast %swap3A_44 : vector<1x16xf32> to vector<16xf32>
      %swap3A_46 = vector.shape_cast %broadcast_in_dim3A_1 : vector<16xf32> to vector<1x16xf32>
      tpu.vector_store %arg5[%swap3A_42, %swap3A_43], %swap3A_46 {strides = array<i32>} : memref<128x128xf32, #tpu.memory_space<vmem>>, vector<1x16xf32>,
      %swap3A_47 = arith.index_cast %add3A_37 : i32 to index
      %swap3A_48 = arith.constant 32 : index
      %swap3A_49 = tpu.vector_load %arg5[%swap3A_47, %swap3A_48] {strides = array<i32>} : memref<128x128xf32, #tpu.memory_space<vmem>>, vector<1x16xf32>,
      %swap3A_50 = vector.shape_cast %swap3A_49 : vector<1x16xf32> to vector<16xf32>
      %swap3A_51 = vector.shape_cast %broadcast_in_dim3A_1 : vector<16xf32> to vector<1x16xf32>
      tpu.vector_store %arg5[%swap3A_47, %swap3A_48], %swap3A_51 {strides = array<i32>} : memref<128x128xf32, #tpu.memory_space<vmem>>, vector<1x16xf32>,
      %swap3A_52 = arith.index_cast %add3A_37 : i32 to index
      %swap3A_53 = arith.constant 48 : index
      %swap3A_54 = tpu.vector_load %arg5[%swap3A_52, %swap3A_53] {strides = array<i32>} : memref<128x128xf32, #tpu.memory_space<vmem>>, vector<1x16xf32>,
      %swap3A_55 = vector.shape_cast %swap3A_54 : vector<1x16xf32> to vector<16xf32>
      %swap3A_56 = vector.shape_cast %broadcast_in_dim3A_1 : vector<16xf32> to vector<1x16xf32>
      tpu.vector_store %arg5[%swap3A_52, %swap3A_53], %swap3A_56 {strides = array<i32>} : memref<128x128xf32, #tpu.memory_space<vmem>>, vector<1x16xf32>,
      %swap3A_57 = arith.index_cast %add3A_37 : i32 to index
      %swap3A_58 = arith.constant 64 : index
      %swap3A_59 = tpu.vector_load %arg5[%swap3A_57, %swap3A_58] {strides = array<i32>} : memref<128x128xf32, #tpu.memory_space<vmem>>, vector<1x16xf32>,
      %swap3A_60 = vector.shape_cast %swap3A_59 : vector<1x16xf32> to vector<16xf32>
      %swap3A_61 = vector.shape_cast %broadcast_in_dim3A_1 : vector<16xf32> to vector<1x16xf32>
      tpu.vector_store %arg5[%swap3A_57, %swap3A_58], %swap3A_61 {strides = array<i32>} : memref<128x128xf32, #tpu.memory_space<vmem>>, vector<1x16xf32>,
      %swap3A_62 = arith.index_cast %add3A_37 : i32 to index
      %swap3A_63 = arith.constant 80 : index
      %swap3A_64 = tpu.vector_load %arg5[%swap3A_62, %swap3A_63] {strides = array<i32>} : memref<128x128xf32, #tpu.memory_space<vmem>>, vector<1x16xf32>,
      %swap3A_65 = vector.shape_cast %swap3A_64 : vector<1x16xf32> to vector<16xf32>
      %swap3A_66 = vector.shape_cast %broadcast_in_dim3A_1 : vector<16xf32> to vector<1x16xf32>
      tpu.vector_store %arg5[%swap3A_62, %swap3A_63], %swap3A_66 {strides = array<i32>} : memref<128x128xf32, #tpu.memory_space<vmem>>, vector<1x16xf32>,
      %swap3A_67 = arith.index_cast %add3A_37 : i32 to index
      %swap3A_68 = arith.constant 96 : index
      %swap3A_69 = tpu.vector_load %arg5[%swap3A_67, %swap3A_68] {strides = array<i32>} : memref<128x128xf32, #tpu.memory_space<vmem>>, vector<1x16xf32>,
      %swap3A_70 = vector.shape_cast %swap3A_69 : vector<1x16xf32> to vector<16xf32>
      %swap3A_71 = vector.shape_cast %broadcast_in_dim3A_1 : vector<16xf32> to vector<1x16xf32>
      tpu.vector_store %arg5[%swap3A_67, %swap3A_68], %swap3A_71 {strides = array<i32>} : memref<128x128xf32, #tpu.memory_space<vmem>>, vector<1x16xf32>,
      %swap3A_72 = arith.index_cast %add3A_37 : i32 to index
      %swap3A_73 = arith.constant 112 : index
      %swap3A_74 = tpu.vector_load %arg5[%swap3A_72, %swap3A_73] {strides = array<i32>} : memref<128x128xf32, #tpu.memory_space<vmem>>, vector<1x16xf32>,
      %swap3A_75 = vector.shape_cast %swap3A_74 : vector<1x16xf32> to vector<16xf32>
      %swap3A_76 = vector.shape_cast %broadcast_in_dim3A_1 : vector<16xf32> to vector<1x16xf32>
      tpu.vector_store %arg5[%swap3A_72, %swap3A_73], %swap3A_76 {strides = array<i32>} : memref<128x128xf32, #tpu.memory_space<vmem>>, vector<1x16xf32>,
    }
    %scan3A_7 = arith.constant 128 : i32
    %mul3A_8 = arith.constant 640 : i32
    %mul3A_9 = arith.muli %arg1, %mul3A_8 : i32
    %add3A_10 = arith.constant 0 : i32
    %add3A_11 = arith.addi %mul3A_9, %add3A_10 : i32
    "tpu.region"() ({
      %run_scoped3A = tpu.sem_alloc : memref<!tpu.dma_semaphore, #tpu.memory_space<semaphore_mem>>
      %dma_start3A = arith.constant 0 : i32
      %dma_start3A_33 = tpu.memref_slice %arg6[%add3A_11, %dma_start3A] : memref<10240x128xf32, #tpu.memory_space<vmem_shared>> -> memref<128x128xf32, #tpu.memory_space<vmem_shared>>
      %dma_start3A_34 = arith.constant 0 : i32
      %dma_start3A_35 = tpu.memref_slice %arg6[%add3A_11, %dma_start3A_34] : memref<10240x128xf32, #tpu.memory_space<vmem_shared>> -> memref<128x128xf32, #tpu.memory_space<vmem_shared>>
      tpu.enqueue_dma source(%arg5 : memref<128x128xf32, #tpu.memory_space<vmem>>) target(%dma_start3A_35 : memref<128x128xf32, #tpu.memory_space<vmem_shared>>) target_semaphore(%run_scoped3A : memref<!tpu.dma_semaphore, #tpu.memory_space<semaphore_mem>>)
      %dma_wait3A = arith.constant 0 : i32
      %dma_wait3A_36 = tpu.memref_slice %arg6[%add3A_11, %dma_wait3A] : memref<10240x128xf32, #tpu.memory_space<vmem_shared>> -> memref<128x128xf32, #tpu.memory_space<vmem_shared>>
      %dma_wait3A_37 = arith.constant 0 : i32
      %dma_wait3A_38 = tpu.memref_slice %arg6[%add3A_11, %dma_wait3A_37] : memref<10240x128xf32, #tpu.memory_space<vmem_shared>> -> memref<128x128xf32, #tpu.memory_space<vmem_shared>>
      tpu.wait_dma2 semaphore(%run_scoped3A : memref<!tpu.dma_semaphore, #tpu.memory_space<semaphore_mem>>) src(%arg5 : memref<128x128xf32, #tpu.memory_space<vmem>>) dst(%dma_wait3A_38 : memref<128x128xf32, #tpu.memory_space<vmem_shared>>)
      tpu.yield
    }) : () -> ()
    %add3A_12 = arith.constant 128 : i32
    %add3A_13 = arith.addi %mul3A_9, %add3A_12 : i32
    "tpu.region"() ({
      %run_scoped3A = tpu.sem_alloc : memref<!tpu.dma_semaphore, #tpu.memory_space<semaphore_mem>>
      %dma_start3A = arith.constant 0 : i32
      %dma_start3A_33 = tpu.memref_slice %arg6[%add3A_13, %dma_start3A] : memref<10240x128xf32, #tpu.memory_space<vmem_shared>> -> memref<128x128xf32, #tpu.memory_space<vmem_shared>>
      %dma_start3A_34 = arith.constant 0 : i32
      %dma_start3A_35 = tpu.memref_slice %arg6[%add3A_13, %dma_start3A_34] : memref<10240x128xf32, #tpu.memory_space<vmem_shared>> -> memref<128x128xf32, #tpu.memory_space<vmem_shared>>
      tpu.enqueue_dma source(%arg5 : memref<128x128xf32, #tpu.memory_space<vmem>>) target(%dma_start3A_35 : memref<128x128xf32, #tpu.memory_space<vmem_shared>>) target_semaphore(%run_scoped3A : memref<!tpu.dma_semaphore, #tpu.memory_space<semaphore_mem>>)
      %dma_wait3A = arith.constant 0 : i32
      %dma_wait3A_36 = tpu.memref_slice %arg6[%add3A_13, %dma_wait3A] : memref<10240x128xf32, #tpu.memory_space<vmem_shared>> -> memref<128x128xf32, #tpu.memory_space<vmem_shared>>
      %dma_wait3A_37 = arith.constant 0 : i32
      %dma_wait3A_38 = tpu.memref_slice %arg6[%add3A_13, %dma_wait3A_37] : memref<10240x128xf32, #tpu.memory_space<vmem_shared>> -> memref<128x128xf32, #tpu.memory_space<vmem_shared>>
      tpu.wait_dma2 semaphore(%run_scoped3A : memref<!tpu.dma_semaphore, #tpu.memory_space<semaphore_mem>>) src(%arg5 : memref<128x128xf32, #tpu.memory_space<vmem>>) dst(%dma_wait3A_38 : memref<128x128xf32, #tpu.memory_space<vmem_shared>>)
      tpu.yield
    }) : () -> ()
    %add3A_14 = arith.constant 256 : i32
    %add3A_15 = arith.addi %mul3A_9, %add3A_14 : i32
    "tpu.region"() ({
      %run_scoped3A = tpu.sem_alloc : memref<!tpu.dma_semaphore, #tpu.memory_space<semaphore_mem>>
      %dma_start3A = arith.constant 0 : i32
      %dma_start3A_33 = tpu.memref_slice %arg6[%add3A_15, %dma_start3A] : memref<10240x128xf32, #tpu.memory_space<vmem_shared>> -> memref<128x128xf32, #tpu.memory_space<vmem_shared>>
      %dma_start3A_34 = arith.constant 0 : i32
      %dma_start3A_35 = tpu.memref_slice %arg6[%add3A_15, %dma_start3A_34] : memref<10240x128xf32, #tpu.memory_space<vmem_shared>> -> memref<128x128xf32, #tpu.memory_space<vmem_shared>>
      tpu.enqueue_dma source(%arg5 : memref<128x128xf32, #tpu.memory_space<vmem>>) target(%dma_start3A_35 : memref<128x128xf32, #tpu.memory_space<vmem_shared>>) target_semaphore(%run_scoped3A : memref<!tpu.dma_semaphore, #tpu.memory_space<semaphore_mem>>)
      %dma_wait3A = arith.constant 0 : i32
      %dma_wait3A_36 = tpu.memref_slice %arg6[%add3A_15, %dma_wait3A] : memref<10240x128xf32, #tpu.memory_space<vmem_shared>> -> memref<128x128xf32, #tpu.memory_space<vmem_shared>>
      %dma_wait3A_37 = arith.constant 0 : i32
      %dma_wait3A_38 = tpu.memref_slice %arg6[%add3A_15, %dma_wait3A_37] : memref<10240x128xf32, #tpu.memory_space<vmem_shared>> -> memref<128x128xf32, #tpu.memory_space<vmem_shared>>
      tpu.wait_dma2 semaphore(%run_scoped3A : memref<!tpu.dma_semaphore, #tpu.memory_space<semaphore_mem>>) src(%arg5 : memref<128x128xf32, #tpu.memory_space<vmem>>) dst(%dma_wait3A_38 : memref<128x128xf32, #tpu.memory_space<vmem_shared>>)
      tpu.yield
    }) : () -> ()
    %add3A_16 = arith.constant 384 : i32
    %add3A_17 = arith.addi %mul3A_9, %add3A_16 : i32
    "tpu.region"() ({
      %run_scoped3A = tpu.sem_alloc : memref<!tpu.dma_semaphore, #tpu.memory_space<semaphore_mem>>
      %dma_start3A = arith.constant 0 : i32
      %dma_start3A_33 = tpu.memref_slice %arg6[%add3A_17, %dma_start3A] : memref<10240x128xf32, #tpu.memory_space<vmem_shared>> -> memref<128x128xf32, #tpu.memory_space<vmem_shared>>
      %dma_start3A_34 = arith.constant 0 : i32
      %dma_start3A_35 = tpu.memref_slice %arg6[%add3A_17, %dma_start3A_34] : memref<10240x128xf32, #tpu.memory_space<vmem_shared>> -> memref<128x128xf32, #tpu.memory_space<vmem_shared>>
      tpu.enqueue_dma source(%arg5 : memref<128x128xf32, #tpu.memory_space<vmem>>) target(%dma_start3A_35 : memref<128x128xf32, #tpu.memory_space<vmem_shared>>) target_semaphore(%run_scoped3A : memref<!tpu.dma_semaphore, #tpu.memory_space<semaphore_mem>>)
      %dma_wait3A = arith.constant 0 : i32
      %dma_wait3A_36 = tpu.memref_slice %arg6[%add3A_17, %dma_wait3A] : memref<10240x128xf32, #tpu.memory_space<vmem_shared>> -> memref<128x128xf32, #tpu.memory_space<vmem_shared>>
      %dma_wait3A_37 = arith.constant 0 : i32
      %dma_wait3A_38 = tpu.memref_slice %arg6[%add3A_17, %dma_wait3A_37] : memref<10240x128xf32, #tpu.memory_space<vmem_shared>> -> memref<128x128xf32, #tpu.memory_space<vmem_shared>>
      tpu.wait_dma2 semaphore(%run_scoped3A : memref<!tpu.dma_semaphore, #tpu.memory_space<semaphore_mem>>) src(%arg5 : memref<128x128xf32, #tpu.memory_space<vmem>>) dst(%dma_wait3A_38 : memref<128x128xf32, #tpu.memory_space<vmem_shared>>)
      tpu.yield
    }) : () -> ()
    %add3A_18 = arith.constant 512 : i32
    %add3A_19 = arith.addi %mul3A_9, %add3A_18 : i32
    "tpu.region"() ({
      %run_scoped3A = tpu.sem_alloc : memref<!tpu.dma_semaphore, #tpu.memory_space<semaphore_mem>>
      %dma_start3A = arith.constant 0 : i32
      %dma_start3A_33 = tpu.memref_slice %arg6[%add3A_19, %dma_start3A] : memref<10240x128xf32, #tpu.memory_space<vmem_shared>> -> memref<128x128xf32, #tpu.memory_space<vmem_shared>>
      %dma_start3A_34 = arith.constant 0 : i32
      %dma_start3A_35 = tpu.memref_slice %arg6[%add3A_19, %dma_start3A_34] : memref<10240x128xf32, #tpu.memory_space<vmem_shared>> -> memref<128x128xf32, #tpu.memory_space<vmem_shared>>
      tpu.enqueue_dma source(%arg5 : memref<128x128xf32, #tpu.memory_space<vmem>>) target(%dma_start3A_35 : memref<128x128xf32, #tpu.memory_space<vmem_shared>>) target_semaphore(%run_scoped3A : memref<!tpu.dma_semaphore, #tpu.memory_space<semaphore_mem>>)
      %dma_wait3A = arith.constant 0 : i32
      %dma_wait3A_36 = tpu.memref_slice %arg6[%add3A_19, %dma_wait3A] : memref<10240x128xf32, #tpu.memory_space<vmem_shared>> -> memref<128x128xf32, #tpu.memory_space<vmem_shared>>
      %dma_wait3A_37 = arith.constant 0 : i32
      %dma_wait3A_38 = tpu.memref_slice %arg6[%add3A_19, %dma_wait3A_37] : memref<10240x128xf32, #tpu.memory_space<vmem_shared>> -> memref<128x128xf32, #tpu.memory_space<vmem_shared>>
      tpu.wait_dma2 semaphore(%run_scoped3A : memref<!tpu.dma_semaphore, #tpu.memory_space<semaphore_mem>>) src(%arg5 : memref<128x128xf32, #tpu.memory_space<vmem>>) dst(%dma_wait3A_38 : memref<128x128xf32, #tpu.memory_space<vmem_shared>>)
      tpu.yield
    }) : () -> ()
    %scan3A_20 = arith.constant 0 : i32
    %scan3A_21 = arith.constant 128 : i32
    %scan3A_22 = arith.addi %scan3A_20, %scan3A_21 : i32
    %scan3A_23 = arith.constant 1 : i32
    scf.for %scan3A_33 = %scan3A_20 to %scan3A_22 step %scan3A_23  : i32 {
      %mul3A_34 = arith.constant 1 : i32
      %mul3A_35 = arith.muli %scan3A_33, %mul3A_34 : i32
      %add3A_36 = arith.constant 0 : i32
      %add3A_37 = arith.addi %add3A_36, %mul3A_35 : i32
      %swap3A = arith.index_cast %add3A_37 : i32 to index
      %swap3A_38 = arith.constant 0 : index
      %swap3A_39 = tpu.vector_load %arg5[%swap3A, %swap3A_38] {strides = array<i32>} : memref<128x128xf32, #tpu.memory_space<vmem>>, vector<1x16xf32>,
      %swap3A_40 = vector.shape_cast %swap3A_39 : vector<1x16xf32> to vector<16xf32>
      %swap3A_41 = vector.shape_cast %broadcast_in_dim3A_3 : vector<16xf32> to vector<1x16xf32>
      tpu.vector_store %arg5[%swap3A, %swap3A_38], %swap3A_41 {strides = array<i32>} : memref<128x128xf32, #tpu.memory_space<vmem>>, vector<1x16xf32>,
      %swap3A_42 = arith.index_cast %add3A_37 : i32 to index
      %swap3A_43 = arith.constant 16 : index
      %swap3A_44 = tpu.vector_load %arg5[%swap3A_42, %swap3A_43] {strides = array<i32>} : memref<128x128xf32, #tpu.memory_space<vmem>>, vector<1x16xf32>,
      %swap3A_45 = vector.shape_cast %swap3A_44 : vector<1x16xf32> to vector<16xf32>
      %swap3A_46 = vector.shape_cast %broadcast_in_dim3A_3 : vector<16xf32> to vector<1x16xf32>
      tpu.vector_store %arg5[%swap3A_42, %swap3A_43], %swap3A_46 {strides = array<i32>} : memref<128x128xf32, #tpu.memory_space<vmem>>, vector<1x16xf32>,
      %swap3A_47 = arith.index_cast %add3A_37 : i32 to index
      %swap3A_48 = arith.constant 32 : index
      %swap3A_49 = tpu.vector_load %arg5[%swap3A_47, %swap3A_48] {strides = array<i32>} : memref<128x128xf32, #tpu.memory_space<vmem>>, vector<1x16xf32>,
      %swap3A_50 = vector.shape_cast %swap3A_49 : vector<1x16xf32> to vector<16xf32>
      %swap3A_51 = vector.shape_cast %broadcast_in_dim3A_3 : vector<16xf32> to vector<1x16xf32>
      tpu.vector_store %arg5[%swap3A_47, %swap3A_48], %swap3A_51 {strides = array<i32>} : memref<128x128xf32, #tpu.memory_space<vmem>>, vector<1x16xf32>,
      %swap3A_52 = arith.index_cast %add3A_37 : i32 to index
      %swap3A_53 = arith.constant 48 : index
      %swap3A_54 = tpu.vector_load %arg5[%swap3A_52, %swap3A_53] {strides = array<i32>} : memref<128x128xf32, #tpu.memory_space<vmem>>, vector<1x16xf32>,
      %swap3A_55 = vector.shape_cast %swap3A_54 : vector<1x16xf32> to vector<16xf32>
      %swap3A_56 = vector.shape_cast %broadcast_in_dim3A_3 : vector<16xf32> to vector<1x16xf32>
      tpu.vector_store %arg5[%swap3A_52, %swap3A_53], %swap3A_56 {strides = array<i32>} : memref<128x128xf32, #tpu.memory_space<vmem>>, vector<1x16xf32>,
      %swap3A_57 = arith.index_cast %add3A_37 : i32 to index
      %swap3A_58 = arith.constant 64 : index
      %swap3A_59 = tpu.vector_load %arg5[%swap3A_57, %swap3A_58] {strides = array<i32>} : memref<128x128xf32, #tpu.memory_space<vmem>>, vector<1x16xf32>,
      %swap3A_60 = vector.shape_cast %swap3A_59 : vector<1x16xf32> to vector<16xf32>
      %swap3A_61 = vector.shape_cast %broadcast_in_dim3A_3 : vector<16xf32> to vector<1x16xf32>
      tpu.vector_store %arg5[%swap3A_57, %swap3A_58], %swap3A_61 {strides = array<i32>} : memref<128x128xf32, #tpu.memory_space<vmem>>, vector<1x16xf32>,
      %swap3A_62 = arith.index_cast %add3A_37 : i32 to index
      %swap3A_63 = arith.constant 80 : index
      %swap3A_64 = tpu.vector_load %arg5[%swap3A_62, %swap3A_63] {strides = array<i32>} : memref<128x128xf32, #tpu.memory_space<vmem>>, vector<1x16xf32>,
      %swap3A_65 = vector.shape_cast %swap3A_64 : vector<1x16xf32> to vector<16xf32>
      %swap3A_66 = vector.shape_cast %broadcast_in_dim3A_3 : vector<16xf32> to vector<1x16xf32>
      tpu.vector_store %arg5[%swap3A_62, %swap3A_63], %swap3A_66 {strides = array<i32>} : memref<128x128xf32, #tpu.memory_space<vmem>>, vector<1x16xf32>,
      %swap3A_67 = arith.index_cast %add3A_37 : i32 to index
      %swap3A_68 = arith.constant 96 : index
      %swap3A_69 = tpu.vector_load %arg5[%swap3A_67, %swap3A_68] {strides = array<i32>} : memref<128x128xf32, #tpu.memory_space<vmem>>, vector<1x16xf32>,
      %swap3A_70 = vector.shape_cast %swap3A_69 : vector<1x16xf32> to vector<16xf32>
      %swap3A_71 = vector.shape_cast %broadcast_in_dim3A_3 : vector<16xf32> to vector<1x16xf32>
      tpu.vector_store %arg5[%swap3A_67, %swap3A_68], %swap3A_71 {strides = array<i32>} : memref<128x128xf32, #tpu.memory_space<vmem>>, vector<1x16xf32>,
      %swap3A_72 = arith.index_cast %add3A_37 : i32 to index
      %swap3A_73 = arith.constant 112 : index
      %swap3A_74 = tpu.vector_load %arg5[%swap3A_72, %swap3A_73] {strides = array<i32>} : memref<128x128xf32, #tpu.memory_space<vmem>>, vector<1x16xf32>,
      %swap3A_75 = vector.shape_cast %swap3A_74 : vector<1x16xf32> to vector<16xf32>
      %swap3A_76 = vector.shape_cast %broadcast_in_dim3A_3 : vector<16xf32> to vector<1x16xf32>
      tpu.vector_store %arg5[%swap3A_72, %swap3A_73], %swap3A_76 {strides = array<i32>} : memref<128x128xf32, #tpu.memory_space<vmem>>, vector<1x16xf32>,
    }
    %scan3A_24 = arith.constant 128 : i32
    %barrier3A = arith.constant 0 : index
    tpu.barrier barrier_id(%barrier3A)
    %mul3A_25 = arith.constant 10240 : i32
    %mul3A_26 = arith.muli %add3A, %mul3A_25 : i32
    %scan3A_27 = arith.constant 0 : i32
    %scan3A_28 = arith.constant 80 : i32
    %scan3A_29 = arith.addi %scan3A_27, %scan3A_28 : i32
    %scan3A_30 = arith.constant 1 : i32
    scf.for %scan3A_33 = %scan3A_27 to %scan3A_29 step %scan3A_30  : i32 {
      %mul3A_34 = arith.constant 1 : i32
      %mul3A_35 = arith.muli %scan3A_33, %mul3A_34 : i32
      %add3A_36 = arith.constant 0 : i32
      %add3A_37 = arith.addi %add3A_36, %mul3A_35 : i32
      %mul3A_38 = arith.constant 128 : i32
      %mul3A_39 = arith.muli %add3A_37, %mul3A_38 : i32
      %add3A_40 = arith.addi %mul3A_26, %mul3A_39 : i32
      "tpu.region"() ({
        %run_scoped3A = tpu.sem_alloc : memref<!tpu.dma_semaphore, #tpu.memory_space<semaphore_mem>>
        %dma_start3A = tpu.memref_slice %arg2[%add3A_40] : memref<327680xi32, #tpu.memory_space<hbm>> -> memref<128xi32, #tpu.memory_space<hbm>>
        %dma_start3A_41 = tpu.memref_slice %arg2[%add3A_40] : memref<327680xi32, #tpu.memory_space<hbm>> -> memref<128xi32, #tpu.memory_space<hbm>>
        tpu.enqueue_dma source(%dma_start3A_41 : memref<128xi32, #tpu.memory_space<hbm>>) target(%arg4 : memref<128xi32, #tpu.memory_space<vmem>>) target_semaphore(%run_scoped3A : memref<!tpu.dma_semaphore, #tpu.memory_space<semaphore_mem>>)
        %dma_wait3A = tpu.memref_slice %arg2[%add3A_40] : memref<327680xi32, #tpu.memory_space<hbm>> -> memref<128xi32, #tpu.memory_space<hbm>>
        %dma_wait3A_42 = tpu.memref_slice %arg2[%add3A_40] : memref<327680xi32, #tpu.memory_space<hbm>> -> memref<128xi32, #tpu.memory_space<hbm>>
        tpu.wait_dma2 semaphore(%run_scoped3A : memref<!tpu.dma_semaphore, #tpu.memory_space<semaphore_mem>>) src(%dma_wait3A_42 : memref<128xi32, #tpu.memory_space<hbm>>) dst(%arg4 : memref<128xi32, #tpu.memory_space<vmem>>)
        tpu.yield
      }) : () -> ()
      "tpu.region"() ({
        %run_scoped3A = tpu.sem_alloc : memref<!tpu.dma_semaphore, #tpu.memory_space<semaphore_mem>>
        %dma_start3A = arith.constant 0 : i32
        %dma_start3A_41 = arith.constant 0 : i32
        %dma_start3A_42 = tpu.memref_slice %arg6[%dma_start3A, %dma_start3A_41] : memref<10240x128xf32, #tpu.memory_space<vmem_shared>> -> memref<10240x128xf32, #tpu.memory_space<vmem_shared>>
        tpu.enqueue_indirect_dma source(%arg5 : memref<128x128xf32, #tpu.memory_space<vmem>>) target(%dma_start3A_42 : memref<10240x128xf32, #tpu.memory_space<vmem_shared>>) offsets(%arg4 : memref<128xi32, #tpu.memory_space<vmem>>) semaphore(%run_scoped3A : memref<!tpu.dma_semaphore, #tpu.memory_space<semaphore_mem>>) {add = true}
        %dma_wait3A = arith.constant 0 : i32
        %dma_wait3A_43 = arith.constant 0 : i32
        %dma_wait3A_44 = tpu.memref_slice %arg6[%dma_wait3A, %dma_wait3A_43] : memref<10240x128xf32, #tpu.memory_space<vmem_shared>> -> memref<10240x128xf32, #tpu.memory_space<vmem_shared>>
        tpu.wait_indirect_dma semaphore(%run_scoped3A : memref<!tpu.dma_semaphore, #tpu.memory_space<semaphore_mem>>) src(%arg5 : memref<128x128xf32, #tpu.memory_space<vmem>>) dst(%dma_wait3A_44 : memref<10240x128xf32, #tpu.memory_space<vmem_shared>>)
        tpu.yield
      }) : () -> ()
    }
    %scan3A_31 = arith.constant 80 : i32
    %barrier3A_32 = arith.constant 0 : index
    tpu.barrier barrier_id(%barrier3A_32)
    "tpu.region"() ({
      %run_scoped3A = tpu.sem_alloc : memref<!tpu.dma_semaphore, #tpu.memory_space<semaphore_mem>>
      %dma_start3A = arith.constant 0 : i32
      %dma_start3A_33 = tpu.memref_slice %arg3[%arg0, %mul3A_9, %dma_start3A] : memref<2x10240x128xf32, #tpu.memory_space<hbm>> -> memref<1x640x128xf32, #tpu.memory_space<hbm>>
      %dma_start3A_34 = tpu.memref_squeeze %dma_start3A_33 : memref<1x640x128xf32, #tpu.memory_space<hbm>> -> memref<640x128xf32, #tpu.memory_space<hbm>>
      %dma_start3A_35 = arith.constant 0 : i32
      %dma_start3A_36 = tpu.memref_slice %arg6[%mul3A_9, %dma_start3A_35] : memref<10240x128xf32, #tpu.memory_space<vmem_shared>> -> memref<640x128xf32, #tpu.memory_space<vmem_shared>>
      tpu.enqueue_dma source(%dma_start3A_36 : memref<640x128xf32, #tpu.memory_space<vmem_shared>>) target(%dma_start3A_34 : memref<640x128xf32, #tpu.memory_space<hbm>>) target_semaphore(%run_scoped3A : memref<!tpu.dma_semaphore, #tpu.memory_space<semaphore_mem>>)
      %dma_wait3A = arith.constant 0 : i32
      %dma_wait3A_37 = tpu.memref_slice %arg3[%arg0, %mul3A_9, %dma_wait3A] : memref<2x10240x128xf32, #tpu.memory_space<hbm>> -> memref<1x640x128xf32, #tpu.memory_space<hbm>>
      %dma_wait3A_38 = tpu.memref_squeeze %dma_wait3A_37 : memref<1x640x128xf32, #tpu.memory_space<hbm>> -> memref<640x128xf32, #tpu.memory_space<hbm>>
      %dma_wait3A_39 = arith.constant 0 : i32
      %dma_wait3A_40 = tpu.memref_slice %arg6[%mul3A_9, %dma_wait3A_39] : memref<10240x128xf32, #tpu.memory_space<vmem_shared>> -> memref<640x128xf32, #tpu.memory_space<vmem_shared>>
      tpu.wait_dma2 semaphore(%run_scoped3A : memref<!tpu.dma_semaphore, #tpu.memory_space<semaphore_mem>>) src(%dma_wait3A_40 : memref<640x128xf32, #tpu.memory_space<vmem_shared>>) dst(%dma_wait3A_38 : memref<640x128xf32, #tpu.memory_space<hbm>>)
      tpu.yield
    }) : () -> ()
    return
  }
}

#map = affine_map<(d0, d1) -> (0, 0)>
#map1 = affine_map<(d0, d1) -> (0, 0, 0)>
module attributes {stable_mosaic.version = 14 : i64} {
  func.func @body(%arg0: i32, %arg1: i32, %arg2: memref<10240x128xf32, #tpu.memory_space<hbm>>, %arg3: memref<10240x32xi32, #tpu.memory_space<hbm>>, %arg4: memref<10240x32xi32, #tpu.memory_space<hbm>>, %arg5: memref<2x10240x128xf32, #tpu.memory_space<hbm>>, %arg6: memref<40x32xi32, #tpu.memory_space<vmem>>, %arg7: memref<40x32xi32, #tpu.memory_space<vmem>>, %arg8: memref<32x128xf32, #tpu.memory_space<vmem>>, %arg9: memref<32x128xf32, #tpu.memory_space<vmem>>, %arg10: memref<32x128xf32, #tpu.memory_space<vmem>>, %arg11: memref<32x128xf32, #tpu.memory_space<vmem>>, %arg12: memref<10240x128xf32, #tpu.memory_space<vmem_shared>>, %arg13: memref<!tpu.dma_semaphore, #tpu.memory_space<semaphore_mem>>, %arg14: memref<!tpu.dma_semaphore, #tpu.memory_space<semaphore_mem>>, %arg15: memref<!tpu.dma_semaphore, #tpu.memory_space<semaphore_mem>>, %arg16: memref<!tpu.dma_semaphore, #tpu.memory_space<semaphore_mem>>) attributes {dimension_semantics = [#tpu.dimension_semantics<core_parallel>, #tpu.dimension_semantics<subcore_parallel>], iteration_bounds = array<i64: 2, 16>, scalar_prefetch = 0 : i64, scratch_operands = 11 : i64, tpu.core_type = #tpu.core_type<sc_vector_subcore>, window_params = [{transform_indices = #map}, {transform_indices = #map}, {transform_indices = #map}, {transform_indices = #map1}]} {
    %mul3A = arith.constant 2 : i32
    %mul3A_0 = arith.muli %arg1, %mul3A : i32
    %add3A = arith.addi %mul3A_0, %arg0 : i32
    %broadcast_in_dim3A = arith.constant 0.000000e+00 : f32
    %broadcast_in_dim3A_1 = vector.broadcast %broadcast_in_dim3A : f32 to vector<16xf32>
    %mul3A_2 = arith.constant 320 : i32
    %mul3A_3 = arith.muli %add3A, %mul3A_2 : i32
    "tpu.region"() ({
      %run_scoped3A = tpu.sem_alloc : memref<!tpu.dma_semaphore, #tpu.memory_space<semaphore_mem>>
      %dma_start3A_83 = arith.constant 0 : i32
      %dma_start3A_84 = tpu.memref_slice %arg3[%mul3A_3, %dma_start3A_83] : memref<10240x32xi32, #tpu.memory_space<hbm>> -> memref<40x32xi32, #tpu.memory_space<hbm>>
      %dma_start3A_85 = arith.constant 0 : i32
      %dma_start3A_86 = tpu.memref_slice %arg3[%mul3A_3, %dma_start3A_85] : memref<10240x32xi32, #tpu.memory_space<hbm>> -> memref<40x32xi32, #tpu.memory_space<hbm>>
      tpu.enqueue_dma source(%dma_start3A_86 : memref<40x32xi32, #tpu.memory_space<hbm>>) target(%arg6 : memref<40x32xi32, #tpu.memory_space<vmem>>) target_semaphore(%run_scoped3A : memref<!tpu.dma_semaphore, #tpu.memory_space<semaphore_mem>>)
      %dma_wait3A = arith.constant 0 : i32
      %dma_wait3A_87 = tpu.memref_slice %arg3[%mul3A_3, %dma_wait3A] : memref<10240x32xi32, #tpu.memory_space<hbm>> -> memref<40x32xi32, #tpu.memory_space<hbm>>
      %dma_wait3A_88 = arith.constant 0 : i32
      %dma_wait3A_89 = tpu.memref_slice %arg3[%mul3A_3, %dma_wait3A_88] : memref<10240x32xi32, #tpu.memory_space<hbm>> -> memref<40x32xi32, #tpu.memory_space<hbm>>
      tpu.wait_dma2 semaphore(%run_scoped3A : memref<!tpu.dma_semaphore, #tpu.memory_space<semaphore_mem>>) src(%dma_wait3A_89 : memref<40x32xi32, #tpu.memory_space<hbm>>) dst(%arg6 : memref<40x32xi32, #tpu.memory_space<vmem>>)
      tpu.yield
    }) : () -> ()
    "tpu.region"() ({
      %run_scoped3A = tpu.sem_alloc : memref<!tpu.dma_semaphore, #tpu.memory_space<semaphore_mem>>
      %dma_start3A_83 = arith.constant 0 : i32
      %dma_start3A_84 = tpu.memref_slice %arg4[%mul3A_3, %dma_start3A_83] : memref<10240x32xi32, #tpu.memory_space<hbm>> -> memref<40x32xi32, #tpu.memory_space<hbm>>
      %dma_start3A_85 = arith.constant 0 : i32
      %dma_start3A_86 = tpu.memref_slice %arg4[%mul3A_3, %dma_start3A_85] : memref<10240x32xi32, #tpu.memory_space<hbm>> -> memref<40x32xi32, #tpu.memory_space<hbm>>
      tpu.enqueue_dma source(%dma_start3A_86 : memref<40x32xi32, #tpu.memory_space<hbm>>) target(%arg7 : memref<40x32xi32, #tpu.memory_space<vmem>>) target_semaphore(%run_scoped3A : memref<!tpu.dma_semaphore, #tpu.memory_space<semaphore_mem>>)
      %dma_wait3A = arith.constant 0 : i32
      %dma_wait3A_87 = tpu.memref_slice %arg4[%mul3A_3, %dma_wait3A] : memref<10240x32xi32, #tpu.memory_space<hbm>> -> memref<40x32xi32, #tpu.memory_space<hbm>>
      %dma_wait3A_88 = arith.constant 0 : i32
      %dma_wait3A_89 = tpu.memref_slice %arg4[%mul3A_3, %dma_wait3A_88] : memref<10240x32xi32, #tpu.memory_space<hbm>> -> memref<40x32xi32, #tpu.memory_space<hbm>>
      tpu.wait_dma2 semaphore(%run_scoped3A : memref<!tpu.dma_semaphore, #tpu.memory_space<semaphore_mem>>) src(%dma_wait3A_89 : memref<40x32xi32, #tpu.memory_space<hbm>>) dst(%arg7 : memref<40x32xi32, #tpu.memory_space<vmem>>)
      tpu.yield
    }) : () -> ()
    %dma_start3A = arith.constant 1 : i32
    %dma_start3A_4 = arith.constant 0 : i32
    %dma_start3A_5 = tpu.memref_slice %arg6[%dma_start3A, %dma_start3A_4] : memref<40x32xi32, #tpu.memory_space<vmem>> -> memref<1x32xi32, #tpu.memory_space<vmem>>
    %dma_start3A_6 = tpu.memref_squeeze %dma_start3A_5 : memref<1x32xi32, #tpu.memory_space<vmem>> -> memref<32xi32, #tpu.memory_space<vmem>>
    %dma_start3A_7 = arith.constant 0 : i32
    %dma_start3A_8 = arith.constant 0 : i32
    %dma_start3A_9 = tpu.memref_slice %arg2[%dma_start3A_7, %dma_start3A_8] : memref<10240x128xf32, #tpu.memory_space<hbm>> -> memref<10240x128xf32, #tpu.memory_space<hbm>>
    tpu.enqueue_indirect_dma source(%dma_start3A_9 : memref<10240x128xf32, #tpu.memory_space<hbm>>) target(%arg9 : memref<32x128xf32, #tpu.memory_space<vmem>>) offsets(%dma_start3A_6 : memref<32xi32, #tpu.memory_space<vmem>>) semaphore(%arg14 : memref<!tpu.dma_semaphore, #tpu.memory_space<semaphore_mem>>)
    %dma_start3A_10 = arith.constant 2 : i32
    %dma_start3A_11 = arith.constant 0 : i32
    %dma_start3A_12 = tpu.memref_slice %arg6[%dma_start3A_10, %dma_start3A_11] : memref<40x32xi32, #tpu.memory_space<vmem>> -> memref<1x32xi32, #tpu.memory_space<vmem>>
    %dma_start3A_13 = tpu.memref_squeeze %dma_start3A_12 : memref<1x32xi32, #tpu.memory_space<vmem>> -> memref<32xi32, #tpu.memory_space<vmem>>
    %dma_start3A_14 = arith.constant 0 : i32
    %dma_start3A_15 = arith.constant 0 : i32
    %dma_start3A_16 = tpu.memref_slice %arg2[%dma_start3A_14, %dma_start3A_15] : memref<10240x128xf32, #tpu.memory_space<hbm>> -> memref<10240x128xf32, #tpu.memory_space<hbm>>
    tpu.enqueue_indirect_dma source(%dma_start3A_16 : memref<10240x128xf32, #tpu.memory_space<hbm>>) target(%arg10 : memref<32x128xf32, #tpu.memory_space<vmem>>) offsets(%dma_start3A_13 : memref<32xi32, #tpu.memory_space<vmem>>) semaphore(%arg15 : memref<!tpu.dma_semaphore, #tpu.memory_space<semaphore_mem>>)
    %dma_start3A_17 = arith.constant 3 : i32
    %dma_start3A_18 = arith.constant 0 : i32
    %dma_start3A_19 = tpu.memref_slice %arg6[%dma_start3A_17, %dma_start3A_18] : memref<40x32xi32, #tpu.memory_space<vmem>> -> memref<1x32xi32, #tpu.memory_space<vmem>>
    %dma_start3A_20 = tpu.memref_squeeze %dma_start3A_19 : memref<1x32xi32, #tpu.memory_space<vmem>> -> memref<32xi32, #tpu.memory_space<vmem>>
    %dma_start3A_21 = arith.constant 0 : i32
    %dma_start3A_22 = arith.constant 0 : i32
    %dma_start3A_23 = tpu.memref_slice %arg2[%dma_start3A_21, %dma_start3A_22] : memref<10240x128xf32, #tpu.memory_space<hbm>> -> memref<10240x128xf32, #tpu.memory_space<hbm>>
    tpu.enqueue_indirect_dma source(%dma_start3A_23 : memref<10240x128xf32, #tpu.memory_space<hbm>>) target(%arg11 : memref<32x128xf32, #tpu.memory_space<vmem>>) offsets(%dma_start3A_20 : memref<32xi32, #tpu.memory_space<vmem>>) semaphore(%arg16 : memref<!tpu.dma_semaphore, #tpu.memory_space<semaphore_mem>>)
    %scan3A = arith.constant 0 : i32
    %scan3A_24 = arith.constant 32 : i32
    %scan3A_25 = arith.addi %scan3A, %scan3A_24 : i32
    %scan3A_26 = arith.constant 1 : i32
    scf.for %scan3A_83 = %scan3A to %scan3A_25 step %scan3A_26  : i32 {
      %mul3A_84 = arith.constant 1 : i32
      %mul3A_85 = arith.muli %scan3A_83, %mul3A_84 : i32
      %add3A_86 = arith.constant 0 : i32
      %add3A_87 = arith.addi %add3A_86, %mul3A_85 : i32
      %swap3A = arith.index_cast %add3A_87 : i32 to index
      %swap3A_88 = arith.constant 0 : index
      %swap3A_89 = tpu.vector_load %arg8[%swap3A, %swap3A_88] {strides = array<i32>} : memref<32x128xf32, #tpu.memory_space<vmem>>, vector<1x16xf32>,
      %swap3A_90 = vector.shape_cast %swap3A_89 : vector<1x16xf32> to vector<16xf32>
      %swap3A_91 = vector.shape_cast %broadcast_in_dim3A_1 : vector<16xf32> to vector<1x16xf32>
      tpu.vector_store %arg8[%swap3A, %swap3A_88], %swap3A_91 {strides = array<i32>} : memref<32x128xf32, #tpu.memory_space<vmem>>, vector<1x16xf32>,
      %swap3A_92 = arith.index_cast %add3A_87 : i32 to index
      %swap3A_93 = arith.constant 16 : index
      %swap3A_94 = tpu.vector_load %arg8[%swap3A_92, %swap3A_93] {strides = array<i32>} : memref<32x128xf32, #tpu.memory_space<vmem>>, vector<1x16xf32>,
      %swap3A_95 = vector.shape_cast %swap3A_94 : vector<1x16xf32> to vector<16xf32>
      %swap3A_96 = vector.shape_cast %broadcast_in_dim3A_1 : vector<16xf32> to vector<1x16xf32>
      tpu.vector_store %arg8[%swap3A_92, %swap3A_93], %swap3A_96 {strides = array<i32>} : memref<32x128xf32, #tpu.memory_space<vmem>>, vector<1x16xf32>,
      %swap3A_97 = arith.index_cast %add3A_87 : i32 to index
      %swap3A_98 = arith.constant 32 : index
      %swap3A_99 = tpu.vector_load %arg8[%swap3A_97, %swap3A_98] {strides = array<i32>} : memref<32x128xf32, #tpu.memory_space<vmem>>, vector<1x16xf32>,
      %swap3A_100 = vector.shape_cast %swap3A_99 : vector<1x16xf32> to vector<16xf32>
      %swap3A_101 = vector.shape_cast %broadcast_in_dim3A_1 : vector<16xf32> to vector<1x16xf32>
      tpu.vector_store %arg8[%swap3A_97, %swap3A_98], %swap3A_101 {strides = array<i32>} : memref<32x128xf32, #tpu.memory_space<vmem>>, vector<1x16xf32>,
      %swap3A_102 = arith.index_cast %add3A_87 : i32 to index
      %swap3A_103 = arith.constant 48 : index
      %swap3A_104 = tpu.vector_load %arg8[%swap3A_102, %swap3A_103] {strides = array<i32>} : memref<32x128xf32, #tpu.memory_space<vmem>>, vector<1x16xf32>,
      %swap3A_105 = vector.shape_cast %swap3A_104 : vector<1x16xf32> to vector<16xf32>
      %swap3A_106 = vector.shape_cast %broadcast_in_dim3A_1 : vector<16xf32> to vector<1x16xf32>
      tpu.vector_store %arg8[%swap3A_102, %swap3A_103], %swap3A_106 {strides = array<i32>} : memref<32x128xf32, #tpu.memory_space<vmem>>, vector<1x16xf32>,
      %swap3A_107 = arith.index_cast %add3A_87 : i32 to index
      %swap3A_108 = arith.constant 64 : index
      %swap3A_109 = tpu.vector_load %arg8[%swap3A_107, %swap3A_108] {strides = array<i32>} : memref<32x128xf32, #tpu.memory_space<vmem>>, vector<1x16xf32>,
      %swap3A_110 = vector.shape_cast %swap3A_109 : vector<1x16xf32> to vector<16xf32>
      %swap3A_111 = vector.shape_cast %broadcast_in_dim3A_1 : vector<16xf32> to vector<1x16xf32>
      tpu.vector_store %arg8[%swap3A_107, %swap3A_108], %swap3A_111 {strides = array<i32>} : memref<32x128xf32, #tpu.memory_space<vmem>>, vector<1x16xf32>,
      %swap3A_112 = arith.index_cast %add3A_87 : i32 to index
      %swap3A_113 = arith.constant 80 : index
      %swap3A_114 = tpu.vector_load %arg8[%swap3A_112, %swap3A_113] {strides = array<i32>} : memref<32x128xf32, #tpu.memory_space<vmem>>, vector<1x16xf32>,
      %swap3A_115 = vector.shape_cast %swap3A_114 : vector<1x16xf32> to vector<16xf32>
      %swap3A_116 = vector.shape_cast %broadcast_in_dim3A_1 : vector<16xf32> to vector<1x16xf32>
      tpu.vector_store %arg8[%swap3A_112, %swap3A_113], %swap3A_116 {strides = array<i32>} : memref<32x128xf32, #tpu.memory_space<vmem>>, vector<1x16xf32>,
      %swap3A_117 = arith.index_cast %add3A_87 : i32 to index
      %swap3A_118 = arith.constant 96 : index
      %swap3A_119 = tpu.vector_load %arg8[%swap3A_117, %swap3A_118] {strides = array<i32>} : memref<32x128xf32, #tpu.memory_space<vmem>>, vector<1x16xf32>,
      %swap3A_120 = vector.shape_cast %swap3A_119 : vector<1x16xf32> to vector<16xf32>
      %swap3A_121 = vector.shape_cast %broadcast_in_dim3A_1 : vector<16xf32> to vector<1x16xf32>
      tpu.vector_store %arg8[%swap3A_117, %swap3A_118], %swap3A_121 {strides = array<i32>} : memref<32x128xf32, #tpu.memory_space<vmem>>, vector<1x16xf32>,
      %swap3A_122 = arith.index_cast %add3A_87 : i32 to index
      %swap3A_123 = arith.constant 112 : index
      %swap3A_124 = tpu.vector_load %arg8[%swap3A_122, %swap3A_123] {strides = array<i32>} : memref<32x128xf32, #tpu.memory_space<vmem>>, vector<1x16xf32>,
      %swap3A_125 = vector.shape_cast %swap3A_124 : vector<1x16xf32> to vector<16xf32>
      %swap3A_126 = vector.shape_cast %broadcast_in_dim3A_1 : vector<16xf32> to vector<1x16xf32>
      tpu.vector_store %arg8[%swap3A_122, %swap3A_123], %swap3A_126 {strides = array<i32>} : memref<32x128xf32, #tpu.memory_space<vmem>>, vector<1x16xf32>,
    }
    %scan3A_27 = arith.constant 32 : i32
    %mul3A_28 = arith.constant 640 : i32
    %mul3A_29 = arith.muli %arg1, %mul3A_28 : i32
    %add3A_30 = arith.constant 0 : i32
    %add3A_31 = arith.addi %mul3A_29, %add3A_30 : i32
    "tpu.region"() ({
      %run_scoped3A = tpu.sem_alloc : memref<!tpu.dma_semaphore, #tpu.memory_space<semaphore_mem>>
      %dma_start3A_83 = arith.constant 0 : i32
      %dma_start3A_84 = tpu.memref_slice %arg12[%add3A_31, %dma_start3A_83] : memref<10240x128xf32, #tpu.memory_space<vmem_shared>> -> memref<32x128xf32, #tpu.memory_space<vmem_shared>>
      %dma_start3A_85 = arith.constant 0 : i32
      %dma_start3A_86 = tpu.memref_slice %arg12[%add3A_31, %dma_start3A_85] : memref<10240x128xf32, #tpu.memory_space<vmem_shared>> -> memref<32x128xf32, #tpu.memory_space<vmem_shared>>
      tpu.enqueue_dma source(%arg8 : memref<32x128xf32, #tpu.memory_space<vmem>>) target(%dma_start3A_86 : memref<32x128xf32, #tpu.memory_space<vmem_shared>>) target_semaphore(%run_scoped3A : memref<!tpu.dma_semaphore, #tpu.memory_space<semaphore_mem>>)
      %dma_wait3A = arith.constant 0 : i32
      %dma_wait3A_87 = tpu.memref_slice %arg12[%add3A_31, %dma_wait3A] : memref<10240x128xf32, #tpu.memory_space<vmem_shared>> -> memref<32x128xf32, #tpu.memory_space<vmem_shared>>
      %dma_wait3A_88 = arith.constant 0 : i32
      %dma_wait3A_89 = tpu.memref_slice %arg12[%add3A_31, %dma_wait3A_88] : memref<10240x128xf32, #tpu.memory_space<vmem_shared>> -> memref<32x128xf32, #tpu.memory_space<vmem_shared>>
      tpu.wait_dma2 semaphore(%run_scoped3A : memref<!tpu.dma_semaphore, #tpu.memory_space<semaphore_mem>>) src(%arg8 : memref<32x128xf32, #tpu.memory_space<vmem>>) dst(%dma_wait3A_89 : memref<32x128xf32, #tpu.memory_space<vmem_shared>>)
      tpu.yield
    }) : () -> ()
    %add3A_32 = arith.constant 32 : i32
    %add3A_33 = arith.addi %mul3A_29, %add3A_32 : i32
    "tpu.region"() ({
      %run_scoped3A = tpu.sem_alloc : memref<!tpu.dma_semaphore, #tpu.memory_space<semaphore_mem>>
      %dma_start3A_83 = arith.constant 0 : i32
      %dma_start3A_84 = tpu.memref_slice %arg12[%add3A_33, %dma_start3A_83] : memref<10240x128xf32, #tpu.memory_space<vmem_shared>> -> memref<32x128xf32, #tpu.memory_space<vmem_shared>>
      %dma_start3A_85 = arith.constant 0 : i32
      %dma_start3A_86 = tpu.memref_slice %arg12[%add3A_33, %dma_start3A_85] : memref<10240x128xf32, #tpu.memory_space<vmem_shared>> -> memref<32x128xf32, #tpu.memory_space<vmem_shared>>
      tpu.enqueue_dma source(%arg8 : memref<32x128xf32, #tpu.memory_space<vmem>>) target(%dma_start3A_86 : memref<32x128xf32, #tpu.memory_space<vmem_shared>>) target_semaphore(%run_scoped3A : memref<!tpu.dma_semaphore, #tpu.memory_space<semaphore_mem>>)
      %dma_wait3A = arith.constant 0 : i32
      %dma_wait3A_87 = tpu.memref_slice %arg12[%add3A_33, %dma_wait3A] : memref<10240x128xf32, #tpu.memory_space<vmem_shared>> -> memref<32x128xf32, #tpu.memory_space<vmem_shared>>
      %dma_wait3A_88 = arith.constant 0 : i32
      %dma_wait3A_89 = tpu.memref_slice %arg12[%add3A_33, %dma_wait3A_88] : memref<10240x128xf32, #tpu.memory_space<vmem_shared>> -> memref<32x128xf32, #tpu.memory_space<vmem_shared>>
      tpu.wait_dma2 semaphore(%run_scoped3A : memref<!tpu.dma_semaphore, #tpu.memory_space<semaphore_mem>>) src(%arg8 : memref<32x128xf32, #tpu.memory_space<vmem>>) dst(%dma_wait3A_89 : memref<32x128xf32, #tpu.memory_space<vmem_shared>>)
      tpu.yield
    }) : () -> ()
    %add3A_34 = arith.constant 64 : i32
    %add3A_35 = arith.addi %mul3A_29, %add3A_34 : i32
    "tpu.region"() ({
      %run_scoped3A = tpu.sem_alloc : memref<!tpu.dma_semaphore, #tpu.memory_space<semaphore_mem>>
      %dma_start3A_83 = arith.constant 0 : i32
      %dma_start3A_84 = tpu.memref_slice %arg12[%add3A_35, %dma_start3A_83] : memref<10240x128xf32, #tpu.memory_space<vmem_shared>> -> memref<32x128xf32, #tpu.memory_space<vmem_shared>>
      %dma_start3A_85 = arith.constant 0 : i32
      %dma_start3A_86 = tpu.memref_slice %arg12[%add3A_35, %dma_start3A_85] : memref<10240x128xf32, #tpu.memory_space<vmem_shared>> -> memref<32x128xf32, #tpu.memory_space<vmem_shared>>
      tpu.enqueue_dma source(%arg8 : memref<32x128xf32, #tpu.memory_space<vmem>>) target(%dma_start3A_86 : memref<32x128xf32, #tpu.memory_space<vmem_shared>>) target_semaphore(%run_scoped3A : memref<!tpu.dma_semaphore, #tpu.memory_space<semaphore_mem>>)
      %dma_wait3A = arith.constant 0 : i32
      %dma_wait3A_87 = tpu.memref_slice %arg12[%add3A_35, %dma_wait3A] : memref<10240x128xf32, #tpu.memory_space<vmem_shared>> -> memref<32x128xf32, #tpu.memory_space<vmem_shared>>
      %dma_wait3A_88 = arith.constant 0 : i32
      %dma_wait3A_89 = tpu.memref_slice %arg12[%add3A_35, %dma_wait3A_88] : memref<10240x128xf32, #tpu.memory_space<vmem_shared>> -> memref<32x128xf32, #tpu.memory_space<vmem_shared>>
      tpu.wait_dma2 semaphore(%run_scoped3A : memref<!tpu.dma_semaphore, #tpu.memory_space<semaphore_mem>>) src(%arg8 : memref<32x128xf32, #tpu.memory_space<vmem>>) dst(%dma_wait3A_89 : memref<32x128xf32, #tpu.memory_space<vmem_shared>>)
      tpu.yield
    }) : () -> ()
    %add3A_36 = arith.constant 96 : i32
    %add3A_37 = arith.addi %mul3A_29, %add3A_36 : i32
    "tpu.region"() ({
      %run_scoped3A = tpu.sem_alloc : memref<!tpu.dma_semaphore, #tpu.memory_space<semaphore_mem>>
      %dma_start3A_83 = arith.constant 0 : i32
      %dma_start3A_84 = tpu.memref_slice %arg12[%add3A_37, %dma_start3A_83] : memref<10240x128xf32, #tpu.memory_space<vmem_shared>> -> memref<32x128xf32, #tpu.memory_space<vmem_shared>>
      %dma_start3A_85 = arith.constant 0 : i32
      %dma_start3A_86 = tpu.memref_slice %arg12[%add3A_37, %dma_start3A_85] : memref<10240x128xf32, #tpu.memory_space<vmem_shared>> -> memref<32x128xf32, #tpu.memory_space<vmem_shared>>
      tpu.enqueue_dma source(%arg8 : memref<32x128xf32, #tpu.memory_space<vmem>>) target(%dma_start3A_86 : memref<32x128xf32, #tpu.memory_space<vmem_shared>>) target_semaphore(%run_scoped3A : memref<!tpu.dma_semaphore, #tpu.memory_space<semaphore_mem>>)
      %dma_wait3A = arith.constant 0 : i32
      %dma_wait3A_87 = tpu.memref_slice %arg12[%add3A_37, %dma_wait3A] : memref<10240x128xf32, #tpu.memory_space<vmem_shared>> -> memref<32x128xf32, #tpu.memory_space<vmem_shared>>
      %dma_wait3A_88 = arith.constant 0 : i32
      %dma_wait3A_89 = tpu.memref_slice %arg12[%add3A_37, %dma_wait3A_88] : memref<10240x128xf32, #tpu.memory_space<vmem_shared>> -> memref<32x128xf32, #tpu.memory_space<vmem_shared>>
      tpu.wait_dma2 semaphore(%run_scoped3A : memref<!tpu.dma_semaphore, #tpu.memory_space<semaphore_mem>>) src(%arg8 : memref<32x128xf32, #tpu.memory_space<vmem>>) dst(%dma_wait3A_89 : memref<32x128xf32, #tpu.memory_space<vmem_shared>>)
      tpu.yield
    }) : () -> ()
    %add3A_38 = arith.constant 128 : i32
    %add3A_39 = arith.addi %mul3A_29, %add3A_38 : i32
    "tpu.region"() ({
      %run_scoped3A = tpu.sem_alloc : memref<!tpu.dma_semaphore, #tpu.memory_space<semaphore_mem>>
      %dma_start3A_83 = arith.constant 0 : i32
      %dma_start3A_84 = tpu.memref_slice %arg12[%add3A_39, %dma_start3A_83] : memref<10240x128xf32, #tpu.memory_space<vmem_shared>> -> memref<32x128xf32, #tpu.memory_space<vmem_shared>>
      %dma_start3A_85 = arith.constant 0 : i32
      %dma_start3A_86 = tpu.memref_slice %arg12[%add3A_39, %dma_start3A_85] : memref<10240x128xf32, #tpu.memory_space<vmem_shared>> -> memref<32x128xf32, #tpu.memory_space<vmem_shared>>
      tpu.enqueue_dma source(%arg8 : memref<32x128xf32, #tpu.memory_space<vmem>>) target(%dma_start3A_86 : memref<32x128xf32, #tpu.memory_space<vmem_shared>>) target_semaphore(%run_scoped3A : memref<!tpu.dma_semaphore, #tpu.memory_space<semaphore_mem>>)
      %dma_wait3A = arith.constant 0 : i32
      %dma_wait3A_87 = tpu.memref_slice %arg12[%add3A_39, %dma_wait3A] : memref<10240x128xf32, #tpu.memory_space<vmem_shared>> -> memref<32x128xf32, #tpu.memory_space<vmem_shared>>
      %dma_wait3A_88 = arith.constant 0 : i32
      %dma_wait3A_89 = tpu.memref_slice %arg12[%add3A_39, %dma_wait3A_88] : memref<10240x128xf32, #tpu.memory_space<vmem_shared>> -> memref<32x128xf32, #tpu.memory_space<vmem_shared>>
      tpu.wait_dma2 semaphore(%run_scoped3A : memref<!tpu.dma_semaphore, #tpu.memory_space<semaphore_mem>>) src(%arg8 : memref<32x128xf32, #tpu.memory_space<vmem>>) dst(%dma_wait3A_89 : memref<32x128xf32, #tpu.memory_space<vmem_shared>>)
      tpu.yield
    }) : () -> ()
    %add3A_40 = arith.constant 160 : i32
    %add3A_41 = arith.addi %mul3A_29, %add3A_40 : i32
    "tpu.region"() ({
      %run_scoped3A = tpu.sem_alloc : memref<!tpu.dma_semaphore, #tpu.memory_space<semaphore_mem>>
      %dma_start3A_83 = arith.constant 0 : i32
      %dma_start3A_84 = tpu.memref_slice %arg12[%add3A_41, %dma_start3A_83] : memref<10240x128xf32, #tpu.memory_space<vmem_shared>> -> memref<32x128xf32, #tpu.memory_space<vmem_shared>>
      %dma_start3A_85 = arith.constant 0 : i32
      %dma_start3A_86 = tpu.memref_slice %arg12[%add3A_41, %dma_start3A_85] : memref<10240x128xf32, #tpu.memory_space<vmem_shared>> -> memref<32x128xf32, #tpu.memory_space<vmem_shared>>
      tpu.enqueue_dma source(%arg8 : memref<32x128xf32, #tpu.memory_space<vmem>>) target(%dma_start3A_86 : memref<32x128xf32, #tpu.memory_space<vmem_shared>>) target_semaphore(%run_scoped3A : memref<!tpu.dma_semaphore, #tpu.memory_space<semaphore_mem>>)
      %dma_wait3A = arith.constant 0 : i32
      %dma_wait3A_87 = tpu.memref_slice %arg12[%add3A_41, %dma_wait3A] : memref<10240x128xf32, #tpu.memory_space<vmem_shared>> -> memref<32x128xf32, #tpu.memory_space<vmem_shared>>
      %dma_wait3A_88 = arith.constant 0 : i32
      %dma_wait3A_89 = tpu.memref_slice %arg12[%add3A_41, %dma_wait3A_88] : memref<10240x128xf32, #tpu.memory_space<vmem_shared>> -> memref<32x128xf32, #tpu.memory_space<vmem_shared>>
      tpu.wait_dma2 semaphore(%run_scoped3A : memref<!tpu.dma_semaphore, #tpu.memory_space<semaphore_mem>>) src(%arg8 : memref<32x128xf32, #tpu.memory_space<vmem>>) dst(%dma_wait3A_89 : memref<32x128xf32, #tpu.memory_space<vmem_shared>>)
      tpu.yield
    }) : () -> ()
    %add3A_42 = arith.constant 192 : i32
    %add3A_43 = arith.addi %mul3A_29, %add3A_42 : i32
    "tpu.region"() ({
      %run_scoped3A = tpu.sem_alloc : memref<!tpu.dma_semaphore, #tpu.memory_space<semaphore_mem>>
      %dma_start3A_83 = arith.constant 0 : i32
      %dma_start3A_84 = tpu.memref_slice %arg12[%add3A_43, %dma_start3A_83] : memref<10240x128xf32, #tpu.memory_space<vmem_shared>> -> memref<32x128xf32, #tpu.memory_space<vmem_shared>>
      %dma_start3A_85 = arith.constant 0 : i32
      %dma_start3A_86 = tpu.memref_slice %arg12[%add3A_43, %dma_start3A_85] : memref<10240x128xf32, #tpu.memory_space<vmem_shared>> -> memref<32x128xf32, #tpu.memory_space<vmem_shared>>
      tpu.enqueue_dma source(%arg8 : memref<32x128xf32, #tpu.memory_space<vmem>>) target(%dma_start3A_86 : memref<32x128xf32, #tpu.memory_space<vmem_shared>>) target_semaphore(%run_scoped3A : memref<!tpu.dma_semaphore, #tpu.memory_space<semaphore_mem>>)
      %dma_wait3A = arith.constant 0 : i32
      %dma_wait3A_87 = tpu.memref_slice %arg12[%add3A_43, %dma_wait3A] : memref<10240x128xf32, #tpu.memory_space<vmem_shared>> -> memref<32x128xf32, #tpu.memory_space<vmem_shared>>
      %dma_wait3A_88 = arith.constant 0 : i32
      %dma_wait3A_89 = tpu.memref_slice %arg12[%add3A_43, %dma_wait3A_88] : memref<10240x128xf32, #tpu.memory_space<vmem_shared>> -> memref<32x128xf32, #tpu.memory_space<vmem_shared>>
      tpu.wait_dma2 semaphore(%run_scoped3A : memref<!tpu.dma_semaphore, #tpu.memory_space<semaphore_mem>>) src(%arg8 : memref<32x128xf32, #tpu.memory_space<vmem>>) dst(%dma_wait3A_89 : memref<32x128xf32, #tpu.memory_space<vmem_shared>>)
      tpu.yield
    }) : () -> ()
    %add3A_44 = arith.constant 224 : i32
    %add3A_45 = arith.addi %mul3A_29, %add3A_44 : i32
    "tpu.region"() ({
      %run_scoped3A = tpu.sem_alloc : memref<!tpu.dma_semaphore, #tpu.memory_space<semaphore_mem>>
      %dma_start3A_83 = arith.constant 0 : i32
      %dma_start3A_84 = tpu.memref_slice %arg12[%add3A_45, %dma_start3A_83] : memref<10240x128xf32, #tpu.memory_space<vmem_shared>> -> memref<32x128xf32, #tpu.memory_space<vmem_shared>>
      %dma_start3A_85 = arith.constant 0 : i32
      %dma_start3A_86 = tpu.memref_slice %arg12[%add3A_45, %dma_start3A_85] : memref<10240x128xf32, #tpu.memory_space<vmem_shared>> -> memref<32x128xf32, #tpu.memory_space<vmem_shared>>
      tpu.enqueue_dma source(%arg8 : memref<32x128xf32, #tpu.memory_space<vmem>>) target(%dma_start3A_86 : memref<32x128xf32, #tpu.memory_space<vmem_shared>>) target_semaphore(%run_scoped3A : memref<!tpu.dma_semaphore, #tpu.memory_space<semaphore_mem>>)
      %dma_wait3A = arith.constant 0 : i32
      %dma_wait3A_87 = tpu.memref_slice %arg12[%add3A_45, %dma_wait3A] : memref<10240x128xf32, #tpu.memory_space<vmem_shared>> -> memref<32x128xf32, #tpu.memory_space<vmem_shared>>
      %dma_wait3A_88 = arith.constant 0 : i32
      %dma_wait3A_89 = tpu.memref_slice %arg12[%add3A_45, %dma_wait3A_88] : memref<10240x128xf32, #tpu.memory_space<vmem_shared>> -> memref<32x128xf32, #tpu.memory_space<vmem_shared>>
      tpu.wait_dma2 semaphore(%run_scoped3A : memref<!tpu.dma_semaphore, #tpu.memory_space<semaphore_mem>>) src(%arg8 : memref<32x128xf32, #tpu.memory_space<vmem>>) dst(%dma_wait3A_89 : memref<32x128xf32, #tpu.memory_space<vmem_shared>>)
      tpu.yield
    }) : () -> ()
    %add3A_46 = arith.constant 256 : i32
    %add3A_47 = arith.addi %mul3A_29, %add3A_46 : i32
    "tpu.region"() ({
      %run_scoped3A = tpu.sem_alloc : memref<!tpu.dma_semaphore, #tpu.memory_space<semaphore_mem>>
      %dma_start3A_83 = arith.constant 0 : i32
      %dma_start3A_84 = tpu.memref_slice %arg12[%add3A_47, %dma_start3A_83] : memref<10240x128xf32, #tpu.memory_space<vmem_shared>> -> memref<32x128xf32, #tpu.memory_space<vmem_shared>>
      %dma_start3A_85 = arith.constant 0 : i32
      %dma_start3A_86 = tpu.memref_slice %arg12[%add3A_47, %dma_start3A_85] : memref<10240x128xf32, #tpu.memory_space<vmem_shared>> -> memref<32x128xf32, #tpu.memory_space<vmem_shared>>
      tpu.enqueue_dma source(%arg8 : memref<32x128xf32, #tpu.memory_space<vmem>>) target(%dma_start3A_86 : memref<32x128xf32, #tpu.memory_space<vmem_shared>>) target_semaphore(%run_scoped3A : memref<!tpu.dma_semaphore, #tpu.memory_space<semaphore_mem>>)
      %dma_wait3A = arith.constant 0 : i32
      %dma_wait3A_87 = tpu.memref_slice %arg12[%add3A_47, %dma_wait3A] : memref<10240x128xf32, #tpu.memory_space<vmem_shared>> -> memref<32x128xf32, #tpu.memory_space<vmem_shared>>
      %dma_wait3A_88 = arith.constant 0 : i32
      %dma_wait3A_89 = tpu.memref_slice %arg12[%add3A_47, %dma_wait3A_88] : memref<10240x128xf32, #tpu.memory_space<vmem_shared>> -> memref<32x128xf32, #tpu.memory_space<vmem_shared>>
      tpu.wait_dma2 semaphore(%run_scoped3A : memref<!tpu.dma_semaphore, #tpu.memory_space<semaphore_mem>>) src(%arg8 : memref<32x128xf32, #tpu.memory_space<vmem>>) dst(%dma_wait3A_89 : memref<32x128xf32, #tpu.memory_space<vmem_shared>>)
      tpu.yield
    }) : () -> ()
    %add3A_48 = arith.constant 288 : i32
    %add3A_49 = arith.addi %mul3A_29, %add3A_48 : i32
    "tpu.region"() ({
      %run_scoped3A = tpu.sem_alloc : memref<!tpu.dma_semaphore, #tpu.memory_space<semaphore_mem>>
      %dma_start3A_83 = arith.constant 0 : i32
      %dma_start3A_84 = tpu.memref_slice %arg12[%add3A_49, %dma_start3A_83] : memref<10240x128xf32, #tpu.memory_space<vmem_shared>> -> memref<32x128xf32, #tpu.memory_space<vmem_shared>>
      %dma_start3A_85 = arith.constant 0 : i32
      %dma_start3A_86 = tpu.memref_slice %arg12[%add3A_49, %dma_start3A_85] : memref<10240x128xf32, #tpu.memory_space<vmem_shared>> -> memref<32x128xf32, #tpu.memory_space<vmem_shared>>
      tpu.enqueue_dma source(%arg8 : memref<32x128xf32, #tpu.memory_space<vmem>>) target(%dma_start3A_86 : memref<32x128xf32, #tpu.memory_space<vmem_shared>>) target_semaphore(%run_scoped3A : memref<!tpu.dma_semaphore, #tpu.memory_space<semaphore_mem>>)
      %dma_wait3A = arith.constant 0 : i32
      %dma_wait3A_87 = tpu.memref_slice %arg12[%add3A_49, %dma_wait3A] : memref<10240x128xf32, #tpu.memory_space<vmem_shared>> -> memref<32x128xf32, #tpu.memory_space<vmem_shared>>
      %dma_wait3A_88 = arith.constant 0 : i32
      %dma_wait3A_89 = tpu.memref_slice %arg12[%add3A_49, %dma_wait3A_88] : memref<10240x128xf32, #tpu.memory_space<vmem_shared>> -> memref<32x128xf32, #tpu.memory_space<vmem_shared>>
      tpu.wait_dma2 semaphore(%run_scoped3A : memref<!tpu.dma_semaphore, #tpu.memory_space<semaphore_mem>>) src(%arg8 : memref<32x128xf32, #tpu.memory_space<vmem>>) dst(%dma_wait3A_89 : memref<32x128xf32, #tpu.memory_space<vmem_shared>>)
      tpu.yield
    }) : () -> ()
    %add3A_50 = arith.constant 320 : i32
    %add3A_51 = arith.addi %mul3A_29, %add3A_50 : i32
    "tpu.region"() ({
      %run_scoped3A = tpu.sem_alloc : memref<!tpu.dma_semaphore, #tpu.memory_space<semaphore_mem>>
      %dma_start3A_83 = arith.constant 0 : i32
      %dma_start3A_84 = tpu.memref_slice %arg12[%add3A_51, %dma_start3A_83] : memref<10240x128xf32, #tpu.memory_space<vmem_shared>> -> memref<32x128xf32, #tpu.memory_space<vmem_shared>>
      %dma_start3A_85 = arith.constant 0 : i32
      %dma_start3A_86 = tpu.memref_slice %arg12[%add3A_51, %dma_start3A_85] : memref<10240x128xf32, #tpu.memory_space<vmem_shared>> -> memref<32x128xf32, #tpu.memory_space<vmem_shared>>
      tpu.enqueue_dma source(%arg8 : memref<32x128xf32, #tpu.memory_space<vmem>>) target(%dma_start3A_86 : memref<32x128xf32, #tpu.memory_space<vmem_shared>>) target_semaphore(%run_scoped3A : memref<!tpu.dma_semaphore, #tpu.memory_space<semaphore_mem>>)
      %dma_wait3A = arith.constant 0 : i32
      %dma_wait3A_87 = tpu.memref_slice %arg12[%add3A_51, %dma_wait3A] : memref<10240x128xf32, #tpu.memory_space<vmem_shared>> -> memref<32x128xf32, #tpu.memory_space<vmem_shared>>
      %dma_wait3A_88 = arith.constant 0 : i32
      %dma_wait3A_89 = tpu.memref_slice %arg12[%add3A_51, %dma_wait3A_88] : memref<10240x128xf32, #tpu.memory_space<vmem_shared>> -> memref<32x128xf32, #tpu.memory_space<vmem_shared>>
      tpu.wait_dma2 semaphore(%run_scoped3A : memref<!tpu.dma_semaphore, #tpu.memory_space<semaphore_mem>>) src(%arg8 : memref<32x128xf32, #tpu.memory_space<vmem>>) dst(%dma_wait3A_89 : memref<32x128xf32, #tpu.memory_space<vmem_shared>>)
      tpu.yield
    }) : () -> ()
    %add3A_52 = arith.constant 352 : i32
    %add3A_53 = arith.addi %mul3A_29, %add3A_52 : i32
    "tpu.region"() ({
      %run_scoped3A = tpu.sem_alloc : memref<!tpu.dma_semaphore, #tpu.memory_space<semaphore_mem>>
      %dma_start3A_83 = arith.constant 0 : i32
      %dma_start3A_84 = tpu.memref_slice %arg12[%add3A_53, %dma_start3A_83] : memref<10240x128xf32, #tpu.memory_space<vmem_shared>> -> memref<32x128xf32, #tpu.memory_space<vmem_shared>>
      %dma_start3A_85 = arith.constant 0 : i32
      %dma_start3A_86 = tpu.memref_slice %arg12[%add3A_53, %dma_start3A_85] : memref<10240x128xf32, #tpu.memory_space<vmem_shared>> -> memref<32x128xf32, #tpu.memory_space<vmem_shared>>
      tpu.enqueue_dma source(%arg8 : memref<32x128xf32, #tpu.memory_space<vmem>>) target(%dma_start3A_86 : memref<32x128xf32, #tpu.memory_space<vmem_shared>>) target_semaphore(%run_scoped3A : memref<!tpu.dma_semaphore, #tpu.memory_space<semaphore_mem>>)
      %dma_wait3A = arith.constant 0 : i32
      %dma_wait3A_87 = tpu.memref_slice %arg12[%add3A_53, %dma_wait3A] : memref<10240x128xf32, #tpu.memory_space<vmem_shared>> -> memref<32x128xf32, #tpu.memory_space<vmem_shared>>
      %dma_wait3A_88 = arith.constant 0 : i32
      %dma_wait3A_89 = tpu.memref_slice %arg12[%add3A_53, %dma_wait3A_88] : memref<10240x128xf32, #tpu.memory_space<vmem_shared>> -> memref<32x128xf32, #tpu.memory_space<vmem_shared>>
      tpu.wait_dma2 semaphore(%run_scoped3A : memref<!tpu.dma_semaphore, #tpu.memory_space<semaphore_mem>>) src(%arg8 : memref<32x128xf32, #tpu.memory_space<vmem>>) dst(%dma_wait3A_89 : memref<32x128xf32, #tpu.memory_space<vmem_shared>>)
      tpu.yield
    }) : () -> ()
    %add3A_54 = arith.constant 384 : i32
    %add3A_55 = arith.addi %mul3A_29, %add3A_54 : i32
    "tpu.region"() ({
      %run_scoped3A = tpu.sem_alloc : memref<!tpu.dma_semaphore, #tpu.memory_space<semaphore_mem>>
      %dma_start3A_83 = arith.constant 0 : i32
      %dma_start3A_84 = tpu.memref_slice %arg12[%add3A_55, %dma_start3A_83] : memref<10240x128xf32, #tpu.memory_space<vmem_shared>> -> memref<32x128xf32, #tpu.memory_space<vmem_shared>>
      %dma_start3A_85 = arith.constant 0 : i32
      %dma_start3A_86 = tpu.memref_slice %arg12[%add3A_55, %dma_start3A_85] : memref<10240x128xf32, #tpu.memory_space<vmem_shared>> -> memref<32x128xf32, #tpu.memory_space<vmem_shared>>
      tpu.enqueue_dma source(%arg8 : memref<32x128xf32, #tpu.memory_space<vmem>>) target(%dma_start3A_86 : memref<32x128xf32, #tpu.memory_space<vmem_shared>>) target_semaphore(%run_scoped3A : memref<!tpu.dma_semaphore, #tpu.memory_space<semaphore_mem>>)
      %dma_wait3A = arith.constant 0 : i32
      %dma_wait3A_87 = tpu.memref_slice %arg12[%add3A_55, %dma_wait3A] : memref<10240x128xf32, #tpu.memory_space<vmem_shared>> -> memref<32x128xf32, #tpu.memory_space<vmem_shared>>
      %dma_wait3A_88 = arith.constant 0 : i32
      %dma_wait3A_89 = tpu.memref_slice %arg12[%add3A_55, %dma_wait3A_88] : memref<10240x128xf32, #tpu.memory_space<vmem_shared>> -> memref<32x128xf32, #tpu.memory_space<vmem_shared>>
      tpu.wait_dma2 semaphore(%run_scoped3A : memref<!tpu.dma_semaphore, #tpu.memory_space<semaphore_mem>>) src(%arg8 : memref<32x128xf32, #tpu.memory_space<vmem>>) dst(%dma_wait3A_89 : memref<32x128xf32, #tpu.memory_space<vmem_shared>>)
      tpu.yield
    }) : () -> ()
    %add3A_56 = arith.constant 416 : i32
    %add3A_57 = arith.addi %mul3A_29, %add3A_56 : i32
    "tpu.region"() ({
      %run_scoped3A = tpu.sem_alloc : memref<!tpu.dma_semaphore, #tpu.memory_space<semaphore_mem>>
      %dma_start3A_83 = arith.constant 0 : i32
      %dma_start3A_84 = tpu.memref_slice %arg12[%add3A_57, %dma_start3A_83] : memref<10240x128xf32, #tpu.memory_space<vmem_shared>> -> memref<32x128xf32, #tpu.memory_space<vmem_shared>>
      %dma_start3A_85 = arith.constant 0 : i32
      %dma_start3A_86 = tpu.memref_slice %arg12[%add3A_57, %dma_start3A_85] : memref<10240x128xf32, #tpu.memory_space<vmem_shared>> -> memref<32x128xf32, #tpu.memory_space<vmem_shared>>
      tpu.enqueue_dma source(%arg8 : memref<32x128xf32, #tpu.memory_space<vmem>>) target(%dma_start3A_86 : memref<32x128xf32, #tpu.memory_space<vmem_shared>>) target_semaphore(%run_scoped3A : memref<!tpu.dma_semaphore, #tpu.memory_space<semaphore_mem>>)
      %dma_wait3A = arith.constant 0 : i32
      %dma_wait3A_87 = tpu.memref_slice %arg12[%add3A_57, %dma_wait3A] : memref<10240x128xf32, #tpu.memory_space<vmem_shared>> -> memref<32x128xf32, #tpu.memory_space<vmem_shared>>
      %dma_wait3A_88 = arith.constant 0 : i32
      %dma_wait3A_89 = tpu.memref_slice %arg12[%add3A_57, %dma_wait3A_88] : memref<10240x128xf32, #tpu.memory_space<vmem_shared>> -> memref<32x128xf32, #tpu.memory_space<vmem_shared>>
      tpu.wait_dma2 semaphore(%run_scoped3A : memref<!tpu.dma_semaphore, #tpu.memory_space<semaphore_mem>>) src(%arg8 : memref<32x128xf32, #tpu.memory_space<vmem>>) dst(%dma_wait3A_89 : memref<32x128xf32, #tpu.memory_space<vmem_shared>>)
      tpu.yield
    }) : () -> ()
    %add3A_58 = arith.constant 448 : i32
    %add3A_59 = arith.addi %mul3A_29, %add3A_58 : i32
    "tpu.region"() ({
      %run_scoped3A = tpu.sem_alloc : memref<!tpu.dma_semaphore, #tpu.memory_space<semaphore_mem>>
      %dma_start3A_83 = arith.constant 0 : i32
      %dma_start3A_84 = tpu.memref_slice %arg12[%add3A_59, %dma_start3A_83] : memref<10240x128xf32, #tpu.memory_space<vmem_shared>> -> memref<32x128xf32, #tpu.memory_space<vmem_shared>>
      %dma_start3A_85 = arith.constant 0 : i32
      %dma_start3A_86 = tpu.memref_slice %arg12[%add3A_59, %dma_start3A_85] : memref<10240x128xf32, #tpu.memory_space<vmem_shared>> -> memref<32x128xf32, #tpu.memory_space<vmem_shared>>
      tpu.enqueue_dma source(%arg8 : memref<32x128xf32, #tpu.memory_space<vmem>>) target(%dma_start3A_86 : memref<32x128xf32, #tpu.memory_space<vmem_shared>>) target_semaphore(%run_scoped3A : memref<!tpu.dma_semaphore, #tpu.memory_space<semaphore_mem>>)
      %dma_wait3A = arith.constant 0 : i32
      %dma_wait3A_87 = tpu.memref_slice %arg12[%add3A_59, %dma_wait3A] : memref<10240x128xf32, #tpu.memory_space<vmem_shared>> -> memref<32x128xf32, #tpu.memory_space<vmem_shared>>
      %dma_wait3A_88 = arith.constant 0 : i32
      %dma_wait3A_89 = tpu.memref_slice %arg12[%add3A_59, %dma_wait3A_88] : memref<10240x128xf32, #tpu.memory_space<vmem_shared>> -> memref<32x128xf32, #tpu.memory_space<vmem_shared>>
      tpu.wait_dma2 semaphore(%run_scoped3A : memref<!tpu.dma_semaphore, #tpu.memory_space<semaphore_mem>>) src(%arg8 : memref<32x128xf32, #tpu.memory_space<vmem>>) dst(%dma_wait3A_89 : memref<32x128xf32, #tpu.memory_space<vmem_shared>>)
      tpu.yield
    }) : () -> ()
    %add3A_60 = arith.constant 480 : i32
    %add3A_61 = arith.addi %mul3A_29, %add3A_60 : i32
    "tpu.region"() ({
      %run_scoped3A = tpu.sem_alloc : memref<!tpu.dma_semaphore, #tpu.memory_space<semaphore_mem>>
      %dma_start3A_83 = arith.constant 0 : i32
      %dma_start3A_84 = tpu.memref_slice %arg12[%add3A_61, %dma_start3A_83] : memref<10240x128xf32, #tpu.memory_space<vmem_shared>> -> memref<32x128xf32, #tpu.memory_space<vmem_shared>>
      %dma_start3A_85 = arith.constant 0 : i32
      %dma_start3A_86 = tpu.memref_slice %arg12[%add3A_61, %dma_start3A_85] : memref<10240x128xf32, #tpu.memory_space<vmem_shared>> -> memref<32x128xf32, #tpu.memory_space<vmem_shared>>
      tpu.enqueue_dma source(%arg8 : memref<32x128xf32, #tpu.memory_space<vmem>>) target(%dma_start3A_86 : memref<32x128xf32, #tpu.memory_space<vmem_shared>>) target_semaphore(%run_scoped3A : memref<!tpu.dma_semaphore, #tpu.memory_space<semaphore_mem>>)
      %dma_wait3A = arith.constant 0 : i32
      %dma_wait3A_87 = tpu.memref_slice %arg12[%add3A_61, %dma_wait3A] : memref<10240x128xf32, #tpu.memory_space<vmem_shared>> -> memref<32x128xf32, #tpu.memory_space<vmem_shared>>
      %dma_wait3A_88 = arith.constant 0 : i32
      %dma_wait3A_89 = tpu.memref_slice %arg12[%add3A_61, %dma_wait3A_88] : memref<10240x128xf32, #tpu.memory_space<vmem_shared>> -> memref<32x128xf32, #tpu.memory_space<vmem_shared>>
      tpu.wait_dma2 semaphore(%run_scoped3A : memref<!tpu.dma_semaphore, #tpu.memory_space<semaphore_mem>>) src(%arg8 : memref<32x128xf32, #tpu.memory_space<vmem>>) dst(%dma_wait3A_89 : memref<32x128xf32, #tpu.memory_space<vmem_shared>>)
      tpu.yield
    }) : () -> ()
    %add3A_62 = arith.constant 512 : i32
    %add3A_63 = arith.addi %mul3A_29, %add3A_62 : i32
    "tpu.region"() ({
      %run_scoped3A = tpu.sem_alloc : memref<!tpu.dma_semaphore, #tpu.memory_space<semaphore_mem>>
      %dma_start3A_83 = arith.constant 0 : i32
      %dma_start3A_84 = tpu.memref_slice %arg12[%add3A_63, %dma_start3A_83] : memref<10240x128xf32, #tpu.memory_space<vmem_shared>> -> memref<32x128xf32, #tpu.memory_space<vmem_shared>>
      %dma_start3A_85 = arith.constant 0 : i32
      %dma_start3A_86 = tpu.memref_slice %arg12[%add3A_63, %dma_start3A_85] : memref<10240x128xf32, #tpu.memory_space<vmem_shared>> -> memref<32x128xf32, #tpu.memory_space<vmem_shared>>
      tpu.enqueue_dma source(%arg8 : memref<32x128xf32, #tpu.memory_space<vmem>>) target(%dma_start3A_86 : memref<32x128xf32, #tpu.memory_space<vmem_shared>>) target_semaphore(%run_scoped3A : memref<!tpu.dma_semaphore, #tpu.memory_space<semaphore_mem>>)
      %dma_wait3A = arith.constant 0 : i32
      %dma_wait3A_87 = tpu.memref_slice %arg12[%add3A_63, %dma_wait3A] : memref<10240x128xf32, #tpu.memory_space<vmem_shared>> -> memref<32x128xf32, #tpu.memory_space<vmem_shared>>
      %dma_wait3A_88 = arith.constant 0 : i32
      %dma_wait3A_89 = tpu.memref_slice %arg12[%add3A_63, %dma_wait3A_88] : memref<10240x128xf32, #tpu.memory_space<vmem_shared>> -> memref<32x128xf32, #tpu.memory_space<vmem_shared>>
      tpu.wait_dma2 semaphore(%run_scoped3A : memref<!tpu.dma_semaphore, #tpu.memory_space<semaphore_mem>>) src(%arg8 : memref<32x128xf32, #tpu.memory_space<vmem>>) dst(%dma_wait3A_89 : memref<32x128xf32, #tpu.memory_space<vmem_shared>>)
      tpu.yield
    }) : () -> ()
    %add3A_64 = arith.constant 544 : i32
    %add3A_65 = arith.addi %mul3A_29, %add3A_64 : i32
    "tpu.region"() ({
      %run_scoped3A = tpu.sem_alloc : memref<!tpu.dma_semaphore, #tpu.memory_space<semaphore_mem>>
      %dma_start3A_83 = arith.constant 0 : i32
      %dma_start3A_84 = tpu.memref_slice %arg12[%add3A_65, %dma_start3A_83] : memref<10240x128xf32, #tpu.memory_space<vmem_shared>> -> memref<32x128xf32, #tpu.memory_space<vmem_shared>>
      %dma_start3A_85 = arith.constant 0 : i32
      %dma_start3A_86 = tpu.memref_slice %arg12[%add3A_65, %dma_start3A_85] : memref<10240x128xf32, #tpu.memory_space<vmem_shared>> -> memref<32x128xf32, #tpu.memory_space<vmem_shared>>
      tpu.enqueue_dma source(%arg8 : memref<32x128xf32, #tpu.memory_space<vmem>>) target(%dma_start3A_86 : memref<32x128xf32, #tpu.memory_space<vmem_shared>>) target_semaphore(%run_scoped3A : memref<!tpu.dma_semaphore, #tpu.memory_space<semaphore_mem>>)
      %dma_wait3A = arith.constant 0 : i32
      %dma_wait3A_87 = tpu.memref_slice %arg12[%add3A_65, %dma_wait3A] : memref<10240x128xf32, #tpu.memory_space<vmem_shared>> -> memref<32x128xf32, #tpu.memory_space<vmem_shared>>
      %dma_wait3A_88 = arith.constant 0 : i32
      %dma_wait3A_89 = tpu.memref_slice %arg12[%add3A_65, %dma_wait3A_88] : memref<10240x128xf32, #tpu.memory_space<vmem_shared>> -> memref<32x128xf32, #tpu.memory_space<vmem_shared>>
      tpu.wait_dma2 semaphore(%run_scoped3A : memref<!tpu.dma_semaphore, #tpu.memory_space<semaphore_mem>>) src(%arg8 : memref<32x128xf32, #tpu.memory_space<vmem>>) dst(%dma_wait3A_89 : memref<32x128xf32, #tpu.memory_space<vmem_shared>>)
      tpu.yield
    }) : () -> ()
    %add3A_66 = arith.constant 576 : i32
    %add3A_67 = arith.addi %mul3A_29, %add3A_66 : i32
    "tpu.region"() ({
      %run_scoped3A = tpu.sem_alloc : memref<!tpu.dma_semaphore, #tpu.memory_space<semaphore_mem>>
      %dma_start3A_83 = arith.constant 0 : i32
      %dma_start3A_84 = tpu.memref_slice %arg12[%add3A_67, %dma_start3A_83] : memref<10240x128xf32, #tpu.memory_space<vmem_shared>> -> memref<32x128xf32, #tpu.memory_space<vmem_shared>>
      %dma_start3A_85 = arith.constant 0 : i32
      %dma_start3A_86 = tpu.memref_slice %arg12[%add3A_67, %dma_start3A_85] : memref<10240x128xf32, #tpu.memory_space<vmem_shared>> -> memref<32x128xf32, #tpu.memory_space<vmem_shared>>
      tpu.enqueue_dma source(%arg8 : memref<32x128xf32, #tpu.memory_space<vmem>>) target(%dma_start3A_86 : memref<32x128xf32, #tpu.memory_space<vmem_shared>>) target_semaphore(%run_scoped3A : memref<!tpu.dma_semaphore, #tpu.memory_space<semaphore_mem>>)
      %dma_wait3A = arith.constant 0 : i32
      %dma_wait3A_87 = tpu.memref_slice %arg12[%add3A_67, %dma_wait3A] : memref<10240x128xf32, #tpu.memory_space<vmem_shared>> -> memref<32x128xf32, #tpu.memory_space<vmem_shared>>
      %dma_wait3A_88 = arith.constant 0 : i32
      %dma_wait3A_89 = tpu.memref_slice %arg12[%add3A_67, %dma_wait3A_88] : memref<10240x128xf32, #tpu.memory_space<vmem_shared>> -> memref<32x128xf32, #tpu.memory_space<vmem_shared>>
      tpu.wait_dma2 semaphore(%run_scoped3A : memref<!tpu.dma_semaphore, #tpu.memory_space<semaphore_mem>>) src(%arg8 : memref<32x128xf32, #tpu.memory_space<vmem>>) dst(%dma_wait3A_89 : memref<32x128xf32, #tpu.memory_space<vmem_shared>>)
      tpu.yield
    }) : () -> ()
    %add3A_68 = arith.constant 608 : i32
    %add3A_69 = arith.addi %mul3A_29, %add3A_68 : i32
    "tpu.region"() ({
      %run_scoped3A = tpu.sem_alloc : memref<!tpu.dma_semaphore, #tpu.memory_space<semaphore_mem>>
      %dma_start3A_83 = arith.constant 0 : i32
      %dma_start3A_84 = tpu.memref_slice %arg12[%add3A_69, %dma_start3A_83] : memref<10240x128xf32, #tpu.memory_space<vmem_shared>> -> memref<32x128xf32, #tpu.memory_space<vmem_shared>>
      %dma_start3A_85 = arith.constant 0 : i32
      %dma_start3A_86 = tpu.memref_slice %arg12[%add3A_69, %dma_start3A_85] : memref<10240x128xf32, #tpu.memory_space<vmem_shared>> -> memref<32x128xf32, #tpu.memory_space<vmem_shared>>
      tpu.enqueue_dma source(%arg8 : memref<32x128xf32, #tpu.memory_space<vmem>>) target(%dma_start3A_86 : memref<32x128xf32, #tpu.memory_space<vmem_shared>>) target_semaphore(%run_scoped3A : memref<!tpu.dma_semaphore, #tpu.memory_space<semaphore_mem>>)
      %dma_wait3A = arith.constant 0 : i32
      %dma_wait3A_87 = tpu.memref_slice %arg12[%add3A_69, %dma_wait3A] : memref<10240x128xf32, #tpu.memory_space<vmem_shared>> -> memref<32x128xf32, #tpu.memory_space<vmem_shared>>
      %dma_wait3A_88 = arith.constant 0 : i32
      %dma_wait3A_89 = tpu.memref_slice %arg12[%add3A_69, %dma_wait3A_88] : memref<10240x128xf32, #tpu.memory_space<vmem_shared>> -> memref<32x128xf32, #tpu.memory_space<vmem_shared>>
      tpu.wait_dma2 semaphore(%run_scoped3A : memref<!tpu.dma_semaphore, #tpu.memory_space<semaphore_mem>>) src(%arg8 : memref<32x128xf32, #tpu.memory_space<vmem>>) dst(%dma_wait3A_89 : memref<32x128xf32, #tpu.memory_space<vmem_shared>>)
      tpu.yield
    }) : () -> ()
    %dma_start3A_70 = arith.constant 0 : i32
    %dma_start3A_71 = arith.constant 0 : i32
    %dma_start3A_72 = tpu.memref_slice %arg6[%dma_start3A_70, %dma_start3A_71] : memref<40x32xi32, #tpu.memory_space<vmem>> -> memref<1x32xi32, #tpu.memory_space<vmem>>
    %dma_start3A_73 = tpu.memref_squeeze %dma_start3A_72 : memref<1x32xi32, #tpu.memory_space<vmem>> -> memref<32xi32, #tpu.memory_space<vmem>>
    %dma_start3A_74 = arith.constant 0 : i32
    %dma_start3A_75 = arith.constant 0 : i32
    %dma_start3A_76 = tpu.memref_slice %arg2[%dma_start3A_74, %dma_start3A_75] : memref<10240x128xf32, #tpu.memory_space<hbm>> -> memref<10240x128xf32, #tpu.memory_space<hbm>>
    tpu.enqueue_indirect_dma source(%dma_start3A_76 : memref<10240x128xf32, #tpu.memory_space<hbm>>) target(%arg8 : memref<32x128xf32, #tpu.memory_space<vmem>>) offsets(%dma_start3A_73 : memref<32xi32, #tpu.memory_space<vmem>>) semaphore(%arg13 : memref<!tpu.dma_semaphore, #tpu.memory_space<semaphore_mem>>)
    %barrier3A = arith.constant 0 : index
    tpu.barrier barrier_id(%barrier3A)
    %scan3A_77 = arith.constant 0 : i32
    %scan3A_78 = arith.constant 8 : i32
    %scan3A_79 = arith.addi %scan3A_77, %scan3A_78 : i32
    %scan3A_80 = arith.constant 1 : i32
    scf.for %scan3A_83 = %scan3A_77 to %scan3A_79 step %scan3A_80  : i32 {
      %mul3A_84 = arith.constant 1 : i32
      %mul3A_85 = arith.muli %scan3A_83, %mul3A_84 : i32
      %add3A_86 = arith.constant 0 : i32
      %add3A_87 = arith.addi %add3A_86, %mul3A_85 : i32
      %mul3A_88 = arith.constant 40 : i32
      %mul3A_89 = arith.muli %add3A_87, %mul3A_88 : i32
      %add3A_90 = arith.addi %mul3A_3, %mul3A_89 : i32
      %gt3A = arith.constant 0 : i32
      %gt3A_91 = arith.cmpi sgt, %add3A_87, %gt3A : i32
      %convert_element_type3A = arith.extui %gt3A_91 : i1 to i32
      %cond3A = arith.constant 0 : i32
      %cond3A_92 = arith.cmpi ne, %convert_element_type3A, %cond3A : i32
      scf.if %cond3A_92 {
        "tpu.region"() ({
          %run_scoped3A = tpu.sem_alloc : memref<!tpu.dma_semaphore, #tpu.memory_space<semaphore_mem>>
          %dma_start3A_126 = arith.constant 0 : i32
          %dma_start3A_127 = tpu.memref_slice %arg3[%add3A_90, %dma_start3A_126] : memref<10240x32xi32, #tpu.memory_space<hbm>> -> memref<40x32xi32, #tpu.memory_space<hbm>>
          %dma_start3A_128 = arith.constant 0 : i32
          %dma_start3A_129 = tpu.memref_slice %arg3[%add3A_90, %dma_start3A_128] : memref<10240x32xi32, #tpu.memory_space<hbm>> -> memref<40x32xi32, #tpu.memory_space<hbm>>
          tpu.enqueue_dma source(%dma_start3A_129 : memref<40x32xi32, #tpu.memory_space<hbm>>) target(%arg6 : memref<40x32xi32, #tpu.memory_space<vmem>>) target_semaphore(%run_scoped3A : memref<!tpu.dma_semaphore, #tpu.memory_space<semaphore_mem>>)
          %dma_wait3A = arith.constant 0 : i32
          %dma_wait3A_130 = tpu.memref_slice %arg3[%add3A_90, %dma_wait3A] : memref<10240x32xi32, #tpu.memory_space<hbm>> -> memref<40x32xi32, #tpu.memory_space<hbm>>
          %dma_wait3A_131 = arith.constant 0 : i32
          %dma_wait3A_132 = tpu.memref_slice %arg3[%add3A_90, %dma_wait3A_131] : memref<10240x32xi32, #tpu.memory_space<hbm>> -> memref<40x32xi32, #tpu.memory_space<hbm>>
          tpu.wait_dma2 semaphore(%run_scoped3A : memref<!tpu.dma_semaphore, #tpu.memory_space<semaphore_mem>>) src(%dma_wait3A_132 : memref<40x32xi32, #tpu.memory_space<hbm>>) dst(%arg6 : memref<40x32xi32, #tpu.memory_space<vmem>>)
          tpu.yield
        }) : () -> ()
        "tpu.region"() ({
          %run_scoped3A = tpu.sem_alloc : memref<!tpu.dma_semaphore, #tpu.memory_space<semaphore_mem>>
          %dma_start3A_126 = arith.constant 0 : i32
          %dma_start3A_127 = tpu.memref_slice %arg4[%add3A_90, %dma_start3A_126] : memref<10240x32xi32, #tpu.memory_space<hbm>> -> memref<40x32xi32, #tpu.memory_space<hbm>>
          %dma_start3A_128 = arith.constant 0 : i32
          %dma_start3A_129 = tpu.memref_slice %arg4[%add3A_90, %dma_start3A_128] : memref<10240x32xi32, #tpu.memory_space<hbm>> -> memref<40x32xi32, #tpu.memory_space<hbm>>
          tpu.enqueue_dma source(%dma_start3A_129 : memref<40x32xi32, #tpu.memory_space<hbm>>) target(%arg7 : memref<40x32xi32, #tpu.memory_space<vmem>>) target_semaphore(%run_scoped3A : memref<!tpu.dma_semaphore, #tpu.memory_space<semaphore_mem>>)
          %dma_wait3A = arith.constant 0 : i32
          %dma_wait3A_130 = tpu.memref_slice %arg4[%add3A_90, %dma_wait3A] : memref<10240x32xi32, #tpu.memory_space<hbm>> -> memref<40x32xi32, #tpu.memory_space<hbm>>
          %dma_wait3A_131 = arith.constant 0 : i32
          %dma_wait3A_132 = tpu.memref_slice %arg4[%add3A_90, %dma_wait3A_131] : memref<10240x32xi32, #tpu.memory_space<hbm>> -> memref<40x32xi32, #tpu.memory_space<hbm>>
          tpu.wait_dma2 semaphore(%run_scoped3A : memref<!tpu.dma_semaphore, #tpu.memory_space<semaphore_mem>>) src(%dma_wait3A_132 : memref<40x32xi32, #tpu.memory_space<hbm>>) dst(%arg7 : memref<40x32xi32, #tpu.memory_space<vmem>>)
          tpu.yield
        }) : () -> ()
        %dma_start3A_98 = arith.constant 0 : i32
        %dma_start3A_99 = arith.constant 0 : i32
        %dma_start3A_100 = tpu.memref_slice %arg6[%dma_start3A_98, %dma_start3A_99] : memref<40x32xi32, #tpu.memory_space<vmem>> -> memref<1x32xi32, #tpu.memory_space<vmem>>
        %dma_start3A_101 = tpu.memref_squeeze %dma_start3A_100 : memref<1x32xi32, #tpu.memory_space<vmem>> -> memref<32xi32, #tpu.memory_space<vmem>>
        %dma_start3A_102 = arith.constant 0 : i32
        %dma_start3A_103 = arith.constant 0 : i32
        %dma_start3A_104 = tpu.memref_slice %arg2[%dma_start3A_102, %dma_start3A_103] : memref<10240x128xf32, #tpu.memory_space<hbm>> -> memref<10240x128xf32, #tpu.memory_space<hbm>>
        tpu.enqueue_indirect_dma source(%dma_start3A_104 : memref<10240x128xf32, #tpu.memory_space<hbm>>) target(%arg8 : memref<32x128xf32, #tpu.memory_space<vmem>>) offsets(%dma_start3A_101 : memref<32xi32, #tpu.memory_space<vmem>>) semaphore(%arg13 : memref<!tpu.dma_semaphore, #tpu.memory_space<semaphore_mem>>)
        %dma_start3A_105 = arith.constant 1 : i32
        %dma_start3A_106 = arith.constant 0 : i32
        %dma_start3A_107 = tpu.memref_slice %arg6[%dma_start3A_105, %dma_start3A_106] : memref<40x32xi32, #tpu.memory_space<vmem>> -> memref<1x32xi32, #tpu.memory_space<vmem>>
        %dma_start3A_108 = tpu.memref_squeeze %dma_start3A_107 : memref<1x32xi32, #tpu.memory_space<vmem>> -> memref<32xi32, #tpu.memory_space<vmem>>
        %dma_start3A_109 = arith.constant 0 : i32
        %dma_start3A_110 = arith.constant 0 : i32
        %dma_start3A_111 = tpu.memref_slice %arg2[%dma_start3A_109, %dma_start3A_110] : memref<10240x128xf32, #tpu.memory_space<hbm>> -> memref<10240x128xf32, #tpu.memory_space<hbm>>
        tpu.enqueue_indirect_dma source(%dma_start3A_111 : memref<10240x128xf32, #tpu.memory_space<hbm>>) target(%arg9 : memref<32x128xf32, #tpu.memory_space<vmem>>) offsets(%dma_start3A_108 : memref<32xi32, #tpu.memory_space<vmem>>) semaphore(%arg14 : memref<!tpu.dma_semaphore, #tpu.memory_space<semaphore_mem>>)
        %dma_start3A_112 = arith.constant 2 : i32
        %dma_start3A_113 = arith.constant 0 : i32
        %dma_start3A_114 = tpu.memref_slice %arg6[%dma_start3A_112, %dma_start3A_113] : memref<40x32xi32, #tpu.memory_space<vmem>> -> memref<1x32xi32, #tpu.memory_space<vmem>>
        %dma_start3A_115 = tpu.memref_squeeze %dma_start3A_114 : memref<1x32xi32, #tpu.memory_space<vmem>> -> memref<32xi32, #tpu.memory_space<vmem>>
        %dma_start3A_116 = arith.constant 0 : i32
        %dma_start3A_117 = arith.constant 0 : i32
        %dma_start3A_118 = tpu.memref_slice %arg2[%dma_start3A_116, %dma_start3A_117] : memref<10240x128xf32, #tpu.memory_space<hbm>> -> memref<10240x128xf32, #tpu.memory_space<hbm>>
        tpu.enqueue_indirect_dma source(%dma_start3A_118 : memref<10240x128xf32, #tpu.memory_space<hbm>>) target(%arg10 : memref<32x128xf32, #tpu.memory_space<vmem>>) offsets(%dma_start3A_115 : memref<32xi32, #tpu.memory_space<vmem>>) semaphore(%arg15 : memref<!tpu.dma_semaphore, #tpu.memory_space<semaphore_mem>>)
        %dma_start3A_119 = arith.constant 3 : i32
        %dma_start3A_120 = arith.constant 0 : i32
        %dma_start3A_121 = tpu.memref_slice %arg6[%dma_start3A_119, %dma_start3A_120] : memref<40x32xi32, #tpu.memory_space<vmem>> -> memref<1x32xi32, #tpu.memory_space<vmem>>
        %dma_start3A_122 = tpu.memref_squeeze %dma_start3A_121 : memref<1x32xi32, #tpu.memory_space<vmem>> -> memref<32xi32, #tpu.memory_space<vmem>>
        %dma_start3A_123 = arith.constant 0 : i32
        %dma_start3A_124 = arith.constant 0 : i32
        %dma_start3A_125 = tpu.memref_slice %arg2[%dma_start3A_123, %dma_start3A_124] : memref<10240x128xf32, #tpu.memory_space<hbm>> -> memref<10240x128xf32, #tpu.memory_space<hbm>>
        tpu.enqueue_indirect_dma source(%dma_start3A_125 : memref<10240x128xf32, #tpu.memory_space<hbm>>) target(%arg11 : memref<32x128xf32, #tpu.memory_space<vmem>>) offsets(%dma_start3A_122 : memref<32xi32, #tpu.memory_space<vmem>>) semaphore(%arg16 : memref<!tpu.dma_semaphore, #tpu.memory_space<semaphore_mem>>)
      } else {
      }
      %scan3A_93 = arith.constant 0 : i32
      %scan3A_94 = arith.constant 10 : i32
      %scan3A_95 = arith.addi %scan3A_93, %scan3A_94 : i32
      %scan3A_96 = arith.constant 1 : i32
      scf.for %scan3A_98 = %scan3A_93 to %scan3A_95 step %scan3A_96  : i32 {
        %mul3A_99 = arith.constant 1 : i32
        %mul3A_100 = arith.muli %scan3A_98, %mul3A_99 : i32
        %add3A_101 = arith.constant 0 : i32
        %add3A_102 = arith.addi %add3A_101, %mul3A_100 : i32
        %mul3A_103 = arith.constant 4 : i32
        %mul3A_104 = arith.muli %add3A_102, %mul3A_103 : i32
        %add3A_105 = arith.constant 0 : i32
        %add3A_106 = arith.addi %mul3A_104, %add3A_105 : i32
        %dma_wait3A = arith.constant 0 : i32
        %dma_wait3A_107 = tpu.memref_slice %arg6[%add3A_106, %dma_wait3A] : memref<40x32xi32, #tpu.memory_space<vmem>> -> memref<1x32xi32, #tpu.memory_space<vmem>>
        %dma_wait3A_108 = tpu.memref_squeeze %dma_wait3A_107 : memref<1x32xi32, #tpu.memory_space<vmem>> -> memref<32xi32, #tpu.memory_space<vmem>>
        %dma_wait3A_109 = arith.constant 0 : i32
        %dma_wait3A_110 = arith.constant 0 : i32
        %dma_wait3A_111 = tpu.memref_slice %arg2[%dma_wait3A_109, %dma_wait3A_110] : memref<10240x128xf32, #tpu.memory_space<hbm>> -> memref<10240x128xf32, #tpu.memory_space<hbm>>
        tpu.wait_indirect_dma semaphore(%arg13 : memref<!tpu.dma_semaphore, #tpu.memory_space<semaphore_mem>>) src(%dma_wait3A_111 : memref<10240x128xf32, #tpu.memory_space<hbm>>) dst(%arg8 : memref<32x128xf32, #tpu.memory_space<vmem>>)
        "tpu.region"() ({
          %run_scoped3A = tpu.sem_alloc : memref<!tpu.dma_semaphore, #tpu.memory_space<semaphore_mem>>
          %dma_start3A_169 = arith.constant 0 : i32
          %dma_start3A_170 = tpu.memref_slice %arg7[%add3A_106, %dma_start3A_169] : memref<40x32xi32, #tpu.memory_space<vmem>> -> memref<1x32xi32, #tpu.memory_space<vmem>>
          %dma_start3A_171 = tpu.memref_squeeze %dma_start3A_170 : memref<1x32xi32, #tpu.memory_space<vmem>> -> memref<32xi32, #tpu.memory_space<vmem>>
          %dma_start3A_172 = arith.constant 0 : i32
          %dma_start3A_173 = arith.constant 0 : i32
          %dma_start3A_174 = tpu.memref_slice %arg12[%dma_start3A_172, %dma_start3A_173] : memref<10240x128xf32, #tpu.memory_space<vmem_shared>> -> memref<10240x128xf32, #tpu.memory_space<vmem_shared>>
          tpu.enqueue_indirect_dma source(%arg8 : memref<32x128xf32, #tpu.memory_space<vmem>>) target(%dma_start3A_174 : memref<10240x128xf32, #tpu.memory_space<vmem_shared>>) offsets(%dma_start3A_171 : memref<32xi32, #tpu.memory_space<vmem>>) semaphore(%run_scoped3A : memref<!tpu.dma_semaphore, #tpu.memory_space<semaphore_mem>>) {add = true}
          %dma_wait3A_175 = arith.constant 0 : i32
          %dma_wait3A_176 = tpu.memref_slice %arg7[%add3A_106, %dma_wait3A_175] : memref<40x32xi32, #tpu.memory_space<vmem>> -> memref<1x32xi32, #tpu.memory_space<vmem>>
          %dma_wait3A_177 = tpu.memref_squeeze %dma_wait3A_176 : memref<1x32xi32, #tpu.memory_space<vmem>> -> memref<32xi32, #tpu.memory_space<vmem>>
          %dma_wait3A_178 = arith.constant 0 : i32
          %dma_wait3A_179 = arith.constant 0 : i32
          %dma_wait3A_180 = tpu.memref_slice %arg12[%dma_wait3A_178, %dma_wait3A_179] : memref<10240x128xf32, #tpu.memory_space<vmem_shared>> -> memref<10240x128xf32, #tpu.memory_space<vmem_shared>>
          tpu.wait_indirect_dma semaphore(%run_scoped3A : memref<!tpu.dma_semaphore, #tpu.memory_space<semaphore_mem>>) src(%arg8 : memref<32x128xf32, #tpu.memory_space<vmem>>) dst(%dma_wait3A_180 : memref<10240x128xf32, #tpu.memory_space<vmem_shared>>)
          tpu.yield
        }) : () -> ()
        %add3A_112 = arith.constant 4 : i32
        %add3A_113 = arith.addi %add3A_106, %add3A_112 : i32
        %lt3A = arith.constant 40 : i32
        %lt3A_114 = arith.cmpi slt, %add3A_113, %lt3A : i32
        %convert_element_type3A_115 = arith.extui %lt3A_114 : i1 to i32
        %cond3A_116 = arith.constant 0 : i32
        %cond3A_117 = arith.cmpi ne, %convert_element_type3A_115, %cond3A_116 : i32
        scf.if %cond3A_117 {
          %add3A_169 = arith.constant 4 : i32
          %add3A_170 = arith.addi %add3A_106, %add3A_169 : i32
          %dma_start3A_171 = arith.constant 0 : i32
          %dma_start3A_172 = tpu.memref_slice %arg6[%add3A_170, %dma_start3A_171] : memref<40x32xi32, #tpu.memory_space<vmem>> -> memref<1x32xi32, #tpu.memory_space<vmem>>
          %dma_start3A_173 = tpu.memref_squeeze %dma_start3A_172 : memref<1x32xi32, #tpu.memory_space<vmem>> -> memref<32xi32, #tpu.memory_space<vmem>>
          %dma_start3A_174 = arith.constant 0 : i32
          %dma_start3A_175 = arith.constant 0 : i32
          %dma_start3A_176 = tpu.memref_slice %arg2[%dma_start3A_174, %dma_start3A_175] : memref<10240x128xf32, #tpu.memory_space<hbm>> -> memref<10240x128xf32, #tpu.memory_space<hbm>>
          tpu.enqueue_indirect_dma source(%dma_start3A_176 : memref<10240x128xf32, #tpu.memory_space<hbm>>) target(%arg8 : memref<32x128xf32, #tpu.memory_space<vmem>>) offsets(%dma_start3A_173 : memref<32xi32, #tpu.memory_space<vmem>>) semaphore(%arg13 : memref<!tpu.dma_semaphore, #tpu.memory_space<semaphore_mem>>)
        } else {
        }
        %mul3A_118 = arith.constant 4 : i32
        %mul3A_119 = arith.muli %add3A_102, %mul3A_118 : i32
        %add3A_120 = arith.constant 1 : i32
        %add3A_121 = arith.addi %mul3A_119, %add3A_120 : i32
        %dma_wait3A_122 = arith.constant 0 : i32
        %dma_wait3A_123 = tpu.memref_slice %arg6[%add3A_121, %dma_wait3A_122] : memref<40x32xi32, #tpu.memory_space<vmem>> -> memref<1x32xi32, #tpu.memory_space<vmem>>
        %dma_wait3A_124 = tpu.memref_squeeze %dma_wait3A_123 : memref<1x32xi32, #tpu.memory_space<vmem>> -> memref<32xi32, #tpu.memory_space<vmem>>
        %dma_wait3A_125 = arith.constant 0 : i32
        %dma_wait3A_126 = arith.constant 0 : i32
        %dma_wait3A_127 = tpu.memref_slice %arg2[%dma_wait3A_125, %dma_wait3A_126] : memref<10240x128xf32, #tpu.memory_space<hbm>> -> memref<10240x128xf32, #tpu.memory_space<hbm>>
        tpu.wait_indirect_dma semaphore(%arg14 : memref<!tpu.dma_semaphore, #tpu.memory_space<semaphore_mem>>) src(%dma_wait3A_127 : memref<10240x128xf32, #tpu.memory_space<hbm>>) dst(%arg9 : memref<32x128xf32, #tpu.memory_space<vmem>>)
        "tpu.region"() ({
          %run_scoped3A = tpu.sem_alloc : memref<!tpu.dma_semaphore, #tpu.memory_space<semaphore_mem>>
          %dma_start3A_169 = arith.constant 0 : i32
          %dma_start3A_170 = tpu.memref_slice %arg7[%add3A_121, %dma_start3A_169] : memref<40x32xi32, #tpu.memory_space<vmem>> -> memref<1x32xi32, #tpu.memory_space<vmem>>
          %dma_start3A_171 = tpu.memref_squeeze %dma_start3A_170 : memref<1x32xi32, #tpu.memory_space<vmem>> -> memref<32xi32, #tpu.memory_space<vmem>>
          %dma_start3A_172 = arith.constant 0 : i32
          %dma_start3A_173 = arith.constant 0 : i32
          %dma_start3A_174 = tpu.memref_slice %arg12[%dma_start3A_172, %dma_start3A_173] : memref<10240x128xf32, #tpu.memory_space<vmem_shared>> -> memref<10240x128xf32, #tpu.memory_space<vmem_shared>>
          tpu.enqueue_indirect_dma source(%arg9 : memref<32x128xf32, #tpu.memory_space<vmem>>) target(%dma_start3A_174 : memref<10240x128xf32, #tpu.memory_space<vmem_shared>>) offsets(%dma_start3A_171 : memref<32xi32, #tpu.memory_space<vmem>>) semaphore(%run_scoped3A : memref<!tpu.dma_semaphore, #tpu.memory_space<semaphore_mem>>) {add = true}
          %dma_wait3A_175 = arith.constant 0 : i32
          %dma_wait3A_176 = tpu.memref_slice %arg7[%add3A_121, %dma_wait3A_175] : memref<40x32xi32, #tpu.memory_space<vmem>> -> memref<1x32xi32, #tpu.memory_space<vmem>>
          %dma_wait3A_177 = tpu.memref_squeeze %dma_wait3A_176 : memref<1x32xi32, #tpu.memory_space<vmem>> -> memref<32xi32, #tpu.memory_space<vmem>>
          %dma_wait3A_178 = arith.constant 0 : i32
          %dma_wait3A_179 = arith.constant 0 : i32
          %dma_wait3A_180 = tpu.memref_slice %arg12[%dma_wait3A_178, %dma_wait3A_179] : memref<10240x128xf32, #tpu.memory_space<vmem_shared>> -> memref<10240x128xf32, #tpu.memory_space<vmem_shared>>
          tpu.wait_indirect_dma semaphore(%run_scoped3A : memref<!tpu.dma_semaphore, #tpu.memory_space<semaphore_mem>>) src(%arg9 : memref<32x128xf32, #tpu.memory_space<vmem>>) dst(%dma_wait3A_180 : memref<10240x128xf32, #tpu.memory_space<vmem_shared>>)
          tpu.yield
        }) : () -> ()
        %add3A_128 = arith.constant 4 : i32
        %add3A_129 = arith.addi %add3A_121, %add3A_128 : i32
        %lt3A_130 = arith.constant 40 : i32
        %lt3A_131 = arith.cmpi slt, %add3A_129, %lt3A_130 : i32
        %convert_element_type3A_132 = arith.extui %lt3A_131 : i1 to i32
        %cond3A_133 = arith.constant 0 : i32
        %cond3A_134 = arith.cmpi ne, %convert_element_type3A_132, %cond3A_133 : i32
        scf.if %cond3A_134 {
          %add3A_169 = arith.constant 4 : i32
          %add3A_170 = arith.addi %add3A_121, %add3A_169 : i32
          %dma_start3A_171 = arith.constant 0 : i32
          %dma_start3A_172 = tpu.memref_slice %arg6[%add3A_170, %dma_start3A_171] : memref<40x32xi32, #tpu.memory_space<vmem>> -> memref<1x32xi32, #tpu.memory_space<vmem>>
          %dma_start3A_173 = tpu.memref_squeeze %dma_start3A_172 : memref<1x32xi32, #tpu.memory_space<vmem>> -> memref<32xi32, #tpu.memory_space<vmem>>
          %dma_start3A_174 = arith.constant 0 : i32
          %dma_start3A_175 = arith.constant 0 : i32
          %dma_start3A_176 = tpu.memref_slice %arg2[%dma_start3A_174, %dma_start3A_175] : memref<10240x128xf32, #tpu.memory_space<hbm>> -> memref<10240x128xf32, #tpu.memory_space<hbm>>
          tpu.enqueue_indirect_dma source(%dma_start3A_176 : memref<10240x128xf32, #tpu.memory_space<hbm>>) target(%arg9 : memref<32x128xf32, #tpu.memory_space<vmem>>) offsets(%dma_start3A_173 : memref<32xi32, #tpu.memory_space<vmem>>) semaphore(%arg14 : memref<!tpu.dma_semaphore, #tpu.memory_space<semaphore_mem>>)
        } else {
        }
        %mul3A_135 = arith.constant 4 : i32
        %mul3A_136 = arith.muli %add3A_102, %mul3A_135 : i32
        %add3A_137 = arith.constant 2 : i32
        %add3A_138 = arith.addi %mul3A_136, %add3A_137 : i32
        %dma_wait3A_139 = arith.constant 0 : i32
        %dma_wait3A_140 = tpu.memref_slice %arg6[%add3A_138, %dma_wait3A_139] : memref<40x32xi32, #tpu.memory_space<vmem>> -> memref<1x32xi32, #tpu.memory_space<vmem>>
        %dma_wait3A_141 = tpu.memref_squeeze %dma_wait3A_140 : memref<1x32xi32, #tpu.memory_space<vmem>> -> memref<32xi32, #tpu.memory_space<vmem>>
        %dma_wait3A_142 = arith.constant 0 : i32
        %dma_wait3A_143 = arith.constant 0 : i32
        %dma_wait3A_144 = tpu.memref_slice %arg2[%dma_wait3A_142, %dma_wait3A_143] : memref<10240x128xf32, #tpu.memory_space<hbm>> -> memref<10240x128xf32, #tpu.memory_space<hbm>>
        tpu.wait_indirect_dma semaphore(%arg15 : memref<!tpu.dma_semaphore, #tpu.memory_space<semaphore_mem>>) src(%dma_wait3A_144 : memref<10240x128xf32, #tpu.memory_space<hbm>>) dst(%arg10 : memref<32x128xf32, #tpu.memory_space<vmem>>)
        "tpu.region"() ({
          %run_scoped3A = tpu.sem_alloc : memref<!tpu.dma_semaphore, #tpu.memory_space<semaphore_mem>>
          %dma_start3A_169 = arith.constant 0 : i32
          %dma_start3A_170 = tpu.memref_slice %arg7[%add3A_138, %dma_start3A_169] : memref<40x32xi32, #tpu.memory_space<vmem>> -> memref<1x32xi32, #tpu.memory_space<vmem>>
          %dma_start3A_171 = tpu.memref_squeeze %dma_start3A_170 : memref<1x32xi32, #tpu.memory_space<vmem>> -> memref<32xi32, #tpu.memory_space<vmem>>
          %dma_start3A_172 = arith.constant 0 : i32
          %dma_start3A_173 = arith.constant 0 : i32
          %dma_start3A_174 = tpu.memref_slice %arg12[%dma_start3A_172, %dma_start3A_173] : memref<10240x128xf32, #tpu.memory_space<vmem_shared>> -> memref<10240x128xf32, #tpu.memory_space<vmem_shared>>
          tpu.enqueue_indirect_dma source(%arg10 : memref<32x128xf32, #tpu.memory_space<vmem>>) target(%dma_start3A_174 : memref<10240x128xf32, #tpu.memory_space<vmem_shared>>) offsets(%dma_start3A_171 : memref<32xi32, #tpu.memory_space<vmem>>) semaphore(%run_scoped3A : memref<!tpu.dma_semaphore, #tpu.memory_space<semaphore_mem>>) {add = true}
          %dma_wait3A_175 = arith.constant 0 : i32
          %dma_wait3A_176 = tpu.memref_slice %arg7[%add3A_138, %dma_wait3A_175] : memref<40x32xi32, #tpu.memory_space<vmem>> -> memref<1x32xi32, #tpu.memory_space<vmem>>
          %dma_wait3A_177 = tpu.memref_squeeze %dma_wait3A_176 : memref<1x32xi32, #tpu.memory_space<vmem>> -> memref<32xi32, #tpu.memory_space<vmem>>
          %dma_wait3A_178 = arith.constant 0 : i32
          %dma_wait3A_179 = arith.constant 0 : i32
          %dma_wait3A_180 = tpu.memref_slice %arg12[%dma_wait3A_178, %dma_wait3A_179] : memref<10240x128xf32, #tpu.memory_space<vmem_shared>> -> memref<10240x128xf32, #tpu.memory_space<vmem_shared>>
          tpu.wait_indirect_dma semaphore(%run_scoped3A : memref<!tpu.dma_semaphore, #tpu.memory_space<semaphore_mem>>) src(%arg10 : memref<32x128xf32, #tpu.memory_space<vmem>>) dst(%dma_wait3A_180 : memref<10240x128xf32, #tpu.memory_space<vmem_shared>>)
          tpu.yield
        }) : () -> ()
        %add3A_145 = arith.constant 4 : i32
        %add3A_146 = arith.addi %add3A_138, %add3A_145 : i32
        %lt3A_147 = arith.constant 40 : i32
        %lt3A_148 = arith.cmpi slt, %add3A_146, %lt3A_147 : i32
        %convert_element_type3A_149 = arith.extui %lt3A_148 : i1 to i32
        %cond3A_150 = arith.constant 0 : i32
        %cond3A_151 = arith.cmpi ne, %convert_element_type3A_149, %cond3A_150 : i32
        scf.if %cond3A_151 {
          %add3A_169 = arith.constant 4 : i32
          %add3A_170 = arith.addi %add3A_138, %add3A_169 : i32
          %dma_start3A_171 = arith.constant 0 : i32
          %dma_start3A_172 = tpu.memref_slice %arg6[%add3A_170, %dma_start3A_171] : memref<40x32xi32, #tpu.memory_space<vmem>> -> memref<1x32xi32, #tpu.memory_space<vmem>>
          %dma_start3A_173 = tpu.memref_squeeze %dma_start3A_172 : memref<1x32xi32, #tpu.memory_space<vmem>> -> memref<32xi32, #tpu.memory_space<vmem>>
          %dma_start3A_174 = arith.constant 0 : i32
          %dma_start3A_175 = arith.constant 0 : i32
          %dma_start3A_176 = tpu.memref_slice %arg2[%dma_start3A_174, %dma_start3A_175] : memref<10240x128xf32, #tpu.memory_space<hbm>> -> memref<10240x128xf32, #tpu.memory_space<hbm>>
          tpu.enqueue_indirect_dma source(%dma_start3A_176 : memref<10240x128xf32, #tpu.memory_space<hbm>>) target(%arg10 : memref<32x128xf32, #tpu.memory_space<vmem>>) offsets(%dma_start3A_173 : memref<32xi32, #tpu.memory_space<vmem>>) semaphore(%arg15 : memref<!tpu.dma_semaphore, #tpu.memory_space<semaphore_mem>>)
        } else {
        }
        %mul3A_152 = arith.constant 4 : i32
        %mul3A_153 = arith.muli %add3A_102, %mul3A_152 : i32
        %add3A_154 = arith.constant 3 : i32
        %add3A_155 = arith.addi %mul3A_153, %add3A_154 : i32
        %dma_wait3A_156 = arith.constant 0 : i32
        %dma_wait3A_157 = tpu.memref_slice %arg6[%add3A_155, %dma_wait3A_156] : memref<40x32xi32, #tpu.memory_space<vmem>> -> memref<1x32xi32, #tpu.memory_space<vmem>>
        %dma_wait3A_158 = tpu.memref_squeeze %dma_wait3A_157 : memref<1x32xi32, #tpu.memory_space<vmem>> -> memref<32xi32, #tpu.memory_space<vmem>>
        %dma_wait3A_159 = arith.constant 0 : i32
        %dma_wait3A_160 = arith.constant 0 : i32
        %dma_wait3A_161 = tpu.memref_slice %arg2[%dma_wait3A_159, %dma_wait3A_160] : memref<10240x128xf32, #tpu.memory_space<hbm>> -> memref<10240x128xf32, #tpu.memory_space<hbm>>
        tpu.wait_indirect_dma semaphore(%arg16 : memref<!tpu.dma_semaphore, #tpu.memory_space<semaphore_mem>>) src(%dma_wait3A_161 : memref<10240x128xf32, #tpu.memory_space<hbm>>) dst(%arg11 : memref<32x128xf32, #tpu.memory_space<vmem>>)
        "tpu.region"() ({
          %run_scoped3A = tpu.sem_alloc : memref<!tpu.dma_semaphore, #tpu.memory_space<semaphore_mem>>
          %dma_start3A_169 = arith.constant 0 : i32
          %dma_start3A_170 = tpu.memref_slice %arg7[%add3A_155, %dma_start3A_169] : memref<40x32xi32, #tpu.memory_space<vmem>> -> memref<1x32xi32, #tpu.memory_space<vmem>>
          %dma_start3A_171 = tpu.memref_squeeze %dma_start3A_170 : memref<1x32xi32, #tpu.memory_space<vmem>> -> memref<32xi32, #tpu.memory_space<vmem>>
          %dma_start3A_172 = arith.constant 0 : i32
          %dma_start3A_173 = arith.constant 0 : i32
          %dma_start3A_174 = tpu.memref_slice %arg12[%dma_start3A_172, %dma_start3A_173] : memref<10240x128xf32, #tpu.memory_space<vmem_shared>> -> memref<10240x128xf32, #tpu.memory_space<vmem_shared>>
          tpu.enqueue_indirect_dma source(%arg11 : memref<32x128xf32, #tpu.memory_space<vmem>>) target(%dma_start3A_174 : memref<10240x128xf32, #tpu.memory_space<vmem_shared>>) offsets(%dma_start3A_171 : memref<32xi32, #tpu.memory_space<vmem>>) semaphore(%run_scoped3A : memref<!tpu.dma_semaphore, #tpu.memory_space<semaphore_mem>>) {add = true}
          %dma_wait3A_175 = arith.constant 0 : i32
          %dma_wait3A_176 = tpu.memref_slice %arg7[%add3A_155, %dma_wait3A_175] : memref<40x32xi32, #tpu.memory_space<vmem>> -> memref<1x32xi32, #tpu.memory_space<vmem>>
          %dma_wait3A_177 = tpu.memref_squeeze %dma_wait3A_176 : memref<1x32xi32, #tpu.memory_space<vmem>> -> memref<32xi32, #tpu.memory_space<vmem>>
          %dma_wait3A_178 = arith.constant 0 : i32
          %dma_wait3A_179 = arith.constant 0 : i32
          %dma_wait3A_180 = tpu.memref_slice %arg12[%dma_wait3A_178, %dma_wait3A_179] : memref<10240x128xf32, #tpu.memory_space<vmem_shared>> -> memref<10240x128xf32, #tpu.memory_space<vmem_shared>>
          tpu.wait_indirect_dma semaphore(%run_scoped3A : memref<!tpu.dma_semaphore, #tpu.memory_space<semaphore_mem>>) src(%arg11 : memref<32x128xf32, #tpu.memory_space<vmem>>) dst(%dma_wait3A_180 : memref<10240x128xf32, #tpu.memory_space<vmem_shared>>)
          tpu.yield
        }) : () -> ()
        %add3A_162 = arith.constant 4 : i32
        %add3A_163 = arith.addi %add3A_155, %add3A_162 : i32
        %lt3A_164 = arith.constant 40 : i32
        %lt3A_165 = arith.cmpi slt, %add3A_163, %lt3A_164 : i32
        %convert_element_type3A_166 = arith.extui %lt3A_165 : i1 to i32
        %cond3A_167 = arith.constant 0 : i32
        %cond3A_168 = arith.cmpi ne, %convert_element_type3A_166, %cond3A_167 : i32
        scf.if %cond3A_168 {
          %add3A_169 = arith.constant 4 : i32
          %add3A_170 = arith.addi %add3A_155, %add3A_169 : i32
          %dma_start3A_171 = arith.constant 0 : i32
          %dma_start3A_172 = tpu.memref_slice %arg6[%add3A_170, %dma_start3A_171] : memref<40x32xi32, #tpu.memory_space<vmem>> -> memref<1x32xi32, #tpu.memory_space<vmem>>
          %dma_start3A_173 = tpu.memref_squeeze %dma_start3A_172 : memref<1x32xi32, #tpu.memory_space<vmem>> -> memref<32xi32, #tpu.memory_space<vmem>>
          %dma_start3A_174 = arith.constant 0 : i32
          %dma_start3A_175 = arith.constant 0 : i32
          %dma_start3A_176 = tpu.memref_slice %arg2[%dma_start3A_174, %dma_start3A_175] : memref<10240x128xf32, #tpu.memory_space<hbm>> -> memref<10240x128xf32, #tpu.memory_space<hbm>>
          tpu.enqueue_indirect_dma source(%dma_start3A_176 : memref<10240x128xf32, #tpu.memory_space<hbm>>) target(%arg11 : memref<32x128xf32, #tpu.memory_space<vmem>>) offsets(%dma_start3A_173 : memref<32xi32, #tpu.memory_space<vmem>>) semaphore(%arg16 : memref<!tpu.dma_semaphore, #tpu.memory_space<semaphore_mem>>)
        } else {
        }
      }
      %scan3A_97 = arith.constant 10 : i32
    }
    %scan3A_81 = arith.constant 8 : i32
    %barrier3A_82 = arith.constant 0 : index
    tpu.barrier barrier_id(%barrier3A_82)
    "tpu.region"() ({
      %run_scoped3A = tpu.sem_alloc : memref<!tpu.dma_semaphore, #tpu.memory_space<semaphore_mem>>
      %dma_start3A_83 = arith.constant 0 : i32
      %dma_start3A_84 = tpu.memref_slice %arg5[%arg0, %mul3A_29, %dma_start3A_83] : memref<2x10240x128xf32, #tpu.memory_space<hbm>> -> memref<1x640x128xf32, #tpu.memory_space<hbm>>
      %dma_start3A_85 = tpu.memref_squeeze %dma_start3A_84 : memref<1x640x128xf32, #tpu.memory_space<hbm>> -> memref<640x128xf32, #tpu.memory_space<hbm>>
      %dma_start3A_86 = arith.constant 0 : i32
      %dma_start3A_87 = tpu.memref_slice %arg12[%mul3A_29, %dma_start3A_86] : memref<10240x128xf32, #tpu.memory_space<vmem_shared>> -> memref<640x128xf32, #tpu.memory_space<vmem_shared>>
      tpu.enqueue_dma source(%dma_start3A_87 : memref<640x128xf32, #tpu.memory_space<vmem_shared>>) target(%dma_start3A_85 : memref<640x128xf32, #tpu.memory_space<hbm>>) target_semaphore(%run_scoped3A : memref<!tpu.dma_semaphore, #tpu.memory_space<semaphore_mem>>)
      %dma_wait3A = arith.constant 0 : i32
      %dma_wait3A_88 = tpu.memref_slice %arg5[%arg0, %mul3A_29, %dma_wait3A] : memref<2x10240x128xf32, #tpu.memory_space<hbm>> -> memref<1x640x128xf32, #tpu.memory_space<hbm>>
      %dma_wait3A_89 = tpu.memref_squeeze %dma_wait3A_88 : memref<1x640x128xf32, #tpu.memory_space<hbm>> -> memref<640x128xf32, #tpu.memory_space<hbm>>
      %dma_wait3A_90 = arith.constant 0 : i32
      %dma_wait3A_91 = tpu.memref_slice %arg12[%mul3A_29, %dma_wait3A_90] : memref<10240x128xf32, #tpu.memory_space<vmem_shared>> -> memref<640x128xf32, #tpu.memory_space<vmem_shared>>
      tpu.wait_dma2 semaphore(%run_scoped3A : memref<!tpu.dma_semaphore, #tpu.memory_space<semaphore_mem>>) src(%dma_wait3A_91 : memref<640x128xf32, #tpu.memory_space<vmem_shared>>) dst(%dma_wait3A_89 : memref<640x128xf32, #tpu.memory_space<hbm>>)
      tpu.yield
    }) : () -> ()
    return
  }
}

#map = affine_map<(d0, d1) -> (0, 0)>
#map1 = affine_map<(d0, d1) -> (0, 0, 0)>
module attributes {stable_mosaic.version = 14 : i64} {
  func.func @body(%arg0: i32, %arg1: i32, %arg2: memref<10240x128xf32, #tpu.memory_space<hbm>>, %arg3: memref<10240x32xi32, #tpu.memory_space<hbm>>, %arg4: memref<10240x32xi32, #tpu.memory_space<hbm>>, %arg5: memref<2x10240x128xf32, #tpu.memory_space<hbm>>, %arg6: memref<40x32xi32, #tpu.memory_space<vmem>>, %arg7: memref<40x32xi32, #tpu.memory_space<vmem>>, %arg8: memref<32x128xf32, #tpu.memory_space<vmem>>, %arg9: memref<32x128xf32, #tpu.memory_space<vmem>>, %arg10: memref<32x128xf32, #tpu.memory_space<vmem>>, %arg11: memref<32x128xf32, #tpu.memory_space<vmem>>, %arg12: memref<10240x128xf32, #tpu.memory_space<vmem_shared>>, %arg13: memref<!tpu.dma_semaphore, #tpu.memory_space<semaphore_mem>>, %arg14: memref<!tpu.dma_semaphore, #tpu.memory_space<semaphore_mem>>, %arg15: memref<!tpu.dma_semaphore, #tpu.memory_space<semaphore_mem>>, %arg16: memref<!tpu.dma_semaphore, #tpu.memory_space<semaphore_mem>>) attributes {dimension_semantics = [#tpu.dimension_semantics<core_parallel>, #tpu.dimension_semantics<subcore_parallel>], iteration_bounds = array<i64: 2, 16>, scalar_prefetch = 0 : i64, scratch_operands = 11 : i64, tpu.core_type = #tpu.core_type<sc_vector_subcore>, window_params = [{transform_indices = #map}, {transform_indices = #map}, {transform_indices = #map}, {transform_indices = #map1}]} {
    %mul3A = arith.constant 2 : i32
    %mul3A_0 = arith.muli %arg1, %mul3A : i32
    %add3A = arith.addi %mul3A_0, %arg0 : i32
    %broadcast_in_dim3A = arith.constant 0.000000e+00 : f32
    %broadcast_in_dim3A_1 = vector.broadcast %broadcast_in_dim3A : f32 to vector<16xf32>
    %mul3A_2 = arith.constant 320 : i32
    %mul3A_3 = arith.muli %add3A, %mul3A_2 : i32
    "tpu.region"() ({
      %run_scoped3A = tpu.sem_alloc : memref<!tpu.dma_semaphore, #tpu.memory_space<semaphore_mem>>
      %dma_start3A_83 = arith.constant 0 : i32
      %dma_start3A_84 = tpu.memref_slice %arg3[%mul3A_3, %dma_start3A_83] : memref<10240x32xi32, #tpu.memory_space<hbm>> -> memref<40x32xi32, #tpu.memory_space<hbm>>
      %dma_start3A_85 = arith.constant 0 : i32
      %dma_start3A_86 = tpu.memref_slice %arg3[%mul3A_3, %dma_start3A_85] : memref<10240x32xi32, #tpu.memory_space<hbm>> -> memref<40x32xi32, #tpu.memory_space<hbm>>
      tpu.enqueue_dma source(%dma_start3A_86 : memref<40x32xi32, #tpu.memory_space<hbm>>) target(%arg6 : memref<40x32xi32, #tpu.memory_space<vmem>>) target_semaphore(%run_scoped3A : memref<!tpu.dma_semaphore, #tpu.memory_space<semaphore_mem>>)
      %dma_wait3A = arith.constant 0 : i32
      %dma_wait3A_87 = tpu.memref_slice %arg3[%mul3A_3, %dma_wait3A] : memref<10240x32xi32, #tpu.memory_space<hbm>> -> memref<40x32xi32, #tpu.memory_space<hbm>>
      %dma_wait3A_88 = arith.constant 0 : i32
      %dma_wait3A_89 = tpu.memref_slice %arg3[%mul3A_3, %dma_wait3A_88] : memref<10240x32xi32, #tpu.memory_space<hbm>> -> memref<40x32xi32, #tpu.memory_space<hbm>>
      tpu.wait_dma2 semaphore(%run_scoped3A : memref<!tpu.dma_semaphore, #tpu.memory_space<semaphore_mem>>) src(%dma_wait3A_89 : memref<40x32xi32, #tpu.memory_space<hbm>>) dst(%arg6 : memref<40x32xi32, #tpu.memory_space<vmem>>)
      tpu.yield
    }) : () -> ()
    "tpu.region"() ({
      %run_scoped3A = tpu.sem_alloc : memref<!tpu.dma_semaphore, #tpu.memory_space<semaphore_mem>>
      %dma_start3A_83 = arith.constant 0 : i32
      %dma_start3A_84 = tpu.memref_slice %arg4[%mul3A_3, %dma_start3A_83] : memref<10240x32xi32, #tpu.memory_space<hbm>> -> memref<40x32xi32, #tpu.memory_space<hbm>>
      %dma_start3A_85 = arith.constant 0 : i32
      %dma_start3A_86 = tpu.memref_slice %arg4[%mul3A_3, %dma_start3A_85] : memref<10240x32xi32, #tpu.memory_space<hbm>> -> memref<40x32xi32, #tpu.memory_space<hbm>>
      tpu.enqueue_dma source(%dma_start3A_86 : memref<40x32xi32, #tpu.memory_space<hbm>>) target(%arg7 : memref<40x32xi32, #tpu.memory_space<vmem>>) target_semaphore(%run_scoped3A : memref<!tpu.dma_semaphore, #tpu.memory_space<semaphore_mem>>)
      %dma_wait3A = arith.constant 0 : i32
      %dma_wait3A_87 = tpu.memref_slice %arg4[%mul3A_3, %dma_wait3A] : memref<10240x32xi32, #tpu.memory_space<hbm>> -> memref<40x32xi32, #tpu.memory_space<hbm>>
      %dma_wait3A_88 = arith.constant 0 : i32
      %dma_wait3A_89 = tpu.memref_slice %arg4[%mul3A_3, %dma_wait3A_88] : memref<10240x32xi32, #tpu.memory_space<hbm>> -> memref<40x32xi32, #tpu.memory_space<hbm>>
      tpu.wait_dma2 semaphore(%run_scoped3A : memref<!tpu.dma_semaphore, #tpu.memory_space<semaphore_mem>>) src(%dma_wait3A_89 : memref<40x32xi32, #tpu.memory_space<hbm>>) dst(%arg7 : memref<40x32xi32, #tpu.memory_space<vmem>>)
      tpu.yield
    }) : () -> ()
    %dma_start3A = arith.constant 1 : i32
    %dma_start3A_4 = arith.constant 0 : i32
    %dma_start3A_5 = tpu.memref_slice %arg6[%dma_start3A, %dma_start3A_4] : memref<40x32xi32, #tpu.memory_space<vmem>> -> memref<1x32xi32, #tpu.memory_space<vmem>>
    %dma_start3A_6 = tpu.memref_squeeze %dma_start3A_5 : memref<1x32xi32, #tpu.memory_space<vmem>> -> memref<32xi32, #tpu.memory_space<vmem>>
    %dma_start3A_7 = arith.constant 0 : i32
    %dma_start3A_8 = arith.constant 0 : i32
    %dma_start3A_9 = tpu.memref_slice %arg2[%dma_start3A_7, %dma_start3A_8] : memref<10240x128xf32, #tpu.memory_space<hbm>> -> memref<10240x128xf32, #tpu.memory_space<hbm>>
    tpu.enqueue_indirect_dma source(%dma_start3A_9 : memref<10240x128xf32, #tpu.memory_space<hbm>>) target(%arg9 : memref<32x128xf32, #tpu.memory_space<vmem>>) offsets(%dma_start3A_6 : memref<32xi32, #tpu.memory_space<vmem>>) semaphore(%arg14 : memref<!tpu.dma_semaphore, #tpu.memory_space<semaphore_mem>>)
    %dma_start3A_10 = arith.constant 2 : i32
    %dma_start3A_11 = arith.constant 0 : i32
    %dma_start3A_12 = tpu.memref_slice %arg6[%dma_start3A_10, %dma_start3A_11] : memref<40x32xi32, #tpu.memory_space<vmem>> -> memref<1x32xi32, #tpu.memory_space<vmem>>
    %dma_start3A_13 = tpu.memref_squeeze %dma_start3A_12 : memref<1x32xi32, #tpu.memory_space<vmem>> -> memref<32xi32, #tpu.memory_space<vmem>>
    %dma_start3A_14 = arith.constant 0 : i32
    %dma_start3A_15 = arith.constant 0 : i32
    %dma_start3A_16 = tpu.memref_slice %arg2[%dma_start3A_14, %dma_start3A_15] : memref<10240x128xf32, #tpu.memory_space<hbm>> -> memref<10240x128xf32, #tpu.memory_space<hbm>>
    tpu.enqueue_indirect_dma source(%dma_start3A_16 : memref<10240x128xf32, #tpu.memory_space<hbm>>) target(%arg10 : memref<32x128xf32, #tpu.memory_space<vmem>>) offsets(%dma_start3A_13 : memref<32xi32, #tpu.memory_space<vmem>>) semaphore(%arg15 : memref<!tpu.dma_semaphore, #tpu.memory_space<semaphore_mem>>)
    %dma_start3A_17 = arith.constant 3 : i32
    %dma_start3A_18 = arith.constant 0 : i32
    %dma_start3A_19 = tpu.memref_slice %arg6[%dma_start3A_17, %dma_start3A_18] : memref<40x32xi32, #tpu.memory_space<vmem>> -> memref<1x32xi32, #tpu.memory_space<vmem>>
    %dma_start3A_20 = tpu.memref_squeeze %dma_start3A_19 : memref<1x32xi32, #tpu.memory_space<vmem>> -> memref<32xi32, #tpu.memory_space<vmem>>
    %dma_start3A_21 = arith.constant 0 : i32
    %dma_start3A_22 = arith.constant 0 : i32
    %dma_start3A_23 = tpu.memref_slice %arg2[%dma_start3A_21, %dma_start3A_22] : memref<10240x128xf32, #tpu.memory_space<hbm>> -> memref<10240x128xf32, #tpu.memory_space<hbm>>
    tpu.enqueue_indirect_dma source(%dma_start3A_23 : memref<10240x128xf32, #tpu.memory_space<hbm>>) target(%arg11 : memref<32x128xf32, #tpu.memory_space<vmem>>) offsets(%dma_start3A_20 : memref<32xi32, #tpu.memory_space<vmem>>) semaphore(%arg16 : memref<!tpu.dma_semaphore, #tpu.memory_space<semaphore_mem>>)
    %scan3A = arith.constant 0 : i32
    %scan3A_24 = arith.constant 32 : i32
    %scan3A_25 = arith.addi %scan3A, %scan3A_24 : i32
    %scan3A_26 = arith.constant 1 : i32
    scf.for %scan3A_83 = %scan3A to %scan3A_25 step %scan3A_26  : i32 {
      %mul3A_84 = arith.constant 1 : i32
      %mul3A_85 = arith.muli %scan3A_83, %mul3A_84 : i32
      %add3A_86 = arith.constant 0 : i32
      %add3A_87 = arith.addi %add3A_86, %mul3A_85 : i32
      %swap3A = arith.index_cast %add3A_87 : i32 to index
      %swap3A_88 = arith.constant 0 : index
      %swap3A_89 = tpu.vector_load %arg8[%swap3A, %swap3A_88] {strides = array<i32>} : memref<32x128xf32, #tpu.memory_space<vmem>>, vector<1x16xf32>,
      %swap3A_90 = vector.shape_cast %swap3A_89 : vector<1x16xf32> to vector<16xf32>
      %swap3A_91 = vector.shape_cast %broadcast_in_dim3A_1 : vector<16xf32> to vector<1x16xf32>
      tpu.vector_store %arg8[%swap3A, %swap3A_88], %swap3A_91 {strides = array<i32>} : memref<32x128xf32, #tpu.memory_space<vmem>>, vector<1x16xf32>,
      %swap3A_92 = arith.index_cast %add3A_87 : i32 to index
      %swap3A_93 = arith.constant 16 : index
      %swap3A_94 = tpu.vector_load %arg8[%swap3A_92, %swap3A_93] {strides = array<i32>} : memref<32x128xf32, #tpu.memory_space<vmem>>, vector<1x16xf32>,
      %swap3A_95 = vector.shape_cast %swap3A_94 : vector<1x16xf32> to vector<16xf32>
      %swap3A_96 = vector.shape_cast %broadcast_in_dim3A_1 : vector<16xf32> to vector<1x16xf32>
      tpu.vector_store %arg8[%swap3A_92, %swap3A_93], %swap3A_96 {strides = array<i32>} : memref<32x128xf32, #tpu.memory_space<vmem>>, vector<1x16xf32>,
      %swap3A_97 = arith.index_cast %add3A_87 : i32 to index
      %swap3A_98 = arith.constant 32 : index
      %swap3A_99 = tpu.vector_load %arg8[%swap3A_97, %swap3A_98] {strides = array<i32>} : memref<32x128xf32, #tpu.memory_space<vmem>>, vector<1x16xf32>,
      %swap3A_100 = vector.shape_cast %swap3A_99 : vector<1x16xf32> to vector<16xf32>
      %swap3A_101 = vector.shape_cast %broadcast_in_dim3A_1 : vector<16xf32> to vector<1x16xf32>
      tpu.vector_store %arg8[%swap3A_97, %swap3A_98], %swap3A_101 {strides = array<i32>} : memref<32x128xf32, #tpu.memory_space<vmem>>, vector<1x16xf32>,
      %swap3A_102 = arith.index_cast %add3A_87 : i32 to index
      %swap3A_103 = arith.constant 48 : index
      %swap3A_104 = tpu.vector_load %arg8[%swap3A_102, %swap3A_103] {strides = array<i32>} : memref<32x128xf32, #tpu.memory_space<vmem>>, vector<1x16xf32>,
      %swap3A_105 = vector.shape_cast %swap3A_104 : vector<1x16xf32> to vector<16xf32>
      %swap3A_106 = vector.shape_cast %broadcast_in_dim3A_1 : vector<16xf32> to vector<1x16xf32>
      tpu.vector_store %arg8[%swap3A_102, %swap3A_103], %swap3A_106 {strides = array<i32>} : memref<32x128xf32, #tpu.memory_space<vmem>>, vector<1x16xf32>,
      %swap3A_107 = arith.index_cast %add3A_87 : i32 to index
      %swap3A_108 = arith.constant 64 : index
      %swap3A_109 = tpu.vector_load %arg8[%swap3A_107, %swap3A_108] {strides = array<i32>} : memref<32x128xf32, #tpu.memory_space<vmem>>, vector<1x16xf32>,
      %swap3A_110 = vector.shape_cast %swap3A_109 : vector<1x16xf32> to vector<16xf32>
      %swap3A_111 = vector.shape_cast %broadcast_in_dim3A_1 : vector<16xf32> to vector<1x16xf32>
      tpu.vector_store %arg8[%swap3A_107, %swap3A_108], %swap3A_111 {strides = array<i32>} : memref<32x128xf32, #tpu.memory_space<vmem>>, vector<1x16xf32>,
      %swap3A_112 = arith.index_cast %add3A_87 : i32 to index
      %swap3A_113 = arith.constant 80 : index
      %swap3A_114 = tpu.vector_load %arg8[%swap3A_112, %swap3A_113] {strides = array<i32>} : memref<32x128xf32, #tpu.memory_space<vmem>>, vector<1x16xf32>,
      %swap3A_115 = vector.shape_cast %swap3A_114 : vector<1x16xf32> to vector<16xf32>
      %swap3A_116 = vector.shape_cast %broadcast_in_dim3A_1 : vector<16xf32> to vector<1x16xf32>
      tpu.vector_store %arg8[%swap3A_112, %swap3A_113], %swap3A_116 {strides = array<i32>} : memref<32x128xf32, #tpu.memory_space<vmem>>, vector<1x16xf32>,
      %swap3A_117 = arith.index_cast %add3A_87 : i32 to index
      %swap3A_118 = arith.constant 96 : index
      %swap3A_119 = tpu.vector_load %arg8[%swap3A_117, %swap3A_118] {strides = array<i32>} : memref<32x128xf32, #tpu.memory_space<vmem>>, vector<1x16xf32>,
      %swap3A_120 = vector.shape_cast %swap3A_119 : vector<1x16xf32> to vector<16xf32>
      %swap3A_121 = vector.shape_cast %broadcast_in_dim3A_1 : vector<16xf32> to vector<1x16xf32>
      tpu.vector_store %arg8[%swap3A_117, %swap3A_118], %swap3A_121 {strides = array<i32>} : memref<32x128xf32, #tpu.memory_space<vmem>>, vector<1x16xf32>,
      %swap3A_122 = arith.index_cast %add3A_87 : i32 to index
      %swap3A_123 = arith.constant 112 : index
      %swap3A_124 = tpu.vector_load %arg8[%swap3A_122, %swap3A_123] {strides = array<i32>} : memref<32x128xf32, #tpu.memory_space<vmem>>, vector<1x16xf32>,
      %swap3A_125 = vector.shape_cast %swap3A_124 : vector<1x16xf32> to vector<16xf32>
      %swap3A_126 = vector.shape_cast %broadcast_in_dim3A_1 : vector<16xf32> to vector<1x16xf32>
      tpu.vector_store %arg8[%swap3A_122, %swap3A_123], %swap3A_126 {strides = array<i32>} : memref<32x128xf32, #tpu.memory_space<vmem>>, vector<1x16xf32>,
    }
    %scan3A_27 = arith.constant 32 : i32
    %mul3A_28 = arith.constant 640 : i32
    %mul3A_29 = arith.muli %arg1, %mul3A_28 : i32
    %add3A_30 = arith.constant 0 : i32
    %add3A_31 = arith.addi %mul3A_29, %add3A_30 : i32
    "tpu.region"() ({
      %run_scoped3A = tpu.sem_alloc : memref<!tpu.dma_semaphore, #tpu.memory_space<semaphore_mem>>
      %dma_start3A_83 = arith.constant 0 : i32
      %dma_start3A_84 = tpu.memref_slice %arg12[%add3A_31, %dma_start3A_83] : memref<10240x128xf32, #tpu.memory_space<vmem_shared>> -> memref<32x128xf32, #tpu.memory_space<vmem_shared>>
      %dma_start3A_85 = arith.constant 0 : i32
      %dma_start3A_86 = tpu.memref_slice %arg12[%add3A_31, %dma_start3A_85] : memref<10240x128xf32, #tpu.memory_space<vmem_shared>> -> memref<32x128xf32, #tpu.memory_space<vmem_shared>>
      tpu.enqueue_dma source(%arg8 : memref<32x128xf32, #tpu.memory_space<vmem>>) target(%dma_start3A_86 : memref<32x128xf32, #tpu.memory_space<vmem_shared>>) target_semaphore(%run_scoped3A : memref<!tpu.dma_semaphore, #tpu.memory_space<semaphore_mem>>)
      %dma_wait3A = arith.constant 0 : i32
      %dma_wait3A_87 = tpu.memref_slice %arg12[%add3A_31, %dma_wait3A] : memref<10240x128xf32, #tpu.memory_space<vmem_shared>> -> memref<32x128xf32, #tpu.memory_space<vmem_shared>>
      %dma_wait3A_88 = arith.constant 0 : i32
      %dma_wait3A_89 = tpu.memref_slice %arg12[%add3A_31, %dma_wait3A_88] : memref<10240x128xf32, #tpu.memory_space<vmem_shared>> -> memref<32x128xf32, #tpu.memory_space<vmem_shared>>
      tpu.wait_dma2 semaphore(%run_scoped3A : memref<!tpu.dma_semaphore, #tpu.memory_space<semaphore_mem>>) src(%arg8 : memref<32x128xf32, #tpu.memory_space<vmem>>) dst(%dma_wait3A_89 : memref<32x128xf32, #tpu.memory_space<vmem_shared>>)
      tpu.yield
    }) : () -> ()
    %add3A_32 = arith.constant 32 : i32
    %add3A_33 = arith.addi %mul3A_29, %add3A_32 : i32
    "tpu.region"() ({
      %run_scoped3A = tpu.sem_alloc : memref<!tpu.dma_semaphore, #tpu.memory_space<semaphore_mem>>
      %dma_start3A_83 = arith.constant 0 : i32
      %dma_start3A_84 = tpu.memref_slice %arg12[%add3A_33, %dma_start3A_83] : memref<10240x128xf32, #tpu.memory_space<vmem_shared>> -> memref<32x128xf32, #tpu.memory_space<vmem_shared>>
      %dma_start3A_85 = arith.constant 0 : i32
      %dma_start3A_86 = tpu.memref_slice %arg12[%add3A_33, %dma_start3A_85] : memref<10240x128xf32, #tpu.memory_space<vmem_shared>> -> memref<32x128xf32, #tpu.memory_space<vmem_shared>>
      tpu.enqueue_dma source(%arg8 : memref<32x128xf32, #tpu.memory_space<vmem>>) target(%dma_start3A_86 : memref<32x128xf32, #tpu.memory_space<vmem_shared>>) target_semaphore(%run_scoped3A : memref<!tpu.dma_semaphore, #tpu.memory_space<semaphore_mem>>)
      %dma_wait3A = arith.constant 0 : i32
      %dma_wait3A_87 = tpu.memref_slice %arg12[%add3A_33, %dma_wait3A] : memref<10240x128xf32, #tpu.memory_space<vmem_shared>> -> memref<32x128xf32, #tpu.memory_space<vmem_shared>>
      %dma_wait3A_88 = arith.constant 0 : i32
      %dma_wait3A_89 = tpu.memref_slice %arg12[%add3A_33, %dma_wait3A_88] : memref<10240x128xf32, #tpu.memory_space<vmem_shared>> -> memref<32x128xf32, #tpu.memory_space<vmem_shared>>
      tpu.wait_dma2 semaphore(%run_scoped3A : memref<!tpu.dma_semaphore, #tpu.memory_space<semaphore_mem>>) src(%arg8 : memref<32x128xf32, #tpu.memory_space<vmem>>) dst(%dma_wait3A_89 : memref<32x128xf32, #tpu.memory_space<vmem_shared>>)
      tpu.yield
    }) : () -> ()
    %add3A_34 = arith.constant 64 : i32
    %add3A_35 = arith.addi %mul3A_29, %add3A_34 : i32
    "tpu.region"() ({
      %run_scoped3A = tpu.sem_alloc : memref<!tpu.dma_semaphore, #tpu.memory_space<semaphore_mem>>
      %dma_start3A_83 = arith.constant 0 : i32
      %dma_start3A_84 = tpu.memref_slice %arg12[%add3A_35, %dma_start3A_83] : memref<10240x128xf32, #tpu.memory_space<vmem_shared>> -> memref<32x128xf32, #tpu.memory_space<vmem_shared>>
      %dma_start3A_85 = arith.constant 0 : i32
      %dma_start3A_86 = tpu.memref_slice %arg12[%add3A_35, %dma_start3A_85] : memref<10240x128xf32, #tpu.memory_space<vmem_shared>> -> memref<32x128xf32, #tpu.memory_space<vmem_shared>>
      tpu.enqueue_dma source(%arg8 : memref<32x128xf32, #tpu.memory_space<vmem>>) target(%dma_start3A_86 : memref<32x128xf32, #tpu.memory_space<vmem_shared>>) target_semaphore(%run_scoped3A : memref<!tpu.dma_semaphore, #tpu.memory_space<semaphore_mem>>)
      %dma_wait3A = arith.constant 0 : i32
      %dma_wait3A_87 = tpu.memref_slice %arg12[%add3A_35, %dma_wait3A] : memref<10240x128xf32, #tpu.memory_space<vmem_shared>> -> memref<32x128xf32, #tpu.memory_space<vmem_shared>>
      %dma_wait3A_88 = arith.constant 0 : i32
      %dma_wait3A_89 = tpu.memref_slice %arg12[%add3A_35, %dma_wait3A_88] : memref<10240x128xf32, #tpu.memory_space<vmem_shared>> -> memref<32x128xf32, #tpu.memory_space<vmem_shared>>
      tpu.wait_dma2 semaphore(%run_scoped3A : memref<!tpu.dma_semaphore, #tpu.memory_space<semaphore_mem>>) src(%arg8 : memref<32x128xf32, #tpu.memory_space<vmem>>) dst(%dma_wait3A_89 : memref<32x128xf32, #tpu.memory_space<vmem_shared>>)
      tpu.yield
    }) : () -> ()
    %add3A_36 = arith.constant 96 : i32
    %add3A_37 = arith.addi %mul3A_29, %add3A_36 : i32
    "tpu.region"() ({
      %run_scoped3A = tpu.sem_alloc : memref<!tpu.dma_semaphore, #tpu.memory_space<semaphore_mem>>
      %dma_start3A_83 = arith.constant 0 : i32
      %dma_start3A_84 = tpu.memref_slice %arg12[%add3A_37, %dma_start3A_83] : memref<10240x128xf32, #tpu.memory_space<vmem_shared>> -> memref<32x128xf32, #tpu.memory_space<vmem_shared>>
      %dma_start3A_85 = arith.constant 0 : i32
      %dma_start3A_86 = tpu.memref_slice %arg12[%add3A_37, %dma_start3A_85] : memref<10240x128xf32, #tpu.memory_space<vmem_shared>> -> memref<32x128xf32, #tpu.memory_space<vmem_shared>>
      tpu.enqueue_dma source(%arg8 : memref<32x128xf32, #tpu.memory_space<vmem>>) target(%dma_start3A_86 : memref<32x128xf32, #tpu.memory_space<vmem_shared>>) target_semaphore(%run_scoped3A : memref<!tpu.dma_semaphore, #tpu.memory_space<semaphore_mem>>)
      %dma_wait3A = arith.constant 0 : i32
      %dma_wait3A_87 = tpu.memref_slice %arg12[%add3A_37, %dma_wait3A] : memref<10240x128xf32, #tpu.memory_space<vmem_shared>> -> memref<32x128xf32, #tpu.memory_space<vmem_shared>>
      %dma_wait3A_88 = arith.constant 0 : i32
      %dma_wait3A_89 = tpu.memref_slice %arg12[%add3A_37, %dma_wait3A_88] : memref<10240x128xf32, #tpu.memory_space<vmem_shared>> -> memref<32x128xf32, #tpu.memory_space<vmem_shared>>
      tpu.wait_dma2 semaphore(%run_scoped3A : memref<!tpu.dma_semaphore, #tpu.memory_space<semaphore_mem>>) src(%arg8 : memref<32x128xf32, #tpu.memory_space<vmem>>) dst(%dma_wait3A_89 : memref<32x128xf32, #tpu.memory_space<vmem_shared>>)
      tpu.yield
    }) : () -> ()
    %add3A_38 = arith.constant 128 : i32
    %add3A_39 = arith.addi %mul3A_29, %add3A_38 : i32
    "tpu.region"() ({
      %run_scoped3A = tpu.sem_alloc : memref<!tpu.dma_semaphore, #tpu.memory_space<semaphore_mem>>
      %dma_start3A_83 = arith.constant 0 : i32
      %dma_start3A_84 = tpu.memref_slice %arg12[%add3A_39, %dma_start3A_83] : memref<10240x128xf32, #tpu.memory_space<vmem_shared>> -> memref<32x128xf32, #tpu.memory_space<vmem_shared>>
      %dma_start3A_85 = arith.constant 0 : i32
      %dma_start3A_86 = tpu.memref_slice %arg12[%add3A_39, %dma_start3A_85] : memref<10240x128xf32, #tpu.memory_space<vmem_shared>> -> memref<32x128xf32, #tpu.memory_space<vmem_shared>>
      tpu.enqueue_dma source(%arg8 : memref<32x128xf32, #tpu.memory_space<vmem>>) target(%dma_start3A_86 : memref<32x128xf32, #tpu.memory_space<vmem_shared>>) target_semaphore(%run_scoped3A : memref<!tpu.dma_semaphore, #tpu.memory_space<semaphore_mem>>)
      %dma_wait3A = arith.constant 0 : i32
      %dma_wait3A_87 = tpu.memref_slice %arg12[%add3A_39, %dma_wait3A] : memref<10240x128xf32, #tpu.memory_space<vmem_shared>> -> memref<32x128xf32, #tpu.memory_space<vmem_shared>>
      %dma_wait3A_88 = arith.constant 0 : i32
      %dma_wait3A_89 = tpu.memref_slice %arg12[%add3A_39, %dma_wait3A_88] : memref<10240x128xf32, #tpu.memory_space<vmem_shared>> -> memref<32x128xf32, #tpu.memory_space<vmem_shared>>
      tpu.wait_dma2 semaphore(%run_scoped3A : memref<!tpu.dma_semaphore, #tpu.memory_space<semaphore_mem>>) src(%arg8 : memref<32x128xf32, #tpu.memory_space<vmem>>) dst(%dma_wait3A_89 : memref<32x128xf32, #tpu.memory_space<vmem_shared>>)
      tpu.yield
    }) : () -> ()
    %add3A_40 = arith.constant 160 : i32
    %add3A_41 = arith.addi %mul3A_29, %add3A_40 : i32
    "tpu.region"() ({
      %run_scoped3A = tpu.sem_alloc : memref<!tpu.dma_semaphore, #tpu.memory_space<semaphore_mem>>
      %dma_start3A_83 = arith.constant 0 : i32
      %dma_start3A_84 = tpu.memref_slice %arg12[%add3A_41, %dma_start3A_83] : memref<10240x128xf32, #tpu.memory_space<vmem_shared>> -> memref<32x128xf32, #tpu.memory_space<vmem_shared>>
      %dma_start3A_85 = arith.constant 0 : i32
      %dma_start3A_86 = tpu.memref_slice %arg12[%add3A_41, %dma_start3A_85] : memref<10240x128xf32, #tpu.memory_space<vmem_shared>> -> memref<32x128xf32, #tpu.memory_space<vmem_shared>>
      tpu.enqueue_dma source(%arg8 : memref<32x128xf32, #tpu.memory_space<vmem>>) target(%dma_start3A_86 : memref<32x128xf32, #tpu.memory_space<vmem_shared>>) target_semaphore(%run_scoped3A : memref<!tpu.dma_semaphore, #tpu.memory_space<semaphore_mem>>)
      %dma_wait3A = arith.constant 0 : i32
      %dma_wait3A_87 = tpu.memref_slice %arg12[%add3A_41, %dma_wait3A] : memref<10240x128xf32, #tpu.memory_space<vmem_shared>> -> memref<32x128xf32, #tpu.memory_space<vmem_shared>>
      %dma_wait3A_88 = arith.constant 0 : i32
      %dma_wait3A_89 = tpu.memref_slice %arg12[%add3A_41, %dma_wait3A_88] : memref<10240x128xf32, #tpu.memory_space<vmem_shared>> -> memref<32x128xf32, #tpu.memory_space<vmem_shared>>
      tpu.wait_dma2 semaphore(%run_scoped3A : memref<!tpu.dma_semaphore, #tpu.memory_space<semaphore_mem>>) src(%arg8 : memref<32x128xf32, #tpu.memory_space<vmem>>) dst(%dma_wait3A_89 : memref<32x128xf32, #tpu.memory_space<vmem_shared>>)
      tpu.yield
    }) : () -> ()
    %add3A_42 = arith.constant 192 : i32
    %add3A_43 = arith.addi %mul3A_29, %add3A_42 : i32
    "tpu.region"() ({
      %run_scoped3A = tpu.sem_alloc : memref<!tpu.dma_semaphore, #tpu.memory_space<semaphore_mem>>
      %dma_start3A_83 = arith.constant 0 : i32
      %dma_start3A_84 = tpu.memref_slice %arg12[%add3A_43, %dma_start3A_83] : memref<10240x128xf32, #tpu.memory_space<vmem_shared>> -> memref<32x128xf32, #tpu.memory_space<vmem_shared>>
      %dma_start3A_85 = arith.constant 0 : i32
      %dma_start3A_86 = tpu.memref_slice %arg12[%add3A_43, %dma_start3A_85] : memref<10240x128xf32, #tpu.memory_space<vmem_shared>> -> memref<32x128xf32, #tpu.memory_space<vmem_shared>>
      tpu.enqueue_dma source(%arg8 : memref<32x128xf32, #tpu.memory_space<vmem>>) target(%dma_start3A_86 : memref<32x128xf32, #tpu.memory_space<vmem_shared>>) target_semaphore(%run_scoped3A : memref<!tpu.dma_semaphore, #tpu.memory_space<semaphore_mem>>)
      %dma_wait3A = arith.constant 0 : i32
      %dma_wait3A_87 = tpu.memref_slice %arg12[%add3A_43, %dma_wait3A] : memref<10240x128xf32, #tpu.memory_space<vmem_shared>> -> memref<32x128xf32, #tpu.memory_space<vmem_shared>>
      %dma_wait3A_88 = arith.constant 0 : i32
      %dma_wait3A_89 = tpu.memref_slice %arg12[%add3A_43, %dma_wait3A_88] : memref<10240x128xf32, #tpu.memory_space<vmem_shared>> -> memref<32x128xf32, #tpu.memory_space<vmem_shared>>
      tpu.wait_dma2 semaphore(%run_scoped3A : memref<!tpu.dma_semaphore, #tpu.memory_space<semaphore_mem>>) src(%arg8 : memref<32x128xf32, #tpu.memory_space<vmem>>) dst(%dma_wait3A_89 : memref<32x128xf32, #tpu.memory_space<vmem_shared>>)
      tpu.yield
    }) : () -> ()
    %add3A_44 = arith.constant 224 : i32
    %add3A_45 = arith.addi %mul3A_29, %add3A_44 : i32
    "tpu.region"() ({
      %run_scoped3A = tpu.sem_alloc : memref<!tpu.dma_semaphore, #tpu.memory_space<semaphore_mem>>
      %dma_start3A_83 = arith.constant 0 : i32
      %dma_start3A_84 = tpu.memref_slice %arg12[%add3A_45, %dma_start3A_83] : memref<10240x128xf32, #tpu.memory_space<vmem_shared>> -> memref<32x128xf32, #tpu.memory_space<vmem_shared>>
      %dma_start3A_85 = arith.constant 0 : i32
      %dma_start3A_86 = tpu.memref_slice %arg12[%add3A_45, %dma_start3A_85] : memref<10240x128xf32, #tpu.memory_space<vmem_shared>> -> memref<32x128xf32, #tpu.memory_space<vmem_shared>>
      tpu.enqueue_dma source(%arg8 : memref<32x128xf32, #tpu.memory_space<vmem>>) target(%dma_start3A_86 : memref<32x128xf32, #tpu.memory_space<vmem_shared>>) target_semaphore(%run_scoped3A : memref<!tpu.dma_semaphore, #tpu.memory_space<semaphore_mem>>)
      %dma_wait3A = arith.constant 0 : i32
      %dma_wait3A_87 = tpu.memref_slice %arg12[%add3A_45, %dma_wait3A] : memref<10240x128xf32, #tpu.memory_space<vmem_shared>> -> memref<32x128xf32, #tpu.memory_space<vmem_shared>>
      %dma_wait3A_88 = arith.constant 0 : i32
      %dma_wait3A_89 = tpu.memref_slice %arg12[%add3A_45, %dma_wait3A_88] : memref<10240x128xf32, #tpu.memory_space<vmem_shared>> -> memref<32x128xf32, #tpu.memory_space<vmem_shared>>
      tpu.wait_dma2 semaphore(%run_scoped3A : memref<!tpu.dma_semaphore, #tpu.memory_space<semaphore_mem>>) src(%arg8 : memref<32x128xf32, #tpu.memory_space<vmem>>) dst(%dma_wait3A_89 : memref<32x128xf32, #tpu.memory_space<vmem_shared>>)
      tpu.yield
    }) : () -> ()
    %add3A_46 = arith.constant 256 : i32
    %add3A_47 = arith.addi %mul3A_29, %add3A_46 : i32
    "tpu.region"() ({
      %run_scoped3A = tpu.sem_alloc : memref<!tpu.dma_semaphore, #tpu.memory_space<semaphore_mem>>
      %dma_start3A_83 = arith.constant 0 : i32
      %dma_start3A_84 = tpu.memref_slice %arg12[%add3A_47, %dma_start3A_83] : memref<10240x128xf32, #tpu.memory_space<vmem_shared>> -> memref<32x128xf32, #tpu.memory_space<vmem_shared>>
      %dma_start3A_85 = arith.constant 0 : i32
      %dma_start3A_86 = tpu.memref_slice %arg12[%add3A_47, %dma_start3A_85] : memref<10240x128xf32, #tpu.memory_space<vmem_shared>> -> memref<32x128xf32, #tpu.memory_space<vmem_shared>>
      tpu.enqueue_dma source(%arg8 : memref<32x128xf32, #tpu.memory_space<vmem>>) target(%dma_start3A_86 : memref<32x128xf32, #tpu.memory_space<vmem_shared>>) target_semaphore(%run_scoped3A : memref<!tpu.dma_semaphore, #tpu.memory_space<semaphore_mem>>)
      %dma_wait3A = arith.constant 0 : i32
      %dma_wait3A_87 = tpu.memref_slice %arg12[%add3A_47, %dma_wait3A] : memref<10240x128xf32, #tpu.memory_space<vmem_shared>> -> memref<32x128xf32, #tpu.memory_space<vmem_shared>>
      %dma_wait3A_88 = arith.constant 0 : i32
      %dma_wait3A_89 = tpu.memref_slice %arg12[%add3A_47, %dma_wait3A_88] : memref<10240x128xf32, #tpu.memory_space<vmem_shared>> -> memref<32x128xf32, #tpu.memory_space<vmem_shared>>
      tpu.wait_dma2 semaphore(%run_scoped3A : memref<!tpu.dma_semaphore, #tpu.memory_space<semaphore_mem>>) src(%arg8 : memref<32x128xf32, #tpu.memory_space<vmem>>) dst(%dma_wait3A_89 : memref<32x128xf32, #tpu.memory_space<vmem_shared>>)
      tpu.yield
    }) : () -> ()
    %add3A_48 = arith.constant 288 : i32
    %add3A_49 = arith.addi %mul3A_29, %add3A_48 : i32
    "tpu.region"() ({
      %run_scoped3A = tpu.sem_alloc : memref<!tpu.dma_semaphore, #tpu.memory_space<semaphore_mem>>
      %dma_start3A_83 = arith.constant 0 : i32
      %dma_start3A_84 = tpu.memref_slice %arg12[%add3A_49, %dma_start3A_83] : memref<10240x128xf32, #tpu.memory_space<vmem_shared>> -> memref<32x128xf32, #tpu.memory_space<vmem_shared>>
      %dma_start3A_85 = arith.constant 0 : i32
      %dma_start3A_86 = tpu.memref_slice %arg12[%add3A_49, %dma_start3A_85] : memref<10240x128xf32, #tpu.memory_space<vmem_shared>> -> memref<32x128xf32, #tpu.memory_space<vmem_shared>>
      tpu.enqueue_dma source(%arg8 : memref<32x128xf32, #tpu.memory_space<vmem>>) target(%dma_start3A_86 : memref<32x128xf32, #tpu.memory_space<vmem_shared>>) target_semaphore(%run_scoped3A : memref<!tpu.dma_semaphore, #tpu.memory_space<semaphore_mem>>)
      %dma_wait3A = arith.constant 0 : i32
      %dma_wait3A_87 = tpu.memref_slice %arg12[%add3A_49, %dma_wait3A] : memref<10240x128xf32, #tpu.memory_space<vmem_shared>> -> memref<32x128xf32, #tpu.memory_space<vmem_shared>>
      %dma_wait3A_88 = arith.constant 0 : i32
      %dma_wait3A_89 = tpu.memref_slice %arg12[%add3A_49, %dma_wait3A_88] : memref<10240x128xf32, #tpu.memory_space<vmem_shared>> -> memref<32x128xf32, #tpu.memory_space<vmem_shared>>
      tpu.wait_dma2 semaphore(%run_scoped3A : memref<!tpu.dma_semaphore, #tpu.memory_space<semaphore_mem>>) src(%arg8 : memref<32x128xf32, #tpu.memory_space<vmem>>) dst(%dma_wait3A_89 : memref<32x128xf32, #tpu.memory_space<vmem_shared>>)
      tpu.yield
    }) : () -> ()
    %add3A_50 = arith.constant 320 : i32
    %add3A_51 = arith.addi %mul3A_29, %add3A_50 : i32
    "tpu.region"() ({
      %run_scoped3A = tpu.sem_alloc : memref<!tpu.dma_semaphore, #tpu.memory_space<semaphore_mem>>
      %dma_start3A_83 = arith.constant 0 : i32
      %dma_start3A_84 = tpu.memref_slice %arg12[%add3A_51, %dma_start3A_83] : memref<10240x128xf32, #tpu.memory_space<vmem_shared>> -> memref<32x128xf32, #tpu.memory_space<vmem_shared>>
      %dma_start3A_85 = arith.constant 0 : i32
      %dma_start3A_86 = tpu.memref_slice %arg12[%add3A_51, %dma_start3A_85] : memref<10240x128xf32, #tpu.memory_space<vmem_shared>> -> memref<32x128xf32, #tpu.memory_space<vmem_shared>>
      tpu.enqueue_dma source(%arg8 : memref<32x128xf32, #tpu.memory_space<vmem>>) target(%dma_start3A_86 : memref<32x128xf32, #tpu.memory_space<vmem_shared>>) target_semaphore(%run_scoped3A : memref<!tpu.dma_semaphore, #tpu.memory_space<semaphore_mem>>)
      %dma_wait3A = arith.constant 0 : i32
      %dma_wait3A_87 = tpu.memref_slice %arg12[%add3A_51, %dma_wait3A] : memref<10240x128xf32, #tpu.memory_space<vmem_shared>> -> memref<32x128xf32, #tpu.memory_space<vmem_shared>>
      %dma_wait3A_88 = arith.constant 0 : i32
      %dma_wait3A_89 = tpu.memref_slice %arg12[%add3A_51, %dma_wait3A_88] : memref<10240x128xf32, #tpu.memory_space<vmem_shared>> -> memref<32x128xf32, #tpu.memory_space<vmem_shared>>
      tpu.wait_dma2 semaphore(%run_scoped3A : memref<!tpu.dma_semaphore, #tpu.memory_space<semaphore_mem>>) src(%arg8 : memref<32x128xf32, #tpu.memory_space<vmem>>) dst(%dma_wait3A_89 : memref<32x128xf32, #tpu.memory_space<vmem_shared>>)
      tpu.yield
    }) : () -> ()
    %add3A_52 = arith.constant 352 : i32
    %add3A_53 = arith.addi %mul3A_29, %add3A_52 : i32
    "tpu.region"() ({
      %run_scoped3A = tpu.sem_alloc : memref<!tpu.dma_semaphore, #tpu.memory_space<semaphore_mem>>
      %dma_start3A_83 = arith.constant 0 : i32
      %dma_start3A_84 = tpu.memref_slice %arg12[%add3A_53, %dma_start3A_83] : memref<10240x128xf32, #tpu.memory_space<vmem_shared>> -> memref<32x128xf32, #tpu.memory_space<vmem_shared>>
      %dma_start3A_85 = arith.constant 0 : i32
      %dma_start3A_86 = tpu.memref_slice %arg12[%add3A_53, %dma_start3A_85] : memref<10240x128xf32, #tpu.memory_space<vmem_shared>> -> memref<32x128xf32, #tpu.memory_space<vmem_shared>>
      tpu.enqueue_dma source(%arg8 : memref<32x128xf32, #tpu.memory_space<vmem>>) target(%dma_start3A_86 : memref<32x128xf32, #tpu.memory_space<vmem_shared>>) target_semaphore(%run_scoped3A : memref<!tpu.dma_semaphore, #tpu.memory_space<semaphore_mem>>)
      %dma_wait3A = arith.constant 0 : i32
      %dma_wait3A_87 = tpu.memref_slice %arg12[%add3A_53, %dma_wait3A] : memref<10240x128xf32, #tpu.memory_space<vmem_shared>> -> memref<32x128xf32, #tpu.memory_space<vmem_shared>>
      %dma_wait3A_88 = arith.constant 0 : i32
      %dma_wait3A_89 = tpu.memref_slice %arg12[%add3A_53, %dma_wait3A_88] : memref<10240x128xf32, #tpu.memory_space<vmem_shared>> -> memref<32x128xf32, #tpu.memory_space<vmem_shared>>
      tpu.wait_dma2 semaphore(%run_scoped3A : memref<!tpu.dma_semaphore, #tpu.memory_space<semaphore_mem>>) src(%arg8 : memref<32x128xf32, #tpu.memory_space<vmem>>) dst(%dma_wait3A_89 : memref<32x128xf32, #tpu.memory_space<vmem_shared>>)
      tpu.yield
    }) : () -> ()
    %add3A_54 = arith.constant 384 : i32
    %add3A_55 = arith.addi %mul3A_29, %add3A_54 : i32
    "tpu.region"() ({
      %run_scoped3A = tpu.sem_alloc : memref<!tpu.dma_semaphore, #tpu.memory_space<semaphore_mem>>
      %dma_start3A_83 = arith.constant 0 : i32
      %dma_start3A_84 = tpu.memref_slice %arg12[%add3A_55, %dma_start3A_83] : memref<10240x128xf32, #tpu.memory_space<vmem_shared>> -> memref<32x128xf32, #tpu.memory_space<vmem_shared>>
      %dma_start3A_85 = arith.constant 0 : i32
      %dma_start3A_86 = tpu.memref_slice %arg12[%add3A_55, %dma_start3A_85] : memref<10240x128xf32, #tpu.memory_space<vmem_shared>> -> memref<32x128xf32, #tpu.memory_space<vmem_shared>>
      tpu.enqueue_dma source(%arg8 : memref<32x128xf32, #tpu.memory_space<vmem>>) target(%dma_start3A_86 : memref<32x128xf32, #tpu.memory_space<vmem_shared>>) target_semaphore(%run_scoped3A : memref<!tpu.dma_semaphore, #tpu.memory_space<semaphore_mem>>)
      %dma_wait3A = arith.constant 0 : i32
      %dma_wait3A_87 = tpu.memref_slice %arg12[%add3A_55, %dma_wait3A] : memref<10240x128xf32, #tpu.memory_space<vmem_shared>> -> memref<32x128xf32, #tpu.memory_space<vmem_shared>>
      %dma_wait3A_88 = arith.constant 0 : i32
      %dma_wait3A_89 = tpu.memref_slice %arg12[%add3A_55, %dma_wait3A_88] : memref<10240x128xf32, #tpu.memory_space<vmem_shared>> -> memref<32x128xf32, #tpu.memory_space<vmem_shared>>
      tpu.wait_dma2 semaphore(%run_scoped3A : memref<!tpu.dma_semaphore, #tpu.memory_space<semaphore_mem>>) src(%arg8 : memref<32x128xf32, #tpu.memory_space<vmem>>) dst(%dma_wait3A_89 : memref<32x128xf32, #tpu.memory_space<vmem_shared>>)
      tpu.yield
    }) : () -> ()
    %add3A_56 = arith.constant 416 : i32
    %add3A_57 = arith.addi %mul3A_29, %add3A_56 : i32
    "tpu.region"() ({
      %run_scoped3A = tpu.sem_alloc : memref<!tpu.dma_semaphore, #tpu.memory_space<semaphore_mem>>
      %dma_start3A_83 = arith.constant 0 : i32
      %dma_start3A_84 = tpu.memref_slice %arg12[%add3A_57, %dma_start3A_83] : memref<10240x128xf32, #tpu.memory_space<vmem_shared>> -> memref<32x128xf32, #tpu.memory_space<vmem_shared>>
      %dma_start3A_85 = arith.constant 0 : i32
      %dma_start3A_86 = tpu.memref_slice %arg12[%add3A_57, %dma_start3A_85] : memref<10240x128xf32, #tpu.memory_space<vmem_shared>> -> memref<32x128xf32, #tpu.memory_space<vmem_shared>>
      tpu.enqueue_dma source(%arg8 : memref<32x128xf32, #tpu.memory_space<vmem>>) target(%dma_start3A_86 : memref<32x128xf32, #tpu.memory_space<vmem_shared>>) target_semaphore(%run_scoped3A : memref<!tpu.dma_semaphore, #tpu.memory_space<semaphore_mem>>)
      %dma_wait3A = arith.constant 0 : i32
      %dma_wait3A_87 = tpu.memref_slice %arg12[%add3A_57, %dma_wait3A] : memref<10240x128xf32, #tpu.memory_space<vmem_shared>> -> memref<32x128xf32, #tpu.memory_space<vmem_shared>>
      %dma_wait3A_88 = arith.constant 0 : i32
      %dma_wait3A_89 = tpu.memref_slice %arg12[%add3A_57, %dma_wait3A_88] : memref<10240x128xf32, #tpu.memory_space<vmem_shared>> -> memref<32x128xf32, #tpu.memory_space<vmem_shared>>
      tpu.wait_dma2 semaphore(%run_scoped3A : memref<!tpu.dma_semaphore, #tpu.memory_space<semaphore_mem>>) src(%arg8 : memref<32x128xf32, #tpu.memory_space<vmem>>) dst(%dma_wait3A_89 : memref<32x128xf32, #tpu.memory_space<vmem_shared>>)
      tpu.yield
    }) : () -> ()
    %add3A_58 = arith.constant 448 : i32
    %add3A_59 = arith.addi %mul3A_29, %add3A_58 : i32
    "tpu.region"() ({
      %run_scoped3A = tpu.sem_alloc : memref<!tpu.dma_semaphore, #tpu.memory_space<semaphore_mem>>
      %dma_start3A_83 = arith.constant 0 : i32
      %dma_start3A_84 = tpu.memref_slice %arg12[%add3A_59, %dma_start3A_83] : memref<10240x128xf32, #tpu.memory_space<vmem_shared>> -> memref<32x128xf32, #tpu.memory_space<vmem_shared>>
      %dma_start3A_85 = arith.constant 0 : i32
      %dma_start3A_86 = tpu.memref_slice %arg12[%add3A_59, %dma_start3A_85] : memref<10240x128xf32, #tpu.memory_space<vmem_shared>> -> memref<32x128xf32, #tpu.memory_space<vmem_shared>>
      tpu.enqueue_dma source(%arg8 : memref<32x128xf32, #tpu.memory_space<vmem>>) target(%dma_start3A_86 : memref<32x128xf32, #tpu.memory_space<vmem_shared>>) target_semaphore(%run_scoped3A : memref<!tpu.dma_semaphore, #tpu.memory_space<semaphore_mem>>)
      %dma_wait3A = arith.constant 0 : i32
      %dma_wait3A_87 = tpu.memref_slice %arg12[%add3A_59, %dma_wait3A] : memref<10240x128xf32, #tpu.memory_space<vmem_shared>> -> memref<32x128xf32, #tpu.memory_space<vmem_shared>>
      %dma_wait3A_88 = arith.constant 0 : i32
      %dma_wait3A_89 = tpu.memref_slice %arg12[%add3A_59, %dma_wait3A_88] : memref<10240x128xf32, #tpu.memory_space<vmem_shared>> -> memref<32x128xf32, #tpu.memory_space<vmem_shared>>
      tpu.wait_dma2 semaphore(%run_scoped3A : memref<!tpu.dma_semaphore, #tpu.memory_space<semaphore_mem>>) src(%arg8 : memref<32x128xf32, #tpu.memory_space<vmem>>) dst(%dma_wait3A_89 : memref<32x128xf32, #tpu.memory_space<vmem_shared>>)
      tpu.yield
    }) : () -> ()
    %add3A_60 = arith.constant 480 : i32
    %add3A_61 = arith.addi %mul3A_29, %add3A_60 : i32
    "tpu.region"() ({
      %run_scoped3A = tpu.sem_alloc : memref<!tpu.dma_semaphore, #tpu.memory_space<semaphore_mem>>
      %dma_start3A_83 = arith.constant 0 : i32
      %dma_start3A_84 = tpu.memref_slice %arg12[%add3A_61, %dma_start3A_83] : memref<10240x128xf32, #tpu.memory_space<vmem_shared>> -> memref<32x128xf32, #tpu.memory_space<vmem_shared>>
      %dma_start3A_85 = arith.constant 0 : i32
      %dma_start3A_86 = tpu.memref_slice %arg12[%add3A_61, %dma_start3A_85] : memref<10240x128xf32, #tpu.memory_space<vmem_shared>> -> memref<32x128xf32, #tpu.memory_space<vmem_shared>>
      tpu.enqueue_dma source(%arg8 : memref<32x128xf32, #tpu.memory_space<vmem>>) target(%dma_start3A_86 : memref<32x128xf32, #tpu.memory_space<vmem_shared>>) target_semaphore(%run_scoped3A : memref<!tpu.dma_semaphore, #tpu.memory_space<semaphore_mem>>)
      %dma_wait3A = arith.constant 0 : i32
      %dma_wait3A_87 = tpu.memref_slice %arg12[%add3A_61, %dma_wait3A] : memref<10240x128xf32, #tpu.memory_space<vmem_shared>> -> memref<32x128xf32, #tpu.memory_space<vmem_shared>>
      %dma_wait3A_88 = arith.constant 0 : i32
      %dma_wait3A_89 = tpu.memref_slice %arg12[%add3A_61, %dma_wait3A_88] : memref<10240x128xf32, #tpu.memory_space<vmem_shared>> -> memref<32x128xf32, #tpu.memory_space<vmem_shared>>
      tpu.wait_dma2 semaphore(%run_scoped3A : memref<!tpu.dma_semaphore, #tpu.memory_space<semaphore_mem>>) src(%arg8 : memref<32x128xf32, #tpu.memory_space<vmem>>) dst(%dma_wait3A_89 : memref<32x128xf32, #tpu.memory_space<vmem_shared>>)
      tpu.yield
    }) : () -> ()
    %add3A_62 = arith.constant 512 : i32
    %add3A_63 = arith.addi %mul3A_29, %add3A_62 : i32
    "tpu.region"() ({
      %run_scoped3A = tpu.sem_alloc : memref<!tpu.dma_semaphore, #tpu.memory_space<semaphore_mem>>
      %dma_start3A_83 = arith.constant 0 : i32
      %dma_start3A_84 = tpu.memref_slice %arg12[%add3A_63, %dma_start3A_83] : memref<10240x128xf32, #tpu.memory_space<vmem_shared>> -> memref<32x128xf32, #tpu.memory_space<vmem_shared>>
      %dma_start3A_85 = arith.constant 0 : i32
      %dma_start3A_86 = tpu.memref_slice %arg12[%add3A_63, %dma_start3A_85] : memref<10240x128xf32, #tpu.memory_space<vmem_shared>> -> memref<32x128xf32, #tpu.memory_space<vmem_shared>>
      tpu.enqueue_dma source(%arg8 : memref<32x128xf32, #tpu.memory_space<vmem>>) target(%dma_start3A_86 : memref<32x128xf32, #tpu.memory_space<vmem_shared>>) target_semaphore(%run_scoped3A : memref<!tpu.dma_semaphore, #tpu.memory_space<semaphore_mem>>)
      %dma_wait3A = arith.constant 0 : i32
      %dma_wait3A_87 = tpu.memref_slice %arg12[%add3A_63, %dma_wait3A] : memref<10240x128xf32, #tpu.memory_space<vmem_shared>> -> memref<32x128xf32, #tpu.memory_space<vmem_shared>>
      %dma_wait3A_88 = arith.constant 0 : i32
      %dma_wait3A_89 = tpu.memref_slice %arg12[%add3A_63, %dma_wait3A_88] : memref<10240x128xf32, #tpu.memory_space<vmem_shared>> -> memref<32x128xf32, #tpu.memory_space<vmem_shared>>
      tpu.wait_dma2 semaphore(%run_scoped3A : memref<!tpu.dma_semaphore, #tpu.memory_space<semaphore_mem>>) src(%arg8 : memref<32x128xf32, #tpu.memory_space<vmem>>) dst(%dma_wait3A_89 : memref<32x128xf32, #tpu.memory_space<vmem_shared>>)
      tpu.yield
    }) : () -> ()
    %add3A_64 = arith.constant 544 : i32
    %add3A_65 = arith.addi %mul3A_29, %add3A_64 : i32
    "tpu.region"() ({
      %run_scoped3A = tpu.sem_alloc : memref<!tpu.dma_semaphore, #tpu.memory_space<semaphore_mem>>
      %dma_start3A_83 = arith.constant 0 : i32
      %dma_start3A_84 = tpu.memref_slice %arg12[%add3A_65, %dma_start3A_83] : memref<10240x128xf32, #tpu.memory_space<vmem_shared>> -> memref<32x128xf32, #tpu.memory_space<vmem_shared>>
      %dma_start3A_85 = arith.constant 0 : i32
      %dma_start3A_86 = tpu.memref_slice %arg12[%add3A_65, %dma_start3A_85] : memref<10240x128xf32, #tpu.memory_space<vmem_shared>> -> memref<32x128xf32, #tpu.memory_space<vmem_shared>>
      tpu.enqueue_dma source(%arg8 : memref<32x128xf32, #tpu.memory_space<vmem>>) target(%dma_start3A_86 : memref<32x128xf32, #tpu.memory_space<vmem_shared>>) target_semaphore(%run_scoped3A : memref<!tpu.dma_semaphore, #tpu.memory_space<semaphore_mem>>)
      %dma_wait3A = arith.constant 0 : i32
      %dma_wait3A_87 = tpu.memref_slice %arg12[%add3A_65, %dma_wait3A] : memref<10240x128xf32, #tpu.memory_space<vmem_shared>> -> memref<32x128xf32, #tpu.memory_space<vmem_shared>>
      %dma_wait3A_88 = arith.constant 0 : i32
      %dma_wait3A_89 = tpu.memref_slice %arg12[%add3A_65, %dma_wait3A_88] : memref<10240x128xf32, #tpu.memory_space<vmem_shared>> -> memref<32x128xf32, #tpu.memory_space<vmem_shared>>
      tpu.wait_dma2 semaphore(%run_scoped3A : memref<!tpu.dma_semaphore, #tpu.memory_space<semaphore_mem>>) src(%arg8 : memref<32x128xf32, #tpu.memory_space<vmem>>) dst(%dma_wait3A_89 : memref<32x128xf32, #tpu.memory_space<vmem_shared>>)
      tpu.yield
    }) : () -> ()
    %add3A_66 = arith.constant 576 : i32
    %add3A_67 = arith.addi %mul3A_29, %add3A_66 : i32
    "tpu.region"() ({
      %run_scoped3A = tpu.sem_alloc : memref<!tpu.dma_semaphore, #tpu.memory_space<semaphore_mem>>
      %dma_start3A_83 = arith.constant 0 : i32
      %dma_start3A_84 = tpu.memref_slice %arg12[%add3A_67, %dma_start3A_83] : memref<10240x128xf32, #tpu.memory_space<vmem_shared>> -> memref<32x128xf32, #tpu.memory_space<vmem_shared>>
      %dma_start3A_85 = arith.constant 0 : i32
      %dma_start3A_86 = tpu.memref_slice %arg12[%add3A_67, %dma_start3A_85] : memref<10240x128xf32, #tpu.memory_space<vmem_shared>> -> memref<32x128xf32, #tpu.memory_space<vmem_shared>>
      tpu.enqueue_dma source(%arg8 : memref<32x128xf32, #tpu.memory_space<vmem>>) target(%dma_start3A_86 : memref<32x128xf32, #tpu.memory_space<vmem_shared>>) target_semaphore(%run_scoped3A : memref<!tpu.dma_semaphore, #tpu.memory_space<semaphore_mem>>)
      %dma_wait3A = arith.constant 0 : i32
      %dma_wait3A_87 = tpu.memref_slice %arg12[%add3A_67, %dma_wait3A] : memref<10240x128xf32, #tpu.memory_space<vmem_shared>> -> memref<32x128xf32, #tpu.memory_space<vmem_shared>>
      %dma_wait3A_88 = arith.constant 0 : i32
      %dma_wait3A_89 = tpu.memref_slice %arg12[%add3A_67, %dma_wait3A_88] : memref<10240x128xf32, #tpu.memory_space<vmem_shared>> -> memref<32x128xf32, #tpu.memory_space<vmem_shared>>
      tpu.wait_dma2 semaphore(%run_scoped3A : memref<!tpu.dma_semaphore, #tpu.memory_space<semaphore_mem>>) src(%arg8 : memref<32x128xf32, #tpu.memory_space<vmem>>) dst(%dma_wait3A_89 : memref<32x128xf32, #tpu.memory_space<vmem_shared>>)
      tpu.yield
    }) : () -> ()
    %add3A_68 = arith.constant 608 : i32
    %add3A_69 = arith.addi %mul3A_29, %add3A_68 : i32
    "tpu.region"() ({
      %run_scoped3A = tpu.sem_alloc : memref<!tpu.dma_semaphore, #tpu.memory_space<semaphore_mem>>
      %dma_start3A_83 = arith.constant 0 : i32
      %dma_start3A_84 = tpu.memref_slice %arg12[%add3A_69, %dma_start3A_83] : memref<10240x128xf32, #tpu.memory_space<vmem_shared>> -> memref<32x128xf32, #tpu.memory_space<vmem_shared>>
      %dma_start3A_85 = arith.constant 0 : i32
      %dma_start3A_86 = tpu.memref_slice %arg12[%add3A_69, %dma_start3A_85] : memref<10240x128xf32, #tpu.memory_space<vmem_shared>> -> memref<32x128xf32, #tpu.memory_space<vmem_shared>>
      tpu.enqueue_dma source(%arg8 : memref<32x128xf32, #tpu.memory_space<vmem>>) target(%dma_start3A_86 : memref<32x128xf32, #tpu.memory_space<vmem_shared>>) target_semaphore(%run_scoped3A : memref<!tpu.dma_semaphore, #tpu.memory_space<semaphore_mem>>)
      %dma_wait3A = arith.constant 0 : i32
      %dma_wait3A_87 = tpu.memref_slice %arg12[%add3A_69, %dma_wait3A] : memref<10240x128xf32, #tpu.memory_space<vmem_shared>> -> memref<32x128xf32, #tpu.memory_space<vmem_shared>>
      %dma_wait3A_88 = arith.constant 0 : i32
      %dma_wait3A_89 = tpu.memref_slice %arg12[%add3A_69, %dma_wait3A_88] : memref<10240x128xf32, #tpu.memory_space<vmem_shared>> -> memref<32x128xf32, #tpu.memory_space<vmem_shared>>
      tpu.wait_dma2 semaphore(%run_scoped3A : memref<!tpu.dma_semaphore, #tpu.memory_space<semaphore_mem>>) src(%arg8 : memref<32x128xf32, #tpu.memory_space<vmem>>) dst(%dma_wait3A_89 : memref<32x128xf32, #tpu.memory_space<vmem_shared>>)
      tpu.yield
    }) : () -> ()
    %dma_start3A_70 = arith.constant 0 : i32
    %dma_start3A_71 = arith.constant 0 : i32
    %dma_start3A_72 = tpu.memref_slice %arg6[%dma_start3A_70, %dma_start3A_71] : memref<40x32xi32, #tpu.memory_space<vmem>> -> memref<1x32xi32, #tpu.memory_space<vmem>>
    %dma_start3A_73 = tpu.memref_squeeze %dma_start3A_72 : memref<1x32xi32, #tpu.memory_space<vmem>> -> memref<32xi32, #tpu.memory_space<vmem>>
    %dma_start3A_74 = arith.constant 0 : i32
    %dma_start3A_75 = arith.constant 0 : i32
    %dma_start3A_76 = tpu.memref_slice %arg2[%dma_start3A_74, %dma_start3A_75] : memref<10240x128xf32, #tpu.memory_space<hbm>> -> memref<10240x128xf32, #tpu.memory_space<hbm>>
    tpu.enqueue_indirect_dma source(%dma_start3A_76 : memref<10240x128xf32, #tpu.memory_space<hbm>>) target(%arg8 : memref<32x128xf32, #tpu.memory_space<vmem>>) offsets(%dma_start3A_73 : memref<32xi32, #tpu.memory_space<vmem>>) semaphore(%arg13 : memref<!tpu.dma_semaphore, #tpu.memory_space<semaphore_mem>>)
    %barrier3A = arith.constant 0 : index
    tpu.barrier barrier_id(%barrier3A)
    %scan3A_77 = arith.constant 0 : i32
    %scan3A_78 = arith.constant 8 : i32
    %scan3A_79 = arith.addi %scan3A_77, %scan3A_78 : i32
    %scan3A_80 = arith.constant 1 : i32
    scf.for %scan3A_83 = %scan3A_77 to %scan3A_79 step %scan3A_80  : i32 {
      %mul3A_84 = arith.constant 1 : i32
      %mul3A_85 = arith.muli %scan3A_83, %mul3A_84 : i32
      %add3A_86 = arith.constant 0 : i32
      %add3A_87 = arith.addi %add3A_86, %mul3A_85 : i32
      %mul3A_88 = arith.constant 40 : i32
      %mul3A_89 = arith.muli %add3A_87, %mul3A_88 : i32
      %add3A_90 = arith.addi %mul3A_3, %mul3A_89 : i32
      %gt3A = arith.constant 0 : i32
      %gt3A_91 = arith.cmpi sgt, %add3A_87, %gt3A : i32
      %convert_element_type3A = arith.extui %gt3A_91 : i1 to i32
      %cond3A = arith.constant 0 : i32
      %cond3A_92 = arith.cmpi ne, %convert_element_type3A, %cond3A : i32
      scf.if %cond3A_92 {
        "tpu.region"() ({
          %run_scoped3A = tpu.sem_alloc : memref<!tpu.dma_semaphore, #tpu.memory_space<semaphore_mem>>
          %dma_start3A_126 = arith.constant 0 : i32
          %dma_start3A_127 = tpu.memref_slice %arg3[%add3A_90, %dma_start3A_126] : memref<10240x32xi32, #tpu.memory_space<hbm>> -> memref<40x32xi32, #tpu.memory_space<hbm>>
          %dma_start3A_128 = arith.constant 0 : i32
          %dma_start3A_129 = tpu.memref_slice %arg3[%add3A_90, %dma_start3A_128] : memref<10240x32xi32, #tpu.memory_space<hbm>> -> memref<40x32xi32, #tpu.memory_space<hbm>>
          tpu.enqueue_dma source(%dma_start3A_129 : memref<40x32xi32, #tpu.memory_space<hbm>>) target(%arg6 : memref<40x32xi32, #tpu.memory_space<vmem>>) target_semaphore(%run_scoped3A : memref<!tpu.dma_semaphore, #tpu.memory_space<semaphore_mem>>)
          %dma_wait3A = arith.constant 0 : i32
          %dma_wait3A_130 = tpu.memref_slice %arg3[%add3A_90, %dma_wait3A] : memref<10240x32xi32, #tpu.memory_space<hbm>> -> memref<40x32xi32, #tpu.memory_space<hbm>>
          %dma_wait3A_131 = arith.constant 0 : i32
          %dma_wait3A_132 = tpu.memref_slice %arg3[%add3A_90, %dma_wait3A_131] : memref<10240x32xi32, #tpu.memory_space<hbm>> -> memref<40x32xi32, #tpu.memory_space<hbm>>
          tpu.wait_dma2 semaphore(%run_scoped3A : memref<!tpu.dma_semaphore, #tpu.memory_space<semaphore_mem>>) src(%dma_wait3A_132 : memref<40x32xi32, #tpu.memory_space<hbm>>) dst(%arg6 : memref<40x32xi32, #tpu.memory_space<vmem>>)
          tpu.yield
        }) : () -> ()
        "tpu.region"() ({
          %run_scoped3A = tpu.sem_alloc : memref<!tpu.dma_semaphore, #tpu.memory_space<semaphore_mem>>
          %dma_start3A_126 = arith.constant 0 : i32
          %dma_start3A_127 = tpu.memref_slice %arg4[%add3A_90, %dma_start3A_126] : memref<10240x32xi32, #tpu.memory_space<hbm>> -> memref<40x32xi32, #tpu.memory_space<hbm>>
          %dma_start3A_128 = arith.constant 0 : i32
          %dma_start3A_129 = tpu.memref_slice %arg4[%add3A_90, %dma_start3A_128] : memref<10240x32xi32, #tpu.memory_space<hbm>> -> memref<40x32xi32, #tpu.memory_space<hbm>>
          tpu.enqueue_dma source(%dma_start3A_129 : memref<40x32xi32, #tpu.memory_space<hbm>>) target(%arg7 : memref<40x32xi32, #tpu.memory_space<vmem>>) target_semaphore(%run_scoped3A : memref<!tpu.dma_semaphore, #tpu.memory_space<semaphore_mem>>)
          %dma_wait3A = arith.constant 0 : i32
          %dma_wait3A_130 = tpu.memref_slice %arg4[%add3A_90, %dma_wait3A] : memref<10240x32xi32, #tpu.memory_space<hbm>> -> memref<40x32xi32, #tpu.memory_space<hbm>>
          %dma_wait3A_131 = arith.constant 0 : i32
          %dma_wait3A_132 = tpu.memref_slice %arg4[%add3A_90, %dma_wait3A_131] : memref<10240x32xi32, #tpu.memory_space<hbm>> -> memref<40x32xi32, #tpu.memory_space<hbm>>
          tpu.wait_dma2 semaphore(%run_scoped3A : memref<!tpu.dma_semaphore, #tpu.memory_space<semaphore_mem>>) src(%dma_wait3A_132 : memref<40x32xi32, #tpu.memory_space<hbm>>) dst(%arg7 : memref<40x32xi32, #tpu.memory_space<vmem>>)
          tpu.yield
        }) : () -> ()
        %dma_start3A_98 = arith.constant 0 : i32
        %dma_start3A_99 = arith.constant 0 : i32
        %dma_start3A_100 = tpu.memref_slice %arg6[%dma_start3A_98, %dma_start3A_99] : memref<40x32xi32, #tpu.memory_space<vmem>> -> memref<1x32xi32, #tpu.memory_space<vmem>>
        %dma_start3A_101 = tpu.memref_squeeze %dma_start3A_100 : memref<1x32xi32, #tpu.memory_space<vmem>> -> memref<32xi32, #tpu.memory_space<vmem>>
        %dma_start3A_102 = arith.constant 0 : i32
        %dma_start3A_103 = arith.constant 0 : i32
        %dma_start3A_104 = tpu.memref_slice %arg2[%dma_start3A_102, %dma_start3A_103] : memref<10240x128xf32, #tpu.memory_space<hbm>> -> memref<10240x128xf32, #tpu.memory_space<hbm>>
        tpu.enqueue_indirect_dma source(%dma_start3A_104 : memref<10240x128xf32, #tpu.memory_space<hbm>>) target(%arg8 : memref<32x128xf32, #tpu.memory_space<vmem>>) offsets(%dma_start3A_101 : memref<32xi32, #tpu.memory_space<vmem>>) semaphore(%arg13 : memref<!tpu.dma_semaphore, #tpu.memory_space<semaphore_mem>>)
        %dma_start3A_105 = arith.constant 1 : i32
        %dma_start3A_106 = arith.constant 0 : i32
        %dma_start3A_107 = tpu.memref_slice %arg6[%dma_start3A_105, %dma_start3A_106] : memref<40x32xi32, #tpu.memory_space<vmem>> -> memref<1x32xi32, #tpu.memory_space<vmem>>
        %dma_start3A_108 = tpu.memref_squeeze %dma_start3A_107 : memref<1x32xi32, #tpu.memory_space<vmem>> -> memref<32xi32, #tpu.memory_space<vmem>>
        %dma_start3A_109 = arith.constant 0 : i32
        %dma_start3A_110 = arith.constant 0 : i32
        %dma_start3A_111 = tpu.memref_slice %arg2[%dma_start3A_109, %dma_start3A_110] : memref<10240x128xf32, #tpu.memory_space<hbm>> -> memref<10240x128xf32, #tpu.memory_space<hbm>>
        tpu.enqueue_indirect_dma source(%dma_start3A_111 : memref<10240x128xf32, #tpu.memory_space<hbm>>) target(%arg9 : memref<32x128xf32, #tpu.memory_space<vmem>>) offsets(%dma_start3A_108 : memref<32xi32, #tpu.memory_space<vmem>>) semaphore(%arg14 : memref<!tpu.dma_semaphore, #tpu.memory_space<semaphore_mem>>)
        %dma_start3A_112 = arith.constant 2 : i32
        %dma_start3A_113 = arith.constant 0 : i32
        %dma_start3A_114 = tpu.memref_slice %arg6[%dma_start3A_112, %dma_start3A_113] : memref<40x32xi32, #tpu.memory_space<vmem>> -> memref<1x32xi32, #tpu.memory_space<vmem>>
        %dma_start3A_115 = tpu.memref_squeeze %dma_start3A_114 : memref<1x32xi32, #tpu.memory_space<vmem>> -> memref<32xi32, #tpu.memory_space<vmem>>
        %dma_start3A_116 = arith.constant 0 : i32
        %dma_start3A_117 = arith.constant 0 : i32
        %dma_start3A_118 = tpu.memref_slice %arg2[%dma_start3A_116, %dma_start3A_117] : memref<10240x128xf32, #tpu.memory_space<hbm>> -> memref<10240x128xf32, #tpu.memory_space<hbm>>
        tpu.enqueue_indirect_dma source(%dma_start3A_118 : memref<10240x128xf32, #tpu.memory_space<hbm>>) target(%arg10 : memref<32x128xf32, #tpu.memory_space<vmem>>) offsets(%dma_start3A_115 : memref<32xi32, #tpu.memory_space<vmem>>) semaphore(%arg15 : memref<!tpu.dma_semaphore, #tpu.memory_space<semaphore_mem>>)
        %dma_start3A_119 = arith.constant 3 : i32
        %dma_start3A_120 = arith.constant 0 : i32
        %dma_start3A_121 = tpu.memref_slice %arg6[%dma_start3A_119, %dma_start3A_120] : memref<40x32xi32, #tpu.memory_space<vmem>> -> memref<1x32xi32, #tpu.memory_space<vmem>>
        %dma_start3A_122 = tpu.memref_squeeze %dma_start3A_121 : memref<1x32xi32, #tpu.memory_space<vmem>> -> memref<32xi32, #tpu.memory_space<vmem>>
        %dma_start3A_123 = arith.constant 0 : i32
        %dma_start3A_124 = arith.constant 0 : i32
        %dma_start3A_125 = tpu.memref_slice %arg2[%dma_start3A_123, %dma_start3A_124] : memref<10240x128xf32, #tpu.memory_space<hbm>> -> memref<10240x128xf32, #tpu.memory_space<hbm>>
        tpu.enqueue_indirect_dma source(%dma_start3A_125 : memref<10240x128xf32, #tpu.memory_space<hbm>>) target(%arg11 : memref<32x128xf32, #tpu.memory_space<vmem>>) offsets(%dma_start3A_122 : memref<32xi32, #tpu.memory_space<vmem>>) semaphore(%arg16 : memref<!tpu.dma_semaphore, #tpu.memory_space<semaphore_mem>>)
      } else {
      }
      %scan3A_93 = arith.constant 0 : i32
      %scan3A_94 = arith.constant 10 : i32
      %scan3A_95 = arith.addi %scan3A_93, %scan3A_94 : i32
      %scan3A_96 = arith.constant 1 : i32
      scf.for %scan3A_98 = %scan3A_93 to %scan3A_95 step %scan3A_96  : i32 {
        %mul3A_99 = arith.constant 1 : i32
        %mul3A_100 = arith.muli %scan3A_98, %mul3A_99 : i32
        %add3A_101 = arith.constant 0 : i32
        %add3A_102 = arith.addi %add3A_101, %mul3A_100 : i32
        %mul3A_103 = arith.constant 4 : i32
        %mul3A_104 = arith.muli %add3A_102, %mul3A_103 : i32
        %add3A_105 = arith.constant 0 : i32
        %add3A_106 = arith.addi %mul3A_104, %add3A_105 : i32
        %dma_wait3A = arith.constant 0 : i32
        %dma_wait3A_107 = tpu.memref_slice %arg6[%add3A_106, %dma_wait3A] : memref<40x32xi32, #tpu.memory_space<vmem>> -> memref<1x32xi32, #tpu.memory_space<vmem>>
        %dma_wait3A_108 = tpu.memref_squeeze %dma_wait3A_107 : memref<1x32xi32, #tpu.memory_space<vmem>> -> memref<32xi32, #tpu.memory_space<vmem>>
        %dma_wait3A_109 = arith.constant 0 : i32
        %dma_wait3A_110 = arith.constant 0 : i32
        %dma_wait3A_111 = tpu.memref_slice %arg2[%dma_wait3A_109, %dma_wait3A_110] : memref<10240x128xf32, #tpu.memory_space<hbm>> -> memref<10240x128xf32, #tpu.memory_space<hbm>>
        tpu.wait_indirect_dma semaphore(%arg13 : memref<!tpu.dma_semaphore, #tpu.memory_space<semaphore_mem>>) src(%dma_wait3A_111 : memref<10240x128xf32, #tpu.memory_space<hbm>>) dst(%arg8 : memref<32x128xf32, #tpu.memory_space<vmem>>)
        "tpu.region"() ({
          %run_scoped3A = tpu.sem_alloc : memref<!tpu.dma_semaphore, #tpu.memory_space<semaphore_mem>>
          %dma_start3A_169 = arith.constant 0 : i32
          %dma_start3A_170 = tpu.memref_slice %arg7[%add3A_106, %dma_start3A_169] : memref<40x32xi32, #tpu.memory_space<vmem>> -> memref<1x32xi32, #tpu.memory_space<vmem>>
          %dma_start3A_171 = tpu.memref_squeeze %dma_start3A_170 : memref<1x32xi32, #tpu.memory_space<vmem>> -> memref<32xi32, #tpu.memory_space<vmem>>
          %dma_start3A_172 = arith.constant 0 : i32
          %dma_start3A_173 = arith.constant 0 : i32
          %dma_start3A_174 = tpu.memref_slice %arg12[%dma_start3A_172, %dma_start3A_173] : memref<10240x128xf32, #tpu.memory_space<vmem_shared>> -> memref<10240x128xf32, #tpu.memory_space<vmem_shared>>
          tpu.enqueue_indirect_dma source(%arg8 : memref<32x128xf32, #tpu.memory_space<vmem>>) target(%dma_start3A_174 : memref<10240x128xf32, #tpu.memory_space<vmem_shared>>) offsets(%dma_start3A_171 : memref<32xi32, #tpu.memory_space<vmem>>) semaphore(%run_scoped3A : memref<!tpu.dma_semaphore, #tpu.memory_space<semaphore_mem>>) {add = true}
          %dma_wait3A_175 = arith.constant 0 : i32
          %dma_wait3A_176 = tpu.memref_slice %arg7[%add3A_106, %dma_wait3A_175] : memref<40x32xi32, #tpu.memory_space<vmem>> -> memref<1x32xi32, #tpu.memory_space<vmem>>
          %dma_wait3A_177 = tpu.memref_squeeze %dma_wait3A_176 : memref<1x32xi32, #tpu.memory_space<vmem>> -> memref<32xi32, #tpu.memory_space<vmem>>
          %dma_wait3A_178 = arith.constant 0 : i32
          %dma_wait3A_179 = arith.constant 0 : i32
          %dma_wait3A_180 = tpu.memref_slice %arg12[%dma_wait3A_178, %dma_wait3A_179] : memref<10240x128xf32, #tpu.memory_space<vmem_shared>> -> memref<10240x128xf32, #tpu.memory_space<vmem_shared>>
          tpu.wait_indirect_dma semaphore(%run_scoped3A : memref<!tpu.dma_semaphore, #tpu.memory_space<semaphore_mem>>) src(%arg8 : memref<32x128xf32, #tpu.memory_space<vmem>>) dst(%dma_wait3A_180 : memref<10240x128xf32, #tpu.memory_space<vmem_shared>>)
          tpu.yield
        }) : () -> ()
        %add3A_112 = arith.constant 4 : i32
        %add3A_113 = arith.addi %add3A_106, %add3A_112 : i32
        %lt3A = arith.constant 40 : i32
        %lt3A_114 = arith.cmpi slt, %add3A_113, %lt3A : i32
        %convert_element_type3A_115 = arith.extui %lt3A_114 : i1 to i32
        %cond3A_116 = arith.constant 0 : i32
        %cond3A_117 = arith.cmpi ne, %convert_element_type3A_115, %cond3A_116 : i32
        scf.if %cond3A_117 {
          %add3A_169 = arith.constant 4 : i32
          %add3A_170 = arith.addi %add3A_106, %add3A_169 : i32
          %dma_start3A_171 = arith.constant 0 : i32
          %dma_start3A_172 = tpu.memref_slice %arg6[%add3A_170, %dma_start3A_171] : memref<40x32xi32, #tpu.memory_space<vmem>> -> memref<1x32xi32, #tpu.memory_space<vmem>>
          %dma_start3A_173 = tpu.memref_squeeze %dma_start3A_172 : memref<1x32xi32, #tpu.memory_space<vmem>> -> memref<32xi32, #tpu.memory_space<vmem>>
          %dma_start3A_174 = arith.constant 0 : i32
          %dma_start3A_175 = arith.constant 0 : i32
          %dma_start3A_176 = tpu.memref_slice %arg2[%dma_start3A_174, %dma_start3A_175] : memref<10240x128xf32, #tpu.memory_space<hbm>> -> memref<10240x128xf32, #tpu.memory_space<hbm>>
          tpu.enqueue_indirect_dma source(%dma_start3A_176 : memref<10240x128xf32, #tpu.memory_space<hbm>>) target(%arg8 : memref<32x128xf32, #tpu.memory_space<vmem>>) offsets(%dma_start3A_173 : memref<32xi32, #tpu.memory_space<vmem>>) semaphore(%arg13 : memref<!tpu.dma_semaphore, #tpu.memory_space<semaphore_mem>>)
        } else {
        }
        %mul3A_118 = arith.constant 4 : i32
        %mul3A_119 = arith.muli %add3A_102, %mul3A_118 : i32
        %add3A_120 = arith.constant 1 : i32
        %add3A_121 = arith.addi %mul3A_119, %add3A_120 : i32
        %dma_wait3A_122 = arith.constant 0 : i32
        %dma_wait3A_123 = tpu.memref_slice %arg6[%add3A_121, %dma_wait3A_122] : memref<40x32xi32, #tpu.memory_space<vmem>> -> memref<1x32xi32, #tpu.memory_space<vmem>>
        %dma_wait3A_124 = tpu.memref_squeeze %dma_wait3A_123 : memref<1x32xi32, #tpu.memory_space<vmem>> -> memref<32xi32, #tpu.memory_space<vmem>>
        %dma_wait3A_125 = arith.constant 0 : i32
        %dma_wait3A_126 = arith.constant 0 : i32
        %dma_wait3A_127 = tpu.memref_slice %arg2[%dma_wait3A_125, %dma_wait3A_126] : memref<10240x128xf32, #tpu.memory_space<hbm>> -> memref<10240x128xf32, #tpu.memory_space<hbm>>
        tpu.wait_indirect_dma semaphore(%arg14 : memref<!tpu.dma_semaphore, #tpu.memory_space<semaphore_mem>>) src(%dma_wait3A_127 : memref<10240x128xf32, #tpu.memory_space<hbm>>) dst(%arg9 : memref<32x128xf32, #tpu.memory_space<vmem>>)
        "tpu.region"() ({
          %run_scoped3A = tpu.sem_alloc : memref<!tpu.dma_semaphore, #tpu.memory_space<semaphore_mem>>
          %dma_start3A_169 = arith.constant 0 : i32
          %dma_start3A_170 = tpu.memref_slice %arg7[%add3A_121, %dma_start3A_169] : memref<40x32xi32, #tpu.memory_space<vmem>> -> memref<1x32xi32, #tpu.memory_space<vmem>>
          %dma_start3A_171 = tpu.memref_squeeze %dma_start3A_170 : memref<1x32xi32, #tpu.memory_space<vmem>> -> memref<32xi32, #tpu.memory_space<vmem>>
          %dma_start3A_172 = arith.constant 0 : i32
          %dma_start3A_173 = arith.constant 0 : i32
          %dma_start3A_174 = tpu.memref_slice %arg12[%dma_start3A_172, %dma_start3A_173] : memref<10240x128xf32, #tpu.memory_space<vmem_shared>> -> memref<10240x128xf32, #tpu.memory_space<vmem_shared>>
          tpu.enqueue_indirect_dma source(%arg9 : memref<32x128xf32, #tpu.memory_space<vmem>>) target(%dma_start3A_174 : memref<10240x128xf32, #tpu.memory_space<vmem_shared>>) offsets(%dma_start3A_171 : memref<32xi32, #tpu.memory_space<vmem>>) semaphore(%run_scoped3A : memref<!tpu.dma_semaphore, #tpu.memory_space<semaphore_mem>>) {add = true}
          %dma_wait3A_175 = arith.constant 0 : i32
          %dma_wait3A_176 = tpu.memref_slice %arg7[%add3A_121, %dma_wait3A_175] : memref<40x32xi32, #tpu.memory_space<vmem>> -> memref<1x32xi32, #tpu.memory_space<vmem>>
          %dma_wait3A_177 = tpu.memref_squeeze %dma_wait3A_176 : memref<1x32xi32, #tpu.memory_space<vmem>> -> memref<32xi32, #tpu.memory_space<vmem>>
          %dma_wait3A_178 = arith.constant 0 : i32
          %dma_wait3A_179 = arith.constant 0 : i32
          %dma_wait3A_180 = tpu.memref_slice %arg12[%dma_wait3A_178, %dma_wait3A_179] : memref<10240x128xf32, #tpu.memory_space<vmem_shared>> -> memref<10240x128xf32, #tpu.memory_space<vmem_shared>>
          tpu.wait_indirect_dma semaphore(%run_scoped3A : memref<!tpu.dma_semaphore, #tpu.memory_space<semaphore_mem>>) src(%arg9 : memref<32x128xf32, #tpu.memory_space<vmem>>) dst(%dma_wait3A_180 : memref<10240x128xf32, #tpu.memory_space<vmem_shared>>)
          tpu.yield
        }) : () -> ()
        %add3A_128 = arith.constant 4 : i32
        %add3A_129 = arith.addi %add3A_121, %add3A_128 : i32
        %lt3A_130 = arith.constant 40 : i32
        %lt3A_131 = arith.cmpi slt, %add3A_129, %lt3A_130 : i32
        %convert_element_type3A_132 = arith.extui %lt3A_131 : i1 to i32
        %cond3A_133 = arith.constant 0 : i32
        %cond3A_134 = arith.cmpi ne, %convert_element_type3A_132, %cond3A_133 : i32
        scf.if %cond3A_134 {
          %add3A_169 = arith.constant 4 : i32
          %add3A_170 = arith.addi %add3A_121, %add3A_169 : i32
          %dma_start3A_171 = arith.constant 0 : i32
          %dma_start3A_172 = tpu.memref_slice %arg6[%add3A_170, %dma_start3A_171] : memref<40x32xi32, #tpu.memory_space<vmem>> -> memref<1x32xi32, #tpu.memory_space<vmem>>
          %dma_start3A_173 = tpu.memref_squeeze %dma_start3A_172 : memref<1x32xi32, #tpu.memory_space<vmem>> -> memref<32xi32, #tpu.memory_space<vmem>>
          %dma_start3A_174 = arith.constant 0 : i32
          %dma_start3A_175 = arith.constant 0 : i32
          %dma_start3A_176 = tpu.memref_slice %arg2[%dma_start3A_174, %dma_start3A_175] : memref<10240x128xf32, #tpu.memory_space<hbm>> -> memref<10240x128xf32, #tpu.memory_space<hbm>>
          tpu.enqueue_indirect_dma source(%dma_start3A_176 : memref<10240x128xf32, #tpu.memory_space<hbm>>) target(%arg9 : memref<32x128xf32, #tpu.memory_space<vmem>>) offsets(%dma_start3A_173 : memref<32xi32, #tpu.memory_space<vmem>>) semaphore(%arg14 : memref<!tpu.dma_semaphore, #tpu.memory_space<semaphore_mem>>)
        } else {
        }
        %mul3A_135 = arith.constant 4 : i32
        %mul3A_136 = arith.muli %add3A_102, %mul3A_135 : i32
        %add3A_137 = arith.constant 2 : i32
        %add3A_138 = arith.addi %mul3A_136, %add3A_137 : i32
        %dma_wait3A_139 = arith.constant 0 : i32
        %dma_wait3A_140 = tpu.memref_slice %arg6[%add3A_138, %dma_wait3A_139] : memref<40x32xi32, #tpu.memory_space<vmem>> -> memref<1x32xi32, #tpu.memory_space<vmem>>
        %dma_wait3A_141 = tpu.memref_squeeze %dma_wait3A_140 : memref<1x32xi32, #tpu.memory_space<vmem>> -> memref<32xi32, #tpu.memory_space<vmem>>
        %dma_wait3A_142 = arith.constant 0 : i32
        %dma_wait3A_143 = arith.constant 0 : i32
        %dma_wait3A_144 = tpu.memref_slice %arg2[%dma_wait3A_142, %dma_wait3A_143] : memref<10240x128xf32, #tpu.memory_space<hbm>> -> memref<10240x128xf32, #tpu.memory_space<hbm>>
        tpu.wait_indirect_dma semaphore(%arg15 : memref<!tpu.dma_semaphore, #tpu.memory_space<semaphore_mem>>) src(%dma_wait3A_144 : memref<10240x128xf32, #tpu.memory_space<hbm>>) dst(%arg10 : memref<32x128xf32, #tpu.memory_space<vmem>>)
        "tpu.region"() ({
          %run_scoped3A = tpu.sem_alloc : memref<!tpu.dma_semaphore, #tpu.memory_space<semaphore_mem>>
          %dma_start3A_169 = arith.constant 0 : i32
          %dma_start3A_170 = tpu.memref_slice %arg7[%add3A_138, %dma_start3A_169] : memref<40x32xi32, #tpu.memory_space<vmem>> -> memref<1x32xi32, #tpu.memory_space<vmem>>
          %dma_start3A_171 = tpu.memref_squeeze %dma_start3A_170 : memref<1x32xi32, #tpu.memory_space<vmem>> -> memref<32xi32, #tpu.memory_space<vmem>>
          %dma_start3A_172 = arith.constant 0 : i32
          %dma_start3A_173 = arith.constant 0 : i32
          %dma_start3A_174 = tpu.memref_slice %arg12[%dma_start3A_172, %dma_start3A_173] : memref<10240x128xf32, #tpu.memory_space<vmem_shared>> -> memref<10240x128xf32, #tpu.memory_space<vmem_shared>>
          tpu.enqueue_indirect_dma source(%arg10 : memref<32x128xf32, #tpu.memory_space<vmem>>) target(%dma_start3A_174 : memref<10240x128xf32, #tpu.memory_space<vmem_shared>>) offsets(%dma_start3A_171 : memref<32xi32, #tpu.memory_space<vmem>>) semaphore(%run_scoped3A : memref<!tpu.dma_semaphore, #tpu.memory_space<semaphore_mem>>) {add = true}
          %dma_wait3A_175 = arith.constant 0 : i32
          %dma_wait3A_176 = tpu.memref_slice %arg7[%add3A_138, %dma_wait3A_175] : memref<40x32xi32, #tpu.memory_space<vmem>> -> memref<1x32xi32, #tpu.memory_space<vmem>>
          %dma_wait3A_177 = tpu.memref_squeeze %dma_wait3A_176 : memref<1x32xi32, #tpu.memory_space<vmem>> -> memref<32xi32, #tpu.memory_space<vmem>>
          %dma_wait3A_178 = arith.constant 0 : i32
          %dma_wait3A_179 = arith.constant 0 : i32
          %dma_wait3A_180 = tpu.memref_slice %arg12[%dma_wait3A_178, %dma_wait3A_179] : memref<10240x128xf32, #tpu.memory_space<vmem_shared>> -> memref<10240x128xf32, #tpu.memory_space<vmem_shared>>
          tpu.wait_indirect_dma semaphore(%run_scoped3A : memref<!tpu.dma_semaphore, #tpu.memory_space<semaphore_mem>>) src(%arg10 : memref<32x128xf32, #tpu.memory_space<vmem>>) dst(%dma_wait3A_180 : memref<10240x128xf32, #tpu.memory_space<vmem_shared>>)
          tpu.yield
        }) : () -> ()
        %add3A_145 = arith.constant 4 : i32
        %add3A_146 = arith.addi %add3A_138, %add3A_145 : i32
        %lt3A_147 = arith.constant 40 : i32
        %lt3A_148 = arith.cmpi slt, %add3A_146, %lt3A_147 : i32
        %convert_element_type3A_149 = arith.extui %lt3A_148 : i1 to i32
        %cond3A_150 = arith.constant 0 : i32
        %cond3A_151 = arith.cmpi ne, %convert_element_type3A_149, %cond3A_150 : i32
        scf.if %cond3A_151 {
          %add3A_169 = arith.constant 4 : i32
          %add3A_170 = arith.addi %add3A_138, %add3A_169 : i32
          %dma_start3A_171 = arith.constant 0 : i32
          %dma_start3A_172 = tpu.memref_slice %arg6[%add3A_170, %dma_start3A_171] : memref<40x32xi32, #tpu.memory_space<vmem>> -> memref<1x32xi32, #tpu.memory_space<vmem>>
          %dma_start3A_173 = tpu.memref_squeeze %dma_start3A_172 : memref<1x32xi32, #tpu.memory_space<vmem>> -> memref<32xi32, #tpu.memory_space<vmem>>
          %dma_start3A_174 = arith.constant 0 : i32
          %dma_start3A_175 = arith.constant 0 : i32
          %dma_start3A_176 = tpu.memref_slice %arg2[%dma_start3A_174, %dma_start3A_175] : memref<10240x128xf32, #tpu.memory_space<hbm>> -> memref<10240x128xf32, #tpu.memory_space<hbm>>
          tpu.enqueue_indirect_dma source(%dma_start3A_176 : memref<10240x128xf32, #tpu.memory_space<hbm>>) target(%arg10 : memref<32x128xf32, #tpu.memory_space<vmem>>) offsets(%dma_start3A_173 : memref<32xi32, #tpu.memory_space<vmem>>) semaphore(%arg15 : memref<!tpu.dma_semaphore, #tpu.memory_space<semaphore_mem>>)
        } else {
        }
        %mul3A_152 = arith.constant 4 : i32
        %mul3A_153 = arith.muli %add3A_102, %mul3A_152 : i32
        %add3A_154 = arith.constant 3 : i32
        %add3A_155 = arith.addi %mul3A_153, %add3A_154 : i32
        %dma_wait3A_156 = arith.constant 0 : i32
        %dma_wait3A_157 = tpu.memref_slice %arg6[%add3A_155, %dma_wait3A_156] : memref<40x32xi32, #tpu.memory_space<vmem>> -> memref<1x32xi32, #tpu.memory_space<vmem>>
        %dma_wait3A_158 = tpu.memref_squeeze %dma_wait3A_157 : memref<1x32xi32, #tpu.memory_space<vmem>> -> memref<32xi32, #tpu.memory_space<vmem>>
        %dma_wait3A_159 = arith.constant 0 : i32
        %dma_wait3A_160 = arith.constant 0 : i32
        %dma_wait3A_161 = tpu.memref_slice %arg2[%dma_wait3A_159, %dma_wait3A_160] : memref<10240x128xf32, #tpu.memory_space<hbm>> -> memref<10240x128xf32, #tpu.memory_space<hbm>>
        tpu.wait_indirect_dma semaphore(%arg16 : memref<!tpu.dma_semaphore, #tpu.memory_space<semaphore_mem>>) src(%dma_wait3A_161 : memref<10240x128xf32, #tpu.memory_space<hbm>>) dst(%arg11 : memref<32x128xf32, #tpu.memory_space<vmem>>)
        "tpu.region"() ({
          %run_scoped3A = tpu.sem_alloc : memref<!tpu.dma_semaphore, #tpu.memory_space<semaphore_mem>>
          %dma_start3A_169 = arith.constant 0 : i32
          %dma_start3A_170 = tpu.memref_slice %arg7[%add3A_155, %dma_start3A_169] : memref<40x32xi32, #tpu.memory_space<vmem>> -> memref<1x32xi32, #tpu.memory_space<vmem>>
          %dma_start3A_171 = tpu.memref_squeeze %dma_start3A_170 : memref<1x32xi32, #tpu.memory_space<vmem>> -> memref<32xi32, #tpu.memory_space<vmem>>
          %dma_start3A_172 = arith.constant 0 : i32
          %dma_start3A_173 = arith.constant 0 : i32
          %dma_start3A_174 = tpu.memref_slice %arg12[%dma_start3A_172, %dma_start3A_173] : memref<10240x128xf32, #tpu.memory_space<vmem_shared>> -> memref<10240x128xf32, #tpu.memory_space<vmem_shared>>
          tpu.enqueue_indirect_dma source(%arg11 : memref<32x128xf32, #tpu.memory_space<vmem>>) target(%dma_start3A_174 : memref<10240x128xf32, #tpu.memory_space<vmem_shared>>) offsets(%dma_start3A_171 : memref<32xi32, #tpu.memory_space<vmem>>) semaphore(%run_scoped3A : memref<!tpu.dma_semaphore, #tpu.memory_space<semaphore_mem>>) {add = true}
          %dma_wait3A_175 = arith.constant 0 : i32
          %dma_wait3A_176 = tpu.memref_slice %arg7[%add3A_155, %dma_wait3A_175] : memref<40x32xi32, #tpu.memory_space<vmem>> -> memref<1x32xi32, #tpu.memory_space<vmem>>
          %dma_wait3A_177 = tpu.memref_squeeze %dma_wait3A_176 : memref<1x32xi32, #tpu.memory_space<vmem>> -> memref<32xi32, #tpu.memory_space<vmem>>
          %dma_wait3A_178 = arith.constant 0 : i32
          %dma_wait3A_179 = arith.constant 0 : i32
          %dma_wait3A_180 = tpu.memref_slice %arg12[%dma_wait3A_178, %dma_wait3A_179] : memref<10240x128xf32, #tpu.memory_space<vmem_shared>> -> memref<10240x128xf32, #tpu.memory_space<vmem_shared>>
          tpu.wait_indirect_dma semaphore(%run_scoped3A : memref<!tpu.dma_semaphore, #tpu.memory_space<semaphore_mem>>) src(%arg11 : memref<32x128xf32, #tpu.memory_space<vmem>>) dst(%dma_wait3A_180 : memref<10240x128xf32, #tpu.memory_space<vmem_shared>>)
          tpu.yield
        }) : () -> ()
        %add3A_162 = arith.constant 4 : i32
        %add3A_163 = arith.addi %add3A_155, %add3A_162 : i32
        %lt3A_164 = arith.constant 40 : i32
        %lt3A_165 = arith.cmpi slt, %add3A_163, %lt3A_164 : i32
        %convert_element_type3A_166 = arith.extui %lt3A_165 : i1 to i32
        %cond3A_167 = arith.constant 0 : i32
        %cond3A_168 = arith.cmpi ne, %convert_element_type3A_166, %cond3A_167 : i32
        scf.if %cond3A_168 {
          %add3A_169 = arith.constant 4 : i32
          %add3A_170 = arith.addi %add3A_155, %add3A_169 : i32
          %dma_start3A_171 = arith.constant 0 : i32
          %dma_start3A_172 = tpu.memref_slice %arg6[%add3A_170, %dma_start3A_171] : memref<40x32xi32, #tpu.memory_space<vmem>> -> memref<1x32xi32, #tpu.memory_space<vmem>>
          %dma_start3A_173 = tpu.memref_squeeze %dma_start3A_172 : memref<1x32xi32, #tpu.memory_space<vmem>> -> memref<32xi32, #tpu.memory_space<vmem>>
          %dma_start3A_174 = arith.constant 0 : i32
          %dma_start3A_175 = arith.constant 0 : i32
          %dma_start3A_176 = tpu.memref_slice %arg2[%dma_start3A_174, %dma_start3A_175] : memref<10240x128xf32, #tpu.memory_space<hbm>> -> memref<10240x128xf32, #tpu.memory_space<hbm>>
          tpu.enqueue_indirect_dma source(%dma_start3A_176 : memref<10240x128xf32, #tpu.memory_space<hbm>>) target(%arg11 : memref<32x128xf32, #tpu.memory_space<vmem>>) offsets(%dma_start3A_173 : memref<32xi32, #tpu.memory_space<vmem>>) semaphore(%arg16 : memref<!tpu.dma_semaphore, #tpu.memory_space<semaphore_mem>>)
        } else {
        }
      }
      %scan3A_97 = arith.constant 10 : i32
    }
    %scan3A_81 = arith.constant 8 : i32
    %barrier3A_82 = arith.constant 0 : index
    tpu.barrier barrier_id(%barrier3A_82)
    "tpu.region"() ({
      %run_scoped3A = tpu.sem_alloc : memref<!tpu.dma_semaphore, #tpu.memory_space<semaphore_mem>>
      %dma_start3A_83 = arith.constant 0 : i32
      %dma_start3A_84 = tpu.memref_slice %arg5[%arg0, %mul3A_29, %dma_start3A_83] : memref<2x10240x128xf32, #tpu.memory_space<hbm>> -> memref<1x640x128xf32, #tpu.memory_space<hbm>>
      %dma_start3A_85 = tpu.memref_squeeze %dma_start3A_84 : memref<1x640x128xf32, #tpu.memory_space<hbm>> -> memref<640x128xf32, #tpu.memory_space<hbm>>
      %dma_start3A_86 = arith.constant 0 : i32
      %dma_start3A_87 = tpu.memref_slice %arg12[%mul3A_29, %dma_start3A_86] : memref<10240x128xf32, #tpu.memory_space<vmem_shared>> -> memref<640x128xf32, #tpu.memory_space<vmem_shared>>
      tpu.enqueue_dma source(%dma_start3A_87 : memref<640x128xf32, #tpu.memory_space<vmem_shared>>) target(%dma_start3A_85 : memref<640x128xf32, #tpu.memory_space<hbm>>) target_semaphore(%run_scoped3A : memref<!tpu.dma_semaphore, #tpu.memory_space<semaphore_mem>>)
      %dma_wait3A = arith.constant 0 : i32
      %dma_wait3A_88 = tpu.memref_slice %arg5[%arg0, %mul3A_29, %dma_wait3A] : memref<2x10240x128xf32, #tpu.memory_space<hbm>> -> memref<1x640x128xf32, #tpu.memory_space<hbm>>
      %dma_wait3A_89 = tpu.memref_squeeze %dma_wait3A_88 : memref<1x640x128xf32, #tpu.memory_space<hbm>> -> memref<640x128xf32, #tpu.memory_space<hbm>>
      %dma_wait3A_90 = arith.constant 0 : i32
      %dma_wait3A_91 = tpu.memref_slice %arg12[%mul3A_29, %dma_wait3A_90] : memref<10240x128xf32, #tpu.memory_space<vmem_shared>> -> memref<640x128xf32, #tpu.memory_space<vmem_shared>>
      tpu.wait_dma2 semaphore(%run_scoped3A : memref<!tpu.dma_semaphore, #tpu.memory_space<semaphore_mem>>) src(%dma_wait3A_91 : memref<640x128xf32, #tpu.memory_space<vmem_shared>>) dst(%dma_wait3A_89 : memref<640x128xf32, #tpu.memory_space<hbm>>)
      tpu.yield
    }) : () -> ()
    return
  }
}

#map = affine_map<(d0, d1) -> (0, 0)>
#map1 = affine_map<(d0, d1) -> (0, 0, 0)>
module attributes {stable_mosaic.version = 14 : i64} {
  func.func @body(%arg0: i32, %arg1: i32, %arg2: memref<10240x128xf32, #tpu.memory_space<hbm>>, %arg3: memref<10240x32xi32, #tpu.memory_space<hbm>>, %arg4: memref<10240x32xi32, #tpu.memory_space<hbm>>, %arg5: memref<2x10240x128xf32, #tpu.memory_space<hbm>>, %arg6: memref<40x32xi32, #tpu.memory_space<vmem>>, %arg7: memref<40x32xi32, #tpu.memory_space<vmem>>, %arg8: memref<32x128xf32, #tpu.memory_space<vmem>>, %arg9: memref<32x128xf32, #tpu.memory_space<vmem>>, %arg10: memref<32x128xf32, #tpu.memory_space<vmem>>, %arg11: memref<32x128xf32, #tpu.memory_space<vmem>>, %arg12: memref<10240x128xf32, #tpu.memory_space<vmem_shared>>, %arg13: memref<!tpu.dma_semaphore, #tpu.memory_space<semaphore_mem>>, %arg14: memref<!tpu.dma_semaphore, #tpu.memory_space<semaphore_mem>>, %arg15: memref<!tpu.dma_semaphore, #tpu.memory_space<semaphore_mem>>, %arg16: memref<!tpu.dma_semaphore, #tpu.memory_space<semaphore_mem>>) attributes {dimension_semantics = [#tpu.dimension_semantics<core_parallel>, #tpu.dimension_semantics<subcore_parallel>], iteration_bounds = array<i64: 2, 16>, scalar_prefetch = 0 : i64, scratch_operands = 11 : i64, tpu.core_type = #tpu.core_type<sc_vector_subcore>, window_params = [{transform_indices = #map}, {transform_indices = #map}, {transform_indices = #map}, {transform_indices = #map1}]} {
    %mul3A = arith.constant 2 : i32
    %mul3A_0 = arith.muli %arg1, %mul3A : i32
    %add3A = arith.addi %mul3A_0, %arg0 : i32
    %broadcast_in_dim3A = arith.constant 0.000000e+00 : f32
    %broadcast_in_dim3A_1 = vector.broadcast %broadcast_in_dim3A : f32 to vector<16xf32>
    %mul3A_2 = arith.constant 320 : i32
    %mul3A_3 = arith.muli %add3A, %mul3A_2 : i32
    "tpu.region"() ({
      %run_scoped3A = tpu.sem_alloc : memref<!tpu.dma_semaphore, #tpu.memory_space<semaphore_mem>>
      %dma_start3A_83 = arith.constant 0 : i32
      %dma_start3A_84 = tpu.memref_slice %arg3[%mul3A_3, %dma_start3A_83] : memref<10240x32xi32, #tpu.memory_space<hbm>> -> memref<40x32xi32, #tpu.memory_space<hbm>>
      %dma_start3A_85 = arith.constant 0 : i32
      %dma_start3A_86 = tpu.memref_slice %arg3[%mul3A_3, %dma_start3A_85] : memref<10240x32xi32, #tpu.memory_space<hbm>> -> memref<40x32xi32, #tpu.memory_space<hbm>>
      tpu.enqueue_dma source(%dma_start3A_86 : memref<40x32xi32, #tpu.memory_space<hbm>>) target(%arg6 : memref<40x32xi32, #tpu.memory_space<vmem>>) target_semaphore(%run_scoped3A : memref<!tpu.dma_semaphore, #tpu.memory_space<semaphore_mem>>)
      %dma_wait3A = arith.constant 0 : i32
      %dma_wait3A_87 = tpu.memref_slice %arg3[%mul3A_3, %dma_wait3A] : memref<10240x32xi32, #tpu.memory_space<hbm>> -> memref<40x32xi32, #tpu.memory_space<hbm>>
      %dma_wait3A_88 = arith.constant 0 : i32
      %dma_wait3A_89 = tpu.memref_slice %arg3[%mul3A_3, %dma_wait3A_88] : memref<10240x32xi32, #tpu.memory_space<hbm>> -> memref<40x32xi32, #tpu.memory_space<hbm>>
      tpu.wait_dma2 semaphore(%run_scoped3A : memref<!tpu.dma_semaphore, #tpu.memory_space<semaphore_mem>>) src(%dma_wait3A_89 : memref<40x32xi32, #tpu.memory_space<hbm>>) dst(%arg6 : memref<40x32xi32, #tpu.memory_space<vmem>>)
      tpu.yield
    }) : () -> ()
    "tpu.region"() ({
      %run_scoped3A = tpu.sem_alloc : memref<!tpu.dma_semaphore, #tpu.memory_space<semaphore_mem>>
      %dma_start3A_83 = arith.constant 0 : i32
      %dma_start3A_84 = tpu.memref_slice %arg4[%mul3A_3, %dma_start3A_83] : memref<10240x32xi32, #tpu.memory_space<hbm>> -> memref<40x32xi32, #tpu.memory_space<hbm>>
      %dma_start3A_85 = arith.constant 0 : i32
      %dma_start3A_86 = tpu.memref_slice %arg4[%mul3A_3, %dma_start3A_85] : memref<10240x32xi32, #tpu.memory_space<hbm>> -> memref<40x32xi32, #tpu.memory_space<hbm>>
      tpu.enqueue_dma source(%dma_start3A_86 : memref<40x32xi32, #tpu.memory_space<hbm>>) target(%arg7 : memref<40x32xi32, #tpu.memory_space<vmem>>) target_semaphore(%run_scoped3A : memref<!tpu.dma_semaphore, #tpu.memory_space<semaphore_mem>>)
      %dma_wait3A = arith.constant 0 : i32
      %dma_wait3A_87 = tpu.memref_slice %arg4[%mul3A_3, %dma_wait3A] : memref<10240x32xi32, #tpu.memory_space<hbm>> -> memref<40x32xi32, #tpu.memory_space<hbm>>
      %dma_wait3A_88 = arith.constant 0 : i32
      %dma_wait3A_89 = tpu.memref_slice %arg4[%mul3A_3, %dma_wait3A_88] : memref<10240x32xi32, #tpu.memory_space<hbm>> -> memref<40x32xi32, #tpu.memory_space<hbm>>
      tpu.wait_dma2 semaphore(%run_scoped3A : memref<!tpu.dma_semaphore, #tpu.memory_space<semaphore_mem>>) src(%dma_wait3A_89 : memref<40x32xi32, #tpu.memory_space<hbm>>) dst(%arg7 : memref<40x32xi32, #tpu.memory_space<vmem>>)
      tpu.yield
    }) : () -> ()
    %dma_start3A = arith.constant 1 : i32
    %dma_start3A_4 = arith.constant 0 : i32
    %dma_start3A_5 = tpu.memref_slice %arg6[%dma_start3A, %dma_start3A_4] : memref<40x32xi32, #tpu.memory_space<vmem>> -> memref<1x32xi32, #tpu.memory_space<vmem>>
    %dma_start3A_6 = tpu.memref_squeeze %dma_start3A_5 : memref<1x32xi32, #tpu.memory_space<vmem>> -> memref<32xi32, #tpu.memory_space<vmem>>
    %dma_start3A_7 = arith.constant 0 : i32
    %dma_start3A_8 = arith.constant 0 : i32
    %dma_start3A_9 = tpu.memref_slice %arg2[%dma_start3A_7, %dma_start3A_8] : memref<10240x128xf32, #tpu.memory_space<hbm>> -> memref<10240x128xf32, #tpu.memory_space<hbm>>
    tpu.enqueue_indirect_dma source(%dma_start3A_9 : memref<10240x128xf32, #tpu.memory_space<hbm>>) target(%arg9 : memref<32x128xf32, #tpu.memory_space<vmem>>) offsets(%dma_start3A_6 : memref<32xi32, #tpu.memory_space<vmem>>) semaphore(%arg14 : memref<!tpu.dma_semaphore, #tpu.memory_space<semaphore_mem>>)
    %dma_start3A_10 = arith.constant 2 : i32
    %dma_start3A_11 = arith.constant 0 : i32
    %dma_start3A_12 = tpu.memref_slice %arg6[%dma_start3A_10, %dma_start3A_11] : memref<40x32xi32, #tpu.memory_space<vmem>> -> memref<1x32xi32, #tpu.memory_space<vmem>>
    %dma_start3A_13 = tpu.memref_squeeze %dma_start3A_12 : memref<1x32xi32, #tpu.memory_space<vmem>> -> memref<32xi32, #tpu.memory_space<vmem>>
    %dma_start3A_14 = arith.constant 0 : i32
    %dma_start3A_15 = arith.constant 0 : i32
    %dma_start3A_16 = tpu.memref_slice %arg2[%dma_start3A_14, %dma_start3A_15] : memref<10240x128xf32, #tpu.memory_space<hbm>> -> memref<10240x128xf32, #tpu.memory_space<hbm>>
    tpu.enqueue_indirect_dma source(%dma_start3A_16 : memref<10240x128xf32, #tpu.memory_space<hbm>>) target(%arg10 : memref<32x128xf32, #tpu.memory_space<vmem>>) offsets(%dma_start3A_13 : memref<32xi32, #tpu.memory_space<vmem>>) semaphore(%arg15 : memref<!tpu.dma_semaphore, #tpu.memory_space<semaphore_mem>>)
    %dma_start3A_17 = arith.constant 3 : i32
    %dma_start3A_18 = arith.constant 0 : i32
    %dma_start3A_19 = tpu.memref_slice %arg6[%dma_start3A_17, %dma_start3A_18] : memref<40x32xi32, #tpu.memory_space<vmem>> -> memref<1x32xi32, #tpu.memory_space<vmem>>
    %dma_start3A_20 = tpu.memref_squeeze %dma_start3A_19 : memref<1x32xi32, #tpu.memory_space<vmem>> -> memref<32xi32, #tpu.memory_space<vmem>>
    %dma_start3A_21 = arith.constant 0 : i32
    %dma_start3A_22 = arith.constant 0 : i32
    %dma_start3A_23 = tpu.memref_slice %arg2[%dma_start3A_21, %dma_start3A_22] : memref<10240x128xf32, #tpu.memory_space<hbm>> -> memref<10240x128xf32, #tpu.memory_space<hbm>>
    tpu.enqueue_indirect_dma source(%dma_start3A_23 : memref<10240x128xf32, #tpu.memory_space<hbm>>) target(%arg11 : memref<32x128xf32, #tpu.memory_space<vmem>>) offsets(%dma_start3A_20 : memref<32xi32, #tpu.memory_space<vmem>>) semaphore(%arg16 : memref<!tpu.dma_semaphore, #tpu.memory_space<semaphore_mem>>)
    %scan3A = arith.constant 0 : i32
    %scan3A_24 = arith.constant 32 : i32
    %scan3A_25 = arith.addi %scan3A, %scan3A_24 : i32
    %scan3A_26 = arith.constant 1 : i32
    scf.for %scan3A_83 = %scan3A to %scan3A_25 step %scan3A_26  : i32 {
      %mul3A_84 = arith.constant 1 : i32
      %mul3A_85 = arith.muli %scan3A_83, %mul3A_84 : i32
      %add3A_86 = arith.constant 0 : i32
      %add3A_87 = arith.addi %add3A_86, %mul3A_85 : i32
      %swap3A = arith.index_cast %add3A_87 : i32 to index
      %swap3A_88 = arith.constant 0 : index
      %swap3A_89 = tpu.vector_load %arg8[%swap3A, %swap3A_88] {strides = array<i32>} : memref<32x128xf32, #tpu.memory_space<vmem>>, vector<1x16xf32>,
      %swap3A_90 = vector.shape_cast %swap3A_89 : vector<1x16xf32> to vector<16xf32>
      %swap3A_91 = vector.shape_cast %broadcast_in_dim3A_1 : vector<16xf32> to vector<1x16xf32>
      tpu.vector_store %arg8[%swap3A, %swap3A_88], %swap3A_91 {strides = array<i32>} : memref<32x128xf32, #tpu.memory_space<vmem>>, vector<1x16xf32>,
      %swap3A_92 = arith.index_cast %add3A_87 : i32 to index
      %swap3A_93 = arith.constant 16 : index
      %swap3A_94 = tpu.vector_load %arg8[%swap3A_92, %swap3A_93] {strides = array<i32>} : memref<32x128xf32, #tpu.memory_space<vmem>>, vector<1x16xf32>,
      %swap3A_95 = vector.shape_cast %swap3A_94 : vector<1x16xf32> to vector<16xf32>
      %swap3A_96 = vector.shape_cast %broadcast_in_dim3A_1 : vector<16xf32> to vector<1x16xf32>
      tpu.vector_store %arg8[%swap3A_92, %swap3A_93], %swap3A_96 {strides = array<i32>} : memref<32x128xf32, #tpu.memory_space<vmem>>, vector<1x16xf32>,
      %swap3A_97 = arith.index_cast %add3A_87 : i32 to index
      %swap3A_98 = arith.constant 32 : index
      %swap3A_99 = tpu.vector_load %arg8[%swap3A_97, %swap3A_98] {strides = array<i32>} : memref<32x128xf32, #tpu.memory_space<vmem>>, vector<1x16xf32>,
      %swap3A_100 = vector.shape_cast %swap3A_99 : vector<1x16xf32> to vector<16xf32>
      %swap3A_101 = vector.shape_cast %broadcast_in_dim3A_1 : vector<16xf32> to vector<1x16xf32>
      tpu.vector_store %arg8[%swap3A_97, %swap3A_98], %swap3A_101 {strides = array<i32>} : memref<32x128xf32, #tpu.memory_space<vmem>>, vector<1x16xf32>,
      %swap3A_102 = arith.index_cast %add3A_87 : i32 to index
      %swap3A_103 = arith.constant 48 : index
      %swap3A_104 = tpu.vector_load %arg8[%swap3A_102, %swap3A_103] {strides = array<i32>} : memref<32x128xf32, #tpu.memory_space<vmem>>, vector<1x16xf32>,
      %swap3A_105 = vector.shape_cast %swap3A_104 : vector<1x16xf32> to vector<16xf32>
      %swap3A_106 = vector.shape_cast %broadcast_in_dim3A_1 : vector<16xf32> to vector<1x16xf32>
      tpu.vector_store %arg8[%swap3A_102, %swap3A_103], %swap3A_106 {strides = array<i32>} : memref<32x128xf32, #tpu.memory_space<vmem>>, vector<1x16xf32>,
      %swap3A_107 = arith.index_cast %add3A_87 : i32 to index
      %swap3A_108 = arith.constant 64 : index
      %swap3A_109 = tpu.vector_load %arg8[%swap3A_107, %swap3A_108] {strides = array<i32>} : memref<32x128xf32, #tpu.memory_space<vmem>>, vector<1x16xf32>,
      %swap3A_110 = vector.shape_cast %swap3A_109 : vector<1x16xf32> to vector<16xf32>
      %swap3A_111 = vector.shape_cast %broadcast_in_dim3A_1 : vector<16xf32> to vector<1x16xf32>
      tpu.vector_store %arg8[%swap3A_107, %swap3A_108], %swap3A_111 {strides = array<i32>} : memref<32x128xf32, #tpu.memory_space<vmem>>, vector<1x16xf32>,
      %swap3A_112 = arith.index_cast %add3A_87 : i32 to index
      %swap3A_113 = arith.constant 80 : index
      %swap3A_114 = tpu.vector_load %arg8[%swap3A_112, %swap3A_113] {strides = array<i32>} : memref<32x128xf32, #tpu.memory_space<vmem>>, vector<1x16xf32>,
      %swap3A_115 = vector.shape_cast %swap3A_114 : vector<1x16xf32> to vector<16xf32>
      %swap3A_116 = vector.shape_cast %broadcast_in_dim3A_1 : vector<16xf32> to vector<1x16xf32>
      tpu.vector_store %arg8[%swap3A_112, %swap3A_113], %swap3A_116 {strides = array<i32>} : memref<32x128xf32, #tpu.memory_space<vmem>>, vector<1x16xf32>,
      %swap3A_117 = arith.index_cast %add3A_87 : i32 to index
      %swap3A_118 = arith.constant 96 : index
      %swap3A_119 = tpu.vector_load %arg8[%swap3A_117, %swap3A_118] {strides = array<i32>} : memref<32x128xf32, #tpu.memory_space<vmem>>, vector<1x16xf32>,
      %swap3A_120 = vector.shape_cast %swap3A_119 : vector<1x16xf32> to vector<16xf32>
      %swap3A_121 = vector.shape_cast %broadcast_in_dim3A_1 : vector<16xf32> to vector<1x16xf32>
      tpu.vector_store %arg8[%swap3A_117, %swap3A_118], %swap3A_121 {strides = array<i32>} : memref<32x128xf32, #tpu.memory_space<vmem>>, vector<1x16xf32>,
      %swap3A_122 = arith.index_cast %add3A_87 : i32 to index
      %swap3A_123 = arith.constant 112 : index
      %swap3A_124 = tpu.vector_load %arg8[%swap3A_122, %swap3A_123] {strides = array<i32>} : memref<32x128xf32, #tpu.memory_space<vmem>>, vector<1x16xf32>,
      %swap3A_125 = vector.shape_cast %swap3A_124 : vector<1x16xf32> to vector<16xf32>
      %swap3A_126 = vector.shape_cast %broadcast_in_dim3A_1 : vector<16xf32> to vector<1x16xf32>
      tpu.vector_store %arg8[%swap3A_122, %swap3A_123], %swap3A_126 {strides = array<i32>} : memref<32x128xf32, #tpu.memory_space<vmem>>, vector<1x16xf32>,
    }
    %scan3A_27 = arith.constant 32 : i32
    %mul3A_28 = arith.constant 640 : i32
    %mul3A_29 = arith.muli %arg1, %mul3A_28 : i32
    %add3A_30 = arith.constant 0 : i32
    %add3A_31 = arith.addi %mul3A_29, %add3A_30 : i32
    "tpu.region"() ({
      %run_scoped3A = tpu.sem_alloc : memref<!tpu.dma_semaphore, #tpu.memory_space<semaphore_mem>>
      %dma_start3A_83 = arith.constant 0 : i32
      %dma_start3A_84 = tpu.memref_slice %arg12[%add3A_31, %dma_start3A_83] : memref<10240x128xf32, #tpu.memory_space<vmem_shared>> -> memref<32x128xf32, #tpu.memory_space<vmem_shared>>
      %dma_start3A_85 = arith.constant 0 : i32
      %dma_start3A_86 = tpu.memref_slice %arg12[%add3A_31, %dma_start3A_85] : memref<10240x128xf32, #tpu.memory_space<vmem_shared>> -> memref<32x128xf32, #tpu.memory_space<vmem_shared>>
      tpu.enqueue_dma source(%arg8 : memref<32x128xf32, #tpu.memory_space<vmem>>) target(%dma_start3A_86 : memref<32x128xf32, #tpu.memory_space<vmem_shared>>) target_semaphore(%run_scoped3A : memref<!tpu.dma_semaphore, #tpu.memory_space<semaphore_mem>>)
      %dma_wait3A = arith.constant 0 : i32
      %dma_wait3A_87 = tpu.memref_slice %arg12[%add3A_31, %dma_wait3A] : memref<10240x128xf32, #tpu.memory_space<vmem_shared>> -> memref<32x128xf32, #tpu.memory_space<vmem_shared>>
      %dma_wait3A_88 = arith.constant 0 : i32
      %dma_wait3A_89 = tpu.memref_slice %arg12[%add3A_31, %dma_wait3A_88] : memref<10240x128xf32, #tpu.memory_space<vmem_shared>> -> memref<32x128xf32, #tpu.memory_space<vmem_shared>>
      tpu.wait_dma2 semaphore(%run_scoped3A : memref<!tpu.dma_semaphore, #tpu.memory_space<semaphore_mem>>) src(%arg8 : memref<32x128xf32, #tpu.memory_space<vmem>>) dst(%dma_wait3A_89 : memref<32x128xf32, #tpu.memory_space<vmem_shared>>)
      tpu.yield
    }) : () -> ()
    %add3A_32 = arith.constant 32 : i32
    %add3A_33 = arith.addi %mul3A_29, %add3A_32 : i32
    "tpu.region"() ({
      %run_scoped3A = tpu.sem_alloc : memref<!tpu.dma_semaphore, #tpu.memory_space<semaphore_mem>>
      %dma_start3A_83 = arith.constant 0 : i32
      %dma_start3A_84 = tpu.memref_slice %arg12[%add3A_33, %dma_start3A_83] : memref<10240x128xf32, #tpu.memory_space<vmem_shared>> -> memref<32x128xf32, #tpu.memory_space<vmem_shared>>
      %dma_start3A_85 = arith.constant 0 : i32
      %dma_start3A_86 = tpu.memref_slice %arg12[%add3A_33, %dma_start3A_85] : memref<10240x128xf32, #tpu.memory_space<vmem_shared>> -> memref<32x128xf32, #tpu.memory_space<vmem_shared>>
      tpu.enqueue_dma source(%arg8 : memref<32x128xf32, #tpu.memory_space<vmem>>) target(%dma_start3A_86 : memref<32x128xf32, #tpu.memory_space<vmem_shared>>) target_semaphore(%run_scoped3A : memref<!tpu.dma_semaphore, #tpu.memory_space<semaphore_mem>>)
      %dma_wait3A = arith.constant 0 : i32
      %dma_wait3A_87 = tpu.memref_slice %arg12[%add3A_33, %dma_wait3A] : memref<10240x128xf32, #tpu.memory_space<vmem_shared>> -> memref<32x128xf32, #tpu.memory_space<vmem_shared>>
      %dma_wait3A_88 = arith.constant 0 : i32
      %dma_wait3A_89 = tpu.memref_slice %arg12[%add3A_33, %dma_wait3A_88] : memref<10240x128xf32, #tpu.memory_space<vmem_shared>> -> memref<32x128xf32, #tpu.memory_space<vmem_shared>>
      tpu.wait_dma2 semaphore(%run_scoped3A : memref<!tpu.dma_semaphore, #tpu.memory_space<semaphore_mem>>) src(%arg8 : memref<32x128xf32, #tpu.memory_space<vmem>>) dst(%dma_wait3A_89 : memref<32x128xf32, #tpu.memory_space<vmem_shared>>)
      tpu.yield
    }) : () -> ()
    %add3A_34 = arith.constant 64 : i32
    %add3A_35 = arith.addi %mul3A_29, %add3A_34 : i32
    "tpu.region"() ({
      %run_scoped3A = tpu.sem_alloc : memref<!tpu.dma_semaphore, #tpu.memory_space<semaphore_mem>>
      %dma_start3A_83 = arith.constant 0 : i32
      %dma_start3A_84 = tpu.memref_slice %arg12[%add3A_35, %dma_start3A_83] : memref<10240x128xf32, #tpu.memory_space<vmem_shared>> -> memref<32x128xf32, #tpu.memory_space<vmem_shared>>
      %dma_start3A_85 = arith.constant 0 : i32
      %dma_start3A_86 = tpu.memref_slice %arg12[%add3A_35, %dma_start3A_85] : memref<10240x128xf32, #tpu.memory_space<vmem_shared>> -> memref<32x128xf32, #tpu.memory_space<vmem_shared>>
      tpu.enqueue_dma source(%arg8 : memref<32x128xf32, #tpu.memory_space<vmem>>) target(%dma_start3A_86 : memref<32x128xf32, #tpu.memory_space<vmem_shared>>) target_semaphore(%run_scoped3A : memref<!tpu.dma_semaphore, #tpu.memory_space<semaphore_mem>>)
      %dma_wait3A = arith.constant 0 : i32
      %dma_wait3A_87 = tpu.memref_slice %arg12[%add3A_35, %dma_wait3A] : memref<10240x128xf32, #tpu.memory_space<vmem_shared>> -> memref<32x128xf32, #tpu.memory_space<vmem_shared>>
      %dma_wait3A_88 = arith.constant 0 : i32
      %dma_wait3A_89 = tpu.memref_slice %arg12[%add3A_35, %dma_wait3A_88] : memref<10240x128xf32, #tpu.memory_space<vmem_shared>> -> memref<32x128xf32, #tpu.memory_space<vmem_shared>>
      tpu.wait_dma2 semaphore(%run_scoped3A : memref<!tpu.dma_semaphore, #tpu.memory_space<semaphore_mem>>) src(%arg8 : memref<32x128xf32, #tpu.memory_space<vmem>>) dst(%dma_wait3A_89 : memref<32x128xf32, #tpu.memory_space<vmem_shared>>)
      tpu.yield
    }) : () -> ()
    %add3A_36 = arith.constant 96 : i32
    %add3A_37 = arith.addi %mul3A_29, %add3A_36 : i32
    "tpu.region"() ({
      %run_scoped3A = tpu.sem_alloc : memref<!tpu.dma_semaphore, #tpu.memory_space<semaphore_mem>>
      %dma_start3A_83 = arith.constant 0 : i32
      %dma_start3A_84 = tpu.memref_slice %arg12[%add3A_37, %dma_start3A_83] : memref<10240x128xf32, #tpu.memory_space<vmem_shared>> -> memref<32x128xf32, #tpu.memory_space<vmem_shared>>
      %dma_start3A_85 = arith.constant 0 : i32
      %dma_start3A_86 = tpu.memref_slice %arg12[%add3A_37, %dma_start3A_85] : memref<10240x128xf32, #tpu.memory_space<vmem_shared>> -> memref<32x128xf32, #tpu.memory_space<vmem_shared>>
      tpu.enqueue_dma source(%arg8 : memref<32x128xf32, #tpu.memory_space<vmem>>) target(%dma_start3A_86 : memref<32x128xf32, #tpu.memory_space<vmem_shared>>) target_semaphore(%run_scoped3A : memref<!tpu.dma_semaphore, #tpu.memory_space<semaphore_mem>>)
      %dma_wait3A = arith.constant 0 : i32
      %dma_wait3A_87 = tpu.memref_slice %arg12[%add3A_37, %dma_wait3A] : memref<10240x128xf32, #tpu.memory_space<vmem_shared>> -> memref<32x128xf32, #tpu.memory_space<vmem_shared>>
      %dma_wait3A_88 = arith.constant 0 : i32
      %dma_wait3A_89 = tpu.memref_slice %arg12[%add3A_37, %dma_wait3A_88] : memref<10240x128xf32, #tpu.memory_space<vmem_shared>> -> memref<32x128xf32, #tpu.memory_space<vmem_shared>>
      tpu.wait_dma2 semaphore(%run_scoped3A : memref<!tpu.dma_semaphore, #tpu.memory_space<semaphore_mem>>) src(%arg8 : memref<32x128xf32, #tpu.memory_space<vmem>>) dst(%dma_wait3A_89 : memref<32x128xf32, #tpu.memory_space<vmem_shared>>)
      tpu.yield
    }) : () -> ()
    %add3A_38 = arith.constant 128 : i32
    %add3A_39 = arith.addi %mul3A_29, %add3A_38 : i32
    "tpu.region"() ({
      %run_scoped3A = tpu.sem_alloc : memref<!tpu.dma_semaphore, #tpu.memory_space<semaphore_mem>>
      %dma_start3A_83 = arith.constant 0 : i32
      %dma_start3A_84 = tpu.memref_slice %arg12[%add3A_39, %dma_start3A_83] : memref<10240x128xf32, #tpu.memory_space<vmem_shared>> -> memref<32x128xf32, #tpu.memory_space<vmem_shared>>
      %dma_start3A_85 = arith.constant 0 : i32
      %dma_start3A_86 = tpu.memref_slice %arg12[%add3A_39, %dma_start3A_85] : memref<10240x128xf32, #tpu.memory_space<vmem_shared>> -> memref<32x128xf32, #tpu.memory_space<vmem_shared>>
      tpu.enqueue_dma source(%arg8 : memref<32x128xf32, #tpu.memory_space<vmem>>) target(%dma_start3A_86 : memref<32x128xf32, #tpu.memory_space<vmem_shared>>) target_semaphore(%run_scoped3A : memref<!tpu.dma_semaphore, #tpu.memory_space<semaphore_mem>>)
      %dma_wait3A = arith.constant 0 : i32
      %dma_wait3A_87 = tpu.memref_slice %arg12[%add3A_39, %dma_wait3A] : memref<10240x128xf32, #tpu.memory_space<vmem_shared>> -> memref<32x128xf32, #tpu.memory_space<vmem_shared>>
      %dma_wait3A_88 = arith.constant 0 : i32
      %dma_wait3A_89 = tpu.memref_slice %arg12[%add3A_39, %dma_wait3A_88] : memref<10240x128xf32, #tpu.memory_space<vmem_shared>> -> memref<32x128xf32, #tpu.memory_space<vmem_shared>>
      tpu.wait_dma2 semaphore(%run_scoped3A : memref<!tpu.dma_semaphore, #tpu.memory_space<semaphore_mem>>) src(%arg8 : memref<32x128xf32, #tpu.memory_space<vmem>>) dst(%dma_wait3A_89 : memref<32x128xf32, #tpu.memory_space<vmem_shared>>)
      tpu.yield
    }) : () -> ()
    %add3A_40 = arith.constant 160 : i32
    %add3A_41 = arith.addi %mul3A_29, %add3A_40 : i32
    "tpu.region"() ({
      %run_scoped3A = tpu.sem_alloc : memref<!tpu.dma_semaphore, #tpu.memory_space<semaphore_mem>>
      %dma_start3A_83 = arith.constant 0 : i32
      %dma_start3A_84 = tpu.memref_slice %arg12[%add3A_41, %dma_start3A_83] : memref<10240x128xf32, #tpu.memory_space<vmem_shared>> -> memref<32x128xf32, #tpu.memory_space<vmem_shared>>
      %dma_start3A_85 = arith.constant 0 : i32
      %dma_start3A_86 = tpu.memref_slice %arg12[%add3A_41, %dma_start3A_85] : memref<10240x128xf32, #tpu.memory_space<vmem_shared>> -> memref<32x128xf32, #tpu.memory_space<vmem_shared>>
      tpu.enqueue_dma source(%arg8 : memref<32x128xf32, #tpu.memory_space<vmem>>) target(%dma_start3A_86 : memref<32x128xf32, #tpu.memory_space<vmem_shared>>) target_semaphore(%run_scoped3A : memref<!tpu.dma_semaphore, #tpu.memory_space<semaphore_mem>>)
      %dma_wait3A = arith.constant 0 : i32
      %dma_wait3A_87 = tpu.memref_slice %arg12[%add3A_41, %dma_wait3A] : memref<10240x128xf32, #tpu.memory_space<vmem_shared>> -> memref<32x128xf32, #tpu.memory_space<vmem_shared>>
      %dma_wait3A_88 = arith.constant 0 : i32
      %dma_wait3A_89 = tpu.memref_slice %arg12[%add3A_41, %dma_wait3A_88] : memref<10240x128xf32, #tpu.memory_space<vmem_shared>> -> memref<32x128xf32, #tpu.memory_space<vmem_shared>>
      tpu.wait_dma2 semaphore(%run_scoped3A : memref<!tpu.dma_semaphore, #tpu.memory_space<semaphore_mem>>) src(%arg8 : memref<32x128xf32, #tpu.memory_space<vmem>>) dst(%dma_wait3A_89 : memref<32x128xf32, #tpu.memory_space<vmem_shared>>)
      tpu.yield
    }) : () -> ()
    %add3A_42 = arith.constant 192 : i32
    %add3A_43 = arith.addi %mul3A_29, %add3A_42 : i32
    "tpu.region"() ({
      %run_scoped3A = tpu.sem_alloc : memref<!tpu.dma_semaphore, #tpu.memory_space<semaphore_mem>>
      %dma_start3A_83 = arith.constant 0 : i32
      %dma_start3A_84 = tpu.memref_slice %arg12[%add3A_43, %dma_start3A_83] : memref<10240x128xf32, #tpu.memory_space<vmem_shared>> -> memref<32x128xf32, #tpu.memory_space<vmem_shared>>
      %dma_start3A_85 = arith.constant 0 : i32
      %dma_start3A_86 = tpu.memref_slice %arg12[%add3A_43, %dma_start3A_85] : memref<10240x128xf32, #tpu.memory_space<vmem_shared>> -> memref<32x128xf32, #tpu.memory_space<vmem_shared>>
      tpu.enqueue_dma source(%arg8 : memref<32x128xf32, #tpu.memory_space<vmem>>) target(%dma_start3A_86 : memref<32x128xf32, #tpu.memory_space<vmem_shared>>) target_semaphore(%run_scoped3A : memref<!tpu.dma_semaphore, #tpu.memory_space<semaphore_mem>>)
      %dma_wait3A = arith.constant 0 : i32
      %dma_wait3A_87 = tpu.memref_slice %arg12[%add3A_43, %dma_wait3A] : memref<10240x128xf32, #tpu.memory_space<vmem_shared>> -> memref<32x128xf32, #tpu.memory_space<vmem_shared>>
      %dma_wait3A_88 = arith.constant 0 : i32
      %dma_wait3A_89 = tpu.memref_slice %arg12[%add3A_43, %dma_wait3A_88] : memref<10240x128xf32, #tpu.memory_space<vmem_shared>> -> memref<32x128xf32, #tpu.memory_space<vmem_shared>>
      tpu.wait_dma2 semaphore(%run_scoped3A : memref<!tpu.dma_semaphore, #tpu.memory_space<semaphore_mem>>) src(%arg8 : memref<32x128xf32, #tpu.memory_space<vmem>>) dst(%dma_wait3A_89 : memref<32x128xf32, #tpu.memory_space<vmem_shared>>)
      tpu.yield
    }) : () -> ()
    %add3A_44 = arith.constant 224 : i32
    %add3A_45 = arith.addi %mul3A_29, %add3A_44 : i32
    "tpu.region"() ({
      %run_scoped3A = tpu.sem_alloc : memref<!tpu.dma_semaphore, #tpu.memory_space<semaphore_mem>>
      %dma_start3A_83 = arith.constant 0 : i32
      %dma_start3A_84 = tpu.memref_slice %arg12[%add3A_45, %dma_start3A_83] : memref<10240x128xf32, #tpu.memory_space<vmem_shared>> -> memref<32x128xf32, #tpu.memory_space<vmem_shared>>
      %dma_start3A_85 = arith.constant 0 : i32
      %dma_start3A_86 = tpu.memref_slice %arg12[%add3A_45, %dma_start3A_85] : memref<10240x128xf32, #tpu.memory_space<vmem_shared>> -> memref<32x128xf32, #tpu.memory_space<vmem_shared>>
      tpu.enqueue_dma source(%arg8 : memref<32x128xf32, #tpu.memory_space<vmem>>) target(%dma_start3A_86 : memref<32x128xf32, #tpu.memory_space<vmem_shared>>) target_semaphore(%run_scoped3A : memref<!tpu.dma_semaphore, #tpu.memory_space<semaphore_mem>>)
      %dma_wait3A = arith.constant 0 : i32
      %dma_wait3A_87 = tpu.memref_slice %arg12[%add3A_45, %dma_wait3A] : memref<10240x128xf32, #tpu.memory_space<vmem_shared>> -> memref<32x128xf32, #tpu.memory_space<vmem_shared>>
      %dma_wait3A_88 = arith.constant 0 : i32
      %dma_wait3A_89 = tpu.memref_slice %arg12[%add3A_45, %dma_wait3A_88] : memref<10240x128xf32, #tpu.memory_space<vmem_shared>> -> memref<32x128xf32, #tpu.memory_space<vmem_shared>>
      tpu.wait_dma2 semaphore(%run_scoped3A : memref<!tpu.dma_semaphore, #tpu.memory_space<semaphore_mem>>) src(%arg8 : memref<32x128xf32, #tpu.memory_space<vmem>>) dst(%dma_wait3A_89 : memref<32x128xf32, #tpu.memory_space<vmem_shared>>)
      tpu.yield
    }) : () -> ()
    %add3A_46 = arith.constant 256 : i32
    %add3A_47 = arith.addi %mul3A_29, %add3A_46 : i32
    "tpu.region"() ({
      %run_scoped3A = tpu.sem_alloc : memref<!tpu.dma_semaphore, #tpu.memory_space<semaphore_mem>>
      %dma_start3A_83 = arith.constant 0 : i32
      %dma_start3A_84 = tpu.memref_slice %arg12[%add3A_47, %dma_start3A_83] : memref<10240x128xf32, #tpu.memory_space<vmem_shared>> -> memref<32x128xf32, #tpu.memory_space<vmem_shared>>
      %dma_start3A_85 = arith.constant 0 : i32
      %dma_start3A_86 = tpu.memref_slice %arg12[%add3A_47, %dma_start3A_85] : memref<10240x128xf32, #tpu.memory_space<vmem_shared>> -> memref<32x128xf32, #tpu.memory_space<vmem_shared>>
      tpu.enqueue_dma source(%arg8 : memref<32x128xf32, #tpu.memory_space<vmem>>) target(%dma_start3A_86 : memref<32x128xf32, #tpu.memory_space<vmem_shared>>) target_semaphore(%run_scoped3A : memref<!tpu.dma_semaphore, #tpu.memory_space<semaphore_mem>>)
      %dma_wait3A = arith.constant 0 : i32
      %dma_wait3A_87 = tpu.memref_slice %arg12[%add3A_47, %dma_wait3A] : memref<10240x128xf32, #tpu.memory_space<vmem_shared>> -> memref<32x128xf32, #tpu.memory_space<vmem_shared>>
      %dma_wait3A_88 = arith.constant 0 : i32
      %dma_wait3A_89 = tpu.memref_slice %arg12[%add3A_47, %dma_wait3A_88] : memref<10240x128xf32, #tpu.memory_space<vmem_shared>> -> memref<32x128xf32, #tpu.memory_space<vmem_shared>>
      tpu.wait_dma2 semaphore(%run_scoped3A : memref<!tpu.dma_semaphore, #tpu.memory_space<semaphore_mem>>) src(%arg8 : memref<32x128xf32, #tpu.memory_space<vmem>>) dst(%dma_wait3A_89 : memref<32x128xf32, #tpu.memory_space<vmem_shared>>)
      tpu.yield
    }) : () -> ()
    %add3A_48 = arith.constant 288 : i32
    %add3A_49 = arith.addi %mul3A_29, %add3A_48 : i32
    "tpu.region"() ({
      %run_scoped3A = tpu.sem_alloc : memref<!tpu.dma_semaphore, #tpu.memory_space<semaphore_mem>>
      %dma_start3A_83 = arith.constant 0 : i32
      %dma_start3A_84 = tpu.memref_slice %arg12[%add3A_49, %dma_start3A_83] : memref<10240x128xf32, #tpu.memory_space<vmem_shared>> -> memref<32x128xf32, #tpu.memory_space<vmem_shared>>
      %dma_start3A_85 = arith.constant 0 : i32
      %dma_start3A_86 = tpu.memref_slice %arg12[%add3A_49, %dma_start3A_85] : memref<10240x128xf32, #tpu.memory_space<vmem_shared>> -> memref<32x128xf32, #tpu.memory_space<vmem_shared>>
      tpu.enqueue_dma source(%arg8 : memref<32x128xf32, #tpu.memory_space<vmem>>) target(%dma_start3A_86 : memref<32x128xf32, #tpu.memory_space<vmem_shared>>) target_semaphore(%run_scoped3A : memref<!tpu.dma_semaphore, #tpu.memory_space<semaphore_mem>>)
      %dma_wait3A = arith.constant 0 : i32
      %dma_wait3A_87 = tpu.memref_slice %arg12[%add3A_49, %dma_wait3A] : memref<10240x128xf32, #tpu.memory_space<vmem_shared>> -> memref<32x128xf32, #tpu.memory_space<vmem_shared>>
      %dma_wait3A_88 = arith.constant 0 : i32
      %dma_wait3A_89 = tpu.memref_slice %arg12[%add3A_49, %dma_wait3A_88] : memref<10240x128xf32, #tpu.memory_space<vmem_shared>> -> memref<32x128xf32, #tpu.memory_space<vmem_shared>>
      tpu.wait_dma2 semaphore(%run_scoped3A : memref<!tpu.dma_semaphore, #tpu.memory_space<semaphore_mem>>) src(%arg8 : memref<32x128xf32, #tpu.memory_space<vmem>>) dst(%dma_wait3A_89 : memref<32x128xf32, #tpu.memory_space<vmem_shared>>)
      tpu.yield
    }) : () -> ()
    %add3A_50 = arith.constant 320 : i32
    %add3A_51 = arith.addi %mul3A_29, %add3A_50 : i32
    "tpu.region"() ({
      %run_scoped3A = tpu.sem_alloc : memref<!tpu.dma_semaphore, #tpu.memory_space<semaphore_mem>>
      %dma_start3A_83 = arith.constant 0 : i32
      %dma_start3A_84 = tpu.memref_slice %arg12[%add3A_51, %dma_start3A_83] : memref<10240x128xf32, #tpu.memory_space<vmem_shared>> -> memref<32x128xf32, #tpu.memory_space<vmem_shared>>
      %dma_start3A_85 = arith.constant 0 : i32
      %dma_start3A_86 = tpu.memref_slice %arg12[%add3A_51, %dma_start3A_85] : memref<10240x128xf32, #tpu.memory_space<vmem_shared>> -> memref<32x128xf32, #tpu.memory_space<vmem_shared>>
      tpu.enqueue_dma source(%arg8 : memref<32x128xf32, #tpu.memory_space<vmem>>) target(%dma_start3A_86 : memref<32x128xf32, #tpu.memory_space<vmem_shared>>) target_semaphore(%run_scoped3A : memref<!tpu.dma_semaphore, #tpu.memory_space<semaphore_mem>>)
      %dma_wait3A = arith.constant 0 : i32
      %dma_wait3A_87 = tpu.memref_slice %arg12[%add3A_51, %dma_wait3A] : memref<10240x128xf32, #tpu.memory_space<vmem_shared>> -> memref<32x128xf32, #tpu.memory_space<vmem_shared>>
      %dma_wait3A_88 = arith.constant 0 : i32
      %dma_wait3A_89 = tpu.memref_slice %arg12[%add3A_51, %dma_wait3A_88] : memref<10240x128xf32, #tpu.memory_space<vmem_shared>> -> memref<32x128xf32, #tpu.memory_space<vmem_shared>>
      tpu.wait_dma2 semaphore(%run_scoped3A : memref<!tpu.dma_semaphore, #tpu.memory_space<semaphore_mem>>) src(%arg8 : memref<32x128xf32, #tpu.memory_space<vmem>>) dst(%dma_wait3A_89 : memref<32x128xf32, #tpu.memory_space<vmem_shared>>)
      tpu.yield
    }) : () -> ()
    %add3A_52 = arith.constant 352 : i32
    %add3A_53 = arith.addi %mul3A_29, %add3A_52 : i32
    "tpu.region"() ({
      %run_scoped3A = tpu.sem_alloc : memref<!tpu.dma_semaphore, #tpu.memory_space<semaphore_mem>>
      %dma_start3A_83 = arith.constant 0 : i32
      %dma_start3A_84 = tpu.memref_slice %arg12[%add3A_53, %dma_start3A_83] : memref<10240x128xf32, #tpu.memory_space<vmem_shared>> -> memref<32x128xf32, #tpu.memory_space<vmem_shared>>
      %dma_start3A_85 = arith.constant 0 : i32
      %dma_start3A_86 = tpu.memref_slice %arg12[%add3A_53, %dma_start3A_85] : memref<10240x128xf32, #tpu.memory_space<vmem_shared>> -> memref<32x128xf32, #tpu.memory_space<vmem_shared>>
      tpu.enqueue_dma source(%arg8 : memref<32x128xf32, #tpu.memory_space<vmem>>) target(%dma_start3A_86 : memref<32x128xf32, #tpu.memory_space<vmem_shared>>) target_semaphore(%run_scoped3A : memref<!tpu.dma_semaphore, #tpu.memory_space<semaphore_mem>>)
      %dma_wait3A = arith.constant 0 : i32
      %dma_wait3A_87 = tpu.memref_slice %arg12[%add3A_53, %dma_wait3A] : memref<10240x128xf32, #tpu.memory_space<vmem_shared>> -> memref<32x128xf32, #tpu.memory_space<vmem_shared>>
      %dma_wait3A_88 = arith.constant 0 : i32
      %dma_wait3A_89 = tpu.memref_slice %arg12[%add3A_53, %dma_wait3A_88] : memref<10240x128xf32, #tpu.memory_space<vmem_shared>> -> memref<32x128xf32, #tpu.memory_space<vmem_shared>>
      tpu.wait_dma2 semaphore(%run_scoped3A : memref<!tpu.dma_semaphore, #tpu.memory_space<semaphore_mem>>) src(%arg8 : memref<32x128xf32, #tpu.memory_space<vmem>>) dst(%dma_wait3A_89 : memref<32x128xf32, #tpu.memory_space<vmem_shared>>)
      tpu.yield
    }) : () -> ()
    %add3A_54 = arith.constant 384 : i32
    %add3A_55 = arith.addi %mul3A_29, %add3A_54 : i32
    "tpu.region"() ({
      %run_scoped3A = tpu.sem_alloc : memref<!tpu.dma_semaphore, #tpu.memory_space<semaphore_mem>>
      %dma_start3A_83 = arith.constant 0 : i32
      %dma_start3A_84 = tpu.memref_slice %arg12[%add3A_55, %dma_start3A_83] : memref<10240x128xf32, #tpu.memory_space<vmem_shared>> -> memref<32x128xf32, #tpu.memory_space<vmem_shared>>
      %dma_start3A_85 = arith.constant 0 : i32
      %dma_start3A_86 = tpu.memref_slice %arg12[%add3A_55, %dma_start3A_85] : memref<10240x128xf32, #tpu.memory_space<vmem_shared>> -> memref<32x128xf32, #tpu.memory_space<vmem_shared>>
      tpu.enqueue_dma source(%arg8 : memref<32x128xf32, #tpu.memory_space<vmem>>) target(%dma_start3A_86 : memref<32x128xf32, #tpu.memory_space<vmem_shared>>) target_semaphore(%run_scoped3A : memref<!tpu.dma_semaphore, #tpu.memory_space<semaphore_mem>>)
      %dma_wait3A = arith.constant 0 : i32
      %dma_wait3A_87 = tpu.memref_slice %arg12[%add3A_55, %dma_wait3A] : memref<10240x128xf32, #tpu.memory_space<vmem_shared>> -> memref<32x128xf32, #tpu.memory_space<vmem_shared>>
      %dma_wait3A_88 = arith.constant 0 : i32
      %dma_wait3A_89 = tpu.memref_slice %arg12[%add3A_55, %dma_wait3A_88] : memref<10240x128xf32, #tpu.memory_space<vmem_shared>> -> memref<32x128xf32, #tpu.memory_space<vmem_shared>>
      tpu.wait_dma2 semaphore(%run_scoped3A : memref<!tpu.dma_semaphore, #tpu.memory_space<semaphore_mem>>) src(%arg8 : memref<32x128xf32, #tpu.memory_space<vmem>>) dst(%dma_wait3A_89 : memref<32x128xf32, #tpu.memory_space<vmem_shared>>)
      tpu.yield
    }) : () -> ()
    %add3A_56 = arith.constant 416 : i32
    %add3A_57 = arith.addi %mul3A_29, %add3A_56 : i32
    "tpu.region"() ({
      %run_scoped3A = tpu.sem_alloc : memref<!tpu.dma_semaphore, #tpu.memory_space<semaphore_mem>>
      %dma_start3A_83 = arith.constant 0 : i32
      %dma_start3A_84 = tpu.memref_slice %arg12[%add3A_57, %dma_start3A_83] : memref<10240x128xf32, #tpu.memory_space<vmem_shared>> -> memref<32x128xf32, #tpu.memory_space<vmem_shared>>
      %dma_start3A_85 = arith.constant 0 : i32
      %dma_start3A_86 = tpu.memref_slice %arg12[%add3A_57, %dma_start3A_85] : memref<10240x128xf32, #tpu.memory_space<vmem_shared>> -> memref<32x128xf32, #tpu.memory_space<vmem_shared>>
      tpu.enqueue_dma source(%arg8 : memref<32x128xf32, #tpu.memory_space<vmem>>) target(%dma_start3A_86 : memref<32x128xf32, #tpu.memory_space<vmem_shared>>) target_semaphore(%run_scoped3A : memref<!tpu.dma_semaphore, #tpu.memory_space<semaphore_mem>>)
      %dma_wait3A = arith.constant 0 : i32
      %dma_wait3A_87 = tpu.memref_slice %arg12[%add3A_57, %dma_wait3A] : memref<10240x128xf32, #tpu.memory_space<vmem_shared>> -> memref<32x128xf32, #tpu.memory_space<vmem_shared>>
      %dma_wait3A_88 = arith.constant 0 : i32
      %dma_wait3A_89 = tpu.memref_slice %arg12[%add3A_57, %dma_wait3A_88] : memref<10240x128xf32, #tpu.memory_space<vmem_shared>> -> memref<32x128xf32, #tpu.memory_space<vmem_shared>>
      tpu.wait_dma2 semaphore(%run_scoped3A : memref<!tpu.dma_semaphore, #tpu.memory_space<semaphore_mem>>) src(%arg8 : memref<32x128xf32, #tpu.memory_space<vmem>>) dst(%dma_wait3A_89 : memref<32x128xf32, #tpu.memory_space<vmem_shared>>)
      tpu.yield
    }) : () -> ()
    %add3A_58 = arith.constant 448 : i32
    %add3A_59 = arith.addi %mul3A_29, %add3A_58 : i32
    "tpu.region"() ({
      %run_scoped3A = tpu.sem_alloc : memref<!tpu.dma_semaphore, #tpu.memory_space<semaphore_mem>>
      %dma_start3A_83 = arith.constant 0 : i32
      %dma_start3A_84 = tpu.memref_slice %arg12[%add3A_59, %dma_start3A_83] : memref<10240x128xf32, #tpu.memory_space<vmem_shared>> -> memref<32x128xf32, #tpu.memory_space<vmem_shared>>
      %dma_start3A_85 = arith.constant 0 : i32
      %dma_start3A_86 = tpu.memref_slice %arg12[%add3A_59, %dma_start3A_85] : memref<10240x128xf32, #tpu.memory_space<vmem_shared>> -> memref<32x128xf32, #tpu.memory_space<vmem_shared>>
      tpu.enqueue_dma source(%arg8 : memref<32x128xf32, #tpu.memory_space<vmem>>) target(%dma_start3A_86 : memref<32x128xf32, #tpu.memory_space<vmem_shared>>) target_semaphore(%run_scoped3A : memref<!tpu.dma_semaphore, #tpu.memory_space<semaphore_mem>>)
      %dma_wait3A = arith.constant 0 : i32
      %dma_wait3A_87 = tpu.memref_slice %arg12[%add3A_59, %dma_wait3A] : memref<10240x128xf32, #tpu.memory_space<vmem_shared>> -> memref<32x128xf32, #tpu.memory_space<vmem_shared>>
      %dma_wait3A_88 = arith.constant 0 : i32
      %dma_wait3A_89 = tpu.memref_slice %arg12[%add3A_59, %dma_wait3A_88] : memref<10240x128xf32, #tpu.memory_space<vmem_shared>> -> memref<32x128xf32, #tpu.memory_space<vmem_shared>>
      tpu.wait_dma2 semaphore(%run_scoped3A : memref<!tpu.dma_semaphore, #tpu.memory_space<semaphore_mem>>) src(%arg8 : memref<32x128xf32, #tpu.memory_space<vmem>>) dst(%dma_wait3A_89 : memref<32x128xf32, #tpu.memory_space<vmem_shared>>)
      tpu.yield
    }) : () -> ()
    %add3A_60 = arith.constant 480 : i32
    %add3A_61 = arith.addi %mul3A_29, %add3A_60 : i32
    "tpu.region"() ({
      %run_scoped3A = tpu.sem_alloc : memref<!tpu.dma_semaphore, #tpu.memory_space<semaphore_mem>>
      %dma_start3A_83 = arith.constant 0 : i32
      %dma_start3A_84 = tpu.memref_slice %arg12[%add3A_61, %dma_start3A_83] : memref<10240x128xf32, #tpu.memory_space<vmem_shared>> -> memref<32x128xf32, #tpu.memory_space<vmem_shared>>
      %dma_start3A_85 = arith.constant 0 : i32
      %dma_start3A_86 = tpu.memref_slice %arg12[%add3A_61, %dma_start3A_85] : memref<10240x128xf32, #tpu.memory_space<vmem_shared>> -> memref<32x128xf32, #tpu.memory_space<vmem_shared>>
      tpu.enqueue_dma source(%arg8 : memref<32x128xf32, #tpu.memory_space<vmem>>) target(%dma_start3A_86 : memref<32x128xf32, #tpu.memory_space<vmem_shared>>) target_semaphore(%run_scoped3A : memref<!tpu.dma_semaphore, #tpu.memory_space<semaphore_mem>>)
      %dma_wait3A = arith.constant 0 : i32
      %dma_wait3A_87 = tpu.memref_slice %arg12[%add3A_61, %dma_wait3A] : memref<10240x128xf32, #tpu.memory_space<vmem_shared>> -> memref<32x128xf32, #tpu.memory_space<vmem_shared>>
      %dma_wait3A_88 = arith.constant 0 : i32
      %dma_wait3A_89 = tpu.memref_slice %arg12[%add3A_61, %dma_wait3A_88] : memref<10240x128xf32, #tpu.memory_space<vmem_shared>> -> memref<32x128xf32, #tpu.memory_space<vmem_shared>>
      tpu.wait_dma2 semaphore(%run_scoped3A : memref<!tpu.dma_semaphore, #tpu.memory_space<semaphore_mem>>) src(%arg8 : memref<32x128xf32, #tpu.memory_space<vmem>>) dst(%dma_wait3A_89 : memref<32x128xf32, #tpu.memory_space<vmem_shared>>)
      tpu.yield
    }) : () -> ()
    %add3A_62 = arith.constant 512 : i32
    %add3A_63 = arith.addi %mul3A_29, %add3A_62 : i32
    "tpu.region"() ({
      %run_scoped3A = tpu.sem_alloc : memref<!tpu.dma_semaphore, #tpu.memory_space<semaphore_mem>>
      %dma_start3A_83 = arith.constant 0 : i32
      %dma_start3A_84 = tpu.memref_slice %arg12[%add3A_63, %dma_start3A_83] : memref<10240x128xf32, #tpu.memory_space<vmem_shared>> -> memref<32x128xf32, #tpu.memory_space<vmem_shared>>
      %dma_start3A_85 = arith.constant 0 : i32
      %dma_start3A_86 = tpu.memref_slice %arg12[%add3A_63, %dma_start3A_85] : memref<10240x128xf32, #tpu.memory_space<vmem_shared>> -> memref<32x128xf32, #tpu.memory_space<vmem_shared>>
      tpu.enqueue_dma source(%arg8 : memref<32x128xf32, #tpu.memory_space<vmem>>) target(%dma_start3A_86 : memref<32x128xf32, #tpu.memory_space<vmem_shared>>) target_semaphore(%run_scoped3A : memref<!tpu.dma_semaphore, #tpu.memory_space<semaphore_mem>>)
      %dma_wait3A = arith.constant 0 : i32
      %dma_wait3A_87 = tpu.memref_slice %arg12[%add3A_63, %dma_wait3A] : memref<10240x128xf32, #tpu.memory_space<vmem_shared>> -> memref<32x128xf32, #tpu.memory_space<vmem_shared>>
      %dma_wait3A_88 = arith.constant 0 : i32
      %dma_wait3A_89 = tpu.memref_slice %arg12[%add3A_63, %dma_wait3A_88] : memref<10240x128xf32, #tpu.memory_space<vmem_shared>> -> memref<32x128xf32, #tpu.memory_space<vmem_shared>>
      tpu.wait_dma2 semaphore(%run_scoped3A : memref<!tpu.dma_semaphore, #tpu.memory_space<semaphore_mem>>) src(%arg8 : memref<32x128xf32, #tpu.memory_space<vmem>>) dst(%dma_wait3A_89 : memref<32x128xf32, #tpu.memory_space<vmem_shared>>)
      tpu.yield
    }) : () -> ()
    %add3A_64 = arith.constant 544 : i32
    %add3A_65 = arith.addi %mul3A_29, %add3A_64 : i32
    "tpu.region"() ({
      %run_scoped3A = tpu.sem_alloc : memref<!tpu.dma_semaphore, #tpu.memory_space<semaphore_mem>>
      %dma_start3A_83 = arith.constant 0 : i32
      %dma_start3A_84 = tpu.memref_slice %arg12[%add3A_65, %dma_start3A_83] : memref<10240x128xf32, #tpu.memory_space<vmem_shared>> -> memref<32x128xf32, #tpu.memory_space<vmem_shared>>
      %dma_start3A_85 = arith.constant 0 : i32
      %dma_start3A_86 = tpu.memref_slice %arg12[%add3A_65, %dma_start3A_85] : memref<10240x128xf32, #tpu.memory_space<vmem_shared>> -> memref<32x128xf32, #tpu.memory_space<vmem_shared>>
      tpu.enqueue_dma source(%arg8 : memref<32x128xf32, #tpu.memory_space<vmem>>) target(%dma_start3A_86 : memref<32x128xf32, #tpu.memory_space<vmem_shared>>) target_semaphore(%run_scoped3A : memref<!tpu.dma_semaphore, #tpu.memory_space<semaphore_mem>>)
      %dma_wait3A = arith.constant 0 : i32
      %dma_wait3A_87 = tpu.memref_slice %arg12[%add3A_65, %dma_wait3A] : memref<10240x128xf32, #tpu.memory_space<vmem_shared>> -> memref<32x128xf32, #tpu.memory_space<vmem_shared>>
      %dma_wait3A_88 = arith.constant 0 : i32
      %dma_wait3A_89 = tpu.memref_slice %arg12[%add3A_65, %dma_wait3A_88] : memref<10240x128xf32, #tpu.memory_space<vmem_shared>> -> memref<32x128xf32, #tpu.memory_space<vmem_shared>>
      tpu.wait_dma2 semaphore(%run_scoped3A : memref<!tpu.dma_semaphore, #tpu.memory_space<semaphore_mem>>) src(%arg8 : memref<32x128xf32, #tpu.memory_space<vmem>>) dst(%dma_wait3A_89 : memref<32x128xf32, #tpu.memory_space<vmem_shared>>)
      tpu.yield
    }) : () -> ()
    %add3A_66 = arith.constant 576 : i32
    %add3A_67 = arith.addi %mul3A_29, %add3A_66 : i32
    "tpu.region"() ({
      %run_scoped3A = tpu.sem_alloc : memref<!tpu.dma_semaphore, #tpu.memory_space<semaphore_mem>>
      %dma_start3A_83 = arith.constant 0 : i32
      %dma_start3A_84 = tpu.memref_slice %arg12[%add3A_67, %dma_start3A_83] : memref<10240x128xf32, #tpu.memory_space<vmem_shared>> -> memref<32x128xf32, #tpu.memory_space<vmem_shared>>
      %dma_start3A_85 = arith.constant 0 : i32
      %dma_start3A_86 = tpu.memref_slice %arg12[%add3A_67, %dma_start3A_85] : memref<10240x128xf32, #tpu.memory_space<vmem_shared>> -> memref<32x128xf32, #tpu.memory_space<vmem_shared>>
      tpu.enqueue_dma source(%arg8 : memref<32x128xf32, #tpu.memory_space<vmem>>) target(%dma_start3A_86 : memref<32x128xf32, #tpu.memory_space<vmem_shared>>) target_semaphore(%run_scoped3A : memref<!tpu.dma_semaphore, #tpu.memory_space<semaphore_mem>>)
      %dma_wait3A = arith.constant 0 : i32
      %dma_wait3A_87 = tpu.memref_slice %arg12[%add3A_67, %dma_wait3A] : memref<10240x128xf32, #tpu.memory_space<vmem_shared>> -> memref<32x128xf32, #tpu.memory_space<vmem_shared>>
      %dma_wait3A_88 = arith.constant 0 : i32
      %dma_wait3A_89 = tpu.memref_slice %arg12[%add3A_67, %dma_wait3A_88] : memref<10240x128xf32, #tpu.memory_space<vmem_shared>> -> memref<32x128xf32, #tpu.memory_space<vmem_shared>>
      tpu.wait_dma2 semaphore(%run_scoped3A : memref<!tpu.dma_semaphore, #tpu.memory_space<semaphore_mem>>) src(%arg8 : memref<32x128xf32, #tpu.memory_space<vmem>>) dst(%dma_wait3A_89 : memref<32x128xf32, #tpu.memory_space<vmem_shared>>)
      tpu.yield
    }) : () -> ()
    %add3A_68 = arith.constant 608 : i32
    %add3A_69 = arith.addi %mul3A_29, %add3A_68 : i32
    "tpu.region"() ({
      %run_scoped3A = tpu.sem_alloc : memref<!tpu.dma_semaphore, #tpu.memory_space<semaphore_mem>>
      %dma_start3A_83 = arith.constant 0 : i32
      %dma_start3A_84 = tpu.memref_slice %arg12[%add3A_69, %dma_start3A_83] : memref<10240x128xf32, #tpu.memory_space<vmem_shared>> -> memref<32x128xf32, #tpu.memory_space<vmem_shared>>
      %dma_start3A_85 = arith.constant 0 : i32
      %dma_start3A_86 = tpu.memref_slice %arg12[%add3A_69, %dma_start3A_85] : memref<10240x128xf32, #tpu.memory_space<vmem_shared>> -> memref<32x128xf32, #tpu.memory_space<vmem_shared>>
      tpu.enqueue_dma source(%arg8 : memref<32x128xf32, #tpu.memory_space<vmem>>) target(%dma_start3A_86 : memref<32x128xf32, #tpu.memory_space<vmem_shared>>) target_semaphore(%run_scoped3A : memref<!tpu.dma_semaphore, #tpu.memory_space<semaphore_mem>>)
      %dma_wait3A = arith.constant 0 : i32
      %dma_wait3A_87 = tpu.memref_slice %arg12[%add3A_69, %dma_wait3A] : memref<10240x128xf32, #tpu.memory_space<vmem_shared>> -> memref<32x128xf32, #tpu.memory_space<vmem_shared>>
      %dma_wait3A_88 = arith.constant 0 : i32
      %dma_wait3A_89 = tpu.memref_slice %arg12[%add3A_69, %dma_wait3A_88] : memref<10240x128xf32, #tpu.memory_space<vmem_shared>> -> memref<32x128xf32, #tpu.memory_space<vmem_shared>>
      tpu.wait_dma2 semaphore(%run_scoped3A : memref<!tpu.dma_semaphore, #tpu.memory_space<semaphore_mem>>) src(%arg8 : memref<32x128xf32, #tpu.memory_space<vmem>>) dst(%dma_wait3A_89 : memref<32x128xf32, #tpu.memory_space<vmem_shared>>)
      tpu.yield
    }) : () -> ()
    %dma_start3A_70 = arith.constant 0 : i32
    %dma_start3A_71 = arith.constant 0 : i32
    %dma_start3A_72 = tpu.memref_slice %arg6[%dma_start3A_70, %dma_start3A_71] : memref<40x32xi32, #tpu.memory_space<vmem>> -> memref<1x32xi32, #tpu.memory_space<vmem>>
    %dma_start3A_73 = tpu.memref_squeeze %dma_start3A_72 : memref<1x32xi32, #tpu.memory_space<vmem>> -> memref<32xi32, #tpu.memory_space<vmem>>
    %dma_start3A_74 = arith.constant 0 : i32
    %dma_start3A_75 = arith.constant 0 : i32
    %dma_start3A_76 = tpu.memref_slice %arg2[%dma_start3A_74, %dma_start3A_75] : memref<10240x128xf32, #tpu.memory_space<hbm>> -> memref<10240x128xf32, #tpu.memory_space<hbm>>
    tpu.enqueue_indirect_dma source(%dma_start3A_76 : memref<10240x128xf32, #tpu.memory_space<hbm>>) target(%arg8 : memref<32x128xf32, #tpu.memory_space<vmem>>) offsets(%dma_start3A_73 : memref<32xi32, #tpu.memory_space<vmem>>) semaphore(%arg13 : memref<!tpu.dma_semaphore, #tpu.memory_space<semaphore_mem>>)
    %barrier3A = arith.constant 0 : index
    tpu.barrier barrier_id(%barrier3A)
    %scan3A_77 = arith.constant 0 : i32
    %scan3A_78 = arith.constant 8 : i32
    %scan3A_79 = arith.addi %scan3A_77, %scan3A_78 : i32
    %scan3A_80 = arith.constant 1 : i32
    scf.for %scan3A_83 = %scan3A_77 to %scan3A_79 step %scan3A_80  : i32 {
      %mul3A_84 = arith.constant 1 : i32
      %mul3A_85 = arith.muli %scan3A_83, %mul3A_84 : i32
      %add3A_86 = arith.constant 0 : i32
      %add3A_87 = arith.addi %add3A_86, %mul3A_85 : i32
      %mul3A_88 = arith.constant 40 : i32
      %mul3A_89 = arith.muli %add3A_87, %mul3A_88 : i32
      %add3A_90 = arith.addi %mul3A_3, %mul3A_89 : i32
      %gt3A = arith.constant 0 : i32
      %gt3A_91 = arith.cmpi sgt, %add3A_87, %gt3A : i32
      %convert_element_type3A = arith.extui %gt3A_91 : i1 to i32
      %cond3A = arith.constant 0 : i32
      %cond3A_92 = arith.cmpi ne, %convert_element_type3A, %cond3A : i32
      scf.if %cond3A_92 {
        "tpu.region"() ({
          %run_scoped3A = tpu.sem_alloc : memref<!tpu.dma_semaphore, #tpu.memory_space<semaphore_mem>>
          %dma_start3A_126 = arith.constant 0 : i32
          %dma_start3A_127 = tpu.memref_slice %arg3[%add3A_90, %dma_start3A_126] : memref<10240x32xi32, #tpu.memory_space<hbm>> -> memref<40x32xi32, #tpu.memory_space<hbm>>
          %dma_start3A_128 = arith.constant 0 : i32
          %dma_start3A_129 = tpu.memref_slice %arg3[%add3A_90, %dma_start3A_128] : memref<10240x32xi32, #tpu.memory_space<hbm>> -> memref<40x32xi32, #tpu.memory_space<hbm>>
          tpu.enqueue_dma source(%dma_start3A_129 : memref<40x32xi32, #tpu.memory_space<hbm>>) target(%arg6 : memref<40x32xi32, #tpu.memory_space<vmem>>) target_semaphore(%run_scoped3A : memref<!tpu.dma_semaphore, #tpu.memory_space<semaphore_mem>>)
          %dma_wait3A = arith.constant 0 : i32
          %dma_wait3A_130 = tpu.memref_slice %arg3[%add3A_90, %dma_wait3A] : memref<10240x32xi32, #tpu.memory_space<hbm>> -> memref<40x32xi32, #tpu.memory_space<hbm>>
          %dma_wait3A_131 = arith.constant 0 : i32
          %dma_wait3A_132 = tpu.memref_slice %arg3[%add3A_90, %dma_wait3A_131] : memref<10240x32xi32, #tpu.memory_space<hbm>> -> memref<40x32xi32, #tpu.memory_space<hbm>>
          tpu.wait_dma2 semaphore(%run_scoped3A : memref<!tpu.dma_semaphore, #tpu.memory_space<semaphore_mem>>) src(%dma_wait3A_132 : memref<40x32xi32, #tpu.memory_space<hbm>>) dst(%arg6 : memref<40x32xi32, #tpu.memory_space<vmem>>)
          tpu.yield
        }) : () -> ()
        "tpu.region"() ({
          %run_scoped3A = tpu.sem_alloc : memref<!tpu.dma_semaphore, #tpu.memory_space<semaphore_mem>>
          %dma_start3A_126 = arith.constant 0 : i32
          %dma_start3A_127 = tpu.memref_slice %arg4[%add3A_90, %dma_start3A_126] : memref<10240x32xi32, #tpu.memory_space<hbm>> -> memref<40x32xi32, #tpu.memory_space<hbm>>
          %dma_start3A_128 = arith.constant 0 : i32
          %dma_start3A_129 = tpu.memref_slice %arg4[%add3A_90, %dma_start3A_128] : memref<10240x32xi32, #tpu.memory_space<hbm>> -> memref<40x32xi32, #tpu.memory_space<hbm>>
          tpu.enqueue_dma source(%dma_start3A_129 : memref<40x32xi32, #tpu.memory_space<hbm>>) target(%arg7 : memref<40x32xi32, #tpu.memory_space<vmem>>) target_semaphore(%run_scoped3A : memref<!tpu.dma_semaphore, #tpu.memory_space<semaphore_mem>>)
          %dma_wait3A = arith.constant 0 : i32
          %dma_wait3A_130 = tpu.memref_slice %arg4[%add3A_90, %dma_wait3A] : memref<10240x32xi32, #tpu.memory_space<hbm>> -> memref<40x32xi32, #tpu.memory_space<hbm>>
          %dma_wait3A_131 = arith.constant 0 : i32
          %dma_wait3A_132 = tpu.memref_slice %arg4[%add3A_90, %dma_wait3A_131] : memref<10240x32xi32, #tpu.memory_space<hbm>> -> memref<40x32xi32, #tpu.memory_space<hbm>>
          tpu.wait_dma2 semaphore(%run_scoped3A : memref<!tpu.dma_semaphore, #tpu.memory_space<semaphore_mem>>) src(%dma_wait3A_132 : memref<40x32xi32, #tpu.memory_space<hbm>>) dst(%arg7 : memref<40x32xi32, #tpu.memory_space<vmem>>)
          tpu.yield
        }) : () -> ()
        %dma_start3A_98 = arith.constant 0 : i32
        %dma_start3A_99 = arith.constant 0 : i32
        %dma_start3A_100 = tpu.memref_slice %arg6[%dma_start3A_98, %dma_start3A_99] : memref<40x32xi32, #tpu.memory_space<vmem>> -> memref<1x32xi32, #tpu.memory_space<vmem>>
        %dma_start3A_101 = tpu.memref_squeeze %dma_start3A_100 : memref<1x32xi32, #tpu.memory_space<vmem>> -> memref<32xi32, #tpu.memory_space<vmem>>
        %dma_start3A_102 = arith.constant 0 : i32
        %dma_start3A_103 = arith.constant 0 : i32
        %dma_start3A_104 = tpu.memref_slice %arg2[%dma_start3A_102, %dma_start3A_103] : memref<10240x128xf32, #tpu.memory_space<hbm>> -> memref<10240x128xf32, #tpu.memory_space<hbm>>
        tpu.enqueue_indirect_dma source(%dma_start3A_104 : memref<10240x128xf32, #tpu.memory_space<hbm>>) target(%arg8 : memref<32x128xf32, #tpu.memory_space<vmem>>) offsets(%dma_start3A_101 : memref<32xi32, #tpu.memory_space<vmem>>) semaphore(%arg13 : memref<!tpu.dma_semaphore, #tpu.memory_space<semaphore_mem>>)
        %dma_start3A_105 = arith.constant 1 : i32
        %dma_start3A_106 = arith.constant 0 : i32
        %dma_start3A_107 = tpu.memref_slice %arg6[%dma_start3A_105, %dma_start3A_106] : memref<40x32xi32, #tpu.memory_space<vmem>> -> memref<1x32xi32, #tpu.memory_space<vmem>>
        %dma_start3A_108 = tpu.memref_squeeze %dma_start3A_107 : memref<1x32xi32, #tpu.memory_space<vmem>> -> memref<32xi32, #tpu.memory_space<vmem>>
        %dma_start3A_109 = arith.constant 0 : i32
        %dma_start3A_110 = arith.constant 0 : i32
        %dma_start3A_111 = tpu.memref_slice %arg2[%dma_start3A_109, %dma_start3A_110] : memref<10240x128xf32, #tpu.memory_space<hbm>> -> memref<10240x128xf32, #tpu.memory_space<hbm>>
        tpu.enqueue_indirect_dma source(%dma_start3A_111 : memref<10240x128xf32, #tpu.memory_space<hbm>>) target(%arg9 : memref<32x128xf32, #tpu.memory_space<vmem>>) offsets(%dma_start3A_108 : memref<32xi32, #tpu.memory_space<vmem>>) semaphore(%arg14 : memref<!tpu.dma_semaphore, #tpu.memory_space<semaphore_mem>>)
        %dma_start3A_112 = arith.constant 2 : i32
        %dma_start3A_113 = arith.constant 0 : i32
        %dma_start3A_114 = tpu.memref_slice %arg6[%dma_start3A_112, %dma_start3A_113] : memref<40x32xi32, #tpu.memory_space<vmem>> -> memref<1x32xi32, #tpu.memory_space<vmem>>
        %dma_start3A_115 = tpu.memref_squeeze %dma_start3A_114 : memref<1x32xi32, #tpu.memory_space<vmem>> -> memref<32xi32, #tpu.memory_space<vmem>>
        %dma_start3A_116 = arith.constant 0 : i32
        %dma_start3A_117 = arith.constant 0 : i32
        %dma_start3A_118 = tpu.memref_slice %arg2[%dma_start3A_116, %dma_start3A_117] : memref<10240x128xf32, #tpu.memory_space<hbm>> -> memref<10240x128xf32, #tpu.memory_space<hbm>>
        tpu.enqueue_indirect_dma source(%dma_start3A_118 : memref<10240x128xf32, #tpu.memory_space<hbm>>) target(%arg10 : memref<32x128xf32, #tpu.memory_space<vmem>>) offsets(%dma_start3A_115 : memref<32xi32, #tpu.memory_space<vmem>>) semaphore(%arg15 : memref<!tpu.dma_semaphore, #tpu.memory_space<semaphore_mem>>)
        %dma_start3A_119 = arith.constant 3 : i32
        %dma_start3A_120 = arith.constant 0 : i32
        %dma_start3A_121 = tpu.memref_slice %arg6[%dma_start3A_119, %dma_start3A_120] : memref<40x32xi32, #tpu.memory_space<vmem>> -> memref<1x32xi32, #tpu.memory_space<vmem>>
        %dma_start3A_122 = tpu.memref_squeeze %dma_start3A_121 : memref<1x32xi32, #tpu.memory_space<vmem>> -> memref<32xi32, #tpu.memory_space<vmem>>
        %dma_start3A_123 = arith.constant 0 : i32
        %dma_start3A_124 = arith.constant 0 : i32
        %dma_start3A_125 = tpu.memref_slice %arg2[%dma_start3A_123, %dma_start3A_124] : memref<10240x128xf32, #tpu.memory_space<hbm>> -> memref<10240x128xf32, #tpu.memory_space<hbm>>
        tpu.enqueue_indirect_dma source(%dma_start3A_125 : memref<10240x128xf32, #tpu.memory_space<hbm>>) target(%arg11 : memref<32x128xf32, #tpu.memory_space<vmem>>) offsets(%dma_start3A_122 : memref<32xi32, #tpu.memory_space<vmem>>) semaphore(%arg16 : memref<!tpu.dma_semaphore, #tpu.memory_space<semaphore_mem>>)
      } else {
      }
      %scan3A_93 = arith.constant 0 : i32
      %scan3A_94 = arith.constant 10 : i32
      %scan3A_95 = arith.addi %scan3A_93, %scan3A_94 : i32
      %scan3A_96 = arith.constant 1 : i32
      scf.for %scan3A_98 = %scan3A_93 to %scan3A_95 step %scan3A_96  : i32 {
        %mul3A_99 = arith.constant 1 : i32
        %mul3A_100 = arith.muli %scan3A_98, %mul3A_99 : i32
        %add3A_101 = arith.constant 0 : i32
        %add3A_102 = arith.addi %add3A_101, %mul3A_100 : i32
        %mul3A_103 = arith.constant 4 : i32
        %mul3A_104 = arith.muli %add3A_102, %mul3A_103 : i32
        %add3A_105 = arith.constant 0 : i32
        %add3A_106 = arith.addi %mul3A_104, %add3A_105 : i32
        %dma_wait3A = arith.constant 0 : i32
        %dma_wait3A_107 = tpu.memref_slice %arg6[%add3A_106, %dma_wait3A] : memref<40x32xi32, #tpu.memory_space<vmem>> -> memref<1x32xi32, #tpu.memory_space<vmem>>
        %dma_wait3A_108 = tpu.memref_squeeze %dma_wait3A_107 : memref<1x32xi32, #tpu.memory_space<vmem>> -> memref<32xi32, #tpu.memory_space<vmem>>
        %dma_wait3A_109 = arith.constant 0 : i32
        %dma_wait3A_110 = arith.constant 0 : i32
        %dma_wait3A_111 = tpu.memref_slice %arg2[%dma_wait3A_109, %dma_wait3A_110] : memref<10240x128xf32, #tpu.memory_space<hbm>> -> memref<10240x128xf32, #tpu.memory_space<hbm>>
        tpu.wait_indirect_dma semaphore(%arg13 : memref<!tpu.dma_semaphore, #tpu.memory_space<semaphore_mem>>) src(%dma_wait3A_111 : memref<10240x128xf32, #tpu.memory_space<hbm>>) dst(%arg8 : memref<32x128xf32, #tpu.memory_space<vmem>>)
        "tpu.region"() ({
          %run_scoped3A = tpu.sem_alloc : memref<!tpu.dma_semaphore, #tpu.memory_space<semaphore_mem>>
          %dma_start3A_169 = arith.constant 0 : i32
          %dma_start3A_170 = tpu.memref_slice %arg7[%add3A_106, %dma_start3A_169] : memref<40x32xi32, #tpu.memory_space<vmem>> -> memref<1x32xi32, #tpu.memory_space<vmem>>
          %dma_start3A_171 = tpu.memref_squeeze %dma_start3A_170 : memref<1x32xi32, #tpu.memory_space<vmem>> -> memref<32xi32, #tpu.memory_space<vmem>>
          %dma_start3A_172 = arith.constant 0 : i32
          %dma_start3A_173 = arith.constant 0 : i32
          %dma_start3A_174 = tpu.memref_slice %arg12[%dma_start3A_172, %dma_start3A_173] : memref<10240x128xf32, #tpu.memory_space<vmem_shared>> -> memref<10240x128xf32, #tpu.memory_space<vmem_shared>>
          tpu.enqueue_indirect_dma source(%arg8 : memref<32x128xf32, #tpu.memory_space<vmem>>) target(%dma_start3A_174 : memref<10240x128xf32, #tpu.memory_space<vmem_shared>>) offsets(%dma_start3A_171 : memref<32xi32, #tpu.memory_space<vmem>>) semaphore(%run_scoped3A : memref<!tpu.dma_semaphore, #tpu.memory_space<semaphore_mem>>) {add = true}
          %dma_wait3A_175 = arith.constant 0 : i32
          %dma_wait3A_176 = tpu.memref_slice %arg7[%add3A_106, %dma_wait3A_175] : memref<40x32xi32, #tpu.memory_space<vmem>> -> memref<1x32xi32, #tpu.memory_space<vmem>>
          %dma_wait3A_177 = tpu.memref_squeeze %dma_wait3A_176 : memref<1x32xi32, #tpu.memory_space<vmem>> -> memref<32xi32, #tpu.memory_space<vmem>>
          %dma_wait3A_178 = arith.constant 0 : i32
          %dma_wait3A_179 = arith.constant 0 : i32
          %dma_wait3A_180 = tpu.memref_slice %arg12[%dma_wait3A_178, %dma_wait3A_179] : memref<10240x128xf32, #tpu.memory_space<vmem_shared>> -> memref<10240x128xf32, #tpu.memory_space<vmem_shared>>
          tpu.wait_indirect_dma semaphore(%run_scoped3A : memref<!tpu.dma_semaphore, #tpu.memory_space<semaphore_mem>>) src(%arg8 : memref<32x128xf32, #tpu.memory_space<vmem>>) dst(%dma_wait3A_180 : memref<10240x128xf32, #tpu.memory_space<vmem_shared>>)
          tpu.yield
        }) : () -> ()
        %add3A_112 = arith.constant 4 : i32
        %add3A_113 = arith.addi %add3A_106, %add3A_112 : i32
        %lt3A = arith.constant 40 : i32
        %lt3A_114 = arith.cmpi slt, %add3A_113, %lt3A : i32
        %convert_element_type3A_115 = arith.extui %lt3A_114 : i1 to i32
        %cond3A_116 = arith.constant 0 : i32
        %cond3A_117 = arith.cmpi ne, %convert_element_type3A_115, %cond3A_116 : i32
        scf.if %cond3A_117 {
          %add3A_169 = arith.constant 4 : i32
          %add3A_170 = arith.addi %add3A_106, %add3A_169 : i32
          %dma_start3A_171 = arith.constant 0 : i32
          %dma_start3A_172 = tpu.memref_slice %arg6[%add3A_170, %dma_start3A_171] : memref<40x32xi32, #tpu.memory_space<vmem>> -> memref<1x32xi32, #tpu.memory_space<vmem>>
          %dma_start3A_173 = tpu.memref_squeeze %dma_start3A_172 : memref<1x32xi32, #tpu.memory_space<vmem>> -> memref<32xi32, #tpu.memory_space<vmem>>
          %dma_start3A_174 = arith.constant 0 : i32
          %dma_start3A_175 = arith.constant 0 : i32
          %dma_start3A_176 = tpu.memref_slice %arg2[%dma_start3A_174, %dma_start3A_175] : memref<10240x128xf32, #tpu.memory_space<hbm>> -> memref<10240x128xf32, #tpu.memory_space<hbm>>
          tpu.enqueue_indirect_dma source(%dma_start3A_176 : memref<10240x128xf32, #tpu.memory_space<hbm>>) target(%arg8 : memref<32x128xf32, #tpu.memory_space<vmem>>) offsets(%dma_start3A_173 : memref<32xi32, #tpu.memory_space<vmem>>) semaphore(%arg13 : memref<!tpu.dma_semaphore, #tpu.memory_space<semaphore_mem>>)
        } else {
        }
        %mul3A_118 = arith.constant 4 : i32
        %mul3A_119 = arith.muli %add3A_102, %mul3A_118 : i32
        %add3A_120 = arith.constant 1 : i32
        %add3A_121 = arith.addi %mul3A_119, %add3A_120 : i32
        %dma_wait3A_122 = arith.constant 0 : i32
        %dma_wait3A_123 = tpu.memref_slice %arg6[%add3A_121, %dma_wait3A_122] : memref<40x32xi32, #tpu.memory_space<vmem>> -> memref<1x32xi32, #tpu.memory_space<vmem>>
        %dma_wait3A_124 = tpu.memref_squeeze %dma_wait3A_123 : memref<1x32xi32, #tpu.memory_space<vmem>> -> memref<32xi32, #tpu.memory_space<vmem>>
        %dma_wait3A_125 = arith.constant 0 : i32
        %dma_wait3A_126 = arith.constant 0 : i32
        %dma_wait3A_127 = tpu.memref_slice %arg2[%dma_wait3A_125, %dma_wait3A_126] : memref<10240x128xf32, #tpu.memory_space<hbm>> -> memref<10240x128xf32, #tpu.memory_space<hbm>>
        tpu.wait_indirect_dma semaphore(%arg14 : memref<!tpu.dma_semaphore, #tpu.memory_space<semaphore_mem>>) src(%dma_wait3A_127 : memref<10240x128xf32, #tpu.memory_space<hbm>>) dst(%arg9 : memref<32x128xf32, #tpu.memory_space<vmem>>)
        "tpu.region"() ({
          %run_scoped3A = tpu.sem_alloc : memref<!tpu.dma_semaphore, #tpu.memory_space<semaphore_mem>>
          %dma_start3A_169 = arith.constant 0 : i32
          %dma_start3A_170 = tpu.memref_slice %arg7[%add3A_121, %dma_start3A_169] : memref<40x32xi32, #tpu.memory_space<vmem>> -> memref<1x32xi32, #tpu.memory_space<vmem>>
          %dma_start3A_171 = tpu.memref_squeeze %dma_start3A_170 : memref<1x32xi32, #tpu.memory_space<vmem>> -> memref<32xi32, #tpu.memory_space<vmem>>
          %dma_start3A_172 = arith.constant 0 : i32
          %dma_start3A_173 = arith.constant 0 : i32
          %dma_start3A_174 = tpu.memref_slice %arg12[%dma_start3A_172, %dma_start3A_173] : memref<10240x128xf32, #tpu.memory_space<vmem_shared>> -> memref<10240x128xf32, #tpu.memory_space<vmem_shared>>
          tpu.enqueue_indirect_dma source(%arg9 : memref<32x128xf32, #tpu.memory_space<vmem>>) target(%dma_start3A_174 : memref<10240x128xf32, #tpu.memory_space<vmem_shared>>) offsets(%dma_start3A_171 : memref<32xi32, #tpu.memory_space<vmem>>) semaphore(%run_scoped3A : memref<!tpu.dma_semaphore, #tpu.memory_space<semaphore_mem>>) {add = true}
          %dma_wait3A_175 = arith.constant 0 : i32
          %dma_wait3A_176 = tpu.memref_slice %arg7[%add3A_121, %dma_wait3A_175] : memref<40x32xi32, #tpu.memory_space<vmem>> -> memref<1x32xi32, #tpu.memory_space<vmem>>
          %dma_wait3A_177 = tpu.memref_squeeze %dma_wait3A_176 : memref<1x32xi32, #tpu.memory_space<vmem>> -> memref<32xi32, #tpu.memory_space<vmem>>
          %dma_wait3A_178 = arith.constant 0 : i32
          %dma_wait3A_179 = arith.constant 0 : i32
          %dma_wait3A_180 = tpu.memref_slice %arg12[%dma_wait3A_178, %dma_wait3A_179] : memref<10240x128xf32, #tpu.memory_space<vmem_shared>> -> memref<10240x128xf32, #tpu.memory_space<vmem_shared>>
          tpu.wait_indirect_dma semaphore(%run_scoped3A : memref<!tpu.dma_semaphore, #tpu.memory_space<semaphore_mem>>) src(%arg9 : memref<32x128xf32, #tpu.memory_space<vmem>>) dst(%dma_wait3A_180 : memref<10240x128xf32, #tpu.memory_space<vmem_shared>>)
          tpu.yield
        }) : () -> ()
        %add3A_128 = arith.constant 4 : i32
        %add3A_129 = arith.addi %add3A_121, %add3A_128 : i32
        %lt3A_130 = arith.constant 40 : i32
        %lt3A_131 = arith.cmpi slt, %add3A_129, %lt3A_130 : i32
        %convert_element_type3A_132 = arith.extui %lt3A_131 : i1 to i32
        %cond3A_133 = arith.constant 0 : i32
        %cond3A_134 = arith.cmpi ne, %convert_element_type3A_132, %cond3A_133 : i32
        scf.if %cond3A_134 {
          %add3A_169 = arith.constant 4 : i32
          %add3A_170 = arith.addi %add3A_121, %add3A_169 : i32
          %dma_start3A_171 = arith.constant 0 : i32
          %dma_start3A_172 = tpu.memref_slice %arg6[%add3A_170, %dma_start3A_171] : memref<40x32xi32, #tpu.memory_space<vmem>> -> memref<1x32xi32, #tpu.memory_space<vmem>>
          %dma_start3A_173 = tpu.memref_squeeze %dma_start3A_172 : memref<1x32xi32, #tpu.memory_space<vmem>> -> memref<32xi32, #tpu.memory_space<vmem>>
          %dma_start3A_174 = arith.constant 0 : i32
          %dma_start3A_175 = arith.constant 0 : i32
          %dma_start3A_176 = tpu.memref_slice %arg2[%dma_start3A_174, %dma_start3A_175] : memref<10240x128xf32, #tpu.memory_space<hbm>> -> memref<10240x128xf32, #tpu.memory_space<hbm>>
          tpu.enqueue_indirect_dma source(%dma_start3A_176 : memref<10240x128xf32, #tpu.memory_space<hbm>>) target(%arg9 : memref<32x128xf32, #tpu.memory_space<vmem>>) offsets(%dma_start3A_173 : memref<32xi32, #tpu.memory_space<vmem>>) semaphore(%arg14 : memref<!tpu.dma_semaphore, #tpu.memory_space<semaphore_mem>>)
        } else {
        }
        %mul3A_135 = arith.constant 4 : i32
        %mul3A_136 = arith.muli %add3A_102, %mul3A_135 : i32
        %add3A_137 = arith.constant 2 : i32
        %add3A_138 = arith.addi %mul3A_136, %add3A_137 : i32
        %dma_wait3A_139 = arith.constant 0 : i32
        %dma_wait3A_140 = tpu.memref_slice %arg6[%add3A_138, %dma_wait3A_139] : memref<40x32xi32, #tpu.memory_space<vmem>> -> memref<1x32xi32, #tpu.memory_space<vmem>>
        %dma_wait3A_141 = tpu.memref_squeeze %dma_wait3A_140 : memref<1x32xi32, #tpu.memory_space<vmem>> -> memref<32xi32, #tpu.memory_space<vmem>>
        %dma_wait3A_142 = arith.constant 0 : i32
        %dma_wait3A_143 = arith.constant 0 : i32
        %dma_wait3A_144 = tpu.memref_slice %arg2[%dma_wait3A_142, %dma_wait3A_143] : memref<10240x128xf32, #tpu.memory_space<hbm>> -> memref<10240x128xf32, #tpu.memory_space<hbm>>
        tpu.wait_indirect_dma semaphore(%arg15 : memref<!tpu.dma_semaphore, #tpu.memory_space<semaphore_mem>>) src(%dma_wait3A_144 : memref<10240x128xf32, #tpu.memory_space<hbm>>) dst(%arg10 : memref<32x128xf32, #tpu.memory_space<vmem>>)
        "tpu.region"() ({
          %run_scoped3A = tpu.sem_alloc : memref<!tpu.dma_semaphore, #tpu.memory_space<semaphore_mem>>
          %dma_start3A_169 = arith.constant 0 : i32
          %dma_start3A_170 = tpu.memref_slice %arg7[%add3A_138, %dma_start3A_169] : memref<40x32xi32, #tpu.memory_space<vmem>> -> memref<1x32xi32, #tpu.memory_space<vmem>>
          %dma_start3A_171 = tpu.memref_squeeze %dma_start3A_170 : memref<1x32xi32, #tpu.memory_space<vmem>> -> memref<32xi32, #tpu.memory_space<vmem>>
          %dma_start3A_172 = arith.constant 0 : i32
          %dma_start3A_173 = arith.constant 0 : i32
          %dma_start3A_174 = tpu.memref_slice %arg12[%dma_start3A_172, %dma_start3A_173] : memref<10240x128xf32, #tpu.memory_space<vmem_shared>> -> memref<10240x128xf32, #tpu.memory_space<vmem_shared>>
          tpu.enqueue_indirect_dma source(%arg10 : memref<32x128xf32, #tpu.memory_space<vmem>>) target(%dma_start3A_174 : memref<10240x128xf32, #tpu.memory_space<vmem_shared>>) offsets(%dma_start3A_171 : memref<32xi32, #tpu.memory_space<vmem>>) semaphore(%run_scoped3A : memref<!tpu.dma_semaphore, #tpu.memory_space<semaphore_mem>>) {add = true}
          %dma_wait3A_175 = arith.constant 0 : i32
          %dma_wait3A_176 = tpu.memref_slice %arg7[%add3A_138, %dma_wait3A_175] : memref<40x32xi32, #tpu.memory_space<vmem>> -> memref<1x32xi32, #tpu.memory_space<vmem>>
          %dma_wait3A_177 = tpu.memref_squeeze %dma_wait3A_176 : memref<1x32xi32, #tpu.memory_space<vmem>> -> memref<32xi32, #tpu.memory_space<vmem>>
          %dma_wait3A_178 = arith.constant 0 : i32
          %dma_wait3A_179 = arith.constant 0 : i32
          %dma_wait3A_180 = tpu.memref_slice %arg12[%dma_wait3A_178, %dma_wait3A_179] : memref<10240x128xf32, #tpu.memory_space<vmem_shared>> -> memref<10240x128xf32, #tpu.memory_space<vmem_shared>>
          tpu.wait_indirect_dma semaphore(%run_scoped3A : memref<!tpu.dma_semaphore, #tpu.memory_space<semaphore_mem>>) src(%arg10 : memref<32x128xf32, #tpu.memory_space<vmem>>) dst(%dma_wait3A_180 : memref<10240x128xf32, #tpu.memory_space<vmem_shared>>)
          tpu.yield
        }) : () -> ()
        %add3A_145 = arith.constant 4 : i32
        %add3A_146 = arith.addi %add3A_138, %add3A_145 : i32
        %lt3A_147 = arith.constant 40 : i32
        %lt3A_148 = arith.cmpi slt, %add3A_146, %lt3A_147 : i32
        %convert_element_type3A_149 = arith.extui %lt3A_148 : i1 to i32
        %cond3A_150 = arith.constant 0 : i32
        %cond3A_151 = arith.cmpi ne, %convert_element_type3A_149, %cond3A_150 : i32
        scf.if %cond3A_151 {
          %add3A_169 = arith.constant 4 : i32
          %add3A_170 = arith.addi %add3A_138, %add3A_169 : i32
          %dma_start3A_171 = arith.constant 0 : i32
          %dma_start3A_172 = tpu.memref_slice %arg6[%add3A_170, %dma_start3A_171] : memref<40x32xi32, #tpu.memory_space<vmem>> -> memref<1x32xi32, #tpu.memory_space<vmem>>
          %dma_start3A_173 = tpu.memref_squeeze %dma_start3A_172 : memref<1x32xi32, #tpu.memory_space<vmem>> -> memref<32xi32, #tpu.memory_space<vmem>>
          %dma_start3A_174 = arith.constant 0 : i32
          %dma_start3A_175 = arith.constant 0 : i32
          %dma_start3A_176 = tpu.memref_slice %arg2[%dma_start3A_174, %dma_start3A_175] : memref<10240x128xf32, #tpu.memory_space<hbm>> -> memref<10240x128xf32, #tpu.memory_space<hbm>>
          tpu.enqueue_indirect_dma source(%dma_start3A_176 : memref<10240x128xf32, #tpu.memory_space<hbm>>) target(%arg10 : memref<32x128xf32, #tpu.memory_space<vmem>>) offsets(%dma_start3A_173 : memref<32xi32, #tpu.memory_space<vmem>>) semaphore(%arg15 : memref<!tpu.dma_semaphore, #tpu.memory_space<semaphore_mem>>)
        } else {
        }
        %mul3A_152 = arith.constant 4 : i32
        %mul3A_153 = arith.muli %add3A_102, %mul3A_152 : i32
        %add3A_154 = arith.constant 3 : i32
        %add3A_155 = arith.addi %mul3A_153, %add3A_154 : i32
        %dma_wait3A_156 = arith.constant 0 : i32
        %dma_wait3A_157 = tpu.memref_slice %arg6[%add3A_155, %dma_wait3A_156] : memref<40x32xi32, #tpu.memory_space<vmem>> -> memref<1x32xi32, #tpu.memory_space<vmem>>
        %dma_wait3A_158 = tpu.memref_squeeze %dma_wait3A_157 : memref<1x32xi32, #tpu.memory_space<vmem>> -> memref<32xi32, #tpu.memory_space<vmem>>
        %dma_wait3A_159 = arith.constant 0 : i32
        %dma_wait3A_160 = arith.constant 0 : i32
        %dma_wait3A_161 = tpu.memref_slice %arg2[%dma_wait3A_159, %dma_wait3A_160] : memref<10240x128xf32, #tpu.memory_space<hbm>> -> memref<10240x128xf32, #tpu.memory_space<hbm>>
        tpu.wait_indirect_dma semaphore(%arg16 : memref<!tpu.dma_semaphore, #tpu.memory_space<semaphore_mem>>) src(%dma_wait3A_161 : memref<10240x128xf32, #tpu.memory_space<hbm>>) dst(%arg11 : memref<32x128xf32, #tpu.memory_space<vmem>>)
        "tpu.region"() ({
          %run_scoped3A = tpu.sem_alloc : memref<!tpu.dma_semaphore, #tpu.memory_space<semaphore_mem>>
          %dma_start3A_169 = arith.constant 0 : i32
          %dma_start3A_170 = tpu.memref_slice %arg7[%add3A_155, %dma_start3A_169] : memref<40x32xi32, #tpu.memory_space<vmem>> -> memref<1x32xi32, #tpu.memory_space<vmem>>
          %dma_start3A_171 = tpu.memref_squeeze %dma_start3A_170 : memref<1x32xi32, #tpu.memory_space<vmem>> -> memref<32xi32, #tpu.memory_space<vmem>>
          %dma_start3A_172 = arith.constant 0 : i32
          %dma_start3A_173 = arith.constant 0 : i32
          %dma_start3A_174 = tpu.memref_slice %arg12[%dma_start3A_172, %dma_start3A_173] : memref<10240x128xf32, #tpu.memory_space<vmem_shared>> -> memref<10240x128xf32, #tpu.memory_space<vmem_shared>>
          tpu.enqueue_indirect_dma source(%arg11 : memref<32x128xf32, #tpu.memory_space<vmem>>) target(%dma_start3A_174 : memref<10240x128xf32, #tpu.memory_space<vmem_shared>>) offsets(%dma_start3A_171 : memref<32xi32, #tpu.memory_space<vmem>>) semaphore(%run_scoped3A : memref<!tpu.dma_semaphore, #tpu.memory_space<semaphore_mem>>) {add = true}
          %dma_wait3A_175 = arith.constant 0 : i32
          %dma_wait3A_176 = tpu.memref_slice %arg7[%add3A_155, %dma_wait3A_175] : memref<40x32xi32, #tpu.memory_space<vmem>> -> memref<1x32xi32, #tpu.memory_space<vmem>>
          %dma_wait3A_177 = tpu.memref_squeeze %dma_wait3A_176 : memref<1x32xi32, #tpu.memory_space<vmem>> -> memref<32xi32, #tpu.memory_space<vmem>>
          %dma_wait3A_178 = arith.constant 0 : i32
          %dma_wait3A_179 = arith.constant 0 : i32
          %dma_wait3A_180 = tpu.memref_slice %arg12[%dma_wait3A_178, %dma_wait3A_179] : memref<10240x128xf32, #tpu.memory_space<vmem_shared>> -> memref<10240x128xf32, #tpu.memory_space<vmem_shared>>
          tpu.wait_indirect_dma semaphore(%run_scoped3A : memref<!tpu.dma_semaphore, #tpu.memory_space<semaphore_mem>>) src(%arg11 : memref<32x128xf32, #tpu.memory_space<vmem>>) dst(%dma_wait3A_180 : memref<10240x128xf32, #tpu.memory_space<vmem_shared>>)
          tpu.yield
        }) : () -> ()
        %add3A_162 = arith.constant 4 : i32
        %add3A_163 = arith.addi %add3A_155, %add3A_162 : i32
        %lt3A_164 = arith.constant 40 : i32
        %lt3A_165 = arith.cmpi slt, %add3A_163, %lt3A_164 : i32
        %convert_element_type3A_166 = arith.extui %lt3A_165 : i1 to i32
        %cond3A_167 = arith.constant 0 : i32
        %cond3A_168 = arith.cmpi ne, %convert_element_type3A_166, %cond3A_167 : i32
        scf.if %cond3A_168 {
          %add3A_169 = arith.constant 4 : i32
          %add3A_170 = arith.addi %add3A_155, %add3A_169 : i32
          %dma_start3A_171 = arith.constant 0 : i32
          %dma_start3A_172 = tpu.memref_slice %arg6[%add3A_170, %dma_start3A_171] : memref<40x32xi32, #tpu.memory_space<vmem>> -> memref<1x32xi32, #tpu.memory_space<vmem>>
          %dma_start3A_173 = tpu.memref_squeeze %dma_start3A_172 : memref<1x32xi32, #tpu.memory_space<vmem>> -> memref<32xi32, #tpu.memory_space<vmem>>
          %dma_start3A_174 = arith.constant 0 : i32
          %dma_start3A_175 = arith.constant 0 : i32
          %dma_start3A_176 = tpu.memref_slice %arg2[%dma_start3A_174, %dma_start3A_175] : memref<10240x128xf32, #tpu.memory_space<hbm>> -> memref<10240x128xf32, #tpu.memory_space<hbm>>
          tpu.enqueue_indirect_dma source(%dma_start3A_176 : memref<10240x128xf32, #tpu.memory_space<hbm>>) target(%arg11 : memref<32x128xf32, #tpu.memory_space<vmem>>) offsets(%dma_start3A_173 : memref<32xi32, #tpu.memory_space<vmem>>) semaphore(%arg16 : memref<!tpu.dma_semaphore, #tpu.memory_space<semaphore_mem>>)
        } else {
        }
      }
      %scan3A_97 = arith.constant 10 : i32
    }
    %scan3A_81 = arith.constant 8 : i32
    %barrier3A_82 = arith.constant 0 : index
    tpu.barrier barrier_id(%barrier3A_82)
    "tpu.region"() ({
      %run_scoped3A = tpu.sem_alloc : memref<!tpu.dma_semaphore, #tpu.memory_space<semaphore_mem>>
      %dma_start3A_83 = arith.constant 0 : i32
      %dma_start3A_84 = tpu.memref_slice %arg5[%arg0, %mul3A_29, %dma_start3A_83] : memref<2x10240x128xf32, #tpu.memory_space<hbm>> -> memref<1x640x128xf32, #tpu.memory_space<hbm>>
      %dma_start3A_85 = tpu.memref_squeeze %dma_start3A_84 : memref<1x640x128xf32, #tpu.memory_space<hbm>> -> memref<640x128xf32, #tpu.memory_space<hbm>>
      %dma_start3A_86 = arith.constant 0 : i32
      %dma_start3A_87 = tpu.memref_slice %arg12[%mul3A_29, %dma_start3A_86] : memref<10240x128xf32, #tpu.memory_space<vmem_shared>> -> memref<640x128xf32, #tpu.memory_space<vmem_shared>>
      tpu.enqueue_dma source(%dma_start3A_87 : memref<640x128xf32, #tpu.memory_space<vmem_shared>>) target(%dma_start3A_85 : memref<640x128xf32, #tpu.memory_space<hbm>>) target_semaphore(%run_scoped3A : memref<!tpu.dma_semaphore, #tpu.memory_space<semaphore_mem>>)
      %dma_wait3A = arith.constant 0 : i32
      %dma_wait3A_88 = tpu.memref_slice %arg5[%arg0, %mul3A_29, %dma_wait3A] : memref<2x10240x128xf32, #tpu.memory_space<hbm>> -> memref<1x640x128xf32, #tpu.memory_space<hbm>>
      %dma_wait3A_89 = tpu.memref_squeeze %dma_wait3A_88 : memref<1x640x128xf32, #tpu.memory_space<hbm>> -> memref<640x128xf32, #tpu.memory_space<hbm>>
      %dma_wait3A_90 = arith.constant 0 : i32
      %dma_wait3A_91 = tpu.memref_slice %arg12[%mul3A_29, %dma_wait3A_90] : memref<10240x128xf32, #tpu.memory_space<vmem_shared>> -> memref<640x128xf32, #tpu.memory_space<vmem_shared>>
      tpu.wait_dma2 semaphore(%run_scoped3A : memref<!tpu.dma_semaphore, #tpu.memory_space<semaphore_mem>>) src(%dma_wait3A_91 : memref<640x128xf32, #tpu.memory_space<vmem_shared>>) dst(%dma_wait3A_89 : memref<640x128xf32, #tpu.memory_space<hbm>>)
      tpu.yield
    }) : () -> ()
    return
  }
}

module attributes {stable_mosaic.version = 14 : i64} {
  func.func @_inv_deg_body(%arg0: i32, %arg1: memref<2x512x128xf32, #tpu.memory_space<vmem>>, %arg2: memref<512x8xf32, #tpu.memory_space<vmem>>) attributes {dimension_semantics = [#tpu.dimension_semantics<arbitrary>], iteration_bounds = array<i64: 20>, scalar_prefetch = 0 : i64, scratch_operands = 0 : i64, tpu.core_type = #tpu.core_type<tc>, window_params = [{transform_indices = @transform_0, window_bounds = array<i64: 2, 512, 128>}, {transform_indices = @transform_1, window_bounds = array<i64: 512, 8>}]} {
    %get3A = arith.constant 0 : index
    %get3A_0 = arith.constant 0 : index
    %get3A_1 = arith.constant 0 : index
    %get3A_2 = vector.load %arg1[%get3A, %get3A_0, %get3A_1] : memref<2x512x128xf32, #tpu.memory_space<vmem>>, vector<2x512x128xf32>
    %slice3A = vector.extract_strided_slice %get3A_2 {offsets = [0, 0, 0], sizes = [1, 512, 1], strides = [1, 1, 1]} : vector<2x512x128xf32> to vector<1x512x1xf32>
    %squeeze3A = vector.shape_cast %slice3A : vector<1x512x1xf32> to vector<512x1xf32>
    %slice3A_3 = vector.extract_strided_slice %get3A_2 {offsets = [1, 0, 0], sizes = [1, 512, 1], strides = [1, 1, 1]} : vector<2x512x128xf32> to vector<1x512x1xf32>
    %squeeze3A_4 = vector.shape_cast %slice3A_3 : vector<1x512x1xf32> to vector<512x1xf32>
    %add3A = arith.addf %squeeze3A, %squeeze3A_4 : vector<512x1xf32>
    %add3A_5 = arith.constant 1.000000e+00 : f32
    %add3A_6 = vector.broadcast %add3A_5 : f32 to vector<512x1xf32>
    %add3A_7 = arith.addf %add3A, %add3A_6 : vector<512x1xf32>
    %div3A = arith.constant 1.000000e+00 : f32
    %div3A_8 = vector.broadcast %div3A : f32 to vector<512x1xf32>
    %div3A_9 = arith.divf %div3A_8, %add3A_7 : vector<512x1xf32>
    %broadcast_in_dim3A = vector.shape_cast %div3A_9 : vector<512x1xf32> to vector<512x1xf32>
    %broadcast_in_dim3A_10 = vector.broadcast %broadcast_in_dim3A : vector<512x1xf32> to vector<512x8xf32>
    %swap3A = arith.constant 0 : index
    %swap3A_11 = arith.constant 0 : index
    %swap3A_12 = vector.load %arg2[%swap3A, %swap3A_11] : memref<512x8xf32, #tpu.memory_space<vmem>>, vector<512x8xf32>
    tpu.vector_store %arg2[%swap3A, %swap3A_11], %broadcast_in_dim3A_10 {strides = array<i32>} : memref<512x8xf32, #tpu.memory_space<vmem>>, vector<512x8xf32>,
    return
  }
  func.func @transform_0(%arg0: i32) -> (i32, i32, i32) {
    %c0_i32 = arith.constant 0 : i32
    %c0_i32_0 = arith.constant 0 : i32
    %c0_i32_1 = arith.constant 0 : i32
    return %c0_i32, %arg0, %c0_i32_0 : i32, i32, i32
  }
  func.func @transform_1(%arg0: i32) -> (i32, i32) {
    %c0_i32 = arith.constant 0 : i32
    %c0_i32_0 = arith.constant 0 : i32
    return %arg0, %c0_i32 : i32, i32
  }
}

module attributes {stable_mosaic.version = 14 : i64} {
  func.func @_combine_body(%arg0: i32, %arg1: memref<512x8xf32, #tpu.memory_space<vmem>>, %arg2: memref<512x128xf32, #tpu.memory_space<vmem>>, %arg3: memref<2x512x128xf32, #tpu.memory_space<vmem>>, %arg4: memref<512x128xf32, #tpu.memory_space<vmem>>) attributes {dimension_semantics = [#tpu.dimension_semantics<arbitrary>], iteration_bounds = array<i64: 20>, scalar_prefetch = 0 : i64, scratch_operands = 0 : i64, tpu.core_type = #tpu.core_type<tc>, window_params = [{transform_indices = @transform_0, window_bounds = array<i64: 512, 8>}, {transform_indices = @transform_1, window_bounds = array<i64: 512, 128>}, {transform_indices = @transform_2, window_bounds = array<i64: 2, 512, 128>}, {transform_indices = @transform_3, window_bounds = array<i64: 512, 128>}]} {
    %get3A = arith.constant 0 : index
    %get3A_0 = arith.constant 0 : index
    %get3A_1 = vector.load %arg1[%get3A, %get3A_0] : memref<512x8xf32, #tpu.memory_space<vmem>>, vector<512x8xf32>
    %slice3A = vector.extract_strided_slice %get3A_1 {offsets = [0, 0], sizes = [512, 1], strides = [1, 1]} : vector<512x8xf32> to vector<512x1xf32>
    %get3A_2 = arith.constant 0 : index
    %get3A_3 = arith.constant 0 : index
    %get3A_4 = arith.constant 0 : index
    %get3A_5 = vector.load %arg3[%get3A_2, %get3A_3, %get3A_4] : memref<2x512x128xf32, #tpu.memory_space<vmem>>, vector<2x512x128xf32>
    %slice3A_6 = vector.extract_strided_slice %get3A_5 {offsets = [0, 0, 0], sizes = [1, 512, 128], strides = [1, 1, 1]} : vector<2x512x128xf32> to vector<1x512x128xf32>
    %squeeze3A = vector.shape_cast %slice3A_6 : vector<1x512x128xf32> to vector<512x128xf32>
    %slice3A_7 = vector.extract_strided_slice %get3A_5 {offsets = [1, 0, 0], sizes = [1, 512, 128], strides = [1, 1, 1]} : vector<2x512x128xf32> to vector<1x512x128xf32>
    %squeeze3A_8 = vector.shape_cast %slice3A_7 : vector<1x512x128xf32> to vector<512x128xf32>
    %add3A = arith.addf %squeeze3A, %squeeze3A_8 : vector<512x128xf32>
    %get3A_9 = arith.constant 0 : index
    %get3A_10 = arith.constant 0 : index
    %get3A_11 = vector.load %arg2[%get3A_9, %get3A_10] : memref<512x128xf32, #tpu.memory_space<vmem>>, vector<512x128xf32>
    %add3A_12 = arith.addf %add3A, %get3A_11 : vector<512x128xf32>
    %mul3A = vector.broadcast %slice3A : vector<512x1xf32> to vector<512x128xf32>
    %mul3A_13 = arith.mulf %add3A_12, %mul3A : vector<512x128xf32>
    %swap3A = arith.constant 0 : index
    %swap3A_14 = arith.constant 0 : index
    %swap3A_15 = vector.load %arg4[%swap3A, %swap3A_14] : memref<512x128xf32, #tpu.memory_space<vmem>>, vector<512x128xf32>
    tpu.vector_store %arg4[%swap3A, %swap3A_14], %mul3A_13 {strides = array<i32>} : memref<512x128xf32, #tpu.memory_space<vmem>>, vector<512x128xf32>,
    return
  }
  func.func @transform_0(%arg0: i32) -> (i32, i32) {
    %c0_i32 = arith.constant 0 : i32
    %c0_i32_0 = arith.constant 0 : i32
    return %arg0, %c0_i32 : i32, i32
  }
  func.func @transform_1(%arg0: i32) -> (i32, i32) {
    %c0_i32 = arith.constant 0 : i32
    %c0_i32_0 = arith.constant 0 : i32
    return %arg0, %c0_i32 : i32, i32
  }
  func.func @transform_2(%arg0: i32) -> (i32, i32, i32) {
    %c0_i32 = arith.constant 0 : i32
    %c0_i32_0 = arith.constant 0 : i32
    %c0_i32_1 = arith.constant 0 : i32
    return %c0_i32, %arg0, %c0_i32_0 : i32, i32, i32
  }
  func.func @transform_3(%arg0: i32) -> (i32, i32) {
    %c0_i32 = arith.constant 0 : i32
    %c0_i32_0 = arith.constant 0 : i32
    return %arg0, %c0_i32 : i32, i32
  }
}

module attributes {stable_mosaic.version = 14 : i64} {
  func.func @_ls2t_body(%arg0: i32, %arg1: memref<512x128xf32, #tpu.memory_space<vmem>>, %arg2: memref<512x128xf32, #tpu.memory_space<vmem>>, %arg3: memref<512x128xf32, #tpu.memory_space<vmem>>, %arg4: memref<512x128xf32, #tpu.memory_space<vmem>>, %arg5: memref<2x512x128xf32, #tpu.memory_space<vmem>>, %arg6: memref<512x8xf32, #tpu.memory_space<vmem>>, %arg7: memref<3x128x64xf32, #tpu.memory_space<vmem>>, %arg8: memref<3x64xf32, #tpu.memory_space<vmem>>, %arg9: memref<3x64xf32, #tpu.memory_space<vmem>>, %arg10: memref<512x192xf32, #tpu.memory_space<vmem>>) attributes {dimension_semantics = [#tpu.dimension_semantics<arbitrary>], iteration_bounds = array<i64: 20>, scalar_prefetch = 0 : i64, scratch_operands = 0 : i64, tpu.core_type = #tpu.core_type<tc>, window_params = [{transform_indices = @transform_0, window_bounds = array<i64: 512, 128>}, {transform_indices = @transform_1, window_bounds = array<i64: 512, 128>}, {transform_indices = @transform_2, window_bounds = array<i64: 512, 128>}, {transform_indices = @transform_3, window_bounds = array<i64: 512, 128>}, {transform_indices = @transform_4, window_bounds = array<i64: 2, 512, 128>}, {transform_indices = @transform_5, window_bounds = array<i64: 512, 8>}, {pipeline_mode = #tpu.pipeline_mode<synchronous>, transform_indices = @transform_6, window_bounds = array<i64: 3, 128, 64>}, {pipeline_mode = #tpu.pipeline_mode<synchronous>, transform_indices = @transform_7, window_bounds = array<i64: 3, 64>}, {pipeline_mode = #tpu.pipeline_mode<synchronous>, transform_indices = @transform_8, window_bounds = array<i64: 3, 64>}, {transform_indices = @transform_9, window_bounds = array<i64: 512, 192>}]} {
    %get3A = arith.constant 0 : index
    %get3A_0 = arith.constant 0 : index
    %get3A_1 = arith.constant 0 : index
    %get3A_2 = vector.load %arg5[%get3A, %get3A_0, %get3A_1] : memref<2x512x128xf32, #tpu.memory_space<vmem>>, vector<2x512x128xf32>
    %get3A_3 = arith.constant 0 : index
    %get3A_4 = arith.constant 0 : index
    %get3A_5 = vector.load %arg4[%get3A_3, %get3A_4] : memref<512x128xf32, #tpu.memory_space<vmem>>, vector<512x128xf32>
    %slice3A = vector.extract_strided_slice %get3A_2 {offsets = [0, 0, 0], sizes = [1, 512, 128], strides = [1, 1, 1]} : vector<2x512x128xf32> to vector<1x512x128xf32>
    %squeeze3A = vector.shape_cast %slice3A : vector<1x512x128xf32> to vector<512x128xf32>
    %slice3A_6 = vector.extract_strided_slice %get3A_2 {offsets = [1, 0, 0], sizes = [1, 512, 128], strides = [1, 1, 1]} : vector<2x512x128xf32> to vector<1x512x128xf32>
    %squeeze3A_7 = vector.shape_cast %slice3A_6 : vector<1x512x128xf32> to vector<512x128xf32>
    %add3A = arith.addf %squeeze3A, %squeeze3A_7 : vector<512x128xf32>
    %add3A_8 = arith.addf %add3A, %get3A_5 : vector<512x128xf32>
    %get3A_9 = arith.constant 0 : index
    %get3A_10 = arith.constant 0 : index
    %get3A_11 = vector.load %arg6[%get3A_9, %get3A_10] : memref<512x8xf32, #tpu.memory_space<vmem>>, vector<512x8xf32>
    %slice3A_12 = vector.extract_strided_slice %get3A_11 {offsets = [0, 0], sizes = [512, 1], strides = [1, 1]} : vector<512x8xf32> to vector<512x1xf32>
    %mul3A = vector.broadcast %slice3A_12 : vector<512x1xf32> to vector<512x128xf32>
    %mul3A_13 = arith.mulf %add3A_8, %mul3A : vector<512x128xf32>
    %get3A_14 = arith.constant 0 : index
    %get3A_15 = arith.constant 0 : index
    %get3A_16 = vector.load %arg1[%get3A_14, %get3A_15] : memref<512x128xf32, #tpu.memory_space<vmem>>, vector<512x128xf32>
    %get3A_17 = arith.constant 0 : index
    %get3A_18 = arith.constant 0 : index
    %get3A_19 = vector.load %arg2[%get3A_17, %get3A_18] : memref<512x128xf32, #tpu.memory_space<vmem>>, vector<512x128xf32>
    %get3A_20 = arith.constant 0 : index
    %get3A_21 = arith.constant 0 : index
    %get3A_22 = vector.load %arg3[%get3A_20, %get3A_21] : memref<512x128xf32, #tpu.memory_space<vmem>>, vector<512x128xf32>
    %sub3A = arith.subf %get3A_19, %get3A_16 : vector<512x128xf32>
    %sub3A_23 = arith.subf %get3A_22, %get3A_19 : vector<512x128xf32>
    %sub3A_24 = arith.subf %get3A_5, %get3A_22 : vector<512x128xf32>
    %sub3A_25 = arith.subf %mul3A_13, %get3A_5 : vector<512x128xf32>
    %get3A_26 = arith.constant 0 : index
    %get3A_27 = arith.constant 0 : index
    %get3A_28 = arith.constant 0 : index
    %get3A_29 = vector.load %arg7[%get3A_26, %get3A_27, %get3A_28] : memref<3x128x64xf32, #tpu.memory_space<vmem>>, vector<3x128x64xf32>
    %get3A_30 = arith.constant 0 : index
    %get3A_31 = arith.constant 0 : index
    %get3A_32 = vector.load %arg8[%get3A_30, %get3A_31] : memref<3x64xf32, #tpu.memory_space<vmem>>, vector<3x64xf32>
    %slice3A_33 = vector.extract_strided_slice %get3A_29 {offsets = [0, 0, 0], sizes = [1, 128, 64], strides = [1, 1, 1]} : vector<3x128x64xf32> to vector<1x128x64xf32>
    %squeeze3A_34 = vector.shape_cast %slice3A_33 : vector<1x128x64xf32> to vector<128x64xf32>
    %dot_general3A = arith.constant dense<0.000000e+00> : vector<512x64xf32>
    %dot_general3A_35 = tpu.matmul %get3A_16, %squeeze3A_34, %dot_general3A {dimension_numbers = #tpu.dot_dimension_numbers<[1], [0], [0], [1], [0, 0, 1, 1], [], []>, transpose_lhs_hint = false} : vector<512x128xf32>, vector<128x64xf32>, vector<512x64xf32> -> vector<512x64xf32>
    %slice3A_36 = vector.extract_strided_slice %get3A_32 {offsets = [0, 0], sizes = [1, 64], strides = [1, 1]} : vector<3x64xf32> to vector<1x64xf32>
    %squeeze3A_37 = vector.shape_cast %slice3A_36 : vector<1x64xf32> to vector<64xf32>
    %broadcast_in_dim3A = vector.shape_cast %squeeze3A_37 : vector<64xf32> to vector<1x64xf32>
    %add3A_38 = vector.broadcast %broadcast_in_dim3A : vector<1x64xf32> to vector<512x64xf32>
    %add3A_39 = arith.addf %dot_general3A_35, %add3A_38 : vector<512x64xf32>
    %slice3A_40 = vector.extract_strided_slice %get3A_29 {offsets = [0, 0, 0], sizes = [1, 128, 64], strides = [1, 1, 1]} : vector<3x128x64xf32> to vector<1x128x64xf32>
    %squeeze3A_41 = vector.shape_cast %slice3A_40 : vector<1x128x64xf32> to vector<128x64xf32>
    %dot_general3A_42 = arith.constant dense<0.000000e+00> : vector<512x64xf32>
    %dot_general3A_43 = tpu.matmul %sub3A, %squeeze3A_41, %dot_general3A_42 {dimension_numbers = #tpu.dot_dimension_numbers<[1], [0], [0], [1], [0, 0, 1, 1], [], []>, transpose_lhs_hint = false} : vector<512x128xf32>, vector<128x64xf32>, vector<512x64xf32> -> vector<512x64xf32>
    %slice3A_44 = vector.extract_strided_slice %get3A_32 {offsets = [0, 0], sizes = [1, 64], strides = [1, 1]} : vector<3x64xf32> to vector<1x64xf32>
    %squeeze3A_45 = vector.shape_cast %slice3A_44 : vector<1x64xf32> to vector<64xf32>
    %broadcast_in_dim3A_46 = vector.shape_cast %squeeze3A_45 : vector<64xf32> to vector<1x64xf32>
    %add3A_47 = vector.broadcast %broadcast_in_dim3A_46 : vector<1x64xf32> to vector<512x64xf32>
    %add3A_48 = arith.addf %dot_general3A_43, %add3A_47 : vector<512x64xf32>
    %slice3A_49 = vector.extract_strided_slice %get3A_29 {offsets = [0, 0, 0], sizes = [1, 128, 64], strides = [1, 1, 1]} : vector<3x128x64xf32> to vector<1x128x64xf32>
    %squeeze3A_50 = vector.shape_cast %slice3A_49 : vector<1x128x64xf32> to vector<128x64xf32>
    %dot_general3A_51 = arith.constant dense<0.000000e+00> : vector<512x64xf32>
    %dot_general3A_52 = tpu.matmul %sub3A_23, %squeeze3A_50, %dot_general3A_51 {dimension_numbers = #tpu.dot_dimension_numbers<[1], [0], [0], [1], [0, 0, 1, 1], [], []>, transpose_lhs_hint = false} : vector<512x128xf32>, vector<128x64xf32>, vector<512x64xf32> -> vector<512x64xf32>
    %slice3A_53 = vector.extract_strided_slice %get3A_32 {offsets = [0, 0], sizes = [1, 64], strides = [1, 1]} : vector<3x64xf32> to vector<1x64xf32>
    %squeeze3A_54 = vector.shape_cast %slice3A_53 : vector<1x64xf32> to vector<64xf32>
    %broadcast_in_dim3A_55 = vector.shape_cast %squeeze3A_54 : vector<64xf32> to vector<1x64xf32>
    %add3A_56 = vector.broadcast %broadcast_in_dim3A_55 : vector<1x64xf32> to vector<512x64xf32>
    %add3A_57 = arith.addf %dot_general3A_52, %add3A_56 : vector<512x64xf32>
    %slice3A_58 = vector.extract_strided_slice %get3A_29 {offsets = [0, 0, 0], sizes = [1, 128, 64], strides = [1, 1, 1]} : vector<3x128x64xf32> to vector<1x128x64xf32>
    %squeeze3A_59 = vector.shape_cast %slice3A_58 : vector<1x128x64xf32> to vector<128x64xf32>
    %dot_general3A_60 = arith.constant dense<0.000000e+00> : vector<512x64xf32>
    %dot_general3A_61 = tpu.matmul %sub3A_24, %squeeze3A_59, %dot_general3A_60 {dimension_numbers = #tpu.dot_dimension_numbers<[1], [0], [0], [1], [0, 0, 1, 1], [], []>, transpose_lhs_hint = false} : vector<512x128xf32>, vector<128x64xf32>, vector<512x64xf32> -> vector<512x64xf32>
    %slice3A_62 = vector.extract_strided_slice %get3A_32 {offsets = [0, 0], sizes = [1, 64], strides = [1, 1]} : vector<3x64xf32> to vector<1x64xf32>
    %squeeze3A_63 = vector.shape_cast %slice3A_62 : vector<1x64xf32> to vector<64xf32>
    %broadcast_in_dim3A_64 = vector.shape_cast %squeeze3A_63 : vector<64xf32> to vector<1x64xf32>
    %add3A_65 = vector.broadcast %broadcast_in_dim3A_64 : vector<1x64xf32> to vector<512x64xf32>
    %add3A_66 = arith.addf %dot_general3A_61, %add3A_65 : vector<512x64xf32>
    %slice3A_67 = vector.extract_strided_slice %get3A_29 {offsets = [0, 0, 0], sizes = [1, 128, 64], strides = [1, 1, 1]} : vector<3x128x64xf32> to vector<1x128x64xf32>
    %squeeze3A_68 = vector.shape_cast %slice3A_67 : vector<1x128x64xf32> to vector<128x64xf32>
    %dot_general3A_69 = arith.constant dense<0.000000e+00> : vector<512x64xf32>
    %dot_general3A_70 = tpu.matmul %sub3A_25, %squeeze3A_68, %dot_general3A_69 {dimension_numbers = #tpu.dot_dimension_numbers<[1], [0], [0], [1], [0, 0, 1, 1], [], []>, transpose_lhs_hint = false} : vector<512x128xf32>, vector<128x64xf32>, vector<512x64xf32> -> vector<512x64xf32>
    %slice3A_71 = vector.extract_strided_slice %get3A_32 {offsets = [0, 0], sizes = [1, 64], strides = [1, 1]} : vector<3x64xf32> to vector<1x64xf32>
    %squeeze3A_72 = vector.shape_cast %slice3A_71 : vector<1x64xf32> to vector<64xf32>
    %broadcast_in_dim3A_73 = vector.shape_cast %squeeze3A_72 : vector<64xf32> to vector<1x64xf32>
    %add3A_74 = vector.broadcast %broadcast_in_dim3A_73 : vector<1x64xf32> to vector<512x64xf32>
    %add3A_75 = arith.addf %dot_general3A_70, %add3A_74 : vector<512x64xf32>
    %slice3A_76 = vector.extract_strided_slice %get3A_29 {offsets = [1, 0, 0], sizes = [1, 128, 64], strides = [1, 1, 1]} : vector<3x128x64xf32> to vector<1x128x64xf32>
    %squeeze3A_77 = vector.shape_cast %slice3A_76 : vector<1x128x64xf32> to vector<128x64xf32>
    %dot_general3A_78 = arith.constant dense<0.000000e+00> : vector<512x64xf32>
    %dot_general3A_79 = tpu.matmul %get3A_16, %squeeze3A_77, %dot_general3A_78 {dimension_numbers = #tpu.dot_dimension_numbers<[1], [0], [0], [1], [0, 0, 1, 1], [], []>, transpose_lhs_hint = false} : vector<512x128xf32>, vector<128x64xf32>, vector<512x64xf32> -> vector<512x64xf32>
    %slice3A_80 = vector.extract_strided_slice %get3A_32 {offsets = [1, 0], sizes = [1, 64], strides = [1, 1]} : vector<3x64xf32> to vector<1x64xf32>
    %squeeze3A_81 = vector.shape_cast %slice3A_80 : vector<1x64xf32> to vector<64xf32>
    %broadcast_in_dim3A_82 = vector.shape_cast %squeeze3A_81 : vector<64xf32> to vector<1x64xf32>
    %add3A_83 = vector.broadcast %broadcast_in_dim3A_82 : vector<1x64xf32> to vector<512x64xf32>
    %add3A_84 = arith.addf %dot_general3A_79, %add3A_83 : vector<512x64xf32>
    %slice3A_85 = vector.extract_strided_slice %get3A_29 {offsets = [1, 0, 0], sizes = [1, 128, 64], strides = [1, 1, 1]} : vector<3x128x64xf32> to vector<1x128x64xf32>
    %squeeze3A_86 = vector.shape_cast %slice3A_85 : vector<1x128x64xf32> to vector<128x64xf32>
    %dot_general3A_87 = arith.constant dense<0.000000e+00> : vector<512x64xf32>
    %dot_general3A_88 = tpu.matmul %sub3A, %squeeze3A_86, %dot_general3A_87 {dimension_numbers = #tpu.dot_dimension_numbers<[1], [0], [0], [1], [0, 0, 1, 1], [], []>, transpose_lhs_hint = false} : vector<512x128xf32>, vector<128x64xf32>, vector<512x64xf32> -> vector<512x64xf32>
    %slice3A_89 = vector.extract_strided_slice %get3A_32 {offsets = [1, 0], sizes = [1, 64], strides = [1, 1]} : vector<3x64xf32> to vector<1x64xf32>
    %squeeze3A_90 = vector.shape_cast %slice3A_89 : vector<1x64xf32> to vector<64xf32>
    %broadcast_in_dim3A_91 = vector.shape_cast %squeeze3A_90 : vector<64xf32> to vector<1x64xf32>
    %add3A_92 = vector.broadcast %broadcast_in_dim3A_91 : vector<1x64xf32> to vector<512x64xf32>
    %add3A_93 = arith.addf %dot_general3A_88, %add3A_92 : vector<512x64xf32>
    %slice3A_94 = vector.extract_strided_slice %get3A_29 {offsets = [1, 0, 0], sizes = [1, 128, 64], strides = [1, 1, 1]} : vector<3x128x64xf32> to vector<1x128x64xf32>
    %squeeze3A_95 = vector.shape_cast %slice3A_94 : vector<1x128x64xf32> to vector<128x64xf32>
    %dot_general3A_96 = arith.constant dense<0.000000e+00> : vector<512x64xf32>
    %dot_general3A_97 = tpu.matmul %sub3A_23, %squeeze3A_95, %dot_general3A_96 {dimension_numbers = #tpu.dot_dimension_numbers<[1], [0], [0], [1], [0, 0, 1, 1], [], []>, transpose_lhs_hint = false} : vector<512x128xf32>, vector<128x64xf32>, vector<512x64xf32> -> vector<512x64xf32>
    %slice3A_98 = vector.extract_strided_slice %get3A_32 {offsets = [1, 0], sizes = [1, 64], strides = [1, 1]} : vector<3x64xf32> to vector<1x64xf32>
    %squeeze3A_99 = vector.shape_cast %slice3A_98 : vector<1x64xf32> to vector<64xf32>
    %broadcast_in_dim3A_100 = vector.shape_cast %squeeze3A_99 : vector<64xf32> to vector<1x64xf32>
    %add3A_101 = vector.broadcast %broadcast_in_dim3A_100 : vector<1x64xf32> to vector<512x64xf32>
    %add3A_102 = arith.addf %dot_general3A_97, %add3A_101 : vector<512x64xf32>
    %slice3A_103 = vector.extract_strided_slice %get3A_29 {offsets = [1, 0, 0], sizes = [1, 128, 64], strides = [1, 1, 1]} : vector<3x128x64xf32> to vector<1x128x64xf32>
    %squeeze3A_104 = vector.shape_cast %slice3A_103 : vector<1x128x64xf32> to vector<128x64xf32>
    %dot_general3A_105 = arith.constant dense<0.000000e+00> : vector<512x64xf32>
    %dot_general3A_106 = tpu.matmul %sub3A_24, %squeeze3A_104, %dot_general3A_105 {dimension_numbers = #tpu.dot_dimension_numbers<[1], [0], [0], [1], [0, 0, 1, 1], [], []>, transpose_lhs_hint = false} : vector<512x128xf32>, vector<128x64xf32>, vector<512x64xf32> -> vector<512x64xf32>
    %slice3A_107 = vector.extract_strided_slice %get3A_32 {offsets = [1, 0], sizes = [1, 64], strides = [1, 1]} : vector<3x64xf32> to vector<1x64xf32>
    %squeeze3A_108 = vector.shape_cast %slice3A_107 : vector<1x64xf32> to vector<64xf32>
    %broadcast_in_dim3A_109 = vector.shape_cast %squeeze3A_108 : vector<64xf32> to vector<1x64xf32>
    %add3A_110 = vector.broadcast %broadcast_in_dim3A_109 : vector<1x64xf32> to vector<512x64xf32>
    %add3A_111 = arith.addf %dot_general3A_106, %add3A_110 : vector<512x64xf32>
    %slice3A_112 = vector.extract_strided_slice %get3A_29 {offsets = [1, 0, 0], sizes = [1, 128, 64], strides = [1, 1, 1]} : vector<3x128x64xf32> to vector<1x128x64xf32>
    %squeeze3A_113 = vector.shape_cast %slice3A_112 : vector<1x128x64xf32> to vector<128x64xf32>
    %dot_general3A_114 = arith.constant dense<0.000000e+00> : vector<512x64xf32>
    %dot_general3A_115 = tpu.matmul %sub3A_25, %squeeze3A_113, %dot_general3A_114 {dimension_numbers = #tpu.dot_dimension_numbers<[1], [0], [0], [1], [0, 0, 1, 1], [], []>, transpose_lhs_hint = false} : vector<512x128xf32>, vector<128x64xf32>, vector<512x64xf32> -> vector<512x64xf32>
    %slice3A_116 = vector.extract_strided_slice %get3A_32 {offsets = [1, 0], sizes = [1, 64], strides = [1, 1]} : vector<3x64xf32> to vector<1x64xf32>
    %squeeze3A_117 = vector.shape_cast %slice3A_116 : vector<1x64xf32> to vector<64xf32>
    %broadcast_in_dim3A_118 = vector.shape_cast %squeeze3A_117 : vector<64xf32> to vector<1x64xf32>
    %add3A_119 = vector.broadcast %broadcast_in_dim3A_118 : vector<1x64xf32> to vector<512x64xf32>
    %add3A_120 = arith.addf %dot_general3A_115, %add3A_119 : vector<512x64xf32>
    %slice3A_121 = vector.extract_strided_slice %get3A_29 {offsets = [2, 0, 0], sizes = [1, 128, 64], strides = [1, 1, 1]} : vector<3x128x64xf32> to vector<1x128x64xf32>
    %squeeze3A_122 = vector.shape_cast %slice3A_121 : vector<1x128x64xf32> to vector<128x64xf32>
    %dot_general3A_123 = arith.constant dense<0.000000e+00> : vector<512x64xf32>
    %dot_general3A_124 = tpu.matmul %get3A_16, %squeeze3A_122, %dot_general3A_123 {dimension_numbers = #tpu.dot_dimension_numbers<[1], [0], [0], [1], [0, 0, 1, 1], [], []>, transpose_lhs_hint = false} : vector<512x128xf32>, vector<128x64xf32>, vector<512x64xf32> -> vector<512x64xf32>
    %slice3A_125 = vector.extract_strided_slice %get3A_32 {offsets = [2, 0], sizes = [1, 64], strides = [1, 1]} : vector<3x64xf32> to vector<1x64xf32>
    %squeeze3A_126 = vector.shape_cast %slice3A_125 : vector<1x64xf32> to vector<64xf32>
    %broadcast_in_dim3A_127 = vector.shape_cast %squeeze3A_126 : vector<64xf32> to vector<1x64xf32>
    %add3A_128 = vector.broadcast %broadcast_in_dim3A_127 : vector<1x64xf32> to vector<512x64xf32>
    %add3A_129 = arith.addf %dot_general3A_124, %add3A_128 : vector<512x64xf32>
    %slice3A_130 = vector.extract_strided_slice %get3A_29 {offsets = [2, 0, 0], sizes = [1, 128, 64], strides = [1, 1, 1]} : vector<3x128x64xf32> to vector<1x128x64xf32>
    %squeeze3A_131 = vector.shape_cast %slice3A_130 : vector<1x128x64xf32> to vector<128x64xf32>
    %dot_general3A_132 = arith.constant dense<0.000000e+00> : vector<512x64xf32>
    %dot_general3A_133 = tpu.matmul %sub3A, %squeeze3A_131, %dot_general3A_132 {dimension_numbers = #tpu.dot_dimension_numbers<[1], [0], [0], [1], [0, 0, 1, 1], [], []>, transpose_lhs_hint = false} : vector<512x128xf32>, vector<128x64xf32>, vector<512x64xf32> -> vector<512x64xf32>
    %slice3A_134 = vector.extract_strided_slice %get3A_32 {offsets = [2, 0], sizes = [1, 64], strides = [1, 1]} : vector<3x64xf32> to vector<1x64xf32>
    %squeeze3A_135 = vector.shape_cast %slice3A_134 : vector<1x64xf32> to vector<64xf32>
    %broadcast_in_dim3A_136 = vector.shape_cast %squeeze3A_135 : vector<64xf32> to vector<1x64xf32>
    %add3A_137 = vector.broadcast %broadcast_in_dim3A_136 : vector<1x64xf32> to vector<512x64xf32>
    %add3A_138 = arith.addf %dot_general3A_133, %add3A_137 : vector<512x64xf32>
    %slice3A_139 = vector.extract_strided_slice %get3A_29 {offsets = [2, 0, 0], sizes = [1, 128, 64], strides = [1, 1, 1]} : vector<3x128x64xf32> to vector<1x128x64xf32>
    %squeeze3A_140 = vector.shape_cast %slice3A_139 : vector<1x128x64xf32> to vector<128x64xf32>
    %dot_general3A_141 = arith.constant dense<0.000000e+00> : vector<512x64xf32>
    %dot_general3A_142 = tpu.matmul %sub3A_23, %squeeze3A_140, %dot_general3A_141 {dimension_numbers = #tpu.dot_dimension_numbers<[1], [0], [0], [1], [0, 0, 1, 1], [], []>, transpose_lhs_hint = false} : vector<512x128xf32>, vector<128x64xf32>, vector<512x64xf32> -> vector<512x64xf32>
    %slice3A_143 = vector.extract_strided_slice %get3A_32 {offsets = [2, 0], sizes = [1, 64], strides = [1, 1]} : vector<3x64xf32> to vector<1x64xf32>
    %squeeze3A_144 = vector.shape_cast %slice3A_143 : vector<1x64xf32> to vector<64xf32>
    %broadcast_in_dim3A_145 = vector.shape_cast %squeeze3A_144 : vector<64xf32> to vector<1x64xf32>
    %add3A_146 = vector.broadcast %broadcast_in_dim3A_145 : vector<1x64xf32> to vector<512x64xf32>
    %add3A_147 = arith.addf %dot_general3A_142, %add3A_146 : vector<512x64xf32>
    %slice3A_148 = vector.extract_strided_slice %get3A_29 {offsets = [2, 0, 0], sizes = [1, 128, 64], strides = [1, 1, 1]} : vector<3x128x64xf32> to vector<1x128x64xf32>
    %squeeze3A_149 = vector.shape_cast %slice3A_148 : vector<1x128x64xf32> to vector<128x64xf32>
    %dot_general3A_150 = arith.constant dense<0.000000e+00> : vector<512x64xf32>
    %dot_general3A_151 = tpu.matmul %sub3A_24, %squeeze3A_149, %dot_general3A_150 {dimension_numbers = #tpu.dot_dimension_numbers<[1], [0], [0], [1], [0, 0, 1, 1], [], []>, transpose_lhs_hint = false} : vector<512x128xf32>, vector<128x64xf32>, vector<512x64xf32> -> vector<512x64xf32>
    %slice3A_152 = vector.extract_strided_slice %get3A_32 {offsets = [2, 0], sizes = [1, 64], strides = [1, 1]} : vector<3x64xf32> to vector<1x64xf32>
    %squeeze3A_153 = vector.shape_cast %slice3A_152 : vector<1x64xf32> to vector<64xf32>
    %broadcast_in_dim3A_154 = vector.shape_cast %squeeze3A_153 : vector<64xf32> to vector<1x64xf32>
    %add3A_155 = vector.broadcast %broadcast_in_dim3A_154 : vector<1x64xf32> to vector<512x64xf32>
    %add3A_156 = arith.addf %dot_general3A_151, %add3A_155 : vector<512x64xf32>
    %slice3A_157 = vector.extract_strided_slice %get3A_29 {offsets = [2, 0, 0], sizes = [1, 128, 64], strides = [1, 1, 1]} : vector<3x128x64xf32> to vector<1x128x64xf32>
    %squeeze3A_158 = vector.shape_cast %slice3A_157 : vector<1x128x64xf32> to vector<128x64xf32>
    %dot_general3A_159 = arith.constant dense<0.000000e+00> : vector<512x64xf32>
    %dot_general3A_160 = tpu.matmul %sub3A_25, %squeeze3A_158, %dot_general3A_159 {dimension_numbers = #tpu.dot_dimension_numbers<[1], [0], [0], [1], [0, 0, 1, 1], [], []>, transpose_lhs_hint = false} : vector<512x128xf32>, vector<128x64xf32>, vector<512x64xf32> -> vector<512x64xf32>
    %slice3A_161 = vector.extract_strided_slice %get3A_32 {offsets = [2, 0], sizes = [1, 64], strides = [1, 1]} : vector<3x64xf32> to vector<1x64xf32>
    %squeeze3A_162 = vector.shape_cast %slice3A_161 : vector<1x64xf32> to vector<64xf32>
    %broadcast_in_dim3A_163 = vector.shape_cast %squeeze3A_162 : vector<64xf32> to vector<1x64xf32>
    %add3A_164 = vector.broadcast %broadcast_in_dim3A_163 : vector<1x64xf32> to vector<512x64xf32>
    %add3A_165 = arith.addf %dot_general3A_160, %add3A_164 : vector<512x64xf32>
    %add3A_166 = arith.addf %add3A_39, %add3A_48 : vector<512x64xf32>
    %add3A_167 = arith.addf %add3A_166, %add3A_57 : vector<512x64xf32>
    %add3A_168 = arith.addf %add3A_167, %add3A_66 : vector<512x64xf32>
    %add3A_169 = arith.addf %add3A_168, %add3A_75 : vector<512x64xf32>
    %broadcast_in_dim3A_170 = arith.constant 0.000000e+00 : f32
    %broadcast_in_dim3A_171 = vector.broadcast %broadcast_in_dim3A_170 : f32 to vector<512x64xf32>
    %mul3A_172 = arith.mulf %add3A_84, %broadcast_in_dim3A_171 : vector<512x64xf32>
    %add3A_173 = arith.addf %broadcast_in_dim3A_171, %add3A_39 : vector<512x64xf32>
    %mul3A_174 = arith.mulf %add3A_93, %add3A_173 : vector<512x64xf32>
    %add3A_175 = arith.addf %add3A_173, %add3A_48 : vector<512x64xf32>
    %mul3A_176 = arith.mulf %add3A_102, %add3A_175 : vector<512x64xf32>
    %add3A_177 = arith.addf %add3A_175, %add3A_57 : vector<512x64xf32>
    %mul3A_178 = arith.mulf %add3A_111, %add3A_177 : vector<512x64xf32>
    %add3A_179 = arith.addf %add3A_177, %add3A_66 : vector<512x64xf32>
    %mul3A_180 = arith.mulf %add3A_120, %add3A_179 : vector<512x64xf32>
    %add3A_181 = arith.addf %mul3A_172, %mul3A_174 : vector<512x64xf32>
    %add3A_182 = arith.addf %add3A_181, %mul3A_176 : vector<512x64xf32>
    %add3A_183 = arith.addf %add3A_182, %mul3A_178 : vector<512x64xf32>
    %add3A_184 = arith.addf %add3A_183, %mul3A_180 : vector<512x64xf32>
    %broadcast_in_dim3A_185 = arith.constant 0.000000e+00 : f32
    %broadcast_in_dim3A_186 = vector.broadcast %broadcast_in_dim3A_185 : f32 to vector<512x64xf32>
    %mul3A_187 = arith.mulf %add3A_129, %broadcast_in_dim3A_186 : vector<512x64xf32>
    %add3A_188 = arith.addf %broadcast_in_dim3A_186, %mul3A_172 : vector<512x64xf32>
    %mul3A_189 = arith.mulf %add3A_138, %add3A_188 : vector<512x64xf32>
    %add3A_190 = arith.addf %add3A_188, %mul3A_174 : vector<512x64xf32>
    %mul3A_191 = arith.mulf %add3A_147, %add3A_190 : vector<512x64xf32>
    %add3A_192 = arith.addf %add3A_190, %mul3A_176 : vector<512x64xf32>
    %mul3A_193 = arith.mulf %add3A_156, %add3A_192 : vector<512x64xf32>
    %add3A_194 = arith.addf %add3A_192, %mul3A_178 : vector<512x64xf32>
    %mul3A_195 = arith.mulf %add3A_165, %add3A_194 : vector<512x64xf32>
    %add3A_196 = arith.addf %mul3A_187, %mul3A_189 : vector<512x64xf32>
    %add3A_197 = arith.addf %add3A_196, %mul3A_191 : vector<512x64xf32>
    %add3A_198 = arith.addf %add3A_197, %mul3A_193 : vector<512x64xf32>
    %add3A_199 = arith.addf %add3A_198, %mul3A_195 : vector<512x64xf32>
    %get3A_200 = arith.constant 0 : index
    %get3A_201 = arith.constant 0 : index
    %get3A_202 = vector.load %arg9[%get3A_200, %get3A_201] : memref<3x64xf32, #tpu.memory_space<vmem>>, vector<3x64xf32>
    %slice3A_203 = vector.extract_strided_slice %get3A_202 {offsets = [0, 0], sizes = [1, 64], strides = [1, 1]} : vector<3x64xf32> to vector<1x64xf32>
    %squeeze3A_204 = vector.shape_cast %slice3A_203 : vector<1x64xf32> to vector<64xf32>
    %broadcast_in_dim3A_205 = vector.shape_cast %squeeze3A_204 : vector<64xf32> to vector<1x64xf32>
    %mul3A_206 = vector.broadcast %broadcast_in_dim3A_205 : vector<1x64xf32> to vector<512x64xf32>
    %mul3A_207 = arith.mulf %add3A_169, %mul3A_206 : vector<512x64xf32>
    %slice3A_208 = vector.extract_strided_slice %get3A_202 {offsets = [1, 0], sizes = [1, 64], strides = [1, 1]} : vector<3x64xf32> to vector<1x64xf32>
    %squeeze3A_209 = vector.shape_cast %slice3A_208 : vector<1x64xf32> to vector<64xf32>
    %broadcast_in_dim3A_210 = vector.shape_cast %squeeze3A_209 : vector<64xf32> to vector<1x64xf32>
    %mul3A_211 = vector.broadcast %broadcast_in_dim3A_210 : vector<1x64xf32> to vector<512x64xf32>
    %mul3A_212 = arith.mulf %add3A_184, %mul3A_211 : vector<512x64xf32>
    %slice3A_213 = vector.extract_strided_slice %get3A_202 {offsets = [2, 0], sizes = [1, 64], strides = [1, 1]} : vector<3x64xf32> to vector<1x64xf32>
    %squeeze3A_214 = vector.shape_cast %slice3A_213 : vector<1x64xf32> to vector<64xf32>
    %broadcast_in_dim3A_215 = vector.shape_cast %squeeze3A_214 : vector<64xf32> to vector<1x64xf32>
    %mul3A_216 = vector.broadcast %broadcast_in_dim3A_215 : vector<1x64xf32> to vector<512x64xf32>
    %mul3A_217 = arith.mulf %add3A_199, %mul3A_216 : vector<512x64xf32>
    %concatenate3A = tpu.concatenate %mul3A_207, %mul3A_212, %mul3A_217 in 1 : vector<512x64xf32>, vector<512x64xf32>, vector<512x64xf32> -> vector<512x192xf32>
    %swap3A = arith.constant 0 : index
    %swap3A_218 = arith.constant 0 : index
    %swap3A_219 = vector.load %arg10[%swap3A, %swap3A_218] : memref<512x192xf32, #tpu.memory_space<vmem>>, vector<512x192xf32>
    tpu.vector_store %arg10[%swap3A, %swap3A_218], %concatenate3A {strides = array<i32>} : memref<512x192xf32, #tpu.memory_space<vmem>>, vector<512x192xf32>,
    return
  }
  func.func @transform_0(%arg0: i32) -> (i32, i32) {
    %c0_i32 = arith.constant 0 : i32
    %c0_i32_0 = arith.constant 0 : i32
    return %arg0, %c0_i32 : i32, i32
  }
  func.func @transform_1(%arg0: i32) -> (i32, i32) {
    %c0_i32 = arith.constant 0 : i32
    %c0_i32_0 = arith.constant 0 : i32
    return %arg0, %c0_i32 : i32, i32
  }
  func.func @transform_2(%arg0: i32) -> (i32, i32) {
    %c0_i32 = arith.constant 0 : i32
    %c0_i32_0 = arith.constant 0 : i32
    return %arg0, %c0_i32 : i32, i32
  }
  func.func @transform_3(%arg0: i32) -> (i32, i32) {
    %c0_i32 = arith.constant 0 : i32
    %c0_i32_0 = arith.constant 0 : i32
    return %arg0, %c0_i32 : i32, i32
  }
  func.func @transform_4(%arg0: i32) -> (i32, i32, i32) {
    %c0_i32 = arith.constant 0 : i32
    %c0_i32_0 = arith.constant 0 : i32
    %c0_i32_1 = arith.constant 0 : i32
    return %c0_i32, %arg0, %c0_i32_0 : i32, i32, i32
  }
  func.func @transform_5(%arg0: i32) -> (i32, i32) {
    %c0_i32 = arith.constant 0 : i32
    %c0_i32_0 = arith.constant 0 : i32
    return %arg0, %c0_i32 : i32, i32
  }
  func.func @transform_6(%arg0: i32) -> (i32, i32, i32) {
    %c0_i32 = arith.constant 0 : i32
    %c0_i32_0 = arith.constant 0 : i32
    %c0_i32_1 = arith.constant 0 : i32
    %c0_i32_2 = arith.constant 0 : i32
    return %c0_i32, %c0_i32_0, %c0_i32_1 : i32, i32, i32
  }
  func.func @transform_7(%arg0: i32) -> (i32, i32) {
    %c0_i32 = arith.constant 0 : i32
    %c0_i32_0 = arith.constant 0 : i32
    %c0_i32_1 = arith.constant 0 : i32
    return %c0_i32, %c0_i32_0 : i32, i32
  }
  func.func @transform_8(%arg0: i32) -> (i32, i32) {
    %c0_i32 = arith.constant 0 : i32
    %c0_i32_0 = arith.constant 0 : i32
    %c0_i32_1 = arith.constant 0 : i32
    return %c0_i32, %c0_i32_0 : i32, i32
  }
  func.func @transform_9(%arg0: i32) -> (i32, i32) {
    %c0_i32 = arith.constant 0 : i32
    %c0_i32_0 = arith.constant 0 : i32
    return %arg0, %c0_i32 : i32, i32
  }
}

</mosaic_0001>

<sc_bundles>
// kernel: kernel.13.cloned.1.call-start
scs
__scs_entry_jumppad:
0x0: {  	(pc) =	sbr.rel $0x88, $3  }
0x1: {  	(tag) =	ssettag $0x0;
	lr =	simm.s32 $0x1  }
0x2: {  	[smem:$0x3F9C] =	sst lr;
	_ =	strace $0xD0000000  }
0x3: {  	_ = 	snop  }
0x4: {  	_ = 	snop  }
0x5: {  	_ = 	snop  }
0x6: {  	_ = 	snop  }
0x7: {  	_ = 	snop  }
__scs_overlays_trampoline_lowered:
0x8: {  	[smem:$0x3FAB] =	sst s0  }
0x9: {  	[smem:$0x3FAC] =	sst s1  }
0xa: {  	[smem:$0x3FAD] =	sst s2  }
0xb: {  	[smem:$0x3FAE] =	sst s3  }
0xc: {  	[smem:$0x3FAF] =	sst s4  }
0xd: {  	[smem:$0x3FB0] =	sst s5  }
0xe: {  	[smem:$0x3FB1] =	sst s6  }
0xf: {  	[smem:$0x3FB2] =	sst s7  }
0x10: {  	[smem:$0x3FB3] =	sst s8  }
0x11: {  	[smem:$0x3FB4] =	sst s9;
	s0 =	simm.s32 @!p0 $0x0  }
0x12: {  	s1 =	sld [smem:$0x3F9A];
	s0 =	simm.s32 @p0 $0x1  }
0x13: {  	[smem:$0x3FB5] =	sst s0;
	s0 =	simm.s32 @!p1 $0x0  }
0x14: {  	s2 =	sld [smem:$0x3F99];
	s0 =	simm.s32 @p1 $0x1  }
0x15: {  	[smem:$0x3FB6] =	sst s0;
	s0 =	simm.s32 @!p2 $0x0  }
0x16: {  	s3 =	sld [smem:$0x3FDB];
	s0 =	simm.s32 @p2 $0x1  }
0x17: {  	s4 =	simm.s32 $0x1BF5;
	[smem:$0x3FB8] =	sst s0  }
0x18: {  	s0 =	sld [smem:$0x3F9B];
	_ =	swait.ge [sflag:s4], $0x0  }
0x19: {  	s7 =	sld [smem:$0x3F9C]  }
0x1a: {  	s8 =	sadd.s32 $0xFFFFE003, lr  }
0x1b: {  	s9 =	sadd.s32 $0xFFFFFEF7, lr;
	s5 =	simm.s32 $0xFFFFFFFF;
	p2 =	slt.u32 s8, $0xFFFFF086  }
0x1c: {  	p1 =	slt.u32 s9, $0xF7A;
	s5 =	simm.s32 @!p2 $0x0  }
0x1d: {  	s5 =	simm.s32 @p1 $0x1;
	p0 =	seq.s32 s7, s2  }
0x1e: {  	s7 =	smul.u32 @!p0 $0xF7A, s2;
	p2 =	seq.s32 @!p0 s5, $0x0  }
0x1f: {  	s9 =	smul.u32 $0xF7A, s1;
	s8 =	simm.s32 @!p0 $0x1BF5;
	p2 =	por !p2, p0  }
0x20: {  	[sflag:s8] =	ssyncset.s32 @!p0 $0xFFFFF086;
	s6 =	sadd.s32 @!p0 s3, s7;
	s7 =	simm.s32 @!p0 $0x108  }
0x21: {  	s3 =	sadd.s32 s3, s9;
	s6 =	sadd.s32 @!p0 $0x88, s6;
	s7 =	simm.s32 @p2 $0x1082  }
0x22: {  	[simem:s7], [sflag:s8] =	dma.local @!p0 [hbm:s6], $0xF7A  }
0x23: {  	s9 =	sor.u32 $0xD0000000, s2;
	s6 =	simm.s32 $0x108;
	_ =	swait.ge @!p0 [sflag:s8], $0x0  }
0x24: {  	s3 =	sadd.s32 $0x88, s3;
	s6 =	simm.s32 @!p1 $0x1082;
	[sflag:s4] =	ssyncset.s32 $0xFFFFF086  }
0x25: {  	[simem:s6], [sflag:s4] =	dma.local [hbm:s3], $0xF7A  }
0x26: {  	[smem:$0x3F9C] =	sst s1;
	(tag) =	ssettag s2;
	_ =	strace s9  }
0x27: {  	s1 =	sld [smem:$0x3FAC]  }
0x28: {  	s2 =	sld [smem:$0x3FAD]  }
0x29: {  	s4 =	sld [smem:$0x3FAF]  }
0x2a: {  	p0 =	seq.s32 s5, $0x0;
	s5 =	sld [smem:$0x3FB0]  }
0x2b: {  	s6 =	sld [smem:$0x3FB1]  }
0x2c: {  	s7 =	sld [smem:$0x3FB2]  }
0x2d: {  	s3 =	simm.s32 $0x108;
	s8 =	sld [smem:$0x3FB3]  }
0x2e: {  	s3 =	simm.s32 @!p0 $0x1082;
	s9 =	sld [smem:$0x3FB4]  }
0x2f: {  	lr =	sadd.s32 s0, s3;
	s0 =	sld [smem:$0x3FAB]  }
0x30: {  	s3 =	sld [smem:$0x3FAE]  }
0x31: {  	[smem:$0x3FB7] =	sst s10  }
0x32: {  	s10 =	sld [smem:$0x3FB5];
	_ =	sdelay $0x3  }
0x33: {  	p0 =	seq.s32 s10, $0x1;
	s10 =	sld [smem:$0x3FB7];
	_ =	sdelay $0x3  }
0x34: {  	[smem:$0x3FB7] =	sst s10  }
0x35: {  	s10 =	sld [smem:$0x3FB6];
	_ =	sdelay $0x3  }
0x36: {  	p1 =	seq.s32 s10, $0x1;
	s10 =	sld [smem:$0x3FB7];
	_ =	sdelay $0x3  }
0x37: {  	[smem:$0x3FB7] =	sst s10  }
0x38: {  	s10 =	sld [smem:$0x3FB8]  }
0x39: {  	_ = 	snop;
	(pc) =	sbr.ind lr, $3  }
0x3a: {  	_ = 	snop  }
0x3b: {  	_ = 	snop  }
0x3c: {  	p2 =	seq.s32 s10, $0x1;
	s10 =	sld [smem:$0x3FB7]  }
0x3d: {  	_ =	shalt  }
0x3e: {  	_ =	shalt  }
0x3f: {  	_ =	shalt  }
0x40: {  	_ =	shalt  }
0x41: {  	_ =	shalt  }
0x42: {  	_ =	shalt  }
0x43: {  	_ =	shalt  }
0x44: {  	_ =	shalt  }
0x45: {  	_ =	shalt  }
0x46: {  	_ =	shalt  }
0x47: {  	_ =	shalt  }
0x48: {  	_ =	shalt  }
0x49: {  	_ =	shalt  }
0x4a: {  	_ =	shalt  }
0x4b: {  	_ =	shalt  }
0x4c: {  	_ =	shalt  }
0x4d: {  	_ =	shalt  }
0x4e: {  	_ =	shalt  }
0x4f: {  	_ =	shalt  }
0x50: {  	_ =	shalt  }
0x51: {  	_ =	shalt  }
0x52: {  	_ =	shalt  }
0x53: {  	_ =	shalt  }
0x54: {  	_ =	shalt  }
0x55: {  	_ =	shalt  }
0x56: {  	_ =	shalt  }
0x57: {  	_ =	shalt  }
0x58: {  	_ =	shalt  }
0x59: {  	_ =	shalt  }
0x5a: {  	_ =	shalt  }
0x5b: {  	_ =	shalt  }
0x5c: {  	_ =	shalt  }
0x5d: {  	_ =	shalt  }
0x5e: {  	_ =	shalt  }
0x5f: {  	_ =	shalt  }
0x60: {  	_ =	shalt  }
0x61: {  	_ =	shalt  }
0x62: {  	_ =	shalt  }
0x63: {  	_ =	shalt  }
0x64: {  	_ =	shalt  }
0x65: {  	_ =	shalt  }
0x66: {  	_ =	shalt  }
0x67: {  	_ =	shalt  }
0x68: {  	_ =	shalt  }
0x69: {  	_ =	shalt  }
0x6a: {  	_ =	shalt  }
0x6b: {  	_ =	shalt  }
0x6c: {  	_ =	shalt  }
0x6d: {  	_ =	shalt  }
0x6e: {  	_ =	shalt  }
0x6f: {  	_ =	shalt  }
0x70: {  	_ =	shalt  }
0x71: {  	_ =	shalt  }
0x72: {  	_ =	shalt  }
0x73: {  	_ =	shalt  }
0x74: {  	_ =	shalt  }
0x75: {  	_ =	shalt  }
0x76: {  	_ =	shalt  }
0x77: {  	_ =	shalt  }
0x78: {  	_ =	shalt  }
0x79: {  	_ =	shalt  }
0x7a: {  	_ =	shalt  }
0x7b: {  	_ =	shalt  }
0x7c: {  	_ =	shalt  }
0x7d: {  	_ =	shalt  }
0x7e: {  	_ =	shalt  }
0x7f: {  	_ =	shalt  }
0x80: {  	_ =	shalt  }
0x81: {  	_ =	shalt  }
0x82: {  	_ =	shalt  }
0x83: {  	_ =	shalt  }
0x84: {  	_ =	shalt  }
0x85: {  	_ =	shalt  }
0x86: {  	_ =	shalt  }
0x87: {  	_ =	shalt  }
.Lfunc_end0:
.L_simem_size_0:
called_computation_lowered:
.L_overlay_start_0:
0x88: {  	s2 =	sld [smem:$0x3FD9]  }
0x89: {  	s3 =	sld [smem:$0x3FFE];
	_ =	sdelay $0x1  }
0x8a: {  	s1 =	srdreg.scid  }
0x8b: {  	s0 =	sand.u32 $0x1, s1  }
0x8c: {  	s16 =	sshll.u32 s0, $0xA;
	s2 =	sadd.s32 s3, s2  }
0x8d: {  	s2 =	sadd.s32 s2, s16  }
0x8e: {  	[smem:$0x3FC3] =	sst s2  }
0x8f: {  	_ = 	snop  }
0x90: {  	(tm) =	ssettm $0x1  }
0x91: {  	s17 =	sld [smem:$0x3FFB];
	_ =	sdelay $0x3  }
0x92: {  	_ =	strace s17  }
0x93: {  	s2 =	sld [smem:$0x3FFC];
	_ =	sdelay $0x3  }
0x94: {  	_ =	strace s2  }
0x95: {  	s2 =	sld [smem:$0x3FFD];
	_ =	sdelay $0x3  }
0x96: {  	_ =	strace s2  }
0x97: {  	_ =	strace $0x8FFFFFFF  }
0x98: {  	s18 =	sld [smem:$0x3FDB];
	_ =	sdelay $0x1  }
0x99: {  	s19 =	simm.s32 $_scs_section_size  }
0x9a: {  	s4 =	simm.s32 $_size__tile_overlayer_lowered;
	s5 =	simm.s32 $_tile_overlayer_lowered  }
0x9b: {  	s22 =	simm.s32 $0x1BFF;
	s21 =	sshll.u32 s5, $0x1;
	s2 =	sadd.s32 s19, s18  }
0x9c: {  	s6 =	simm.s32 $0x0;
	s20 =	sshll.u32 s4, $0x1;
	s4 =	sadd.s32 s21, s2  }
0x9d: {  	[timem:s6], [sflag:s22] =	dma.local [hbm:s4], s20  }
0x9e: {  	_ =	swait.ge [sflag:s22], s20  }
0x9f: {  	s3 =	ssub.s32 $0x0, s20;
	[sflag:s22] =	ssyncset.done $0x0  }
0xa0: {  	[sflag:s22] =	ssyncadd.s32 s3;
	_ =	sdelay $0x1  }
0xa1: {  	s23 =	simm.s32 $0x1B8B  }
0xa2: {  	_ =	swait.ge [sflag:s23], $0x1  }
0xa3: {  	[sflag:s23] =	ssyncset.done $0x0  }
0xa4: {  	s25 =	simm.s32 $0x1B8E;
	s24 =	sld [smem:$0x3FFE];
	[sflag:s23] =	ssyncadd.s32 $0xFFFFFFFF  }
0xa5: {  	s26 =	simm.s32 $execute0_lowered;
	[smem:$0x3FD2] =	sst s25  }
0xa6: {  	s4 =	sshll.u32 s26, $0x1;
	_ =	strace $0x80000046;
	[dreg:$0x1] =	wrdreg $0xFFFFFFFF  }
0xa7: {  	s28 =	simm.s32 $_size_execute0_lowered;
	s2 =	sadd.s32 s2, s4;
	[dreg:$0x0] =	wrdreg $0x0  }
0xa8: {  	s4 =	sshll.u32 s28, $0x1;
	[dreg:$0x2] =	wrdreg s2  }
0xa9: {  	[dreg:$0x3] =	wrdreg s4  }
0xaa: {  	[dreg:$0x4] =	wrdreg $0xC0  }
0xab: {  	_ =	task [dreg:s6], $0x5FFFF  }
0xac: {  	[dreg:$0x1] =	wrdreg $0xFFFFFFFF  }
0xad: {  	[dreg:$0x0] =	wrdreg $0x60  }
0xae: {  	[dreg:$0x2] =	wrdreg s24  }
0xaf: {  	[dreg:$0x3] =	wrdreg $0x40800  }
0xb0: {  	[dreg:$0x4] =	wrdreg $0x9  }
0xb1: {  	_ =	task.clear_ibuf [dreg:s6], $0x5FFFF;
	_ =	strace $0x90000046  }
0xb2: {  	s29 =	simm.s32 $0x9;
	_ =	strace $0x80000048  }
0xb3: {  	_ =	swait.ge [sflag:s29], $0x1  }
0xb4: {  	[sflag:s29] =	ssyncadd.s32 $0xFFFFFFFF  }
0xb5: {  	_ =	strace $0x90000048  }
0xb6: {  	_ =	sfence  }
0xb7: {  	s30 =	sld [smem:$0x0];
	_ =	sdelay $0x2  }
0xb8: {  	s31 =	sshll.u32 s1, $0xD;
	s1 =	sshrl.u32 s1, $0x2  }
0xb9: {  	s3 =	sand.u32 $0x4000, s31;
	s1 =	sadd.s32 s1, s30  }
0xba: {  	s0 =	sor.u32 s3, s0;
	s1 =	sshll.u32 s1, $0x11  }
0xbb: {  	s0 =	sor.u32 s1, s0  }
0xbc: {  	s0 =	sadd.s32 $0x8F2B, s0  }
0xbd: {  	[sflag:s0] =	ssyncadd.remote.s32 $0x1  }
0xbe: {  	_ =	sfence.sel $0xFFFF  }
0xbf: {  	[dreg:$0x0] =	wrdreg $0xFFFFFFFF;
	(pc) =	sbr.abs _section_cstart, $3  }
0xc0: {  	[dreg:$0x1] =	wrdreg $0xFFFFFFFF  }
0xc1: {  	_ =	task.clear_ibuf [dreg:s6], $0x2FFFF;
	_ =	strace $0x9FFFFFFF  }
0xc2: {  	(tm) =	ssettm $0x7FFFFFFF  }
0xc3: {  	_ =	shalt  }
tec
execute0_lowered:
.L_overlay_start_1:
0x0: {  	(tag) =	ssettag $0x1  }
0x1: {  	s4 =	rddreg [dreg:$0x0]  }
0x2: {  	s0 =	srdreg.scid;
	s2 =	rddreg [dreg:$0x1]  }
0x3: {  	s1 =	rddreg [dreg:$0x2];
	s5 =	sand.u32 $0x1, s0  }
0x4: {  	s0 =	stileid.u32;
	s6 =	smul.u32 $0x140000, s5  }
0x5: {  	s3 =	simm.s32 $0x0;
	s13 =	simm.s32 $0x1;
	s7 =	smul.u32 $0x14000, s0  }
0x6: {  	s16 =	simm.s32 $0x0;
	[smem:$0x7FF] =	sst s3;
	s8 =	smul.u32 $0xA00, s0  }
0x7: {  	s28 =	smul.u32 $0x50000, s0;
	_ =	strace $0x80000047;
	s29 =	ssub.s32 $0x2, s5  }
0x8: {  	s11 =	smul.u32 $0x500, s5;
	s14 =	sshll.u32 s0, $0x6;
	s31 =	sshrl.u32 s29, $0x1  }
0x9: {  	s14 =	sor.u32 $0x1C01, s14;
	s6 =	sadd.s32 s7, s6;
	s9 =	sadd.s32 s8, s4  }
0xa: {  	s30 =	sshrl.u32 s28, $0x2;
	s12 =	ssub.s32 s29, s31;
	s6 =	sshrl.u32 s6, $0x3  }
0xb: {  	s11 =	sadd.s32 s11, s9;
	s10 =	sadd.s32 s6, s4;
	s4 =	sadd.s32 s30, s2  }
0xc: {  	s11 =	sadd.s32 $0x3000, s11;
	s5 =	sadd.s32 $0x4000, s4;
	s6 =	sadd.s32 $0x8000, s4  }
0xd: {  	s7 =	sadd.s32 $0xC000, s4;
	s8 =	sadd.s32 $0x10000, s4;
	s9 =	sadd.s32 $0xD000, s10  }
0xe: {  	v0 =	vimm.f32 $0.0e+00;
	v1 =	vimm.f32 $1.000000000e+00;
	s10 =	smax.u32 s12, $0x1;
	s12 =	simm.s32 $0x80;
	s15 =	sshrl.u32 s4, $0x3  }
.LBB2_1:
0xf: {  	s17 =	simm.s32 $0x0;
	s18 =	simm.s32 $0x200  }
.LBB2_2:
0x10: {  	p0 =	sne.s32 s18, $0xFE00;
	[tilespmem:s17+$0xF0] =	vst v0  }
0x11: {  	[tilespmem:s17+$0x80] =	vst v0  }
0x12: {  	[tilespmem:s17+$0x90] =	vst v0  }
.Ltmp0:
0x13: {  	[tilespmem:s17+$0xA0] =	vst v0;
	(pc) =	sbr.rel @p0 .LBB2_2-.Ltmp0, $4  }
0x14: {  	[tilespmem:s17+$0xB0] =	vst v0  }
0x15: {  	[tilespmem:s17+$0xC0] =	vst v0  }
0x16: {  	[tilespmem:s17+$0xD0] =	vst v0  }
0x17: {  	[tilespmem:s17+$0xE0] =	vst v0;
	s17 =	sshra.s32 s18, $0x2;
	s18 =	sadd.s32 $0x200, s18  }
0x18: {  	[tilespmem:s17+$0xF0] =	vst v0  }
0x19: {  	[tilespmem:s17+$0x80] =	vst v0  }
0x1a: {  	[tilespmem:s17+$0x90] =	vst v0  }
0x1b: {  	[tilespmem:s17+$0xA0] =	vst v0  }
0x1c: {  	[tilespmem:s17+$0xB0] =	vst v0  }
0x1d: {  	[tilespmem:s17+$0xC0] =	vst v0  }
0x1e: {  	[tilespmem:s17+$0xD0] =	vst v0  }
0x1f: {  	[tilespmem:s17+$0xE0] =	vst v0  }
0x20: {  	[spmem:s4] =	stream.linear.scatter [tilespmem:s12], [sflag:$0x1], $0x4000, $0x38;
	[tilespmem:$0x18080] =	vst v63  }
0x21: {  	_ =	swait.ge [sflag:s13], $0x4000  }
0x22: {  	[sflag:s13] =	ssyncset.done $0x0  }
0x23: {  	[sflag:s13] =	ssyncadd.s32 $0xFFFFC000  }
0x24: {  	[spmem:s5] =	stream.linear.scatter [tilespmem:s12], [sflag:$0x1], $0x4000, $0x38;
	[tilespmem:$0x18080] =	vst v63  }
0x25: {  	_ =	swait.ge [sflag:s13], $0x4000  }
0x26: {  	[sflag:s13] =	ssyncset.done $0x0  }
0x27: {  	[sflag:s13] =	ssyncadd.s32 $0xFFFFC000  }
0x28: {  	[spmem:s6] =	stream.linear.scatter [tilespmem:s12], [sflag:$0x1], $0x4000, $0x38;
	[tilespmem:$0x18080] =	vst v63  }
0x29: {  	_ =	swait.ge [sflag:s13], $0x4000  }
0x2a: {  	[sflag:s13] =	ssyncset.done $0x0  }
0x2b: {  	[sflag:s13] =	ssyncadd.s32 $0xFFFFC000  }
0x2c: {  	[spmem:s7] =	stream.linear.scatter [tilespmem:s12], [sflag:$0x1], $0x4000, $0x38;
	[tilespmem:$0x18080] =	vst v63  }
0x2d: {  	_ =	swait.ge [sflag:s13], $0x4000  }
0x2e: {  	[sflag:s13] =	ssyncset.done $0x0  }
0x2f: {  	[sflag:s13] =	ssyncadd.s32 $0xFFFFC000  }
0x30: {  	[spmem:s8] =	stream.linear.scatter [tilespmem:s12], [sflag:$0x1], $0x4000, $0x38;
	[tilespmem:$0x18080] =	vst v63  }
0x31: {  	_ =	swait.ge [sflag:s13], $0x4000  }
0x32: {  	[sflag:s13] =	ssyncset.done $0x0  }
0x33: {  	s17 =	simm.s32 $0x0;
	s18 =	simm.s32 $0x200;
	[sflag:s13] =	ssyncadd.s32 $0xFFFFC000  }
.LBB2_4:
0x34: {  	p0 =	sne.s32 s18, $0xFE00;
	[tilespmem:s17+$0xF0] =	vst v1  }
0x35: {  	[tilespmem:s17+$0x80] =	vst v1  }
0x36: {  	[tilespmem:s17+$0x90] =	vst v1  }
.Ltmp1:
0x37: {  	[tilespmem:s17+$0xA0] =	vst v1;
	(pc) =	sbr.rel @p0 .LBB2_4-.Ltmp1, $4  }
0x38: {  	[tilespmem:s17+$0xB0] =	vst v1  }
0x39: {  	[tilespmem:s17+$0xC0] =	vst v1  }
0x3a: {  	[tilespmem:s17+$0xD0] =	vst v1  }
0x3b: {  	[tilespmem:s17+$0xE0] =	vst v1;
	s17 =	sshra.s32 s18, $0x2;
	s18 =	sadd.s32 $0x200, s18  }
0x3c: {  	[tilespmem:s17+$0xF0] =	vst v1  }
0x3d: {  	[tilespmem:s17+$0x80] =	vst v1  }
0x3e: {  	[tilespmem:s17+$0x90] =	vst v1  }
0x3f: {  	[tilespmem:s17+$0xA0] =	vst v1  }
0x40: {  	[tilespmem:s17+$0xB0] =	vst v1  }
0x41: {  	[tilespmem:s17+$0xC0] =	vst v1  }
0x42: {  	[tilespmem:s17+$0xD0] =	vst v1  }
0x43: {  	[tilespmem:s17+$0xE0] =	vst v1  }
0x44: {  	s31 =	sadd.s32 $0x0, s11;
	[bflag:$0x0] =	sbarrier.arrive $0xFFFF  }
0x45: {  	[tilespmem:s3], [sflag:$0x1] =	stream.linear.gather [hbm4b:s31+s3], $0x80, $0x38;
	[tilespmem:$0x18080] =	vst v63  }
0x46: {  	_ =	swait.ge [sflag:s13], $0x80  }
0x47: {  	[sflag:s13] =	ssyncset.done $0x0  }
0x48: {  	[sflag:s13] =	ssyncadd.s32 $0xFFFFFF80  }
0x49: {  	[spmem:s2] =	stream.indirect.scatter.add.f32 [tilespmem:s12], [sflag:$0x1], $0x80, s3, s12, $0xb8;
	[tilespmem:$0x18080] =	vst v63  }
0x4a: {  	_ =	swait.ge [sflag:s13], $0x4000  }
0x4b: {  	s17 =	simm.s32 $0x10;
	s18 =	simm.s32 $0x20;
	[sflag:s13] =	ssyncset.done $0x0  }
.LBB2_6:
0x4c: {  	s19 =	sadd.s32 s17, s11  }
0x4d: {  	[sflag:s13] =	ssyncadd.s32 $0xFFFFC000;
	s17 =	smov.u32 s18;
	s20 =	sadd.s32 $0x10, s18  }
0x4e: {  	[tilespmem:s3], [sflag:$0x1] =	stream.linear.gather [hbm4b:s19+s3], $0x80, $0x38;
	[tilespmem:$0x18080] =	vst v63  }
0x4f: {  	p0 =	sne.s32 s18, $0x4F0;
	_ =	swait.ge [sflag:s13], $0x80  }
.Ltmp2:
0x50: {  	[sflag:s13] =	ssyncset.done $0x0;
	(pc) =	sbr.rel @p0 .LBB2_6-.Ltmp2, $4  }
0x51: {  	[sflag:s13] =	ssyncadd.s32 $0xFFFFFF80  }
0x52: {  	[spmem:s2] =	stream.indirect.scatter.add.f32 [tilespmem:s12], [sflag:$0x1], $0x80, s3, s12, $0xb8;
	[tilespmem:$0x18080] =	vst v63  }
0x53: {  	_ =	swait.ge [sflag:s13], $0x4000  }
0x54: {  	s18 =	smov.u32 s20;
	[sflag:s13] =	ssyncset.done $0x0  }
0x55: {  	s17 =	sadd.s32 s17, s11;
	[sflag:s13] =	ssyncadd.s32 $0xFFFFC000  }
0x56: {  	[tilespmem:s3], [sflag:$0x1] =	stream.linear.gather [hbm4b:s17+s3], $0x80, $0x38;
	[tilespmem:$0x18080] =	vst v63  }
0x57: {  	_ =	swait.ge [sflag:s13], $0x80  }
0x58: {  	[sflag:s13] =	ssyncset.done $0x0  }
0x59: {  	[sflag:s13] =	ssyncadd.s32 $0xFFFFFF80  }
0x5a: {  	[spmem:s2] =	stream.indirect.scatter.add.f32 [tilespmem:s12], [sflag:$0x1], $0x80, s3, s12, $0xb8;
	[tilespmem:$0x18080] =	vst v63  }
0x5b: {  	_ =	swait.ge [sflag:s13], $0x4000  }
0x5c: {  	s16 =	sadd.s32 $0x1, s16;
	[sflag:s13] =	ssyncset.done $0x0  }
0x5d: {  	p0 =	sne.s32 s16, s10;
	[sflag:s13] =	ssyncadd.s32 $0xFFFFC000  }
.Ltmp3:
0x5e: {  	[bflag:$0x0] =	sbarrier.arrive $0xFFFF;
	(pc) =	sbr.rel @p0 .LBB2_1-.Ltmp3, $4  }
0x5f: {  	[hbm:s9], [sflag:s14] =	dma.local [spmem:s15], $0x2800  }
0x60: {  	_ =	swait.ge [sflag:s13], $0x2800  }
0x61: {  	[sflag:s13] =	ssyncset.done $0x0  }
0x62: {  	[sflag:s13] =	ssyncadd.s32 $0xFFFFD800  }
0x63: {  	_ =	sfence.sel $0x180000  }
0x64: {  	[bflag:$0x0] =	sbarrier.arrive $0xFFFF  }
0x65: {  	p0 =	sne.s32 s0, $0x0;
	_ =	strace $0x90000047  }
0x66: {  	s0 =	sadd.s32 @!p0 $0x100000, s1;
	[bflag:$0x2] =	sbarrier.arrive $0xFFFF  }
0x67: {  	[sflag:s0] =	ssyncadd.tile.s32 @!p0 $0x1;
	_ =	shalt  }
.Lfunc_end2:
_tile_overlayer_lowered:
.L_overlay_start_2:
0x68: {  	(tag) =	ssettag $0x2  }
0x69: {  	s0 =	rddreg [dreg:$0x0];
	s2 =	stileid.u32  }
0x6a: {  	s1 =	rddreg [dreg:$0x1];
	p0 =	sne.s32 s2, $0x0  }
0x6b: {  	s3 =	rddreg [dreg:$0x2];
	[bflag:$0x3] =	sbarrier.arrive $0xFFFF;
	s2 =	simm.s32 @!p0 $0x1C01  }
0x6c: {  	[timem:s3], [sflag:s2] =	dma.local @!p0 [hbm:s0], s1  }
0x6d: {  	s0 =	simm.s32 @!p0 $0x1  }
0x6e: {  	_ =	swait.ge @!p0 [sflag:s0], s1  }
0x6f: {  	s1 =	ssub.s32 @!p0 $0x0, s1;
	[sflag:s0] =	ssyncset.done @!p0 $0x0  }
0x70: {  	[sflag:s0] =	ssyncadd.s32 @!p0 s1  }
0x71: {  	[bflag:$0x3] =	sbarrier.arrive $0xFFFF  }
0x72: {  	_ =	shalt  }

// kernel: kernel.16.cloned.1.call-start
scs
__scs_entry_jumppad:
0x0: {  	(pc) =	sbr.rel $0x88, $3  }
0x1: {  	(tag) =	ssettag $0x0;
	lr =	simm.s32 $0x1  }
0x2: {  	[smem:$0x3F9C] =	sst lr;
	_ =	strace $0xD0000000  }
0x3: {  	_ = 	snop  }
0x4: {  	_ = 	snop  }
0x5: {  	_ = 	snop  }
0x6: {  	_ = 	snop  }
0x7: {  	_ = 	snop  }
__scs_overlays_trampoline_lowered:
0x8: {  	[smem:$0x3FAB] =	sst s0  }
0x9: {  	[smem:$0x3FAC] =	sst s1  }
0xa: {  	[smem:$0x3FAD] =	sst s2  }
0xb: {  	[smem:$0x3FAE] =	sst s3  }
0xc: {  	[smem:$0x3FAF] =	sst s4  }
0xd: {  	[smem:$0x3FB0] =	sst s5  }
0xe: {  	[smem:$0x3FB1] =	sst s6  }
0xf: {  	[smem:$0x3FB2] =	sst s7  }
0x10: {  	[smem:$0x3FB3] =	sst s8  }
0x11: {  	[smem:$0x3FB4] =	sst s9;
	s0 =	simm.s32 @!p0 $0x0  }
0x12: {  	s1 =	sld [smem:$0x3F9A];
	s0 =	simm.s32 @p0 $0x1  }
0x13: {  	[smem:$0x3FB5] =	sst s0;
	s0 =	simm.s32 @!p1 $0x0  }
0x14: {  	s2 =	sld [smem:$0x3F99];
	s0 =	simm.s32 @p1 $0x1  }
0x15: {  	[smem:$0x3FB6] =	sst s0;
	s0 =	simm.s32 @!p2 $0x0  }
0x16: {  	s3 =	sld [smem:$0x3FDB];
	s0 =	simm.s32 @p2 $0x1  }
0x17: {  	s4 =	simm.s32 $0x1BF5;
	[smem:$0x3FB8] =	sst s0  }
0x18: {  	s0 =	sld [smem:$0x3F9B];
	_ =	swait.ge [sflag:s4], $0x0  }
0x19: {  	s7 =	sld [smem:$0x3F9C]  }
0x1a: {  	s8 =	sadd.s32 $0xFFFFE003, lr  }
0x1b: {  	s9 =	sadd.s32 $0xFFFFFEF7, lr;
	s5 =	simm.s32 $0xFFFFFFFF;
	p2 =	slt.u32 s8, $0xFFFFF086  }
0x1c: {  	p1 =	slt.u32 s9, $0xF7A;
	s5 =	simm.s32 @!p2 $0x0  }
0x1d: {  	s5 =	simm.s32 @p1 $0x1;
	p0 =	seq.s32 s7, s2  }
0x1e: {  	s7 =	smul.u32 @!p0 $0xF7A, s2;
	p2 =	seq.s32 @!p0 s5, $0x0  }
0x1f: {  	s9 =	smul.u32 $0xF7A, s1;
	s8 =	simm.s32 @!p0 $0x1BF5;
	p2 =	por !p2, p0  }
0x20: {  	[sflag:s8] =	ssyncset.s32 @!p0 $0xFFFFF086;
	s6 =	sadd.s32 @!p0 s3, s7;
	s7 =	simm.s32 @!p0 $0x108  }
0x21: {  	s3 =	sadd.s32 s3, s9;
	s6 =	sadd.s32 @!p0 $0x88, s6;
	s7 =	simm.s32 @p2 $0x1082  }
0x22: {  	[simem:s7], [sflag:s8] =	dma.local @!p0 [hbm:s6], $0xF7A  }
0x23: {  	s9 =	sor.u32 $0xD0000000, s2;
	s6 =	simm.s32 $0x108;
	_ =	swait.ge @!p0 [sflag:s8], $0x0  }
0x24: {  	s3 =	sadd.s32 $0x88, s3;
	s6 =	simm.s32 @!p1 $0x1082;
	[sflag:s4] =	ssyncset.s32 $0xFFFFF086  }
0x25: {  	[simem:s6], [sflag:s4] =	dma.local [hbm:s3], $0xF7A  }
0x26: {  	[smem:$0x3F9C] =	sst s1;
	(tag) =	ssettag s2;
	_ =	strace s9  }
0x27: {  	s1 =	sld [smem:$0x3FAC]  }
0x28: {  	s2 =	sld [smem:$0x3FAD]  }
0x29: {  	s4 =	sld [smem:$0x3FAF]  }
0x2a: {  	p0 =	seq.s32 s5, $0x0;
	s5 =	sld [smem:$0x3FB0]  }
0x2b: {  	s6 =	sld [smem:$0x3FB1]  }
0x2c: {  	s7 =	sld [smem:$0x3FB2]  }
0x2d: {  	s3 =	simm.s32 $0x108;
	s8 =	sld [smem:$0x3FB3]  }
0x2e: {  	s3 =	simm.s32 @!p0 $0x1082;
	s9 =	sld [smem:$0x3FB4]  }
0x2f: {  	lr =	sadd.s32 s0, s3;
	s0 =	sld [smem:$0x3FAB]  }
0x30: {  	s3 =	sld [smem:$0x3FAE]  }
0x31: {  	[smem:$0x3FB7] =	sst s10  }
0x32: {  	s10 =	sld [smem:$0x3FB5];
	_ =	sdelay $0x3  }
0x33: {  	p0 =	seq.s32 s10, $0x1;
	s10 =	sld [smem:$0x3FB7];
	_ =	sdelay $0x3  }
0x34: {  	[smem:$0x3FB7] =	sst s10  }
0x35: {  	s10 =	sld [smem:$0x3FB6];
	_ =	sdelay $0x3  }
0x36: {  	p1 =	seq.s32 s10, $0x1;
	s10 =	sld [smem:$0x3FB7];
	_ =	sdelay $0x3  }
0x37: {  	[smem:$0x3FB7] =	sst s10  }
0x38: {  	s10 =	sld [smem:$0x3FB8]  }
0x39: {  	_ = 	snop;
	(pc) =	sbr.ind lr, $3  }
0x3a: {  	_ = 	snop  }
0x3b: {  	_ = 	snop  }
0x3c: {  	p2 =	seq.s32 s10, $0x1;
	s10 =	sld [smem:$0x3FB7]  }
0x3d: {  	_ =	shalt  }
0x3e: {  	_ =	shalt  }
0x3f: {  	_ =	shalt  }
0x40: {  	_ =	shalt  }
0x41: {  	_ =	shalt  }
0x42: {  	_ =	shalt  }
0x43: {  	_ =	shalt  }
0x44: {  	_ =	shalt  }
0x45: {  	_ =	shalt  }
0x46: {  	_ =	shalt  }
0x47: {  	_ =	shalt  }
0x48: {  	_ =	shalt  }
0x49: {  	_ =	shalt  }
0x4a: {  	_ =	shalt  }
0x4b: {  	_ =	shalt  }
0x4c: {  	_ =	shalt  }
0x4d: {  	_ =	shalt  }
0x4e: {  	_ =	shalt  }
0x4f: {  	_ =	shalt  }
0x50: {  	_ =	shalt  }
0x51: {  	_ =	shalt  }
0x52: {  	_ =	shalt  }
0x53: {  	_ =	shalt  }
0x54: {  	_ =	shalt  }
0x55: {  	_ =	shalt  }
0x56: {  	_ =	shalt  }
0x57: {  	_ =	shalt  }
0x58: {  	_ =	shalt  }
0x59: {  	_ =	shalt  }
0x5a: {  	_ =	shalt  }
0x5b: {  	_ =	shalt  }
0x5c: {  	_ =	shalt  }
0x5d: {  	_ =	shalt  }
0x5e: {  	_ =	shalt  }
0x5f: {  	_ =	shalt  }
0x60: {  	_ =	shalt  }
0x61: {  	_ =	shalt  }
0x62: {  	_ =	shalt  }
0x63: {  	_ =	shalt  }
0x64: {  	_ =	shalt  }
0x65: {  	_ =	shalt  }
0x66: {  	_ =	shalt  }
0x67: {  	_ =	shalt  }
0x68: {  	_ =	shalt  }
0x69: {  	_ =	shalt  }
0x6a: {  	_ =	shalt  }
0x6b: {  	_ =	shalt  }
0x6c: {  	_ =	shalt  }
0x6d: {  	_ =	shalt  }
0x6e: {  	_ =	shalt  }
0x6f: {  	_ =	shalt  }
0x70: {  	_ =	shalt  }
0x71: {  	_ =	shalt  }
0x72: {  	_ =	shalt  }
0x73: {  	_ =	shalt  }
0x74: {  	_ =	shalt  }
0x75: {  	_ =	shalt  }
0x76: {  	_ =	shalt  }
0x77: {  	_ =	shalt  }
0x78: {  	_ =	shalt  }
0x79: {  	_ =	shalt  }
0x7a: {  	_ =	shalt  }
0x7b: {  	_ =	shalt  }
0x7c: {  	_ =	shalt  }
0x7d: {  	_ =	shalt  }
0x7e: {  	_ =	shalt  }
0x7f: {  	_ =	shalt  }
0x80: {  	_ =	shalt  }
0x81: {  	_ =	shalt  }
0x82: {  	_ =	shalt  }
0x83: {  	_ =	shalt  }
0x84: {  	_ =	shalt  }
0x85: {  	_ =	shalt  }
0x86: {  	_ =	shalt  }
0x87: {  	_ =	shalt  }
.Lfunc_end0:
.L_simem_size_0:
called_computation.1_lowered:
.L_overlay_start_0:
0x88: {  	s2 =	sld [smem:$0x3FD9]  }
0x89: {  	s3 =	sld [smem:$0x3FFE];
	_ =	sdelay $0x1  }
0x8a: {  	s1 =	srdreg.scid  }
0x8b: {  	s0 =	sand.u32 $0x1, s1  }
0x8c: {  	s17 =	sshll.u32 s0, $0xA;
	s2 =	sadd.s32 s3, s2  }
0x8d: {  	s2 =	sadd.s32 s2, s17  }
0x8e: {  	[smem:$0x3FC3] =	sst s2  }
0x8f: {  	_ = 	snop  }
0x90: {  	s18 =	sld [smem:$0x3FD0];
	(tm) =	ssettm $0x1  }
0x91: {  	s19 =	sld [smem:$0x3FFB];
	_ =	sdelay $0x3  }
0x92: {  	_ =	strace s19  }
0x93: {  	s2 =	sld [smem:$0x3FFC];
	_ =	sdelay $0x3  }
0x94: {  	_ =	strace s2  }
0x95: {  	s2 =	sld [smem:$0x3FFD];
	_ =	sdelay $0x3  }
0x96: {  	_ =	strace s2  }
0x97: {  	_ =	strace $0x8FFFFFFF  }
0x98: {  	s20 =	sld [smem:$0x3FDB];
	_ =	sdelay $0x1  }
0x99: {  	s4 =	simm.s32 $_scs_section_size  }
0x9a: {  	s5 =	simm.s32 $_size__tile_overlayer_lowered;
	s6 =	simm.s32 $_tile_overlayer_lowered  }
0x9b: {  	s7 =	simm.s32 $0x1BFF;
	s21 =	sshll.u32 s6, $0x1;
	s4 =	sadd.s32 s4, s20  }
0x9c: {  	s22 =	simm.s32 $0x0;
	s5 =	sshll.u32 s5, $0x1;
	s6 =	sadd.s32 s21, s4  }
0x9d: {  	[timem:s22], [sflag:s7] =	dma.local [hbm:s6], s5  }
0x9e: {  	_ =	swait.ge [sflag:s7], s5  }
0x9f: {  	s5 =	ssub.s32 $0x0, s5;
	[sflag:s7] =	ssyncset.done $0x0  }
0xa0: {  	[sflag:s7] =	ssyncadd.s32 s5;
	_ =	sdelay $0x1  }
0xa1: {  	s23 =	simm.s32 $0x1B8B  }
0xa2: {  	_ =	swait.ge [sflag:s23], $0x1  }
0xa3: {  	[sflag:s23] =	ssyncset.done $0x0  }
0xa4: {  	[sflag:s23] =	ssyncadd.s32 $0xFFFFFFFF  }
0xa5: {  	s5 =	sld [smem:$0x0]  }
0xa6: {  	s6 =	sand.u32 $0xFFFFFFFE, s1  }
0xa7: {  	p0 =	sne.s32 s1, s6  }
0xa8: {  	s6 =	sshll.u32 @p0 s6, $0xE  }
0xa9: {  	s6 =	sadd.s32 @p0 $0x11B8D, s6;
	s7 =	sshll.u32 @p0 s5, $0x11  }
0xaa: {  	s6 =	sor.u32 @p0 s7, s6  }
0xab: {  	[sflag:s6] =	ssyncadd.remote.s32 @p0 $0x1;
	_ =	sdelay $0x1  }
0xac: {  	s6 =	simm.s32 @p0 $0x1B8D  }
0xad: {  	_ =	swait.eq @p0 [sflag:s6], $0x1  }
0xae: {  	[sflag:s6] =	ssyncadd.s32 @p0 $0xFFFFFFFF  }
0xaf: {  	s7 =	sshll.u32 @!p0 s1, $0xE  }
0xb0: {  	s7 =	sor.u32 @!p0 $0x4000, s7;
	s6 =	simm.s32 @!p0 $0x1B8D  }
0xb1: {  	s5 =	sshll.u32 @!p0 s5, $0x11;
	s7 =	sadd.s32 @!p0 $0x11B8D, s7;
	_ =	swait.eq @!p0 [sflag:s6], $0x1  }
0xb2: {  	s5 =	sor.u32 @!p0 s5, s7;
	[sflag:s6] =	ssyncadd.s32 @!p0 $0xFFFFFFFF  }
0xb3: {  	s25 =	simm.s32 $0x1B8E;
	s24 =	sld [smem:$0x3FFE];
	[sflag:s5] =	ssyncadd.remote.s32 @!p0 $0x1  }
0xb4: {  	s26 =	simm.s32 $execute0_lowered;
	[smem:$0x3FD2] =	sst s25  }
0xb5: {  	s6 =	sshll.u32 s26, $0x1;
	_ =	strace $0x80000049;
	[dreg:$0x1] =	wrdreg $0xFFFFFFFF  }
0xb6: {  	s28 =	simm.s32 $_size_execute0_lowered;
	s4 =	sadd.s32 s4, s6;
	[dreg:$0x0] =	wrdreg $0x0  }
0xb7: {  	s6 =	sshll.u32 s28, $0x1;
	[dreg:$0x2] =	wrdreg s4  }
0xb8: {  	[dreg:$0x3] =	wrdreg s6  }
0xb9: {  	[dreg:$0x4] =	wrdreg $0xC0  }
0xba: {  	_ =	task [dreg:s22], $0x5FFFF  }
0xbb: {  	[dreg:$0x1] =	wrdreg $0xFFFFFFFF  }
0xbc: {  	[dreg:$0x0] =	wrdreg $0x60  }
0xbd: {  	[dreg:$0x2] =	wrdreg s18  }
0xbe: {  	[dreg:$0x3] =	wrdreg s24  }
0xbf: {  	[dreg:$0x4] =	wrdreg $0x68000  }
0xc0: {  	[dreg:$0x5] =	wrdreg $0xA  }
0xc1: {  	_ =	task.clear_ibuf [dreg:s22], $0x6FFFF;
	_ =	strace $0x90000049  }
0xc2: {  	s29 =	simm.s32 $0xA;
	_ =	strace $0x8000004B  }
0xc3: {  	_ =	swait.ge [sflag:s29], $0x1  }
0xc4: {  	[sflag:s29] =	ssyncadd.s32 $0xFFFFFFFF  }
0xc5: {  	_ =	strace $0x9000004B  }
0xc6: {  	_ =	sfence  }
0xc7: {  	s30 =	sld [smem:$0x0];
	_ =	sdelay $0x2  }
0xc8: {  	s31 =	sshll.u32 s1, $0xD;
	s1 =	sshrl.u32 s1, $0x2  }
0xc9: {  	s4 =	sand.u32 $0x4000, s31;
	s1 =	sadd.s32 s1, s30  }
0xca: {  	s0 =	sor.u32 s4, s0;
	s1 =	sshll.u32 s1, $0x11  }
0xcb: {  	s0 =	sor.u32 s1, s0  }
0xcc: {  	s0 =	sadd.s32 $0x8F2B, s0  }
0xcd: {  	[sflag:s0] =	ssyncadd.remote.s32 $0x1  }
0xce: {  	_ =	sfence.sel $0xFFFF  }
0xcf: {  	[dreg:$0x0] =	wrdreg $0xFFFFFFFF;
	(pc) =	sbr.abs _section_cstart, $3  }
0xd0: {  	[dreg:$0x1] =	wrdreg $0xFFFFFFFF  }
0xd1: {  	_ =	task.clear_ibuf [dreg:s22], $0x2FFFF;
	_ =	strace $0x9FFFFFFF  }
0xd2: {  	(tm) =	ssettm $0x7FFFFFFF  }
0xd3: {  	_ =	shalt  }
tec
execute0_lowered:
.L_overlay_start_1:
0x0: {  	(tag) =	ssettag $0x1  }
0x1: {  	s1 =	rddreg [dreg:$0x0]  }
0x2: {  	s0 =	rddreg [dreg:$0x1];
	s8 =	stileid.u32  }
0x3: {  	s3 =	srdreg.scid;
	s7 =	smul.u32 $0x14000, s8  }
0x4: {  	s3 =	sand.u32 $0x1, s3;
	s24 =	sshll.u32 s8, $0x1;
	s8 =	smul.u32 $0x50000, s8  }
0x5: {  	s4 =	smul.u32 $0x140000, s3;
	s25 =	ssub.s32 $0x2, s3;
	s3 =	sor.u32 s3, s24  }
0x6: {  	s2 =	rddreg [dreg:$0x2];
	s5 =	simm.s32 $0x0;
	s9 =	smul.u32 $0x1400, s3  }
0x7: {  	[smem:$0x7FF] =	sst s5;
	s5 =	sadd.s32 $0x85000, s0;
	s6 =	sadd.s32 $0x5D000, s0  }
0x8: {  	_ =	strace $0x8000004A;
	s8 =	sshrl.u32 s8, $0x2;
	s10 =	sadd.s32 s5, s9  }
0x9: {  	s8 =	sadd.s32 s8, s2;
	s11 =	sadd.s32 s6, s9;
	[dreg:$0x4] =	wrdreg s10  }
0xa: {  	s12 =	sadd.s32 $0x1000, s8;
	[dreg:$0x5] =	wrdreg s11  }
0xb: {  	s26 =	sshrl.u32 s25, $0x1;
	s13 =	sadd.s32 $0x2000, s8;
	[dreg:$0x6] =	wrdreg s12  }
0xc: {  	s4 =	sadd.s32 s7, s4;
	s14 =	sadd.s32 $0x3000, s8;
	[dreg:$0x7] =	wrdreg s13  }
0xd: {  	s7 =	smul.u32 $0x140, s3;
	s15 =	sadd.s32 $0x4000, s8;
	[dreg:$0x8] =	wrdreg s14  }
0xe: {  	s3 =	simm.s32 $0x5;
	s16 =	sadd.s32 $0x5000, s8;
	[dreg:$0x9] =	wrdreg s15  }
0xf: {  	s4 =	sshrl.u32 s4, $0x3;
	s17 =	sadd.s32 $0x6000, s8;
	[dreg:$0xa] =	wrdreg s16  }
0x10: {  	s18 =	sadd.s32 $0x7000, s8;
	s19 =	sadd.s32 $0x8000, s8;
	[dreg:$0xb] =	wrdreg s17  }
0x11: {  	s20 =	sadd.s32 $0x9000, s8;
	s21 =	sadd.s32 $0xA000, s8;
	[dreg:$0xc] =	wrdreg s18  }
0x12: {  	s22 =	sadd.s32 $0xB000, s8;
	s23 =	sadd.s32 $0xC000, s8;
	[dreg:$0xd] =	wrdreg s19  }
0x13: {  	s24 =	sadd.s32 $0xD000, s8;
	s28 =	sadd.s32 $0xF000, s8;
	[dreg:$0xe] =	wrdreg s20  }
0x14: {  	s29 =	sadd.s32 $0x10000, s8;
	s30 =	sadd.s32 $0x11000, s8;
	[dreg:$0xf] =	wrdreg s21  }
0x15: {  	s31 =	sadd.s32 $0x12000, s8;
	s9 =	simm.s32 $0x3800;
	[dreg:$0x10] =	wrdreg s22  }
0x16: {  	s0 =	sadd.s32 s4, s0;
	s4 =	ssub.s32 s25, s26;
	[dreg:$0x11] =	wrdreg s23  }
0x17: {  	[dreg:$0x12] =	wrdreg s24;
	s26 =	sadd.s32 $0xE000, s8;
	s10 =	simm.s32 $0x4800  }
0x18: {  	s11 =	simm.s32 $0x5800;
	s12 =	simm.s32 $0x2800;
	s13 =	simm.s32 $0x1  }
0x19: {  	s14 =	simm.s32 $0x2;
	s15 =	simm.s32 $0x3;
	s16 =	simm.s32 $0x4  }
0x1a: {  	s17 =	simm.s32 $0x2600;
	s18 =	simm.s32 $0x2680;
	s19 =	simm.s32 $0x2700  }
0x1b: {  	s20 =	simm.s32 $0x2780;
	s0 =	sadd.s32 $0xAD000, s0;
	[dreg:$0x15] =	wrdreg s26  }
0x1c: {  	s21 =	simm.s32 $0x0;
	s25 =	smax.u32 s4, $0x1;
	[dreg:$0x13] =	wrdreg s0  }
0x1d: {  	v0 =	vimm.f32 $0.0e+00;
	s4 =	simm.s32 $0x20;
	[dreg:$0x14] =	wrdreg s25;
	s0 =	sadd.s32 $0x13000, s8  }
.LBB2_1:
0x1e: {  	s22 =	simm.s32 $0x0;
	s23 =	rddreg [dreg:$0x4]  }
0x1f: {  	[tilespmem:s22], [sflag:$0x5] =	stream.linear.gather [hbm4b:s23+s22], $0x1400, $0x38;
	[tilespmem:$0x1A800] =	vst v63  }
0x20: {  	_ =	swait.ge [sflag:s3], $0x1400  }
0x21: {  	[sflag:s3] =	ssyncset.done $0x0  }
0x22: {  	s24 =	simm.s32 $0x1400;
	s26 =	rddreg [dreg:$0x5];
	[sflag:s3] =	ssyncadd.s32 $0xFFFFEC00  }
0x23: {  	[tilespmem:s24], [sflag:$0x5] =	stream.linear.gather [hbm4b:s26+s22], $0x1400, $0x38;
	[tilespmem:$0x1A800] =	vst v63  }
0x24: {  	_ =	swait.ge [sflag:s3], $0x1400  }
0x25: {  	[sflag:s3] =	ssyncset.done $0x0  }
0x26: {  	s24 =	simm.s32 $0x80;
	[sflag:s3] =	ssyncadd.s32 $0xFFFFEC00  }
0x27: {  	[tilespmem:s9], [sflag:$0x2] =	stream.indirect.gather [hbm4b:s1+s4], $0x80, s24, s4, $0xb8;
	[tilespmem:$0x1A800] =	vst v63  }
0x28: {  	s25 =	simm.s32 $0x100  }
0x29: {  	[tilespmem:s10], [sflag:$0x3] =	stream.indirect.gather [hbm4b:s1+s4], $0x80, s25, s4, $0xb8;
	[tilespmem:$0x1A800] =	vst v63  }
0x2a: {  	s23 =	simm.s32 $0x200;
	s26 =	simm.s32 $0x180;
	s22 =	simm.s32 $0x0  }
0x2b: {  	[tilespmem:s11], [sflag:$0x4] =	stream.indirect.gather [hbm4b:s1+s4], $0x80, s26, s4, $0xb8;
	[tilespmem:$0x1A800] =	vst v63  }
.LBB2_2:
0x2c: {  	p0 =	sne.s32 s23, $0x3E00;
	[tilespmem:s22+$0x2870] =	vst v0  }
0x2d: {  	[tilespmem:s22+$0x2800] =	vst v0  }
0x2e: {  	[tilespmem:s22+$0x2810] =	vst v0  }
.Ltmp0:
0x2f: {  	[tilespmem:s22+$0x2820] =	vst v0;
	(pc) =	sbr.rel @p0 .LBB2_2-.Ltmp0, $4  }
0x30: {  	[tilespmem:s22+$0x2830] =	vst v0  }
0x31: {  	[tilespmem:s22+$0x2840] =	vst v0  }
0x32: {  	[tilespmem:s22+$0x2850] =	vst v0  }
0x33: {  	[tilespmem:s22+$0x2860] =	vst v0;
	s22 =	sshra.s32 s23, $0x2;
	s23 =	sadd.s32 $0x200, s23  }
0x34: {  	[tilespmem:s22+$0x2870] =	vst v0  }
0x35: {  	[tilespmem:s22+$0x2800] =	vst v0  }
0x36: {  	[tilespmem:s22+$0x2810] =	vst v0  }
0x37: {  	[tilespmem:s22+$0x2820] =	vst v0  }
0x38: {  	[tilespmem:s22+$0x2830] =	vst v0  }
0x39: {  	[tilespmem:s22+$0x2840] =	vst v0  }
0x3a: {  	[tilespmem:s22+$0x2850] =	vst v0  }
0x3b: {  	[tilespmem:s22+$0x2860] =	vst v0  }
0x3c: {  	[spmem:s8] =	stream.linear.scatter [tilespmem:s12], [sflag:$0x5], $0x1000, $0x38;
	[tilespmem:$0x1A800] =	vst v63  }
0x3d: {  	_ =	swait.ge [sflag:s3], $0x1000  }
0x3e: {  	[sflag:s3] =	ssyncset.done $0x0  }
0x3f: {  	s25 =	rddreg [dreg:$0x6];
	[sflag:s3] =	ssyncadd.s32 $0xFFFFF000  }
0x40: {  	[spmem:s25] =	stream.linear.scatter [tilespmem:s12], [sflag:$0x5], $0x1000, $0x38;
	[tilespmem:$0x1A800] =	vst v63  }
0x41: {  	_ =	swait.ge [sflag:s3], $0x1000  }
0x42: {  	[sflag:s3] =	ssyncset.done $0x0  }
0x43: {  	s26 =	rddreg [dreg:$0x7];
	[sflag:s3] =	ssyncadd.s32 $0xFFFFF000  }
0x44: {  	[spmem:s26] =	stream.linear.scatter [tilespmem:s12], [sflag:$0x5], $0x1000, $0x38;
	[tilespmem:$0x1A800] =	vst v63  }
0x45: {  	_ =	swait.ge [sflag:s3], $0x1000  }
0x46: {  	[sflag:s3] =	ssyncset.done $0x0  }
0x47: {  	s23 =	rddreg [dreg:$0x8];
	[sflag:s3] =	ssyncadd.s32 $0xFFFFF000  }
0x48: {  	[spmem:s23] =	stream.linear.scatter [tilespmem:s12], [sflag:$0x5], $0x1000, $0x38;
	[tilespmem:$0x1A800] =	vst v63  }
0x49: {  	_ =	swait.ge [sflag:s3], $0x1000  }
0x4a: {  	[sflag:s3] =	ssyncset.done $0x0  }
0x4b: {  	s24 =	rddreg [dreg:$0x9];
	[sflag:s3] =	ssyncadd.s32 $0xFFFFF000  }
0x4c: {  	[spmem:s24] =	stream.linear.scatter [tilespmem:s12], [sflag:$0x5], $0x1000, $0x38;
	[tilespmem:$0x1A800] =	vst v63  }
0x4d: {  	_ =	swait.ge [sflag:s3], $0x1000  }
0x4e: {  	[sflag:s3] =	ssyncset.done $0x0  }
0x4f: {  	s25 =	rddreg [dreg:$0xa];
	[sflag:s3] =	ssyncadd.s32 $0xFFFFF000  }
0x50: {  	[spmem:s25] =	stream.linear.scatter [tilespmem:s12], [sflag:$0x5], $0x1000, $0x38;
	[tilespmem:$0x1A800] =	vst v63  }
0x51: {  	_ =	swait.ge [sflag:s3], $0x1000  }
0x52: {  	[sflag:s3] =	ssyncset.done $0x0  }
0x53: {  	s26 =	rddreg [dreg:$0xb];
	[sflag:s3] =	ssyncadd.s32 $0xFFFFF000  }
0x54: {  	[spmem:s26] =	stream.linear.scatter [tilespmem:s12], [sflag:$0x5], $0x1000, $0x38;
	[tilespmem:$0x1A800] =	vst v63  }
0x55: {  	_ =	swait.ge [sflag:s3], $0x1000  }
0x56: {  	[sflag:s3] =	ssyncset.done $0x0  }
0x57: {  	s23 =	rddreg [dreg:$0xc];
	[sflag:s3] =	ssyncadd.s32 $0xFFFFF000  }
0x58: {  	[spmem:s23] =	stream.linear.scatter [tilespmem:s12], [sflag:$0x5], $0x1000, $0x38;
	[tilespmem:$0x1A800] =	vst v63  }
0x59: {  	_ =	swait.ge [sflag:s3], $0x1000  }
0x5a: {  	[sflag:s3] =	ssyncset.done $0x0  }
0x5b: {  	s24 =	rddreg [dreg:$0xd];
	[sflag:s3] =	ssyncadd.s32 $0xFFFFF000  }
0x5c: {  	[spmem:s24] =	stream.linear.scatter [tilespmem:s12], [sflag:$0x5], $0x1000, $0x38;
	[tilespmem:$0x1A800] =	vst v63  }
0x5d: {  	_ =	swait.ge [sflag:s3], $0x1000  }
0x5e: {  	[sflag:s3] =	ssyncset.done $0x0  }
0x5f: {  	s25 =	rddreg [dreg:$0xe];
	[sflag:s3] =	ssyncadd.s32 $0xFFFFF000  }
0x60: {  	[spmem:s25] =	stream.linear.scatter [tilespmem:s12], [sflag:$0x5], $0x1000, $0x38;
	[tilespmem:$0x1A800] =	vst v63  }
0x61: {  	_ =	swait.ge [sflag:s3], $0x1000  }
0x62: {  	[sflag:s3] =	ssyncset.done $0x0  }
0x63: {  	s26 =	rddreg [dreg:$0xf];
	[sflag:s3] =	ssyncadd.s32 $0xFFFFF000  }
0x64: {  	[spmem:s26] =	stream.linear.scatter [tilespmem:s12], [sflag:$0x5], $0x1000, $0x38;
	[tilespmem:$0x1A800] =	vst v63  }
0x65: {  	_ =	swait.ge [sflag:s3], $0x1000  }
0x66: {  	[sflag:s3] =	ssyncset.done $0x0  }
0x67: {  	s23 =	rddreg [dreg:$0x10];
	[sflag:s3] =	ssyncadd.s32 $0xFFFFF000  }
0x68: {  	[spmem:s23] =	stream.linear.scatter [tilespmem:s12], [sflag:$0x5], $0x1000, $0x38;
	[tilespmem:$0x1A800] =	vst v63  }
0x69: {  	_ =	swait.ge [sflag:s3], $0x1000  }
0x6a: {  	[sflag:s3] =	ssyncset.done $0x0  }
0x6b: {  	s24 =	rddreg [dreg:$0x11];
	[sflag:s3] =	ssyncadd.s32 $0xFFFFF000  }
0x6c: {  	[spmem:s24] =	stream.linear.scatter [tilespmem:s12], [sflag:$0x5], $0x1000, $0x38;
	[tilespmem:$0x1A800] =	vst v63  }
0x6d: {  	_ =	swait.ge [sflag:s3], $0x1000  }
0x6e: {  	[sflag:s3] =	ssyncset.done $0x0  }
0x6f: {  	s25 =	rddreg [dreg:$0x12];
	[sflag:s3] =	ssyncadd.s32 $0xFFFFF000  }
0x70: {  	[spmem:s25] =	stream.linear.scatter [tilespmem:s12], [sflag:$0x5], $0x1000, $0x38;
	[tilespmem:$0x1A800] =	vst v63  }
0x71: {  	_ =	swait.ge [sflag:s3], $0x1000  }
0x72: {  	[sflag:s3] =	ssyncset.done $0x0  }
0x73: {  	s26 =	rddreg [dreg:$0x15];
	[sflag:s3] =	ssyncadd.s32 $0xFFFFF000  }
0x74: {  	[spmem:s26] =	stream.linear.scatter [tilespmem:s12], [sflag:$0x5], $0x1000, $0x38;
	[tilespmem:$0x1A800] =	vst v63  }
0x75: {  	_ =	swait.ge [sflag:s3], $0x1000  }
0x76: {  	[sflag:s3] =	ssyncset.done $0x0  }
0x77: {  	[sflag:s3] =	ssyncadd.s32 $0xFFFFF000  }
0x78: {  	[spmem:s28] =	stream.linear.scatter [tilespmem:s12], [sflag:$0x5], $0x1000, $0x38;
	[tilespmem:$0x1A800] =	vst v63  }
0x79: {  	_ =	swait.ge [sflag:s3], $0x1000  }
0x7a: {  	[sflag:s3] =	ssyncset.done $0x0  }
0x7b: {  	[sflag:s3] =	ssyncadd.s32 $0xFFFFF000  }
0x7c: {  	[spmem:s29] =	stream.linear.scatter [tilespmem:s12], [sflag:$0x5], $0x1000, $0x38;
	[tilespmem:$0x1A800] =	vst v63  }
0x7d: {  	_ =	swait.ge [sflag:s3], $0x1000  }
0x7e: {  	[sflag:s3] =	ssyncset.done $0x0  }
0x7f: {  	[sflag:s3] =	ssyncadd.s32 $0xFFFFF000  }
0x80: {  	[spmem:s30] =	stream.linear.scatter [tilespmem:s12], [sflag:$0x5], $0x1000, $0x38;
	[tilespmem:$0x1A800] =	vst v63  }
0x81: {  	_ =	swait.ge [sflag:s3], $0x1000  }
0x82: {  	[sflag:s3] =	ssyncset.done $0x0  }
0x83: {  	[sflag:s3] =	ssyncadd.s32 $0xFFFFF000  }
0x84: {  	[spmem:s31] =	stream.linear.scatter [tilespmem:s12], [sflag:$0x5], $0x1000, $0x38;
	[tilespmem:$0x1A800] =	vst v63  }
0x85: {  	_ =	swait.ge [sflag:s3], $0x1000  }
0x86: {  	[sflag:s3] =	ssyncset.done $0x0  }
0x87: {  	[sflag:s3] =	ssyncadd.s32 $0xFFFFF000  }
0x88: {  	[spmem:s0] =	stream.linear.scatter [tilespmem:s12], [sflag:$0x5], $0x1000, $0x38;
	[tilespmem:$0x1A800] =	vst v63  }
0x89: {  	_ =	swait.ge [sflag:s3], $0x1000  }
0x8a: {  	[sflag:s3] =	ssyncset.done $0x0  }
0x8b: {  	s22 =	simm.s32 $0x0;
	[sflag:s3] =	ssyncadd.s32 $0xFFFFF000  }
0x8c: {  	[tilespmem:s12], [sflag:$0x1] =	stream.indirect.gather [hbm4b:s1+s4], $0x80, s22, s4, $0xb8;
	[tilespmem:$0x1A800] =	vst v63  }
0x8d: {  	[bflag:$0x0] =	sbarrier.arrive $0xFFFF  }
.LBB2_4:
0x8e: {  	p0 =	seq.s32 s22, $0x0  }
0x8f: {  	s23 =	smul.u32 @!p0 $0x28, s22;
	_ =	sdelay $0x1  }
0x90: {  	s23 =	sadd.s32 @!p0 s7, s23  }
0x91: {  	s23 =	sshll.u32 @!p0 s23, $0x4  }
0x92: {  	s25 =	simm.s32 @!p0 $0x0;
	s24 =	sadd.s32 @!p0 s5, s23  }
0x93: {  	[tilespmem:s25], [sflag:$0x5] =	stream.linear.gather @!p0 [hbm4b:s24+s25], $0x1400, $0x38;
	[tilespmem:$0x1A800] =	vst v63  }
0x94: {  	s24 =	simm.s32 @!p0 $0x5  }
0x95: {  	_ =	swait.ge @!p0 [sflag:s24], $0x1400  }
0x96: {  	[sflag:s24] =	ssyncset.done @!p0 $0x0  }
0x97: {  	s26 =	simm.s32 @!p0 $0x1400;
	s23 =	sadd.s32 @!p0 s6, s23;
	[sflag:s24] =	ssyncadd.s32 @!p0 $0xFFFFEC00  }
0x98: {  	[tilespmem:s26], [sflag:$0x5] =	stream.linear.gather @!p0 [hbm4b:s23+s25], $0x1400, $0x38;
	[tilespmem:$0x1A800] =	vst v63  }
0x99: {  	_ =	swait.ge @!p0 [sflag:s24], $0x1400  }
0x9a: {  	[sflag:s24] =	ssyncset.done @!p0 $0x0  }
0x9b: {  	s23 =	simm.s32 @!p0 $0x20;
	[sflag:s24] =	ssyncadd.s32 @!p0 $0xFFFFEC00;
	s24 =	simm.s32 @!p0 $0x2800  }
0x9c: {  	[tilespmem:s24], [sflag:$0x1] =	stream.indirect.gather @!p0 [hbm4b:s1+s23], $0x80, s25, s23, $0xb8;
	[tilespmem:$0x1A800] =	vst v63  }
0x9d: {  	s24 =	simm.s32 @!p0 $0x80;
	s25 =	simm.s32 @!p0 $0x3800  }
0x9e: {  	[tilespmem:s25], [sflag:$0x2] =	stream.indirect.gather @!p0 [hbm4b:s1+s23], $0x80, s24, s23, $0xb8;
	[tilespmem:$0x1A800] =	vst v63  }
0x9f: {  	s24 =	simm.s32 @!p0 $0x100;
	s25 =	simm.s32 @!p0 $0x4800  }
0xa0: {  	[tilespmem:s25], [sflag:$0x3] =	stream.indirect.gather @!p0 [hbm4b:s1+s23], $0x80, s24, s23, $0xb8;
	[tilespmem:$0x1A800] =	vst v63  }
0xa1: {  	s24 =	simm.s32 @!p0 $0x180;
	s25 =	simm.s32 @!p0 $0x5800  }
0xa2: {  	[tilespmem:s25], [sflag:$0x4] =	stream.indirect.gather @!p0 [hbm4b:s1+s23], $0x80, s24, s23, $0xb8;
	[tilespmem:$0x1A800] =	vst v63  }
0xa3: {  	_ =	swait.ge [sflag:s13], $0x1000  }
0xa4: {  	[sflag:s13] =	ssyncset.done $0x0  }
0xa5: {  	s26 =	simm.s32 $0x1400;
	[sflag:s13] =	ssyncadd.s32 $0xFFFFF000  }
0xa6: {  	[spmem:s2] =	stream.indirect.scatter.add.f32 [tilespmem:s12], [sflag:$0x5], $0x80, s26, s4, $0xb8;
	[tilespmem:$0x1A800] =	vst v63  }
0xa7: {  	_ =	swait.ge [sflag:s3], $0x1000  }
0xa8: {  	[sflag:s3] =	ssyncset.done $0x0  }
0xa9: {  	s24 =	simm.s32 $0x200;
	[sflag:s3] =	ssyncadd.s32 $0xFFFFF000  }
0xaa: {  	[tilespmem:s12], [sflag:$0x1] =	stream.indirect.gather [hbm4b:s1+s4], $0x80, s24, s4, $0xb8;
	[tilespmem:$0x1A800] =	vst v63  }
0xab: {  	_ =	swait.ge [sflag:s14], $0x1000  }
0xac: {  	[sflag:s14] =	ssyncset.done $0x0  }
0xad: {  	s25 =	simm.s32 $0x1480;
	[sflag:s14] =	ssyncadd.s32 $0xFFFFF000  }
0xae: {  	[spmem:s2] =	stream.indirect.scatter.add.f32 [tilespmem:s9], [sflag:$0x5], $0x80, s25, s4, $0xb8;
	[tilespmem:$0x1A800] =	vst v63  }
0xaf: {  	_ =	swait.ge [sflag:s3], $0x1000  }
0xb0: {  	[sflag:s3] =	ssyncset.done $0x0  }
0xb1: {  	s26 =	simm.s32 $0x280;
	[sflag:s3] =	ssyncadd.s32 $0xFFFFF000  }
0xb2: {  	[tilespmem:s9], [sflag:$0x2] =	stream.indirect.gather [hbm4b:s1+s4], $0x80, s26, s4, $0xb8;
	[tilespmem:$0x1A800] =	vst v63  }
0xb3: {  	_ =	swait.ge [sflag:s15], $0x1000  }
0xb4: {  	[sflag:s15] =	ssyncset.done $0x0  }
0xb5: {  	s24 =	simm.s32 $0x1500;
	[sflag:s15] =	ssyncadd.s32 $0xFFFFF000  }
0xb6: {  	[spmem:s2] =	stream.indirect.scatter.add.f32 [tilespmem:s10], [sflag:$0x5], $0x80, s24, s4, $0xb8;
	[tilespmem:$0x1A800] =	vst v63  }
0xb7: {  	_ =	swait.ge [sflag:s3], $0x1000  }
0xb8: {  	[sflag:s3] =	ssyncset.done $0x0  }
0xb9: {  	s25 =	simm.s32 $0x300;
	[sflag:s3] =	ssyncadd.s32 $0xFFFFF000  }
0xba: {  	[tilespmem:s10], [sflag:$0x3] =	stream.indirect.gather [hbm4b:s1+s4], $0x80, s25, s4, $0xb8;
	[tilespmem:$0x1A800] =	vst v63  }
0xbb: {  	_ =	swait.ge [sflag:s16], $0x1000  }
0xbc: {  	[sflag:s16] =	ssyncset.done $0x0  }
0xbd: {  	s26 =	simm.s32 $0x1580;
	[sflag:s16] =	ssyncadd.s32 $0xFFFFF000  }
0xbe: {  	[spmem:s2] =	stream.indirect.scatter.add.f32 [tilespmem:s11], [sflag:$0x5], $0x80, s26, s4, $0xb8;
	[tilespmem:$0x1A800] =	vst v63  }
0xbf: {  	_ =	swait.ge [sflag:s3], $0x1000  }
0xc0: {  	[sflag:s3] =	ssyncset.done $0x0  }
0xc1: {  	s23 =	simm.s32 $0x800;
	s24 =	simm.s32 $0x380;
	[sflag:s3] =	ssyncadd.s32 $0xFFFFF000  }
.LBB2_5:
0xc2: {  	[tilespmem:s11], [sflag:$0x4] =	stream.indirect.gather [hbm4b:s1+s4], $0x80, s24, s4, $0xb8;
	[tilespmem:$0x1A800] =	vst v63  }
0xc3: {  	s24 =	smov.u32 s23  }
0xc4: {  	p0 =	sne.s32 s23, $0x4000;
	s23 =	sadd.s32 $0x800, s23;
	_ =	swait.ge [sflag:s13], $0x1000  }
0xc5: {  	s24 =	sshra.s32 s24, $0x2;
	[sflag:s13] =	ssyncset.done $0x0  }
0xc6: {  	s25 =	sadd.s32 $0x1400, s24;
	[sflag:s13] =	ssyncadd.s32 $0xFFFFF000  }
0xc7: {  	[spmem:s2] =	stream.indirect.scatter.add.f32 [tilespmem:s12], [sflag:$0x5], $0x80, s25, s4, $0xb8;
	[tilespmem:$0x1A800] =	vst v63  }
0xc8: {  	_ =	swait.ge [sflag:s3], $0x1000  }
0xc9: {  	[sflag:s3] =	ssyncset.done $0x0  }
0xca: {  	s25 =	sadd.s32 $0x200, s24;
	[sflag:s3] =	ssyncadd.s32 $0xFFFFF000  }
0xcb: {  	[tilespmem:s12], [sflag:$0x1] =	stream.indirect.gather [hbm4b:s1+s4], $0x80, s25, s4, $0xb8;
	[tilespmem:$0x1A800] =	vst v63  }
0xcc: {  	_ =	swait.ge [sflag:s14], $0x1000  }
0xcd: {  	[sflag:s14] =	ssyncset.done $0x0  }
0xce: {  	s25 =	sadd.s32 $0x1480, s24;
	[sflag:s14] =	ssyncadd.s32 $0xFFFFF000  }
0xcf: {  	[spmem:s2] =	stream.indirect.scatter.add.f32 [tilespmem:s9], [sflag:$0x5], $0x80, s25, s4, $0xb8;
	[tilespmem:$0x1A800] =	vst v63  }
0xd0: {  	_ =	swait.ge [sflag:s3], $0x1000  }
0xd1: {  	[sflag:s3] =	ssyncset.done $0x0  }
0xd2: {  	s25 =	sadd.s32 $0x280, s24;
	[sflag:s3] =	ssyncadd.s32 $0xFFFFF000  }
0xd3: {  	[tilespmem:s9], [sflag:$0x2] =	stream.indirect.gather [hbm4b:s1+s4], $0x80, s25, s4, $0xb8;
	[tilespmem:$0x1A800] =	vst v63  }
0xd4: {  	_ =	swait.ge [sflag:s15], $0x1000  }
0xd5: {  	[sflag:s15] =	ssyncset.done $0x0  }
0xd6: {  	s25 =	sadd.s32 $0x1500, s24;
	[sflag:s15] =	ssyncadd.s32 $0xFFFFF000  }
0xd7: {  	[spmem:s2] =	stream.indirect.scatter.add.f32 [tilespmem:s10], [sflag:$0x5], $0x80, s25, s4, $0xb8;
	[tilespmem:$0x1A800] =	vst v63  }
0xd8: {  	_ =	swait.ge [sflag:s3], $0x1000  }
0xd9: {  	[sflag:s3] =	ssyncset.done $0x0  }
0xda: {  	s25 =	sadd.s32 $0x300, s24;
	[sflag:s3] =	ssyncadd.s32 $0xFFFFF000  }
0xdb: {  	[tilespmem:s10], [sflag:$0x3] =	stream.indirect.gather [hbm4b:s1+s4], $0x80, s25, s4, $0xb8;
	[tilespmem:$0x1A800] =	vst v63  }
0xdc: {  	_ =	swait.ge [sflag:s16], $0x1000  }
0xdd: {  	[sflag:s16] =	ssyncset.done $0x0  }
.Ltmp1:
0xde: {  	s25 =	sadd.s32 $0x1580, s24;
	[sflag:s16] =	ssyncadd.s32 $0xFFFFF000;
	(pc) =	sbr.rel @p0 .LBB2_5-.Ltmp1, $4  }
0xdf: {  	[spmem:s2] =	stream.indirect.scatter.add.f32 [tilespmem:s11], [sflag:$0x5], $0x80, s25, s4, $0xb8;
	[tilespmem:$0x1A800] =	vst v63  }
0xe0: {  	_ =	swait.ge [sflag:s3], $0x1000  }
0xe1: {  	[sflag:s3] =	ssyncset.done $0x0  }
0xe2: {  	s24 =	sadd.s32 $0x380, s24;
	[sflag:s3] =	ssyncadd.s32 $0xFFFFF000  }
0xe3: {  	[tilespmem:s11], [sflag:$0x4] =	stream.indirect.gather [hbm4b:s1+s4], $0x80, s24, s4, $0xb8;
	[tilespmem:$0x1A800] =	vst v63  }
0xe4: {  	_ =	swait.ge [sflag:s13], $0x1000  }
0xe5: {  	[sflag:s13] =	ssyncset.done $0x0  }
0xe6: {  	[sflag:s13] =	ssyncadd.s32 $0xFFFFF000  }
0xe7: {  	[spmem:s2] =	stream.indirect.scatter.add.f32 [tilespmem:s12], [sflag:$0x5], $0x80, s17, s4, $0xb8;
	[tilespmem:$0x1A800] =	vst v63  }
0xe8: {  	_ =	swait.ge [sflag:s3], $0x1000  }
0xe9: {  	[sflag:s3] =	ssyncset.done $0x0  }
0xea: {  	[sflag:s3] =	ssyncadd.s32 $0xFFFFF000  }
0xeb: {  	_ =	swait.ge [sflag:s14], $0x1000  }
0xec: {  	[sflag:s14] =	ssyncset.done $0x0  }
0xed: {  	[sflag:s14] =	ssyncadd.s32 $0xFFFFF000  }
0xee: {  	[spmem:s2] =	stream.indirect.scatter.add.f32 [tilespmem:s9], [sflag:$0x5], $0x80, s18, s4, $0xb8;
	[tilespmem:$0x1A800] =	vst v63  }
0xef: {  	_ =	swait.ge [sflag:s3], $0x1000  }
0xf0: {  	[sflag:s3] =	ssyncset.done $0x0  }
0xf1: {  	[sflag:s3] =	ssyncadd.s32 $0xFFFFF000  }
0xf2: {  	_ =	swait.ge [sflag:s15], $0x1000  }
0xf3: {  	[sflag:s15] =	ssyncset.done $0x0  }
0xf4: {  	[sflag:s15] =	ssyncadd.s32 $0xFFFFF000  }
0xf5: {  	[spmem:s2] =	stream.indirect.scatter.add.f32 [tilespmem:s10], [sflag:$0x5], $0x80, s19, s4, $0xb8;
	[tilespmem:$0x1A800] =	vst v63  }
0xf6: {  	_ =	swait.ge [sflag:s3], $0x1000  }
0xf7: {  	[sflag:s3] =	ssyncset.done $0x0  }
0xf8: {  	[sflag:s3] =	ssyncadd.s32 $0xFFFFF000  }
0xf9: {  	s22 =	sadd.s32 $0x1, s22;
	_ =	swait.ge [sflag:s16], $0x1000  }
0xfa: {  	p0 =	sne.s32 s22, $0x8;
	[sflag:s16] =	ssyncset.done $0x0  }
.Ltmp2:
0xfb: {  	[sflag:s16] =	ssyncadd.s32 $0xFFFFF000;
	(pc) =	sbr.rel @p0 .LBB2_4-.Ltmp2, $4  }
0xfc: {  	[spmem:s2] =	stream.indirect.scatter.add.f32 [tilespmem:s11], [sflag:$0x5], $0x80, s20, s4, $0xb8;
	[tilespmem:$0x1A800] =	vst v63  }
0xfd: {  	_ =	swait.ge [sflag:s3], $0x1000  }
0xfe: {  	[sflag:s3] =	ssyncset.done $0x0  }
0xff: {  	[sflag:s3] =	ssyncadd.s32 $0xFFFFF000  }
0x100: {  	s22 =	stileid.u32  }
0x101: {  	[bflag:$0x0] =	sbarrier.arrive $0xFFFF;
	s22 =	sshll.u32 s22, $0x6  }
0x102: {  	s23 =	sshrl.u32 s8, $0x3;
	s24 =	rddreg [dreg:$0x13];
	s22 =	sor.u32 $0x1C05, s22  }
0x103: {  	[hbm:s24], [sflag:s22] =	dma.local [spmem:s23], $0x2800  }
0x104: {  	_ =	swait.ge [sflag:s3], $0x2800  }
0x105: {  	s21 =	sadd.s32 $0x1, s21;
	s26 =	rddreg [dreg:$0x14]  }
0x106: {  	p0 =	sne.s32 s21, s26  }
.Ltmp3:
0x107: {  	_ = 	snop;
	(pc) =	sbr.rel @p0 .LBB2_1-.Ltmp3, $3  }
0x108: {  	_ =	sdelay $0x1  }
0x109: {  	[sflag:s3] =	ssyncset.done $0x0  }
0x10a: {  	[sflag:s3] =	ssyncadd.s32 $0xFFFFD800  }
0x10b: {  	_ =	sfence.sel $0x180000  }
0x10c: {  	[bflag:$0x0] =	sbarrier.arrive $0xFFFF  }
0x10d: {  	_ =	strace $0x9000004A  }
0x10e: {  	s0 =	stileid.u32;
	[bflag:$0x2] =	sbarrier.arrive $0xFFFF  }
0x10f: {  	p0 =	sne.s32 s0, $0x0;
	s0 =	rddreg [dreg:$0x3]  }
0x110: {  	s0 =	sadd.s32 @!p0 $0x100000, s0  }
0x111: {  	[sflag:s0] =	ssyncadd.tile.s32 @!p0 $0x1;
	_ =	shalt  }
.Lfunc_end2:
_tile_overlayer_lowered:
.L_overlay_start_2:
0x112: {  	(tag) =	ssettag $0x2  }
0x113: {  	s0 =	rddreg [dreg:$0x0];
	s2 =	stileid.u32  }
0x114: {  	s1 =	rddreg [dreg:$0x1];
	p0 =	sne.s32 s2, $0x0  }
0x115: {  	s3 =	rddreg [dreg:$0x2];
	[bflag:$0x3] =	sbarrier.arrive $0xFFFF;
	s2 =	simm.s32 @!p0 $0x1C05  }
0x116: {  	[timem:s3], [sflag:s2] =	dma.local @!p0 [hbm:s0], s1  }
0x117: {  	s0 =	simm.s32 @!p0 $0x5  }
0x118: {  	_ =	swait.ge @!p0 [sflag:s0], s1  }
0x119: {  	s1 =	ssub.s32 @!p0 $0x0, s1;
	[sflag:s0] =	ssyncset.done @!p0 $0x0  }
0x11a: {  	[sflag:s0] =	ssyncadd.s32 @!p0 s1  }
0x11b: {  	[bflag:$0x3] =	sbarrier.arrive $0xFFFF  }
0x11c: {  	_ =	shalt  }

// kernel: kernel.19.cloned.1.call-start
scs
__scs_entry_jumppad:
0x0: {  	(pc) =	sbr.rel $0x88, $3  }
0x1: {  	(tag) =	ssettag $0x0;
	lr =	simm.s32 $0x1  }
0x2: {  	[smem:$0x3F9C] =	sst lr;
	_ =	strace $0xD0000000  }
0x3: {  	_ = 	snop  }
0x4: {  	_ = 	snop  }
0x5: {  	_ = 	snop  }
0x6: {  	_ = 	snop  }
0x7: {  	_ = 	snop  }
__scs_overlays_trampoline_lowered:
0x8: {  	[smem:$0x3FAB] =	sst s0  }
0x9: {  	[smem:$0x3FAC] =	sst s1  }
0xa: {  	[smem:$0x3FAD] =	sst s2  }
0xb: {  	[smem:$0x3FAE] =	sst s3  }
0xc: {  	[smem:$0x3FAF] =	sst s4  }
0xd: {  	[smem:$0x3FB0] =	sst s5  }
0xe: {  	[smem:$0x3FB1] =	sst s6  }
0xf: {  	[smem:$0x3FB2] =	sst s7  }
0x10: {  	[smem:$0x3FB3] =	sst s8  }
0x11: {  	[smem:$0x3FB4] =	sst s9;
	s0 =	simm.s32 @!p0 $0x0  }
0x12: {  	s1 =	sld [smem:$0x3F9A];
	s0 =	simm.s32 @p0 $0x1  }
0x13: {  	[smem:$0x3FB5] =	sst s0;
	s0 =	simm.s32 @!p1 $0x0  }
0x14: {  	s2 =	sld [smem:$0x3F99];
	s0 =	simm.s32 @p1 $0x1  }
0x15: {  	[smem:$0x3FB6] =	sst s0;
	s0 =	simm.s32 @!p2 $0x0  }
0x16: {  	s3 =	sld [smem:$0x3FDB];
	s0 =	simm.s32 @p2 $0x1  }
0x17: {  	s4 =	simm.s32 $0x1BF5;
	[smem:$0x3FB8] =	sst s0  }
0x18: {  	s0 =	sld [smem:$0x3F9B];
	_ =	swait.ge [sflag:s4], $0x0  }
0x19: {  	s7 =	sld [smem:$0x3F9C]  }
0x1a: {  	s8 =	sadd.s32 $0xFFFFE003, lr  }
0x1b: {  	s9 =	sadd.s32 $0xFFFFFEF7, lr;
	s5 =	simm.s32 $0xFFFFFFFF;
	p2 =	slt.u32 s8, $0xFFFFF086  }
0x1c: {  	p1 =	slt.u32 s9, $0xF7A;
	s5 =	simm.s32 @!p2 $0x0  }
0x1d: {  	s5 =	simm.s32 @p1 $0x1;
	p0 =	seq.s32 s7, s2  }
0x1e: {  	s7 =	smul.u32 @!p0 $0xF7A, s2;
	p2 =	seq.s32 @!p0 s5, $0x0  }
0x1f: {  	s9 =	smul.u32 $0xF7A, s1;
	s8 =	simm.s32 @!p0 $0x1BF5;
	p2 =	por !p2, p0  }
0x20: {  	[sflag:s8] =	ssyncset.s32 @!p0 $0xFFFFF086;
	s6 =	sadd.s32 @!p0 s3, s7;
	s7 =	simm.s32 @!p0 $0x108  }
0x21: {  	s3 =	sadd.s32 s3, s9;
	s6 =	sadd.s32 @!p0 $0x88, s6;
	s7 =	simm.s32 @p2 $0x1082  }
0x22: {  	[simem:s7], [sflag:s8] =	dma.local @!p0 [hbm:s6], $0xF7A  }
0x23: {  	s9 =	sor.u32 $0xD0000000, s2;
	s6 =	simm.s32 $0x108;
	_ =	swait.ge @!p0 [sflag:s8], $0x0  }
0x24: {  	s3 =	sadd.s32 $0x88, s3;
	s6 =	simm.s32 @!p1 $0x1082;
	[sflag:s4] =	ssyncset.s32 $0xFFFFF086  }
0x25: {  	[simem:s6], [sflag:s4] =	dma.local [hbm:s3], $0xF7A  }
0x26: {  	[smem:$0x3F9C] =	sst s1;
	(tag) =	ssettag s2;
	_ =	strace s9  }
0x27: {  	s1 =	sld [smem:$0x3FAC]  }
0x28: {  	s2 =	sld [smem:$0x3FAD]  }
0x29: {  	s4 =	sld [smem:$0x3FAF]  }
0x2a: {  	p0 =	seq.s32 s5, $0x0;
	s5 =	sld [smem:$0x3FB0]  }
0x2b: {  	s6 =	sld [smem:$0x3FB1]  }
0x2c: {  	s7 =	sld [smem:$0x3FB2]  }
0x2d: {  	s3 =	simm.s32 $0x108;
	s8 =	sld [smem:$0x3FB3]  }
0x2e: {  	s3 =	simm.s32 @!p0 $0x1082;
	s9 =	sld [smem:$0x3FB4]  }
0x2f: {  	lr =	sadd.s32 s0, s3;
	s0 =	sld [smem:$0x3FAB]  }
0x30: {  	s3 =	sld [smem:$0x3FAE]  }
0x31: {  	[smem:$0x3FB7] =	sst s10  }
0x32: {  	s10 =	sld [smem:$0x3FB5];
	_ =	sdelay $0x3  }
0x33: {  	p0 =	seq.s32 s10, $0x1;
	s10 =	sld [smem:$0x3FB7];
	_ =	sdelay $0x3  }
0x34: {  	[smem:$0x3FB7] =	sst s10  }
0x35: {  	s10 =	sld [smem:$0x3FB6];
	_ =	sdelay $0x3  }
0x36: {  	p1 =	seq.s32 s10, $0x1;
	s10 =	sld [smem:$0x3FB7];
	_ =	sdelay $0x3  }
0x37: {  	[smem:$0x3FB7] =	sst s10  }
0x38: {  	s10 =	sld [smem:$0x3FB8]  }
0x39: {  	_ = 	snop;
	(pc) =	sbr.ind lr, $3  }
0x3a: {  	_ = 	snop  }
0x3b: {  	_ = 	snop  }
0x3c: {  	p2 =	seq.s32 s10, $0x1;
	s10 =	sld [smem:$0x3FB7]  }
0x3d: {  	_ =	shalt  }
0x3e: {  	_ =	shalt  }
0x3f: {  	_ =	shalt  }
0x40: {  	_ =	shalt  }
0x41: {  	_ =	shalt  }
0x42: {  	_ =	shalt  }
0x43: {  	_ =	shalt  }
0x44: {  	_ =	shalt  }
0x45: {  	_ =	shalt  }
0x46: {  	_ =	shalt  }
0x47: {  	_ =	shalt  }
0x48: {  	_ =	shalt  }
0x49: {  	_ =	shalt  }
0x4a: {  	_ =	shalt  }
0x4b: {  	_ =	shalt  }
0x4c: {  	_ =	shalt  }
0x4d: {  	_ =	shalt  }
0x4e: {  	_ =	shalt  }
0x4f: {  	_ =	shalt  }
0x50: {  	_ =	shalt  }
0x51: {  	_ =	shalt  }
0x52: {  	_ =	shalt  }
0x53: {  	_ =	shalt  }
0x54: {  	_ =	shalt  }
0x55: {  	_ =	shalt  }
0x56: {  	_ =	shalt  }
0x57: {  	_ =	shalt  }
0x58: {  	_ =	shalt  }
0x59: {  	_ =	shalt  }
0x5a: {  	_ =	shalt  }
0x5b: {  	_ =	shalt  }
0x5c: {  	_ =	shalt  }
0x5d: {  	_ =	shalt  }
0x5e: {  	_ =	shalt  }
0x5f: {  	_ =	shalt  }
0x60: {  	_ =	shalt  }
0x61: {  	_ =	shalt  }
0x62: {  	_ =	shalt  }
0x63: {  	_ =	shalt  }
0x64: {  	_ =	shalt  }
0x65: {  	_ =	shalt  }
0x66: {  	_ =	shalt  }
0x67: {  	_ =	shalt  }
0x68: {  	_ =	shalt  }
0x69: {  	_ =	shalt  }
0x6a: {  	_ =	shalt  }
0x6b: {  	_ =	shalt  }
0x6c: {  	_ =	shalt  }
0x6d: {  	_ =	shalt  }
0x6e: {  	_ =	shalt  }
0x6f: {  	_ =	shalt  }
0x70: {  	_ =	shalt  }
0x71: {  	_ =	shalt  }
0x72: {  	_ =	shalt  }
0x73: {  	_ =	shalt  }
0x74: {  	_ =	shalt  }
0x75: {  	_ =	shalt  }
0x76: {  	_ =	shalt  }
0x77: {  	_ =	shalt  }
0x78: {  	_ =	shalt  }
0x79: {  	_ =	shalt  }
0x7a: {  	_ =	shalt  }
0x7b: {  	_ =	shalt  }
0x7c: {  	_ =	shalt  }
0x7d: {  	_ =	shalt  }
0x7e: {  	_ =	shalt  }
0x7f: {  	_ =	shalt  }
0x80: {  	_ =	shalt  }
0x81: {  	_ =	shalt  }
0x82: {  	_ =	shalt  }
0x83: {  	_ =	shalt  }
0x84: {  	_ =	shalt  }
0x85: {  	_ =	shalt  }
0x86: {  	_ =	shalt  }
0x87: {  	_ =	shalt  }
.Lfunc_end0:
.L_simem_size_0:
called_computation.2_lowered:
.L_overlay_start_0:
0x88: {  	s2 =	sld [smem:$0x3FD9]  }
0x89: {  	s3 =	sld [smem:$0x3FFE];
	_ =	sdelay $0x1  }
0x8a: {  	s1 =	srdreg.scid  }
0x8b: {  	s0 =	sand.u32 $0x1, s1  }
0x8c: {  	s17 =	sshll.u32 s0, $0xA;
	s2 =	sadd.s32 s3, s2  }
0x8d: {  	s2 =	sadd.s32 s2, s17  }
0x8e: {  	[smem:$0x3FC3] =	sst s2  }
0x8f: {  	_ = 	snop  }
0x90: {  	s2 =	sld [smem:$0x3FD0];
	(tm) =	ssettm $0x1  }
0x91: {  	s18 =	sld [smem:$0x3FFB];
	_ =	sdelay $0x3  }
0x92: {  	_ =	strace s18  }
0x93: {  	s3 =	sld [smem:$0x3FFC];
	_ =	sdelay $0x3  }
0x94: {  	_ =	strace s3  }
0x95: {  	s3 =	sld [smem:$0x3FFD];
	_ =	sdelay $0x3  }
0x96: {  	_ =	strace s3  }
0x97: {  	_ =	strace $0x8FFFFFFF  }
0x98: {  	s19 =	sld [smem:$0x3FDB];
	_ =	sdelay $0x1  }
0x99: {  	s4 =	simm.s32 $_scs_section_size  }
0x9a: {  	s5 =	simm.s32 $_size__tile_overlayer_lowered;
	s6 =	simm.s32 $_tile_overlayer_lowered  }
0x9b: {  	s22 =	simm.s32 $0x1BFF;
	s21 =	sshll.u32 s6, $0x1;
	s3 =	sadd.s32 s4, s19  }
0x9c: {  	s7 =	simm.s32 $0x0;
	s20 =	sshll.u32 s5, $0x1;
	s5 =	sadd.s32 s21, s3  }
0x9d: {  	[timem:s7], [sflag:s22] =	dma.local [hbm:s5], s20  }
0x9e: {  	_ =	swait.ge [sflag:s22], s20  }
0x9f: {  	s4 =	ssub.s32 $0x0, s20;
	[sflag:s22] =	ssyncset.done $0x0  }
0xa0: {  	[sflag:s22] =	ssyncadd.s32 s4;
	_ =	sdelay $0x1  }
0xa1: {  	s23 =	simm.s32 $0x1B8B  }
0xa2: {  	_ =	swait.ge [sflag:s23], $0x1  }
0xa3: {  	[sflag:s23] =	ssyncset.done $0x0  }
0xa4: {  	s25 =	simm.s32 $0x1B8E;
	s24 =	sld [smem:$0x3FFE];
	[sflag:s23] =	ssyncadd.s32 $0xFFFFFFFF  }
0xa5: {  	s26 =	simm.s32 $execute0_lowered;
	[smem:$0x3FD2] =	sst s25  }
0xa6: {  	s5 =	sshll.u32 s26, $0x1;
	_ =	strace $0x8000004C;
	[dreg:$0x1] =	wrdreg $0xFFFFFFFF  }
0xa7: {  	s28 =	simm.s32 $_size_execute0_lowered;
	s3 =	sadd.s32 s3, s5;
	[dreg:$0x0] =	wrdreg $0x0  }
0xa8: {  	s5 =	sshll.u32 s28, $0x1;
	[dreg:$0x2] =	wrdreg s3  }
0xa9: {  	[dreg:$0x3] =	wrdreg s5  }
0xaa: {  	[dreg:$0x4] =	wrdreg $0xC0  }
0xab: {  	_ =	task [dreg:s7], $0x5FFFF  }
0xac: {  	[dreg:$0x1] =	wrdreg $0xFFFFFFFF  }
0xad: {  	[dreg:$0x0] =	wrdreg $0x60  }
0xae: {  	[dreg:$0x2] =	wrdreg s2  }
0xaf: {  	[dreg:$0x3] =	wrdreg s24  }
0xb0: {  	[dreg:$0x4] =	wrdreg $0x68000  }
0xb1: {  	[dreg:$0x5] =	wrdreg $0x9  }
0xb2: {  	_ =	task.clear_ibuf [dreg:s7], $0x6FFFF;
	_ =	strace $0x9000004C  }
0xb3: {  	s29 =	simm.s32 $0x9;
	_ =	strace $0x8000004E  }
0xb4: {  	_ =	swait.ge [sflag:s29], $0x1  }
0xb5: {  	[sflag:s29] =	ssyncadd.s32 $0xFFFFFFFF  }
0xb6: {  	_ =	strace $0x9000004E  }
0xb7: {  	_ =	sfence  }
0xb8: {  	s30 =	sld [smem:$0x0];
	_ =	sdelay $0x2  }
0xb9: {  	s31 =	sshll.u32 s1, $0xD;
	s1 =	sshrl.u32 s1, $0x2  }
0xba: {  	s3 =	sand.u32 $0x4000, s31;
	s1 =	sadd.s32 s1, s30  }
0xbb: {  	s0 =	sor.u32 s3, s0;
	s1 =	sshll.u32 s1, $0x11  }
0xbc: {  	s0 =	sor.u32 s1, s0  }
0xbd: {  	s0 =	sadd.s32 $0x8F2B, s0  }
0xbe: {  	[sflag:s0] =	ssyncadd.remote.s32 $0x1  }
0xbf: {  	_ =	sfence.sel $0xFFFF  }
0xc0: {  	[dreg:$0x0] =	wrdreg $0xFFFFFFFF;
	(pc) =	sbr.abs _section_cstart, $3  }
0xc1: {  	[dreg:$0x1] =	wrdreg $0xFFFFFFFF  }
0xc2: {  	_ =	task.clear_ibuf [dreg:s7], $0x2FFFF;
	_ =	strace $0x9FFFFFFF  }
0xc3: {  	(tm) =	ssettm $0x7FFFFFFF  }
tec
execute0_lowered:
.L_overlay_start_1:
0x0: {  	(tag) =	ssettag $0x1  }
0x1: {  	s1 =	rddreg [dreg:$0x0]  }
0x2: {  	s0 =	rddreg [dreg:$0x1];
	s8 =	stileid.u32  }
0x3: {  	s3 =	srdreg.scid;
	s7 =	smul.u32 $0x14000, s8  }
0x4: {  	s3 =	sand.u32 $0x1, s3;
	s24 =	sshll.u32 s8, $0x1;
	s8 =	smul.u32 $0x50000, s8  }
0x5: {  	s4 =	smul.u32 $0x140000, s3;
	s25 =	ssub.s32 $0x2, s3;
	s3 =	sor.u32 s3, s24  }
0x6: {  	s2 =	rddreg [dreg:$0x2];
	s5 =	simm.s32 $0x0;
	s9 =	smul.u32 $0x1400, s3  }
0x7: {  	[smem:$0x7FF] =	sst s5;
	s5 =	sadd.s32 $0x85000, s0;
	s6 =	sadd.s32 $0x5D000, s0  }
0x8: {  	_ =	strace $0x8000004D;
	s8 =	sshrl.u32 s8, $0x2;
	s10 =	sadd.s32 s5, s9  }
0x9: {  	s8 =	sadd.s32 s8, s2;
	s11 =	sadd.s32 s6, s9;
	[dreg:$0x4] =	wrdreg s10  }
0xa: {  	s12 =	sadd.s32 $0x1000, s8;
	[dreg:$0x5] =	wrdreg s11  }
0xb: {  	s26 =	sshrl.u32 s25, $0x1;
	s13 =	sadd.s32 $0x2000, s8;
	[dreg:$0x6] =	wrdreg s12  }
0xc: {  	s4 =	sadd.s32 s7, s4;
	s14 =	sadd.s32 $0x3000, s8;
	[dreg:$0x7] =	wrdreg s13  }
0xd: {  	s7 =	smul.u32 $0x140, s3;
	s15 =	sadd.s32 $0x4000, s8;
	[dreg:$0x8] =	wrdreg s14  }
0xe: {  	s3 =	simm.s32 $0x5;
	s16 =	sadd.s32 $0x5000, s8;
	[dreg:$0x9] =	wrdreg s15  }
0xf: {  	s4 =	sshrl.u32 s4, $0x3;
	s17 =	sadd.s32 $0x6000, s8;
	[dreg:$0xa] =	wrdreg s16  }
0x10: {  	s18 =	sadd.s32 $0x7000, s8;
	s19 =	sadd.s32 $0x8000, s8;
	[dreg:$0xb] =	wrdreg s17  }
0x11: {  	s20 =	sadd.s32 $0x9000, s8;
	s21 =	sadd.s32 $0xA000, s8;
	[dreg:$0xc] =	wrdreg s18  }
0x12: {  	s22 =	sadd.s32 $0xB000, s8;
	s23 =	sadd.s32 $0xC000, s8;
	[dreg:$0xd] =	wrdreg s19  }
0x13: {  	s24 =	sadd.s32 $0xD000, s8;
	s28 =	sadd.s32 $0xF000, s8;
	[dreg:$0xe] =	wrdreg s20  }
0x14: {  	s29 =	sadd.s32 $0x10000, s8;
	s30 =	sadd.s32 $0x11000, s8;
	[dreg:$0xf] =	wrdreg s21  }
0x15: {  	s31 =	sadd.s32 $0x12000, s8;
	s9 =	simm.s32 $0x3800;
	[dreg:$0x10] =	wrdreg s22  }
0x16: {  	s0 =	sadd.s32 s4, s0;
	s4 =	ssub.s32 s25, s26;
	[dreg:$0x11] =	wrdreg s23  }
0x17: {  	[dreg:$0x12] =	wrdreg s24;
	s26 =	sadd.s32 $0xE000, s8;
	s10 =	simm.s32 $0x4800  }
0x18: {  	s11 =	simm.s32 $0x5800;
	s12 =	simm.s32 $0x2800;
	s13 =	simm.s32 $0x1  }
0x19: {  	s14 =	simm.s32 $0x2;
	s15 =	simm.s32 $0x3;
	s16 =	simm.s32 $0x4  }
0x1a: {  	s17 =	simm.s32 $0x2600;
	s18 =	simm.s32 $0x2680;
	s19 =	simm.s32 $0x2700  }
0x1b: {  	s20 =	simm.s32 $0x2780;
	s0 =	sadd.s32 $0xAD000, s0;
	[dreg:$0x15] =	wrdreg s26  }
0x1c: {  	s21 =	simm.s32 $0x0;
	s25 =	smax.u32 s4, $0x1;
	[dreg:$0x13] =	wrdreg s0  }
0x1d: {  	v0 =	vimm.f32 $0.0e+00;
	s4 =	simm.s32 $0x20;
	[dreg:$0x14] =	wrdreg s25;
	s0 =	sadd.s32 $0x13000, s8  }
.LBB2_1:
0x1e: {  	s22 =	simm.s32 $0x0;
	s23 =	rddreg [dreg:$0x4]  }
0x1f: {  	[tilespmem:s22], [sflag:$0x5] =	stream.linear.gather [hbm4b:s23+s22], $0x1400, $0x38;
	[tilespmem:$0x1A800] =	vst v63  }
0x20: {  	_ =	swait.ge [sflag:s3], $0x1400  }
0x21: {  	[sflag:s3] =	ssyncset.done $0x0  }
0x22: {  	s24 =	simm.s32 $0x1400;
	s26 =	rddreg [dreg:$0x5];
	[sflag:s3] =	ssyncadd.s32 $0xFFFFEC00  }
0x23: {  	[tilespmem:s24], [sflag:$0x5] =	stream.linear.gather [hbm4b:s26+s22], $0x1400, $0x38;
	[tilespmem:$0x1A800] =	vst v63  }
0x24: {  	_ =	swait.ge [sflag:s3], $0x1400  }
0x25: {  	[sflag:s3] =	ssyncset.done $0x0  }
0x26: {  	s24 =	simm.s32 $0x80;
	[sflag:s3] =	ssyncadd.s32 $0xFFFFEC00  }
0x27: {  	[tilespmem:s9], [sflag:$0x2] =	stream.indirect.gather [hbm4b:s1+s4], $0x80, s24, s4, $0xb8;
	[tilespmem:$0x1A800] =	vst v63  }
0x28: {  	s25 =	simm.s32 $0x100  }
0x29: {  	[tilespmem:s10], [sflag:$0x3] =	stream.indirect.gather [hbm4b:s1+s4], $0x80, s25, s4, $0xb8;
	[tilespmem:$0x1A800] =	vst v63  }
0x2a: {  	s23 =	simm.s32 $0x200;
	s26 =	simm.s32 $0x180;
	s22 =	simm.s32 $0x0  }
0x2b: {  	[tilespmem:s11], [sflag:$0x4] =	stream.indirect.gather [hbm4b:s1+s4], $0x80, s26, s4, $0xb8;
	[tilespmem:$0x1A800] =	vst v63  }
.LBB2_2:
0x2c: {  	p0 =	sne.s32 s23, $0x3E00;
	[tilespmem:s22+$0x2870] =	vst v0  }
0x2d: {  	[tilespmem:s22+$0x2800] =	vst v0  }
0x2e: {  	[tilespmem:s22+$0x2810] =	vst v0  }
.Ltmp0:
0x2f: {  	[tilespmem:s22+$0x2820] =	vst v0;
	(pc) =	sbr.rel @p0 .LBB2_2-.Ltmp0, $4  }
0x30: {  	[tilespmem:s22+$0x2830] =	vst v0  }
0x31: {  	[tilespmem:s22+$0x2840] =	vst v0  }
0x32: {  	[tilespmem:s22+$0x2850] =	vst v0  }
0x33: {  	[tilespmem:s22+$0x2860] =	vst v0;
	s22 =	sshra.s32 s23, $0x2;
	s23 =	sadd.s32 $0x200, s23  }
0x34: {  	[tilespmem:s22+$0x2870] =	vst v0  }
0x35: {  	[tilespmem:s22+$0x2800] =	vst v0  }
0x36: {  	[tilespmem:s22+$0x2810] =	vst v0  }
0x37: {  	[tilespmem:s22+$0x2820] =	vst v0  }
0x38: {  	[tilespmem:s22+$0x2830] =	vst v0  }
0x39: {  	[tilespmem:s22+$0x2840] =	vst v0  }
0x3a: {  	[tilespmem:s22+$0x2850] =	vst v0  }
0x3b: {  	[tilespmem:s22+$0x2860] =	vst v0  }
0x3c: {  	[spmem:s8] =	stream.linear.scatter [tilespmem:s12], [sflag:$0x5], $0x1000, $0x38;
	[tilespmem:$0x1A800] =	vst v63  }
0x3d: {  	_ =	swait.ge [sflag:s3], $0x1000  }
0x3e: {  	[sflag:s3] =	ssyncset.done $0x0  }
0x3f: {  	s25 =	rddreg [dreg:$0x6];
	[sflag:s3] =	ssyncadd.s32 $0xFFFFF000  }
0x40: {  	[spmem:s25] =	stream.linear.scatter [tilespmem:s12], [sflag:$0x5], $0x1000, $0x38;
	[tilespmem:$0x1A800] =	vst v63  }
0x41: {  	_ =	swait.ge [sflag:s3], $0x1000  }
0x42: {  	[sflag:s3] =	ssyncset.done $0x0  }
0x43: {  	s26 =	rddreg [dreg:$0x7];
	[sflag:s3] =	ssyncadd.s32 $0xFFFFF000  }
0x44: {  	[spmem:s26] =	stream.linear.scatter [tilespmem:s12], [sflag:$0x5], $0x1000, $0x38;
	[tilespmem:$0x1A800] =	vst v63  }
0x45: {  	_ =	swait.ge [sflag:s3], $0x1000  }
0x46: {  	[sflag:s3] =	ssyncset.done $0x0  }
0x47: {  	s23 =	rddreg [dreg:$0x8];
	[sflag:s3] =	ssyncadd.s32 $0xFFFFF000  }
0x48: {  	[spmem:s23] =	stream.linear.scatter [tilespmem:s12], [sflag:$0x5], $0x1000, $0x38;
	[tilespmem:$0x1A800] =	vst v63  }
0x49: {  	_ =	swait.ge [sflag:s3], $0x1000  }
0x4a: {  	[sflag:s3] =	ssyncset.done $0x0  }
0x4b: {  	s24 =	rddreg [dreg:$0x9];
	[sflag:s3] =	ssyncadd.s32 $0xFFFFF000  }
0x4c: {  	[spmem:s24] =	stream.linear.scatter [tilespmem:s12], [sflag:$0x5], $0x1000, $0x38;
	[tilespmem:$0x1A800] =	vst v63  }
0x4d: {  	_ =	swait.ge [sflag:s3], $0x1000  }
0x4e: {  	[sflag:s3] =	ssyncset.done $0x0  }
0x4f: {  	s25 =	rddreg [dreg:$0xa];
	[sflag:s3] =	ssyncadd.s32 $0xFFFFF000  }
0x50: {  	[spmem:s25] =	stream.linear.scatter [tilespmem:s12], [sflag:$0x5], $0x1000, $0x38;
	[tilespmem:$0x1A800] =	vst v63  }
0x51: {  	_ =	swait.ge [sflag:s3], $0x1000  }
0x52: {  	[sflag:s3] =	ssyncset.done $0x0  }
0x53: {  	s26 =	rddreg [dreg:$0xb];
	[sflag:s3] =	ssyncadd.s32 $0xFFFFF000  }
0x54: {  	[spmem:s26] =	stream.linear.scatter [tilespmem:s12], [sflag:$0x5], $0x1000, $0x38;
	[tilespmem:$0x1A800] =	vst v63  }
0x55: {  	_ =	swait.ge [sflag:s3], $0x1000  }
0x56: {  	[sflag:s3] =	ssyncset.done $0x0  }
0x57: {  	s23 =	rddreg [dreg:$0xc];
	[sflag:s3] =	ssyncadd.s32 $0xFFFFF000  }
0x58: {  	[spmem:s23] =	stream.linear.scatter [tilespmem:s12], [sflag:$0x5], $0x1000, $0x38;
	[tilespmem:$0x1A800] =	vst v63  }
0x59: {  	_ =	swait.ge [sflag:s3], $0x1000  }
0x5a: {  	[sflag:s3] =	ssyncset.done $0x0  }
0x5b: {  	s24 =	rddreg [dreg:$0xd];
	[sflag:s3] =	ssyncadd.s32 $0xFFFFF000  }
0x5c: {  	[spmem:s24] =	stream.linear.scatter [tilespmem:s12], [sflag:$0x5], $0x1000, $0x38;
	[tilespmem:$0x1A800] =	vst v63  }
0x5d: {  	_ =	swait.ge [sflag:s3], $0x1000  }
0x5e: {  	[sflag:s3] =	ssyncset.done $0x0  }
0x5f: {  	s25 =	rddreg [dreg:$0xe];
	[sflag:s3] =	ssyncadd.s32 $0xFFFFF000  }
0x60: {  	[spmem:s25] =	stream.linear.scatter [tilespmem:s12], [sflag:$0x5], $0x1000, $0x38;
	[tilespmem:$0x1A800] =	vst v63  }
0x61: {  	_ =	swait.ge [sflag:s3], $0x1000  }
0x62: {  	[sflag:s3] =	ssyncset.done $0x0  }
0x63: {  	s26 =	rddreg [dreg:$0xf];
	[sflag:s3] =	ssyncadd.s32 $0xFFFFF000  }
0x64: {  	[spmem:s26] =	stream.linear.scatter [tilespmem:s12], [sflag:$0x5], $0x1000, $0x38;
	[tilespmem:$0x1A800] =	vst v63  }
0x65: {  	_ =	swait.ge [sflag:s3], $0x1000  }
0x66: {  	[sflag:s3] =	ssyncset.done $0x0  }
0x67: {  	s23 =	rddreg [dreg:$0x10];
	[sflag:s3] =	ssyncadd.s32 $0xFFFFF000  }
0x68: {  	[spmem:s23] =	stream.linear.scatter [tilespmem:s12], [sflag:$0x5], $0x1000, $0x38;
	[tilespmem:$0x1A800] =	vst v63  }
0x69: {  	_ =	swait.ge [sflag:s3], $0x1000  }
0x6a: {  	[sflag:s3] =	ssyncset.done $0x0  }
0x6b: {  	s24 =	rddreg [dreg:$0x11];
	[sflag:s3] =	ssyncadd.s32 $0xFFFFF000  }
0x6c: {  	[spmem:s24] =	stream.linear.scatter [tilespmem:s12], [sflag:$0x5], $0x1000, $0x38;
	[tilespmem:$0x1A800] =	vst v63  }
0x6d: {  	_ =	swait.ge [sflag:s3], $0x1000  }
0x6e: {  	[sflag:s3] =	ssyncset.done $0x0  }
0x6f: {  	s25 =	rddreg [dreg:$0x12];
	[sflag:s3] =	ssyncadd.s32 $0xFFFFF000  }
0x70: {  	[spmem:s25] =	stream.linear.scatter [tilespmem:s12], [sflag:$0x5], $0x1000, $0x38;
	[tilespmem:$0x1A800] =	vst v63  }
0x71: {  	_ =	swait.ge [sflag:s3], $0x1000  }
0x72: {  	[sflag:s3] =	ssyncset.done $0x0  }
0x73: {  	s26 =	rddreg [dreg:$0x15];
	[sflag:s3] =	ssyncadd.s32 $0xFFFFF000  }
0x74: {  	[spmem:s26] =	stream.linear.scatter [tilespmem:s12], [sflag:$0x5], $0x1000, $0x38;
	[tilespmem:$0x1A800] =	vst v63  }
0x75: {  	_ =	swait.ge [sflag:s3], $0x1000  }
0x76: {  	[sflag:s3] =	ssyncset.done $0x0  }
0x77: {  	[sflag:s3] =	ssyncadd.s32 $0xFFFFF000  }
0x78: {  	[spmem:s28] =	stream.linear.scatter [tilespmem:s12], [sflag:$0x5], $0x1000, $0x38;
	[tilespmem:$0x1A800] =	vst v63  }
0x79: {  	_ =	swait.ge [sflag:s3], $0x1000  }
0x7a: {  	[sflag:s3] =	ssyncset.done $0x0  }
0x7b: {  	[sflag:s3] =	ssyncadd.s32 $0xFFFFF000  }
0x7c: {  	[spmem:s29] =	stream.linear.scatter [tilespmem:s12], [sflag:$0x5], $0x1000, $0x38;
	[tilespmem:$0x1A800] =	vst v63  }
0x7d: {  	_ =	swait.ge [sflag:s3], $0x1000  }
0x7e: {  	[sflag:s3] =	ssyncset.done $0x0  }
0x7f: {  	[sflag:s3] =	ssyncadd.s32 $0xFFFFF000  }
0x80: {  	[spmem:s30] =	stream.linear.scatter [tilespmem:s12], [sflag:$0x5], $0x1000, $0x38;
	[tilespmem:$0x1A800] =	vst v63  }
0x81: {  	_ =	swait.ge [sflag:s3], $0x1000  }
0x82: {  	[sflag:s3] =	ssyncset.done $0x0  }
0x83: {  	[sflag:s3] =	ssyncadd.s32 $0xFFFFF000  }
0x84: {  	[spmem:s31] =	stream.linear.scatter [tilespmem:s12], [sflag:$0x5], $0x1000, $0x38;
	[tilespmem:$0x1A800] =	vst v63  }
0x85: {  	_ =	swait.ge [sflag:s3], $0x1000  }
0x86: {  	[sflag:s3] =	ssyncset.done $0x0  }
0x87: {  	[sflag:s3] =	ssyncadd.s32 $0xFFFFF000  }
0x88: {  	[spmem:s0] =	stream.linear.scatter [tilespmem:s12], [sflag:$0x5], $0x1000, $0x38;
	[tilespmem:$0x1A800] =	vst v63  }
0x89: {  	_ =	swait.ge [sflag:s3], $0x1000  }
0x8a: {  	[sflag:s3] =	ssyncset.done $0x0  }
0x8b: {  	s22 =	simm.s32 $0x0;
	[sflag:s3] =	ssyncadd.s32 $0xFFFFF000  }
0x8c: {  	[tilespmem:s12], [sflag:$0x1] =	stream.indirect.gather [hbm4b:s1+s4], $0x80, s22, s4, $0xb8;
	[tilespmem:$0x1A800] =	vst v63  }
0x8d: {  	[bflag:$0x0] =	sbarrier.arrive $0xFFFF  }
.LBB2_4:
0x8e: {  	p0 =	seq.s32 s22, $0x0  }
0x8f: {  	s23 =	smul.u32 @!p0 $0x28, s22;
	_ =	sdelay $0x1  }
0x90: {  	s23 =	sadd.s32 @!p0 s7, s23  }
0x91: {  	s23 =	sshll.u32 @!p0 s23, $0x4  }
0x92: {  	s25 =	simm.s32 @!p0 $0x0;
	s24 =	sadd.s32 @!p0 s5, s23  }
0x93: {  	[tilespmem:s25], [sflag:$0x5] =	stream.linear.gather @!p0 [hbm4b:s24+s25], $0x1400, $0x38;
	[tilespmem:$0x1A800] =	vst v63  }
0x94: {  	s24 =	simm.s32 @!p0 $0x5  }
0x95: {  	_ =	swait.ge @!p0 [sflag:s24], $0x1400  }
0x96: {  	[sflag:s24] =	ssyncset.done @!p0 $0x0  }
0x97: {  	s26 =	simm.s32 @!p0 $0x1400;
	s23 =	sadd.s32 @!p0 s6, s23;
	[sflag:s24] =	ssyncadd.s32 @!p0 $0xFFFFEC00  }
0x98: {  	[tilespmem:s26], [sflag:$0x5] =	stream.linear.gather @!p0 [hbm4b:s23+s25], $0x1400, $0x38;
	[tilespmem:$0x1A800] =	vst v63  }
0x99: {  	_ =	swait.ge @!p0 [sflag:s24], $0x1400  }
0x9a: {  	[sflag:s24] =	ssyncset.done @!p0 $0x0  }
0x9b: {  	s23 =	simm.s32 @!p0 $0x20;
	[sflag:s24] =	ssyncadd.s32 @!p0 $0xFFFFEC00;
	s24 =	simm.s32 @!p0 $0x2800  }
0x9c: {  	[tilespmem:s24], [sflag:$0x1] =	stream.indirect.gather @!p0 [hbm4b:s1+s23], $0x80, s25, s23, $0xb8;
	[tilespmem:$0x1A800] =	vst v63  }
0x9d: {  	s24 =	simm.s32 @!p0 $0x80;
	s25 =	simm.s32 @!p0 $0x3800  }
0x9e: {  	[tilespmem:s25], [sflag:$0x2] =	stream.indirect.gather @!p0 [hbm4b:s1+s23], $0x80, s24, s23, $0xb8;
	[tilespmem:$0x1A800] =	vst v63  }
0x9f: {  	s24 =	simm.s32 @!p0 $0x100;
	s25 =	simm.s32 @!p0 $0x4800  }
0xa0: {  	[tilespmem:s25], [sflag:$0x3] =	stream.indirect.gather @!p0 [hbm4b:s1+s23], $0x80, s24, s23, $0xb8;
	[tilespmem:$0x1A800] =	vst v63  }
0xa1: {  	s24 =	simm.s32 @!p0 $0x180;
	s25 =	simm.s32 @!p0 $0x5800  }
0xa2: {  	[tilespmem:s25], [sflag:$0x4] =	stream.indirect.gather @!p0 [hbm4b:s1+s23], $0x80, s24, s23, $0xb8;
	[tilespmem:$0x1A800] =	vst v63  }
0xa3: {  	_ =	swait.ge [sflag:s13], $0x1000  }
0xa4: {  	[sflag:s13] =	ssyncset.done $0x0  }
0xa5: {  	s26 =	simm.s32 $0x1400;
	[sflag:s13] =	ssyncadd.s32 $0xFFFFF000  }
0xa6: {  	[spmem:s2] =	stream.indirect.scatter.add.f32 [tilespmem:s12], [sflag:$0x5], $0x80, s26, s4, $0xb8;
	[tilespmem:$0x1A800] =	vst v63  }
0xa7: {  	_ =	swait.ge [sflag:s3], $0x1000  }
0xa8: {  	[sflag:s3] =	ssyncset.done $0x0  }
0xa9: {  	s24 =	simm.s32 $0x200;
	[sflag:s3] =	ssyncadd.s32 $0xFFFFF000  }
0xaa: {  	[tilespmem:s12], [sflag:$0x1] =	stream.indirect.gather [hbm4b:s1+s4], $0x80, s24, s4, $0xb8;
	[tilespmem:$0x1A800] =	vst v63  }
0xab: {  	_ =	swait.ge [sflag:s14], $0x1000  }
0xac: {  	[sflag:s14] =	ssyncset.done $0x0  }
0xad: {  	s25 =	simm.s32 $0x1480;
	[sflag:s14] =	ssyncadd.s32 $0xFFFFF000  }
0xae: {  	[spmem:s2] =	stream.indirect.scatter.add.f32 [tilespmem:s9], [sflag:$0x5], $0x80, s25, s4, $0xb8;
	[tilespmem:$0x1A800] =	vst v63  }
0xaf: {  	_ =	swait.ge [sflag:s3], $0x1000  }
0xb0: {  	[sflag:s3] =	ssyncset.done $0x0  }
0xb1: {  	s26 =	simm.s32 $0x280;
	[sflag:s3] =	ssyncadd.s32 $0xFFFFF000  }
0xb2: {  	[tilespmem:s9], [sflag:$0x2] =	stream.indirect.gather [hbm4b:s1+s4], $0x80, s26, s4, $0xb8;
	[tilespmem:$0x1A800] =	vst v63  }
0xb3: {  	_ =	swait.ge [sflag:s15], $0x1000  }
0xb4: {  	[sflag:s15] =	ssyncset.done $0x0  }
0xb5: {  	s24 =	simm.s32 $0x1500;
	[sflag:s15] =	ssyncadd.s32 $0xFFFFF000  }
0xb6: {  	[spmem:s2] =	stream.indirect.scatter.add.f32 [tilespmem:s10], [sflag:$0x5], $0x80, s24, s4, $0xb8;
	[tilespmem:$0x1A800] =	vst v63  }
0xb7: {  	_ =	swait.ge [sflag:s3], $0x1000  }
0xb8: {  	[sflag:s3] =	ssyncset.done $0x0  }
0xb9: {  	s25 =	simm.s32 $0x300;
	[sflag:s3] =	ssyncadd.s32 $0xFFFFF000  }
0xba: {  	[tilespmem:s10], [sflag:$0x3] =	stream.indirect.gather [hbm4b:s1+s4], $0x80, s25, s4, $0xb8;
	[tilespmem:$0x1A800] =	vst v63  }
0xbb: {  	_ =	swait.ge [sflag:s16], $0x1000  }
0xbc: {  	[sflag:s16] =	ssyncset.done $0x0  }
0xbd: {  	s26 =	simm.s32 $0x1580;
	[sflag:s16] =	ssyncadd.s32 $0xFFFFF000  }
0xbe: {  	[spmem:s2] =	stream.indirect.scatter.add.f32 [tilespmem:s11], [sflag:$0x5], $0x80, s26, s4, $0xb8;
	[tilespmem:$0x1A800] =	vst v63  }
0xbf: {  	_ =	swait.ge [sflag:s3], $0x1000  }
0xc0: {  	[sflag:s3] =	ssyncset.done $0x0  }
0xc1: {  	s23 =	simm.s32 $0x800;
	s24 =	simm.s32 $0x380;
	[sflag:s3] =	ssyncadd.s32 $0xFFFFF000  }
.LBB2_5:
0xc2: {  	[tilespmem:s11], [sflag:$0x4] =	stream.indirect.gather [hbm4b:s1+s4], $0x80, s24, s4, $0xb8;
	[tilespmem:$0x1A800] =	vst v63  }
0xc3: {  	s24 =	smov.u32 s23  }
0xc4: {  	p0 =	sne.s32 s23, $0x4000;
	s23 =	sadd.s32 $0x800, s23;
	_ =	swait.ge [sflag:s13], $0x1000  }
0xc5: {  	s24 =	sshra.s32 s24, $0x2;
	[sflag:s13] =	ssyncset.done $0x0  }
0xc6: {  	s25 =	sadd.s32 $0x1400, s24;
	[sflag:s13] =	ssyncadd.s32 $0xFFFFF000  }
0xc7: {  	[spmem:s2] =	stream.indirect.scatter.add.f32 [tilespmem:s12], [sflag:$0x5], $0x80, s25, s4, $0xb8;
	[tilespmem:$0x1A800] =	vst v63  }
0xc8: {  	_ =	swait.ge [sflag:s3], $0x1000  }
0xc9: {  	[sflag:s3] =	ssyncset.done $0x0  }
0xca: {  	s25 =	sadd.s32 $0x200, s24;
	[sflag:s3] =	ssyncadd.s32 $0xFFFFF000  }
0xcb: {  	[tilespmem:s12], [sflag:$0x1] =	stream.indirect.gather [hbm4b:s1+s4], $0x80, s25, s4, $0xb8;
	[tilespmem:$0x1A800] =	vst v63  }
0xcc: {  	_ =	swait.ge [sflag:s14], $0x1000  }
0xcd: {  	[sflag:s14] =	ssyncset.done $0x0  }
0xce: {  	s25 =	sadd.s32 $0x1480, s24;
	[sflag:s14] =	ssyncadd.s32 $0xFFFFF000  }
0xcf: {  	[spmem:s2] =	stream.indirect.scatter.add.f32 [tilespmem:s9], [sflag:$0x5], $0x80, s25, s4, $0xb8;
	[tilespmem:$0x1A800] =	vst v63  }
0xd0: {  	_ =	swait.ge [sflag:s3], $0x1000  }
0xd1: {  	[sflag:s3] =	ssyncset.done $0x0  }
0xd2: {  	s25 =	sadd.s32 $0x280, s24;
	[sflag:s3] =	ssyncadd.s32 $0xFFFFF000  }
0xd3: {  	[tilespmem:s9], [sflag:$0x2] =	stream.indirect.gather [hbm4b:s1+s4], $0x80, s25, s4, $0xb8;
	[tilespmem:$0x1A800] =	vst v63  }
0xd4: {  	_ =	swait.ge [sflag:s15], $0x1000  }
0xd5: {  	[sflag:s15] =	ssyncset.done $0x0  }
0xd6: {  	s25 =	sadd.s32 $0x1500, s24;
	[sflag:s15] =	ssyncadd.s32 $0xFFFFF000  }
0xd7: {  	[spmem:s2] =	stream.indirect.scatter.add.f32 [tilespmem:s10], [sflag:$0x5], $0x80, s25, s4, $0xb8;
	[tilespmem:$0x1A800] =	vst v63  }
0xd8: {  	_ =	swait.ge [sflag:s3], $0x1000  }
0xd9: {  	[sflag:s3] =	ssyncset.done $0x0  }
0xda: {  	s25 =	sadd.s32 $0x300, s24;
	[sflag:s3] =	ssyncadd.s32 $0xFFFFF000  }
0xdb: {  	[tilespmem:s10], [sflag:$0x3] =	stream.indirect.gather [hbm4b:s1+s4], $0x80, s25, s4, $0xb8;
	[tilespmem:$0x1A800] =	vst v63  }
0xdc: {  	_ =	swait.ge [sflag:s16], $0x1000  }
0xdd: {  	[sflag:s16] =	ssyncset.done $0x0  }
.Ltmp1:
0xde: {  	s25 =	sadd.s32 $0x1580, s24;
	[sflag:s16] =	ssyncadd.s32 $0xFFFFF000;
	(pc) =	sbr.rel @p0 .LBB2_5-.Ltmp1, $4  }
0xdf: {  	[spmem:s2] =	stream.indirect.scatter.add.f32 [tilespmem:s11], [sflag:$0x5], $0x80, s25, s4, $0xb8;
	[tilespmem:$0x1A800] =	vst v63  }
0xe0: {  	_ =	swait.ge [sflag:s3], $0x1000  }
0xe1: {  	[sflag:s3] =	ssyncset.done $0x0  }
0xe2: {  	s24 =	sadd.s32 $0x380, s24;
	[sflag:s3] =	ssyncadd.s32 $0xFFFFF000  }
0xe3: {  	[tilespmem:s11], [sflag:$0x4] =	stream.indirect.gather [hbm4b:s1+s4], $0x80, s24, s4, $0xb8;
	[tilespmem:$0x1A800] =	vst v63  }
0xe4: {  	_ =	swait.ge [sflag:s13], $0x1000  }
0xe5: {  	[sflag:s13] =	ssyncset.done $0x0  }
0xe6: {  	[sflag:s13] =	ssyncadd.s32 $0xFFFFF000  }
0xe7: {  	[spmem:s2] =	stream.indirect.scatter.add.f32 [tilespmem:s12], [sflag:$0x5], $0x80, s17, s4, $0xb8;
	[tilespmem:$0x1A800] =	vst v63  }
0xe8: {  	_ =	swait.ge [sflag:s3], $0x1000  }
0xe9: {  	[sflag:s3] =	ssyncset.done $0x0  }
0xea: {  	[sflag:s3] =	ssyncadd.s32 $0xFFFFF000  }
0xeb: {  	_ =	swait.ge [sflag:s14], $0x1000  }
0xec: {  	[sflag:s14] =	ssyncset.done $0x0  }
0xed: {  	[sflag:s14] =	ssyncadd.s32 $0xFFFFF000  }
0xee: {  	[spmem:s2] =	stream.indirect.scatter.add.f32 [tilespmem:s9], [sflag:$0x5], $0x80, s18, s4, $0xb8;
	[tilespmem:$0x1A800] =	vst v63  }
0xef: {  	_ =	swait.ge [sflag:s3], $0x1000  }
0xf0: {  	[sflag:s3] =	ssyncset.done $0x0  }
0xf1: {  	[sflag:s3] =	ssyncadd.s32 $0xFFFFF000  }
0xf2: {  	_ =	swait.ge [sflag:s15], $0x1000  }
0xf3: {  	[sflag:s15] =	ssyncset.done $0x0  }
0xf4: {  	[sflag:s15] =	ssyncadd.s32 $0xFFFFF000  }
0xf5: {  	[spmem:s2] =	stream.indirect.scatter.add.f32 [tilespmem:s10], [sflag:$0x5], $0x80, s19, s4, $0xb8;
	[tilespmem:$0x1A800] =	vst v63  }
0xf6: {  	_ =	swait.ge [sflag:s3], $0x1000  }
0xf7: {  	[sflag:s3] =	ssyncset.done $0x0  }
0xf8: {  	[sflag:s3] =	ssyncadd.s32 $0xFFFFF000  }
0xf9: {  	s22 =	sadd.s32 $0x1, s22;
	_ =	swait.ge [sflag:s16], $0x1000  }
0xfa: {  	p0 =	sne.s32 s22, $0x8;
	[sflag:s16] =	ssyncset.done $0x0  }
.Ltmp2:
0xfb: {  	[sflag:s16] =	ssyncadd.s32 $0xFFFFF000;
	(pc) =	sbr.rel @p0 .LBB2_4-.Ltmp2, $4  }
0xfc: {  	[spmem:s2] =	stream.indirect.scatter.add.f32 [tilespmem:s11], [sflag:$0x5], $0x80, s20, s4, $0xb8;
	[tilespmem:$0x1A800] =	vst v63  }
0xfd: {  	_ =	swait.ge [sflag:s3], $0x1000  }
0xfe: {  	[sflag:s3] =	ssyncset.done $0x0  }
0xff: {  	[sflag:s3] =	ssyncadd.s32 $0xFFFFF000  }
0x100: {  	s22 =	stileid.u32  }
0x101: {  	[bflag:$0x0] =	sbarrier.arrive $0xFFFF;
	s22 =	sshll.u32 s22, $0x6  }
0x102: {  	s23 =	sshrl.u32 s8, $0x3;
	s24 =	rddreg [dreg:$0x13];
	s22 =	sor.u32 $0x1C05, s22  }
0x103: {  	[hbm:s24], [sflag:s22] =	dma.local [spmem:s23], $0x2800  }
0x104: {  	_ =	swait.ge [sflag:s3], $0x2800  }
0x105: {  	s21 =	sadd.s32 $0x1, s21;
	s26 =	rddreg [dreg:$0x14]  }
0x106: {  	p0 =	sne.s32 s21, s26  }
.Ltmp3:
0x107: {  	_ = 	snop;
	(pc) =	sbr.rel @p0 .LBB2_1-.Ltmp3, $3  }
0x108: {  	_ =	sdelay $0x1  }
0x109: {  	[sflag:s3] =	ssyncset.done $0x0  }
0x10a: {  	[sflag:s3] =	ssyncadd.s32 $0xFFFFD800  }
0x10b: {  	_ =	sfence.sel $0x180000  }
0x10c: {  	[bflag:$0x0] =	sbarrier.arrive $0xFFFF  }
0x10d: {  	_ =	strace $0x9000004D  }
0x10e: {  	s0 =	stileid.u32;
	[bflag:$0x2] =	sbarrier.arrive $0xFFFF  }
0x10f: {  	p0 =	sne.s32 s0, $0x0;
	s0 =	rddreg [dreg:$0x3]  }
0x110: {  	s0 =	sadd.s32 @!p0 $0x100000, s0  }
0x111: {  	[sflag:s0] =	ssyncadd.tile.s32 @!p0 $0x1;
	_ =	shalt  }
.Lfunc_end2:
_tile_overlayer_lowered:
.L_overlay_start_2:
0x112: {  	(tag) =	ssettag $0x2  }
0x113: {  	s0 =	rddreg [dreg:$0x0];
	s2 =	stileid.u32  }
0x114: {  	s1 =	rddreg [dreg:$0x1];
	p0 =	sne.s32 s2, $0x0  }
0x115: {  	s3 =	rddreg [dreg:$0x2];
	[bflag:$0x3] =	sbarrier.arrive $0xFFFF;
	s2 =	simm.s32 @!p0 $0x1C05  }
0x116: {  	[timem:s3], [sflag:s2] =	dma.local @!p0 [hbm:s0], s1  }
0x117: {  	s0 =	simm.s32 @!p0 $0x5  }
0x118: {  	_ =	swait.ge @!p0 [sflag:s0], s1  }
0x119: {  	s1 =	ssub.s32 @!p0 $0x0, s1;
	[sflag:s0] =	ssyncset.done @!p0 $0x0  }
0x11a: {  	[sflag:s0] =	ssyncadd.s32 @!p0 s1  }
0x11b: {  	[bflag:$0x3] =	sbarrier.arrive $0xFFFF  }
0x11c: {  	_ =	shalt  }

// kernel: kernel.22.cloned.1.call-start
scs
__scs_entry_jumppad:
0x0: {  	(pc) =	sbr.rel $0x88, $3  }
0x1: {  	(tag) =	ssettag $0x0;
	lr =	simm.s32 $0x1  }
0x2: {  	[smem:$0x3F9C] =	sst lr;
	_ =	strace $0xD0000000  }
0x3: {  	_ = 	snop  }
0x4: {  	_ = 	snop  }
0x5: {  	_ = 	snop  }
0x6: {  	_ = 	snop  }
0x7: {  	_ = 	snop  }
__scs_overlays_trampoline_lowered:
0x8: {  	[smem:$0x3FAB] =	sst s0  }
0x9: {  	[smem:$0x3FAC] =	sst s1  }
0xa: {  	[smem:$0x3FAD] =	sst s2  }
0xb: {  	[smem:$0x3FAE] =	sst s3  }
0xc: {  	[smem:$0x3FAF] =	sst s4  }
0xd: {  	[smem:$0x3FB0] =	sst s5  }
0xe: {  	[smem:$0x3FB1] =	sst s6  }
0xf: {  	[smem:$0x3FB2] =	sst s7  }
0x10: {  	[smem:$0x3FB3] =	sst s8  }
0x11: {  	[smem:$0x3FB4] =	sst s9;
	s0 =	simm.s32 @!p0 $0x0  }
0x12: {  	s1 =	sld [smem:$0x3F9A];
	s0 =	simm.s32 @p0 $0x1  }
0x13: {  	[smem:$0x3FB5] =	sst s0;
	s0 =	simm.s32 @!p1 $0x0  }
0x14: {  	s2 =	sld [smem:$0x3F99];
	s0 =	simm.s32 @p1 $0x1  }
0x15: {  	[smem:$0x3FB6] =	sst s0;
	s0 =	simm.s32 @!p2 $0x0  }
0x16: {  	s3 =	sld [smem:$0x3FDB];
	s0 =	simm.s32 @p2 $0x1  }
0x17: {  	s4 =	simm.s32 $0x1BF5;
	[smem:$0x3FB8] =	sst s0  }
0x18: {  	s0 =	sld [smem:$0x3F9B];
	_ =	swait.ge [sflag:s4], $0x0  }
0x19: {  	s7 =	sld [smem:$0x3F9C]  }
0x1a: {  	s8 =	sadd.s32 $0xFFFFE003, lr  }
0x1b: {  	s9 =	sadd.s32 $0xFFFFFEF7, lr;
	s5 =	simm.s32 $0xFFFFFFFF;
	p2 =	slt.u32 s8, $0xFFFFF086  }
0x1c: {  	p1 =	slt.u32 s9, $0xF7A;
	s5 =	simm.s32 @!p2 $0x0  }
0x1d: {  	s5 =	simm.s32 @p1 $0x1;
	p0 =	seq.s32 s7, s2  }
0x1e: {  	s7 =	smul.u32 @!p0 $0xF7A, s2;
	p2 =	seq.s32 @!p0 s5, $0x0  }
0x1f: {  	s9 =	smul.u32 $0xF7A, s1;
	s8 =	simm.s32 @!p0 $0x1BF5;
	p2 =	por !p2, p0  }
0x20: {  	[sflag:s8] =	ssyncset.s32 @!p0 $0xFFFFF086;
	s6 =	sadd.s32 @!p0 s3, s7;
	s7 =	simm.s32 @!p0 $0x108  }
0x21: {  	s3 =	sadd.s32 s3, s9;
	s6 =	sadd.s32 @!p0 $0x88, s6;
	s7 =	simm.s32 @p2 $0x1082  }
0x22: {  	[simem:s7], [sflag:s8] =	dma.local @!p0 [hbm:s6], $0xF7A  }
0x23: {  	s9 =	sor.u32 $0xD0000000, s2;
	s6 =	simm.s32 $0x108;
	_ =	swait.ge @!p0 [sflag:s8], $0x0  }
0x24: {  	s3 =	sadd.s32 $0x88, s3;
	s6 =	simm.s32 @!p1 $0x1082;
	[sflag:s4] =	ssyncset.s32 $0xFFFFF086  }
0x25: {  	[simem:s6], [sflag:s4] =	dma.local [hbm:s3], $0xF7A  }
0x26: {  	[smem:$0x3F9C] =	sst s1;
	(tag) =	ssettag s2;
	_ =	strace s9  }
0x27: {  	s1 =	sld [smem:$0x3FAC]  }
0x28: {  	s2 =	sld [smem:$0x3FAD]  }
0x29: {  	s4 =	sld [smem:$0x3FAF]  }
0x2a: {  	p0 =	seq.s32 s5, $0x0;
	s5 =	sld [smem:$0x3FB0]  }
0x2b: {  	s6 =	sld [smem:$0x3FB1]  }
0x2c: {  	s7 =	sld [smem:$0x3FB2]  }
0x2d: {  	s3 =	simm.s32 $0x108;
	s8 =	sld [smem:$0x3FB3]  }
0x2e: {  	s3 =	simm.s32 @!p0 $0x1082;
	s9 =	sld [smem:$0x3FB4]  }
0x2f: {  	lr =	sadd.s32 s0, s3;
	s0 =	sld [smem:$0x3FAB]  }
0x30: {  	s3 =	sld [smem:$0x3FAE]  }
0x31: {  	[smem:$0x3FB7] =	sst s10  }
0x32: {  	s10 =	sld [smem:$0x3FB5];
	_ =	sdelay $0x3  }
0x33: {  	p0 =	seq.s32 s10, $0x1;
	s10 =	sld [smem:$0x3FB7];
	_ =	sdelay $0x3  }
0x34: {  	[smem:$0x3FB7] =	sst s10  }
0x35: {  	s10 =	sld [smem:$0x3FB6];
	_ =	sdelay $0x3  }
0x36: {  	p1 =	seq.s32 s10, $0x1;
	s10 =	sld [smem:$0x3FB7];
	_ =	sdelay $0x3  }
0x37: {  	[smem:$0x3FB7] =	sst s10  }
0x38: {  	s10 =	sld [smem:$0x3FB8]  }
0x39: {  	_ = 	snop;
	(pc) =	sbr.ind lr, $3  }
0x3a: {  	_ = 	snop  }
0x3b: {  	_ = 	snop  }
0x3c: {  	p2 =	seq.s32 s10, $0x1;
	s10 =	sld [smem:$0x3FB7]  }
0x3d: {  	_ =	shalt  }
0x3e: {  	_ =	shalt  }
0x3f: {  	_ =	shalt  }
0x40: {  	_ =	shalt  }
0x41: {  	_ =	shalt  }
0x42: {  	_ =	shalt  }
0x43: {  	_ =	shalt  }
0x44: {  	_ =	shalt  }
0x45: {  	_ =	shalt  }
0x46: {  	_ =	shalt  }
0x47: {  	_ =	shalt  }
0x48: {  	_ =	shalt  }
0x49: {  	_ =	shalt  }
0x4a: {  	_ =	shalt  }
0x4b: {  	_ =	shalt  }
0x4c: {  	_ =	shalt  }
0x4d: {  	_ =	shalt  }
0x4e: {  	_ =	shalt  }
0x4f: {  	_ =	shalt  }
0x50: {  	_ =	shalt  }
0x51: {  	_ =	shalt  }
0x52: {  	_ =	shalt  }
0x53: {  	_ =	shalt  }
0x54: {  	_ =	shalt  }
0x55: {  	_ =	shalt  }
0x56: {  	_ =	shalt  }
0x57: {  	_ =	shalt  }
0x58: {  	_ =	shalt  }
0x59: {  	_ =	shalt  }
0x5a: {  	_ =	shalt  }
0x5b: {  	_ =	shalt  }
0x5c: {  	_ =	shalt  }
0x5d: {  	_ =	shalt  }
0x5e: {  	_ =	shalt  }
0x5f: {  	_ =	shalt  }
0x60: {  	_ =	shalt  }
0x61: {  	_ =	shalt  }
0x62: {  	_ =	shalt  }
0x63: {  	_ =	shalt  }
0x64: {  	_ =	shalt  }
0x65: {  	_ =	shalt  }
0x66: {  	_ =	shalt  }
0x67: {  	_ =	shalt  }
0x68: {  	_ =	shalt  }
0x69: {  	_ =	shalt  }
0x6a: {  	_ =	shalt  }
0x6b: {  	_ =	shalt  }
0x6c: {  	_ =	shalt  }
0x6d: {  	_ =	shalt  }
0x6e: {  	_ =	shalt  }
0x6f: {  	_ =	shalt  }
0x70: {  	_ =	shalt  }
0x71: {  	_ =	shalt  }
0x72: {  	_ =	shalt  }
0x73: {  	_ =	shalt  }
0x74: {  	_ =	shalt  }
0x75: {  	_ =	shalt  }
0x76: {  	_ =	shalt  }
0x77: {  	_ =	shalt  }
0x78: {  	_ =	shalt  }
0x79: {  	_ =	shalt  }
0x7a: {  	_ =	shalt  }
0x7b: {  	_ =	shalt  }
0x7c: {  	_ =	shalt  }
0x7d: {  	_ =	shalt  }
0x7e: {  	_ =	shalt  }
0x7f: {  	_ =	shalt  }
0x80: {  	_ =	shalt  }
0x81: {  	_ =	shalt  }
0x82: {  	_ =	shalt  }
0x83: {  	_ =	shalt  }
0x84: {  	_ =	shalt  }
0x85: {  	_ =	shalt  }
0x86: {  	_ =	shalt  }
0x87: {  	_ =	shalt  }
.Lfunc_end0:
.L_simem_size_0:
called_computation.3_lowered:
.L_overlay_start_0:
0x88: {  	s2 =	sld [smem:$0x3FD9]  }
0x89: {  	s3 =	sld [smem:$0x3FFE];
	_ =	sdelay $0x1  }
0x8a: {  	s1 =	srdreg.scid  }
0x8b: {  	s0 =	sand.u32 $0x1, s1  }
0x8c: {  	s17 =	sshll.u32 s0, $0xA;
	s2 =	sadd.s32 s3, s2  }
0x8d: {  	s2 =	sadd.s32 s2, s17  }
0x8e: {  	[smem:$0x3FC3] =	sst s2  }
0x8f: {  	_ = 	snop  }
0x90: {  	s2 =	sld [smem:$0x3FD0];
	(tm) =	ssettm $0x1  }
0x91: {  	s18 =	sld [smem:$0x3FFB];
	_ =	sdelay $0x3  }
0x92: {  	_ =	strace s18  }
0x93: {  	s3 =	sld [smem:$0x3FFC];
	_ =	sdelay $0x3  }
0x94: {  	_ =	strace s3  }
0x95: {  	s3 =	sld [smem:$0x3FFD];
	_ =	sdelay $0x3  }
0x96: {  	_ =	strace s3  }
0x97: {  	_ =	strace $0x8FFFFFFF  }
0x98: {  	s19 =	sld [smem:$0x3FDB];
	_ =	sdelay $0x1  }
0x99: {  	s4 =	simm.s32 $_scs_section_size  }
0x9a: {  	s5 =	simm.s32 $_size__tile_overlayer_lowered;
	s6 =	simm.s32 $_tile_overlayer_lowered  }
0x9b: {  	s22 =	simm.s32 $0x1BFF;
	s21 =	sshll.u32 s6, $0x1;
	s3 =	sadd.s32 s4, s19  }
0x9c: {  	s7 =	simm.s32 $0x0;
	s20 =	sshll.u32 s5, $0x1;
	s5 =	sadd.s32 s21, s3  }
0x9d: {  	[timem:s7], [sflag:s22] =	dma.local [hbm:s5], s20  }
0x9e: {  	_ =	swait.ge [sflag:s22], s20  }
0x9f: {  	s4 =	ssub.s32 $0x0, s20;
	[sflag:s22] =	ssyncset.done $0x0  }
0xa0: {  	[sflag:s22] =	ssyncadd.s32 s4;
	_ =	sdelay $0x1  }
0xa1: {  	s23 =	simm.s32 $0x1B8B  }
0xa2: {  	_ =	swait.ge [sflag:s23], $0x1  }
0xa3: {  	[sflag:s23] =	ssyncset.done $0x0  }
0xa4: {  	s25 =	simm.s32 $0x1B8E;
	s24 =	sld [smem:$0x3FFE];
	[sflag:s23] =	ssyncadd.s32 $0xFFFFFFFF  }
0xa5: {  	s26 =	simm.s32 $execute0_lowered;
	[smem:$0x3FD2] =	sst s25  }
0xa6: {  	s5 =	sshll.u32 s26, $0x1;
	_ =	strace $0x8000004F;
	[dreg:$0x1] =	wrdreg $0xFFFFFFFF  }
0xa7: {  	s28 =	simm.s32 $_size_execute0_lowered;
	s3 =	sadd.s32 s3, s5;
	[dreg:$0x0] =	wrdreg $0x0  }
0xa8: {  	s5 =	sshll.u32 s28, $0x1;
	[dreg:$0x2] =	wrdreg s3  }
0xa9: {  	[dreg:$0x3] =	wrdreg s5  }
0xaa: {  	[dreg:$0x4] =	wrdreg $0xC0  }
0xab: {  	_ =	task [dreg:s7], $0x5FFFF  }
0xac: {  	[dreg:$0x1] =	wrdreg $0xFFFFFFFF  }
0xad: {  	[dreg:$0x0] =	wrdreg $0x60  }
0xae: {  	[dreg:$0x2] =	wrdreg s2  }
0xaf: {  	[dreg:$0x3] =	wrdreg s24  }
0xb0: {  	[dreg:$0x4] =	wrdreg $0x68000  }
0xb1: {  	[dreg:$0x5] =	wrdreg $0x9  }
0xb2: {  	_ =	task.clear_ibuf [dreg:s7], $0x6FFFF;
	_ =	strace $0x9000004F  }
0xb3: {  	s29 =	simm.s32 $0x9;
	_ =	strace $0x80000051  }
0xb4: {  	_ =	swait.ge [sflag:s29], $0x1  }
0xb5: {  	[sflag:s29] =	ssyncadd.s32 $0xFFFFFFFF  }
0xb6: {  	_ =	strace $0x90000051  }
0xb7: {  	_ =	sfence  }
0xb8: {  	s30 =	sld [smem:$0x0];
	_ =	sdelay $0x2  }
0xb9: {  	s31 =	sshll.u32 s1, $0xD;
	s1 =	sshrl.u32 s1, $0x2  }
0xba: {  	s3 =	sand.u32 $0x4000, s31;
	s1 =	sadd.s32 s1, s30  }
0xbb: {  	s0 =	sor.u32 s3, s0;
	s1 =	sshll.u32 s1, $0x11  }
0xbc: {  	s0 =	sor.u32 s1, s0  }
0xbd: {  	s0 =	sadd.s32 $0x8F2B, s0  }
0xbe: {  	[sflag:s0] =	ssyncadd.remote.s32 $0x1  }
0xbf: {  	_ =	sfence.sel $0xFFFF  }
0xc0: {  	[dreg:$0x0] =	wrdreg $0xFFFFFFFF;
	(pc) =	sbr.abs _section_cstart, $3  }
0xc1: {  	[dreg:$0x1] =	wrdreg $0xFFFFFFFF  }
0xc2: {  	_ =	task.clear_ibuf [dreg:s7], $0x2FFFF;
	_ =	strace $0x9FFFFFFF  }
0xc3: {  	(tm) =	ssettm $0x7FFFFFFF  }
tec
execute0_lowered:
.L_overlay_start_1:
0x0: {  	(tag) =	ssettag $0x1  }
0x1: {  	s1 =	rddreg [dreg:$0x0]  }
0x2: {  	s0 =	rddreg [dreg:$0x1];
	s8 =	stileid.u32  }
0x3: {  	s3 =	srdreg.scid;
	s7 =	smul.u32 $0x14000, s8  }
0x4: {  	s3 =	sand.u32 $0x1, s3;
	s24 =	sshll.u32 s8, $0x1;
	s8 =	smul.u32 $0x50000, s8  }
0x5: {  	s4 =	smul.u32 $0x140000, s3;
	s25 =	ssub.s32 $0x2, s3;
	s3 =	sor.u32 s3, s24  }
0x6: {  	s2 =	rddreg [dreg:$0x2];
	s5 =	simm.s32 $0x0;
	s9 =	smul.u32 $0x1400, s3  }
0x7: {  	[smem:$0x7FF] =	sst s5;
	s5 =	sadd.s32 $0x85000, s0;
	s6 =	sadd.s32 $0x5D000, s0  }
0x8: {  	_ =	strace $0x80000050;
	s8 =	sshrl.u32 s8, $0x2;
	s10 =	sadd.s32 s5, s9  }
0x9: {  	s8 =	sadd.s32 s8, s2;
	s11 =	sadd.s32 s6, s9;
	[dreg:$0x4] =	wrdreg s10  }
0xa: {  	s12 =	sadd.s32 $0x1000, s8;
	[dreg:$0x5] =	wrdreg s11  }
0xb: {  	s26 =	sshrl.u32 s25, $0x1;
	s13 =	sadd.s32 $0x2000, s8;
	[dreg:$0x6] =	wrdreg s12  }
0xc: {  	s4 =	sadd.s32 s7, s4;
	s14 =	sadd.s32 $0x3000, s8;
	[dreg:$0x7] =	wrdreg s13  }
0xd: {  	s7 =	smul.u32 $0x140, s3;
	s15 =	sadd.s32 $0x4000, s8;
	[dreg:$0x8] =	wrdreg s14  }
0xe: {  	s3 =	simm.s32 $0x5;
	s16 =	sadd.s32 $0x5000, s8;
	[dreg:$0x9] =	wrdreg s15  }
0xf: {  	s4 =	sshrl.u32 s4, $0x3;
	s17 =	sadd.s32 $0x6000, s8;
	[dreg:$0xa] =	wrdreg s16  }
0x10: {  	s18 =	sadd.s32 $0x7000, s8;
	s19 =	sadd.s32 $0x8000, s8;
	[dreg:$0xb] =	wrdreg s17  }
0x11: {  	s20 =	sadd.s32 $0x9000, s8;
	s21 =	sadd.s32 $0xA000, s8;
	[dreg:$0xc] =	wrdreg s18  }
0x12: {  	s22 =	sadd.s32 $0xB000, s8;
	s23 =	sadd.s32 $0xC000, s8;
	[dreg:$0xd] =	wrdreg s19  }
0x13: {  	s24 =	sadd.s32 $0xD000, s8;
	s28 =	sadd.s32 $0xF000, s8;
	[dreg:$0xe] =	wrdreg s20  }
0x14: {  	s29 =	sadd.s32 $0x10000, s8;
	s30 =	sadd.s32 $0x11000, s8;
	[dreg:$0xf] =	wrdreg s21  }
0x15: {  	s31 =	sadd.s32 $0x12000, s8;
	s9 =	simm.s32 $0x3800;
	[dreg:$0x10] =	wrdreg s22  }
0x16: {  	s0 =	sadd.s32 s4, s0;
	s4 =	ssub.s32 s25, s26;
	[dreg:$0x11] =	wrdreg s23  }
0x17: {  	[dreg:$0x12] =	wrdreg s24;
	s26 =	sadd.s32 $0xE000, s8;
	s10 =	simm.s32 $0x4800  }
0x18: {  	s11 =	simm.s32 $0x5800;
	s12 =	simm.s32 $0x2800;
	s13 =	simm.s32 $0x1  }
0x19: {  	s14 =	simm.s32 $0x2;
	s15 =	simm.s32 $0x3;
	s16 =	simm.s32 $0x4  }
0x1a: {  	s17 =	simm.s32 $0x2600;
	s18 =	simm.s32 $0x2680;
	s19 =	simm.s32 $0x2700  }
0x1b: {  	s20 =	simm.s32 $0x2780;
	s0 =	sadd.s32 $0xAD000, s0;
	[dreg:$0x15] =	wrdreg s26  }
0x1c: {  	s21 =	simm.s32 $0x0;
	s25 =	smax.u32 s4, $0x1;
	[dreg:$0x13] =	wrdreg s0  }
0x1d: {  	v0 =	vimm.f32 $0.0e+00;
	s4 =	simm.s32 $0x20;
	[dreg:$0x14] =	wrdreg s25;
	s0 =	sadd.s32 $0x13000, s8  }
.LBB2_1:
0x1e: {  	s22 =	simm.s32 $0x0;
	s23 =	rddreg [dreg:$0x4]  }
0x1f: {  	[tilespmem:s22], [sflag:$0x5] =	stream.linear.gather [hbm4b:s23+s22], $0x1400, $0x38;
	[tilespmem:$0x1A800] =	vst v63  }
0x20: {  	_ =	swait.ge [sflag:s3], $0x1400  }
0x21: {  	[sflag:s3] =	ssyncset.done $0x0  }
0x22: {  	s24 =	simm.s32 $0x1400;
	s26 =	rddreg [dreg:$0x5];
	[sflag:s3] =	ssyncadd.s32 $0xFFFFEC00  }
0x23: {  	[tilespmem:s24], [sflag:$0x5] =	stream.linear.gather [hbm4b:s26+s22], $0x1400, $0x38;
	[tilespmem:$0x1A800] =	vst v63  }
0x24: {  	_ =	swait.ge [sflag:s3], $0x1400  }
0x25: {  	[sflag:s3] =	ssyncset.done $0x0  }
0x26: {  	s24 =	simm.s32 $0x80;
	[sflag:s3] =	ssyncadd.s32 $0xFFFFEC00  }
0x27: {  	[tilespmem:s9], [sflag:$0x2] =	stream.indirect.gather [hbm4b:s1+s4], $0x80, s24, s4, $0xb8;
	[tilespmem:$0x1A800] =	vst v63  }
0x28: {  	s25 =	simm.s32 $0x100  }
0x29: {  	[tilespmem:s10], [sflag:$0x3] =	stream.indirect.gather [hbm4b:s1+s4], $0x80, s25, s4, $0xb8;
	[tilespmem:$0x1A800] =	vst v63  }
0x2a: {  	s23 =	simm.s32 $0x200;
	s26 =	simm.s32 $0x180;
	s22 =	simm.s32 $0x0  }
0x2b: {  	[tilespmem:s11], [sflag:$0x4] =	stream.indirect.gather [hbm4b:s1+s4], $0x80, s26, s4, $0xb8;
	[tilespmem:$0x1A800] =	vst v63  }
.LBB2_2:
0x2c: {  	p0 =	sne.s32 s23, $0x3E00;
	[tilespmem:s22+$0x2870] =	vst v0  }
0x2d: {  	[tilespmem:s22+$0x2800] =	vst v0  }
0x2e: {  	[tilespmem:s22+$0x2810] =	vst v0  }
.Ltmp0:
0x2f: {  	[tilespmem:s22+$0x2820] =	vst v0;
	(pc) =	sbr.rel @p0 .LBB2_2-.Ltmp0, $4  }
0x30: {  	[tilespmem:s22+$0x2830] =	vst v0  }
0x31: {  	[tilespmem:s22+$0x2840] =	vst v0  }
0x32: {  	[tilespmem:s22+$0x2850] =	vst v0  }
0x33: {  	[tilespmem:s22+$0x2860] =	vst v0;
	s22 =	sshra.s32 s23, $0x2;
	s23 =	sadd.s32 $0x200, s23  }
0x34: {  	[tilespmem:s22+$0x2870] =	vst v0  }
0x35: {  	[tilespmem:s22+$0x2800] =	vst v0  }
0x36: {  	[tilespmem:s22+$0x2810] =	vst v0  }
0x37: {  	[tilespmem:s22+$0x2820] =	vst v0  }
0x38: {  	[tilespmem:s22+$0x2830] =	vst v0  }
0x39: {  	[tilespmem:s22+$0x2840] =	vst v0  }
0x3a: {  	[tilespmem:s22+$0x2850] =	vst v0  }
0x3b: {  	[tilespmem:s22+$0x2860] =	vst v0  }
0x3c: {  	[spmem:s8] =	stream.linear.scatter [tilespmem:s12], [sflag:$0x5], $0x1000, $0x38;
	[tilespmem:$0x1A800] =	vst v63  }
0x3d: {  	_ =	swait.ge [sflag:s3], $0x1000  }
0x3e: {  	[sflag:s3] =	ssyncset.done $0x0  }
0x3f: {  	s25 =	rddreg [dreg:$0x6];
	[sflag:s3] =	ssyncadd.s32 $0xFFFFF000  }
0x40: {  	[spmem:s25] =	stream.linear.scatter [tilespmem:s12], [sflag:$0x5], $0x1000, $0x38;
	[tilespmem:$0x1A800] =	vst v63  }
0x41: {  	_ =	swait.ge [sflag:s3], $0x1000  }
0x42: {  	[sflag:s3] =	ssyncset.done $0x0  }
0x43: {  	s26 =	rddreg [dreg:$0x7];
	[sflag:s3] =	ssyncadd.s32 $0xFFFFF000  }
0x44: {  	[spmem:s26] =	stream.linear.scatter [tilespmem:s12], [sflag:$0x5], $0x1000, $0x38;
	[tilespmem:$0x1A800] =	vst v63  }
0x45: {  	_ =	swait.ge [sflag:s3], $0x1000  }
0x46: {  	[sflag:s3] =	ssyncset.done $0x0  }
0x47: {  	s23 =	rddreg [dreg:$0x8];
	[sflag:s3] =	ssyncadd.s32 $0xFFFFF000  }
0x48: {  	[spmem:s23] =	stream.linear.scatter [tilespmem:s12], [sflag:$0x5], $0x1000, $0x38;
	[tilespmem:$0x1A800] =	vst v63  }
0x49: {  	_ =	swait.ge [sflag:s3], $0x1000  }
0x4a: {  	[sflag:s3] =	ssyncset.done $0x0  }
0x4b: {  	s24 =	rddreg [dreg:$0x9];
	[sflag:s3] =	ssyncadd.s32 $0xFFFFF000  }
0x4c: {  	[spmem:s24] =	stream.linear.scatter [tilespmem:s12], [sflag:$0x5], $0x1000, $0x38;
	[tilespmem:$0x1A800] =	vst v63  }
0x4d: {  	_ =	swait.ge [sflag:s3], $0x1000  }
0x4e: {  	[sflag:s3] =	ssyncset.done $0x0  }
0x4f: {  	s25 =	rddreg [dreg:$0xa];
	[sflag:s3] =	ssyncadd.s32 $0xFFFFF000  }
0x50: {  	[spmem:s25] =	stream.linear.scatter [tilespmem:s12], [sflag:$0x5], $0x1000, $0x38;
	[tilespmem:$0x1A800] =	vst v63  }
0x51: {  	_ =	swait.ge [sflag:s3], $0x1000  }
0x52: {  	[sflag:s3] =	ssyncset.done $0x0  }
0x53: {  	s26 =	rddreg [dreg:$0xb];
	[sflag:s3] =	ssyncadd.s32 $0xFFFFF000  }
0x54: {  	[spmem:s26] =	stream.linear.scatter [tilespmem:s12], [sflag:$0x5], $0x1000, $0x38;
	[tilespmem:$0x1A800] =	vst v63  }
0x55: {  	_ =	swait.ge [sflag:s3], $0x1000  }
0x56: {  	[sflag:s3] =	ssyncset.done $0x0  }
0x57: {  	s23 =	rddreg [dreg:$0xc];
	[sflag:s3] =	ssyncadd.s32 $0xFFFFF000  }
0x58: {  	[spmem:s23] =	stream.linear.scatter [tilespmem:s12], [sflag:$0x5], $0x1000, $0x38;
	[tilespmem:$0x1A800] =	vst v63  }
0x59: {  	_ =	swait.ge [sflag:s3], $0x1000  }
0x5a: {  	[sflag:s3] =	ssyncset.done $0x0  }
0x5b: {  	s24 =	rddreg [dreg:$0xd];
	[sflag:s3] =	ssyncadd.s32 $0xFFFFF000  }
0x5c: {  	[spmem:s24] =	stream.linear.scatter [tilespmem:s12], [sflag:$0x5], $0x1000, $0x38;
	[tilespmem:$0x1A800] =	vst v63  }
0x5d: {  	_ =	swait.ge [sflag:s3], $0x1000  }
0x5e: {  	[sflag:s3] =	ssyncset.done $0x0  }
0x5f: {  	s25 =	rddreg [dreg:$0xe];
	[sflag:s3] =	ssyncadd.s32 $0xFFFFF000  }
0x60: {  	[spmem:s25] =	stream.linear.scatter [tilespmem:s12], [sflag:$0x5], $0x1000, $0x38;
	[tilespmem:$0x1A800] =	vst v63  }
0x61: {  	_ =	swait.ge [sflag:s3], $0x1000  }
0x62: {  	[sflag:s3] =	ssyncset.done $0x0  }
0x63: {  	s26 =	rddreg [dreg:$0xf];
	[sflag:s3] =	ssyncadd.s32 $0xFFFFF000  }
0x64: {  	[spmem:s26] =	stream.linear.scatter [tilespmem:s12], [sflag:$0x5], $0x1000, $0x38;
	[tilespmem:$0x1A800] =	vst v63  }
0x65: {  	_ =	swait.ge [sflag:s3], $0x1000  }
0x66: {  	[sflag:s3] =	ssyncset.done $0x0  }
0x67: {  	s23 =	rddreg [dreg:$0x10];
	[sflag:s3] =	ssyncadd.s32 $0xFFFFF000  }
0x68: {  	[spmem:s23] =	stream.linear.scatter [tilespmem:s12], [sflag:$0x5], $0x1000, $0x38;
	[tilespmem:$0x1A800] =	vst v63  }
0x69: {  	_ =	swait.ge [sflag:s3], $0x1000  }
0x6a: {  	[sflag:s3] =	ssyncset.done $0x0  }
0x6b: {  	s24 =	rddreg [dreg:$0x11];
	[sflag:s3] =	ssyncadd.s32 $0xFFFFF000  }
0x6c: {  	[spmem:s24] =	stream.linear.scatter [tilespmem:s12], [sflag:$0x5], $0x1000, $0x38;
	[tilespmem:$0x1A800] =	vst v63  }
0x6d: {  	_ =	swait.ge [sflag:s3], $0x1000  }
0x6e: {  	[sflag:s3] =	ssyncset.done $0x0  }
0x6f: {  	s25 =	rddreg [dreg:$0x12];
	[sflag:s3] =	ssyncadd.s32 $0xFFFFF000  }
0x70: {  	[spmem:s25] =	stream.linear.scatter [tilespmem:s12], [sflag:$0x5], $0x1000, $0x38;
	[tilespmem:$0x1A800] =	vst v63  }
0x71: {  	_ =	swait.ge [sflag:s3], $0x1000  }
0x72: {  	[sflag:s3] =	ssyncset.done $0x0  }
0x73: {  	s26 =	rddreg [dreg:$0x15];
	[sflag:s3] =	ssyncadd.s32 $0xFFFFF000  }
0x74: {  	[spmem:s26] =	stream.linear.scatter [tilespmem:s12], [sflag:$0x5], $0x1000, $0x38;
	[tilespmem:$0x1A800] =	vst v63  }
0x75: {  	_ =	swait.ge [sflag:s3], $0x1000  }
0x76: {  	[sflag:s3] =	ssyncset.done $0x0  }
0x77: {  	[sflag:s3] =	ssyncadd.s32 $0xFFFFF000  }
0x78: {  	[spmem:s28] =	stream.linear.scatter [tilespmem:s12], [sflag:$0x5], $0x1000, $0x38;
	[tilespmem:$0x1A800] =	vst v63  }
0x79: {  	_ =	swait.ge [sflag:s3], $0x1000  }
0x7a: {  	[sflag:s3] =	ssyncset.done $0x0  }
0x7b: {  	[sflag:s3] =	ssyncadd.s32 $0xFFFFF000  }
0x7c: {  	[spmem:s29] =	stream.linear.scatter [tilespmem:s12], [sflag:$0x5], $0x1000, $0x38;
	[tilespmem:$0x1A800] =	vst v63  }
0x7d: {  	_ =	swait.ge [sflag:s3], $0x1000  }
0x7e: {  	[sflag:s3] =	ssyncset.done $0x0  }
0x7f: {  	[sflag:s3] =	ssyncadd.s32 $0xFFFFF000  }
0x80: {  	[spmem:s30] =	stream.linear.scatter [tilespmem:s12], [sflag:$0x5], $0x1000, $0x38;
	[tilespmem:$0x1A800] =	vst v63  }
0x81: {  	_ =	swait.ge [sflag:s3], $0x1000  }
0x82: {  	[sflag:s3] =	ssyncset.done $0x0  }
0x83: {  	[sflag:s3] =	ssyncadd.s32 $0xFFFFF000  }
0x84: {  	[spmem:s31] =	stream.linear.scatter [tilespmem:s12], [sflag:$0x5], $0x1000, $0x38;
	[tilespmem:$0x1A800] =	vst v63  }
0x85: {  	_ =	swait.ge [sflag:s3], $0x1000  }
0x86: {  	[sflag:s3] =	ssyncset.done $0x0  }
0x87: {  	[sflag:s3] =	ssyncadd.s32 $0xFFFFF000  }
0x88: {  	[spmem:s0] =	stream.linear.scatter [tilespmem:s12], [sflag:$0x5], $0x1000, $0x38;
	[tilespmem:$0x1A800] =	vst v63  }
0x89: {  	_ =	swait.ge [sflag:s3], $0x1000  }
0x8a: {  	[sflag:s3] =	ssyncset.done $0x0  }
0x8b: {  	s22 =	simm.s32 $0x0;
	[sflag:s3] =	ssyncadd.s32 $0xFFFFF000  }
0x8c: {  	[tilespmem:s12], [sflag:$0x1] =	stream.indirect.gather [hbm4b:s1+s4], $0x80, s22, s4, $0xb8;
	[tilespmem:$0x1A800] =	vst v63  }
0x8d: {  	[bflag:$0x0] =	sbarrier.arrive $0xFFFF  }
.LBB2_4:
0x8e: {  	p0 =	seq.s32 s22, $0x0  }
0x8f: {  	s23 =	smul.u32 @!p0 $0x28, s22;
	_ =	sdelay $0x1  }
0x90: {  	s23 =	sadd.s32 @!p0 s7, s23  }
0x91: {  	s23 =	sshll.u32 @!p0 s23, $0x4  }
0x92: {  	s25 =	simm.s32 @!p0 $0x0;
	s24 =	sadd.s32 @!p0 s5, s23  }
0x93: {  	[tilespmem:s25], [sflag:$0x5] =	stream.linear.gather @!p0 [hbm4b:s24+s25], $0x1400, $0x38;
	[tilespmem:$0x1A800] =	vst v63  }
0x94: {  	s24 =	simm.s32 @!p0 $0x5  }
0x95: {  	_ =	swait.ge @!p0 [sflag:s24], $0x1400  }
0x96: {  	[sflag:s24] =	ssyncset.done @!p0 $0x0  }
0x97: {  	s26 =	simm.s32 @!p0 $0x1400;
	s23 =	sadd.s32 @!p0 s6, s23;
	[sflag:s24] =	ssyncadd.s32 @!p0 $0xFFFFEC00  }
0x98: {  	[tilespmem:s26], [sflag:$0x5] =	stream.linear.gather @!p0 [hbm4b:s23+s25], $0x1400, $0x38;
	[tilespmem:$0x1A800] =	vst v63  }
0x99: {  	_ =	swait.ge @!p0 [sflag:s24], $0x1400  }
0x9a: {  	[sflag:s24] =	ssyncset.done @!p0 $0x0  }
0x9b: {  	s23 =	simm.s32 @!p0 $0x20;
	[sflag:s24] =	ssyncadd.s32 @!p0 $0xFFFFEC00;
	s24 =	simm.s32 @!p0 $0x2800  }
0x9c: {  	[tilespmem:s24], [sflag:$0x1] =	stream.indirect.gather @!p0 [hbm4b:s1+s23], $0x80, s25, s23, $0xb8;
	[tilespmem:$0x1A800] =	vst v63  }
0x9d: {  	s24 =	simm.s32 @!p0 $0x80;
	s25 =	simm.s32 @!p0 $0x3800  }
0x9e: {  	[tilespmem:s25], [sflag:$0x2] =	stream.indirect.gather @!p0 [hbm4b:s1+s23], $0x80, s24, s23, $0xb8;
	[tilespmem:$0x1A800] =	vst v63  }
0x9f: {  	s24 =	simm.s32 @!p0 $0x100;
	s25 =	simm.s32 @!p0 $0x4800  }
0xa0: {  	[tilespmem:s25], [sflag:$0x3] =	stream.indirect.gather @!p0 [hbm4b:s1+s23], $0x80, s24, s23, $0xb8;
	[tilespmem:$0x1A800] =	vst v63  }
0xa1: {  	s24 =	simm.s32 @!p0 $0x180;
	s25 =	simm.s32 @!p0 $0x5800  }
0xa2: {  	[tilespmem:s25], [sflag:$0x4] =	stream.indirect.gather @!p0 [hbm4b:s1+s23], $0x80, s24, s23, $0xb8;
	[tilespmem:$0x1A800] =	vst v63  }
0xa3: {  	_ =	swait.ge [sflag:s13], $0x1000  }
0xa4: {  	[sflag:s13] =	ssyncset.done $0x0  }
0xa5: {  	s26 =	simm.s32 $0x1400;
	[sflag:s13] =	ssyncadd.s32 $0xFFFFF000  }
0xa6: {  	[spmem:s2] =	stream.indirect.scatter.add.f32 [tilespmem:s12], [sflag:$0x5], $0x80, s26, s4, $0xb8;
	[tilespmem:$0x1A800] =	vst v63  }
0xa7: {  	_ =	swait.ge [sflag:s3], $0x1000  }
0xa8: {  	[sflag:s3] =	ssyncset.done $0x0  }
0xa9: {  	s24 =	simm.s32 $0x200;
	[sflag:s3] =	ssyncadd.s32 $0xFFFFF000  }
0xaa: {  	[tilespmem:s12], [sflag:$0x1] =	stream.indirect.gather [hbm4b:s1+s4], $0x80, s24, s4, $0xb8;
	[tilespmem:$0x1A800] =	vst v63  }
0xab: {  	_ =	swait.ge [sflag:s14], $0x1000  }
0xac: {  	[sflag:s14] =	ssyncset.done $0x0  }
0xad: {  	s25 =	simm.s32 $0x1480;
	[sflag:s14] =	ssyncadd.s32 $0xFFFFF000  }
0xae: {  	[spmem:s2] =	stream.indirect.scatter.add.f32 [tilespmem:s9], [sflag:$0x5], $0x80, s25, s4, $0xb8;
	[tilespmem:$0x1A800] =	vst v63  }
0xaf: {  	_ =	swait.ge [sflag:s3], $0x1000  }
0xb0: {  	[sflag:s3] =	ssyncset.done $0x0  }
0xb1: {  	s26 =	simm.s32 $0x280;
	[sflag:s3] =	ssyncadd.s32 $0xFFFFF000  }
0xb2: {  	[tilespmem:s9], [sflag:$0x2] =	stream.indirect.gather [hbm4b:s1+s4], $0x80, s26, s4, $0xb8;
	[tilespmem:$0x1A800] =	vst v63  }
0xb3: {  	_ =	swait.ge [sflag:s15], $0x1000  }
0xb4: {  	[sflag:s15] =	ssyncset.done $0x0  }
0xb5: {  	s24 =	simm.s32 $0x1500;
	[sflag:s15] =	ssyncadd.s32 $0xFFFFF000  }
0xb6: {  	[spmem:s2] =	stream.indirect.scatter.add.f32 [tilespmem:s10], [sflag:$0x5], $0x80, s24, s4, $0xb8;
	[tilespmem:$0x1A800] =	vst v63  }
0xb7: {  	_ =	swait.ge [sflag:s3], $0x1000  }
0xb8: {  	[sflag:s3] =	ssyncset.done $0x0  }
0xb9: {  	s25 =	simm.s32 $0x300;
	[sflag:s3] =	ssyncadd.s32 $0xFFFFF000  }
0xba: {  	[tilespmem:s10], [sflag:$0x3] =	stream.indirect.gather [hbm4b:s1+s4], $0x80, s25, s4, $0xb8;
	[tilespmem:$0x1A800] =	vst v63  }
0xbb: {  	_ =	swait.ge [sflag:s16], $0x1000  }
0xbc: {  	[sflag:s16] =	ssyncset.done $0x0  }
0xbd: {  	s26 =	simm.s32 $0x1580;
	[sflag:s16] =	ssyncadd.s32 $0xFFFFF000  }
0xbe: {  	[spmem:s2] =	stream.indirect.scatter.add.f32 [tilespmem:s11], [sflag:$0x5], $0x80, s26, s4, $0xb8;
	[tilespmem:$0x1A800] =	vst v63  }
0xbf: {  	_ =	swait.ge [sflag:s3], $0x1000  }
0xc0: {  	[sflag:s3] =	ssyncset.done $0x0  }
0xc1: {  	s23 =	simm.s32 $0x800;
	s24 =	simm.s32 $0x380;
	[sflag:s3] =	ssyncadd.s32 $0xFFFFF000  }
.LBB2_5:
0xc2: {  	[tilespmem:s11], [sflag:$0x4] =	stream.indirect.gather [hbm4b:s1+s4], $0x80, s24, s4, $0xb8;
	[tilespmem:$0x1A800] =	vst v63  }
0xc3: {  	s24 =	smov.u32 s23  }
0xc4: {  	p0 =	sne.s32 s23, $0x4000;
	s23 =	sadd.s32 $0x800, s23;
	_ =	swait.ge [sflag:s13], $0x1000  }
0xc5: {  	s24 =	sshra.s32 s24, $0x2;
	[sflag:s13] =	ssyncset.done $0x0  }
0xc6: {  	s25 =	sadd.s32 $0x1400, s24;
	[sflag:s13] =	ssyncadd.s32 $0xFFFFF000  }
0xc7: {  	[spmem:s2] =	stream.indirect.scatter.add.f32 [tilespmem:s12], [sflag:$0x5], $0x80, s25, s4, $0xb8;
	[tilespmem:$0x1A800] =	vst v63  }
0xc8: {  	_ =	swait.ge [sflag:s3], $0x1000  }
0xc9: {  	[sflag:s3] =	ssyncset.done $0x0  }
0xca: {  	s25 =	sadd.s32 $0x200, s24;
	[sflag:s3] =	ssyncadd.s32 $0xFFFFF000  }
0xcb: {  	[tilespmem:s12], [sflag:$0x1] =	stream.indirect.gather [hbm4b:s1+s4], $0x80, s25, s4, $0xb8;
	[tilespmem:$0x1A800] =	vst v63  }
0xcc: {  	_ =	swait.ge [sflag:s14], $0x1000  }
0xcd: {  	[sflag:s14] =	ssyncset.done $0x0  }
0xce: {  	s25 =	sadd.s32 $0x1480, s24;
	[sflag:s14] =	ssyncadd.s32 $0xFFFFF000  }
0xcf: {  	[spmem:s2] =	stream.indirect.scatter.add.f32 [tilespmem:s9], [sflag:$0x5], $0x80, s25, s4, $0xb8;
	[tilespmem:$0x1A800] =	vst v63  }
0xd0: {  	_ =	swait.ge [sflag:s3], $0x1000  }
0xd1: {  	[sflag:s3] =	ssyncset.done $0x0  }
0xd2: {  	s25 =	sadd.s32 $0x280, s24;
	[sflag:s3] =	ssyncadd.s32 $0xFFFFF000  }
0xd3: {  	[tilespmem:s9], [sflag:$0x2] =	stream.indirect.gather [hbm4b:s1+s4], $0x80, s25, s4, $0xb8;
	[tilespmem:$0x1A800] =	vst v63  }
0xd4: {  	_ =	swait.ge [sflag:s15], $0x1000  }
0xd5: {  	[sflag:s15] =	ssyncset.done $0x0  }
0xd6: {  	s25 =	sadd.s32 $0x1500, s24;
	[sflag:s15] =	ssyncadd.s32 $0xFFFFF000  }
0xd7: {  	[spmem:s2] =	stream.indirect.scatter.add.f32 [tilespmem:s10], [sflag:$0x5], $0x80, s25, s4, $0xb8;
	[tilespmem:$0x1A800] =	vst v63  }
0xd8: {  	_ =	swait.ge [sflag:s3], $0x1000  }
0xd9: {  	[sflag:s3] =	ssyncset.done $0x0  }
0xda: {  	s25 =	sadd.s32 $0x300, s24;
	[sflag:s3] =	ssyncadd.s32 $0xFFFFF000  }
0xdb: {  	[tilespmem:s10], [sflag:$0x3] =	stream.indirect.gather [hbm4b:s1+s4], $0x80, s25, s4, $0xb8;
	[tilespmem:$0x1A800] =	vst v63  }
0xdc: {  	_ =	swait.ge [sflag:s16], $0x1000  }
0xdd: {  	[sflag:s16] =	ssyncset.done $0x0  }
.Ltmp1:
0xde: {  	s25 =	sadd.s32 $0x1580, s24;
	[sflag:s16] =	ssyncadd.s32 $0xFFFFF000;
	(pc) =	sbr.rel @p0 .LBB2_5-.Ltmp1, $4  }
0xdf: {  	[spmem:s2] =	stream.indirect.scatter.add.f32 [tilespmem:s11], [sflag:$0x5], $0x80, s25, s4, $0xb8;
	[tilespmem:$0x1A800] =	vst v63  }
0xe0: {  	_ =	swait.ge [sflag:s3], $0x1000  }
0xe1: {  	[sflag:s3] =	ssyncset.done $0x0  }
0xe2: {  	s24 =	sadd.s32 $0x380, s24;
	[sflag:s3] =	ssyncadd.s32 $0xFFFFF000  }
0xe3: {  	[tilespmem:s11], [sflag:$0x4] =	stream.indirect.gather [hbm4b:s1+s4], $0x80, s24, s4, $0xb8;
	[tilespmem:$0x1A800] =	vst v63  }
0xe4: {  	_ =	swait.ge [sflag:s13], $0x1000  }
0xe5: {  	[sflag:s13] =	ssyncset.done $0x0  }
0xe6: {  	[sflag:s13] =	ssyncadd.s32 $0xFFFFF000  }
0xe7: {  	[spmem:s2] =	stream.indirect.scatter.add.f32 [tilespmem:s12], [sflag:$0x5], $0x80, s17, s4, $0xb8;
	[tilespmem:$0x1A800] =	vst v63  }
0xe8: {  	_ =	swait.ge [sflag:s3], $0x1000  }
0xe9: {  	[sflag:s3] =	ssyncset.done $0x0  }
0xea: {  	[sflag:s3] =	ssyncadd.s32 $0xFFFFF000  }
0xeb: {  	_ =	swait.ge [sflag:s14], $0x1000  }
0xec: {  	[sflag:s14] =	ssyncset.done $0x0  }
0xed: {  	[sflag:s14] =	ssyncadd.s32 $0xFFFFF000  }
0xee: {  	[spmem:s2] =	stream.indirect.scatter.add.f32 [tilespmem:s9], [sflag:$0x5], $0x80, s18, s4, $0xb8;
	[tilespmem:$0x1A800] =	vst v63  }
0xef: {  	_ =	swait.ge [sflag:s3], $0x1000  }
0xf0: {  	[sflag:s3] =	ssyncset.done $0x0  }
0xf1: {  	[sflag:s3] =	ssyncadd.s32 $0xFFFFF000  }
0xf2: {  	_ =	swait.ge [sflag:s15], $0x1000  }
0xf3: {  	[sflag:s15] =	ssyncset.done $0x0  }
0xf4: {  	[sflag:s15] =	ssyncadd.s32 $0xFFFFF000  }
0xf5: {  	[spmem:s2] =	stream.indirect.scatter.add.f32 [tilespmem:s10], [sflag:$0x5], $0x80, s19, s4, $0xb8;
	[tilespmem:$0x1A800] =	vst v63  }
0xf6: {  	_ =	swait.ge [sflag:s3], $0x1000  }
0xf7: {  	[sflag:s3] =	ssyncset.done $0x0  }
0xf8: {  	[sflag:s3] =	ssyncadd.s32 $0xFFFFF000  }
0xf9: {  	s22 =	sadd.s32 $0x1, s22;
	_ =	swait.ge [sflag:s16], $0x1000  }
0xfa: {  	p0 =	sne.s32 s22, $0x8;
	[sflag:s16] =	ssyncset.done $0x0  }
.Ltmp2:
0xfb: {  	[sflag:s16] =	ssyncadd.s32 $0xFFFFF000;
	(pc) =	sbr.rel @p0 .LBB2_4-.Ltmp2, $4  }
0xfc: {  	[spmem:s2] =	stream.indirect.scatter.add.f32 [tilespmem:s11], [sflag:$0x5], $0x80, s20, s4, $0xb8;
	[tilespmem:$0x1A800] =	vst v63  }
0xfd: {  	_ =	swait.ge [sflag:s3], $0x1000  }
0xfe: {  	[sflag:s3] =	ssyncset.done $0x0  }
0xff: {  	[sflag:s3] =	ssyncadd.s32 $0xFFFFF000  }
0x100: {  	s22 =	stileid.u32  }
0x101: {  	[bflag:$0x0] =	sbarrier.arrive $0xFFFF;
	s22 =	sshll.u32 s22, $0x6  }
0x102: {  	s23 =	sshrl.u32 s8, $0x3;
	s24 =	rddreg [dreg:$0x13];
	s22 =	sor.u32 $0x1C05, s22  }
0x103: {  	[hbm:s24], [sflag:s22] =	dma.local [spmem:s23], $0x2800  }
0x104: {  	_ =	swait.ge [sflag:s3], $0x2800  }
0x105: {  	s21 =	sadd.s32 $0x1, s21;
	s26 =	rddreg [dreg:$0x14]  }
0x106: {  	p0 =	sne.s32 s21, s26  }
.Ltmp3:
0x107: {  	_ = 	snop;
	(pc) =	sbr.rel @p0 .LBB2_1-.Ltmp3, $3  }
0x108: {  	_ =	sdelay $0x1  }
0x109: {  	[sflag:s3] =	ssyncset.done $0x0  }
0x10a: {  	[sflag:s3] =	ssyncadd.s32 $0xFFFFD800  }
0x10b: {  	_ =	sfence.sel $0x180000  }
0x10c: {  	[bflag:$0x0] =	sbarrier.arrive $0xFFFF  }
0x10d: {  	_ =	strace $0x90000050  }
0x10e: {  	s0 =	stileid.u32;
	[bflag:$0x2] =	sbarrier.arrive $0xFFFF  }
0x10f: {  	p0 =	sne.s32 s0, $0x0;
	s0 =	rddreg [dreg:$0x3]  }
0x110: {  	s0 =	sadd.s32 @!p0 $0x100000, s0  }
0x111: {  	[sflag:s0] =	ssyncadd.tile.s32 @!p0 $0x1;
	_ =	shalt  }
.Lfunc_end2:
_tile_overlayer_lowered:
.L_overlay_start_2:
0x112: {  	(tag) =	ssettag $0x2  }
0x113: {  	s0 =	rddreg [dreg:$0x0];
	s2 =	stileid.u32  }
0x114: {  	s1 =	rddreg [dreg:$0x1];
	p0 =	sne.s32 s2, $0x0  }
0x115: {  	s3 =	rddreg [dreg:$0x2];
	[bflag:$0x3] =	sbarrier.arrive $0xFFFF;
	s2 =	simm.s32 @!p0 $0x1C05  }
0x116: {  	[timem:s3], [sflag:s2] =	dma.local @!p0 [hbm:s0], s1  }
0x117: {  	s0 =	simm.s32 @!p0 $0x5  }
0x118: {  	_ =	swait.ge @!p0 [sflag:s0], s1  }
0x119: {  	s1 =	ssub.s32 @!p0 $0x0, s1;
	[sflag:s0] =	ssyncset.done @!p0 $0x0  }
0x11a: {  	[sflag:s0] =	ssyncadd.s32 @!p0 s1  }
0x11b: {  	[bflag:$0x3] =	sbarrier.arrive $0xFFFF  }
0x11c: {  	_ =	shalt  }

// kernel: kernel.25.cloned.1.call-start
scs
__scs_entry_jumppad:
0x0: {  	(pc) =	sbr.rel $0x88, $3  }
0x1: {  	(tag) =	ssettag $0x0;
	lr =	simm.s32 $0x1  }
0x2: {  	[smem:$0x3F9C] =	sst lr;
	_ =	strace $0xD0000000  }
0x3: {  	_ = 	snop  }
0x4: {  	_ = 	snop  }
0x5: {  	_ = 	snop  }
0x6: {  	_ = 	snop  }
0x7: {  	_ = 	snop  }
__scs_overlays_trampoline_lowered:
0x8: {  	[smem:$0x3FAB] =	sst s0  }
0x9: {  	[smem:$0x3FAC] =	sst s1  }
0xa: {  	[smem:$0x3FAD] =	sst s2  }
0xb: {  	[smem:$0x3FAE] =	sst s3  }
0xc: {  	[smem:$0x3FAF] =	sst s4  }
0xd: {  	[smem:$0x3FB0] =	sst s5  }
0xe: {  	[smem:$0x3FB1] =	sst s6  }
0xf: {  	[smem:$0x3FB2] =	sst s7  }
0x10: {  	[smem:$0x3FB3] =	sst s8  }
0x11: {  	[smem:$0x3FB4] =	sst s9;
	s0 =	simm.s32 @!p0 $0x0  }
0x12: {  	s1 =	sld [smem:$0x3F9A];
	s0 =	simm.s32 @p0 $0x1  }
0x13: {  	[smem:$0x3FB5] =	sst s0;
	s0 =	simm.s32 @!p1 $0x0  }
0x14: {  	s2 =	sld [smem:$0x3F99];
	s0 =	simm.s32 @p1 $0x1  }
0x15: {  	[smem:$0x3FB6] =	sst s0;
	s0 =	simm.s32 @!p2 $0x0  }
0x16: {  	s3 =	sld [smem:$0x3FDB];
	s0 =	simm.s32 @p2 $0x1  }
0x17: {  	s4 =	simm.s32 $0x1BF5;
	[smem:$0x3FB8] =	sst s0  }
0x18: {  	s0 =	sld [smem:$0x3F9B];
	_ =	swait.ge [sflag:s4], $0x0  }
0x19: {  	s7 =	sld [smem:$0x3F9C]  }
0x1a: {  	s8 =	sadd.s32 $0xFFFFE003, lr  }
0x1b: {  	s9 =	sadd.s32 $0xFFFFFEF7, lr;
	s5 =	simm.s32 $0xFFFFFFFF;
	p2 =	slt.u32 s8, $0xFFFFF086  }
0x1c: {  	p1 =	slt.u32 s9, $0xF7A;
	s5 =	simm.s32 @!p2 $0x0  }
0x1d: {  	s5 =	simm.s32 @p1 $0x1;
	p0 =	seq.s32 s7, s2  }
0x1e: {  	s7 =	smul.u32 @!p0 $0xF7A, s2;
	p2 =	seq.s32 @!p0 s5, $0x0  }
0x1f: {  	s9 =	smul.u32 $0xF7A, s1;
	s8 =	simm.s32 @!p0 $0x1BF5;
	p2 =	por !p2, p0  }
0x20: {  	[sflag:s8] =	ssyncset.s32 @!p0 $0xFFFFF086;
	s6 =	sadd.s32 @!p0 s3, s7;
	s7 =	simm.s32 @!p0 $0x108  }
0x21: {  	s3 =	sadd.s32 s3, s9;
	s6 =	sadd.s32 @!p0 $0x88, s6;
	s7 =	simm.s32 @p2 $0x1082  }
0x22: {  	[simem:s7], [sflag:s8] =	dma.local @!p0 [hbm:s6], $0xF7A  }
0x23: {  	s9 =	sor.u32 $0xD0000000, s2;
	s6 =	simm.s32 $0x108;
	_ =	swait.ge @!p0 [sflag:s8], $0x0  }
0x24: {  	s3 =	sadd.s32 $0x88, s3;
	s6 =	simm.s32 @!p1 $0x1082;
	[sflag:s4] =	ssyncset.s32 $0xFFFFF086  }
0x25: {  	[simem:s6], [sflag:s4] =	dma.local [hbm:s3], $0xF7A  }
0x26: {  	[smem:$0x3F9C] =	sst s1;
	(tag) =	ssettag s2;
	_ =	strace s9  }
0x27: {  	s1 =	sld [smem:$0x3FAC]  }
0x28: {  	s2 =	sld [smem:$0x3FAD]  }
0x29: {  	s4 =	sld [smem:$0x3FAF]  }
0x2a: {  	p0 =	seq.s32 s5, $0x0;
	s5 =	sld [smem:$0x3FB0]  }
0x2b: {  	s6 =	sld [smem:$0x3FB1]  }
0x2c: {  	s7 =	sld [smem:$0x3FB2]  }
0x2d: {  	s3 =	simm.s32 $0x108;
	s8 =	sld [smem:$0x3FB3]  }
0x2e: {  	s3 =	simm.s32 @!p0 $0x1082;
	s9 =	sld [smem:$0x3FB4]  }
0x2f: {  	lr =	sadd.s32 s0, s3;
	s0 =	sld [smem:$0x3FAB]  }
0x30: {  	s3 =	sld [smem:$0x3FAE]  }
0x31: {  	[smem:$0x3FB7] =	sst s10  }
0x32: {  	s10 =	sld [smem:$0x3FB5];
	_ =	sdelay $0x3  }
0x33: {  	p0 =	seq.s32 s10, $0x1;
	s10 =	sld [smem:$0x3FB7];
	_ =	sdelay $0x3  }
0x34: {  	[smem:$0x3FB7] =	sst s10  }
0x35: {  	s10 =	sld [smem:$0x3FB6];
	_ =	sdelay $0x3  }
0x36: {  	p1 =	seq.s32 s10, $0x1;
	s10 =	sld [smem:$0x3FB7];
	_ =	sdelay $0x3  }
0x37: {  	[smem:$0x3FB7] =	sst s10  }
0x38: {  	s10 =	sld [smem:$0x3FB8]  }
0x39: {  	_ = 	snop;
	(pc) =	sbr.ind lr, $3  }
0x3a: {  	_ = 	snop  }
0x3b: {  	_ = 	snop  }
0x3c: {  	p2 =	seq.s32 s10, $0x1;
	s10 =	sld [smem:$0x3FB7]  }
0x3d: {  	_ =	shalt  }
0x3e: {  	_ =	shalt  }
0x3f: {  	_ =	shalt  }
0x40: {  	_ =	shalt  }
0x41: {  	_ =	shalt  }
0x42: {  	_ =	shalt  }
0x43: {  	_ =	shalt  }
0x44: {  	_ =	shalt  }
0x45: {  	_ =	shalt  }
0x46: {  	_ =	shalt  }
0x47: {  	_ =	shalt  }
0x48: {  	_ =	shalt  }
0x49: {  	_ =	shalt  }
0x4a: {  	_ =	shalt  }
0x4b: {  	_ =	shalt  }
0x4c: {  	_ =	shalt  }
0x4d: {  	_ =	shalt  }
0x4e: {  	_ =	shalt  }
0x4f: {  	_ =	shalt  }
0x50: {  	_ =	shalt  }
0x51: {  	_ =	shalt  }
0x52: {  	_ =	shalt  }
0x53: {  	_ =	shalt  }
0x54: {  	_ =	shalt  }
0x55: {  	_ =	shalt  }
0x56: {  	_ =	shalt  }
0x57: {  	_ =	shalt  }
0x58: {  	_ =	shalt  }
0x59: {  	_ =	shalt  }
0x5a: {  	_ =	shalt  }
0x5b: {  	_ =	shalt  }
0x5c: {  	_ =	shalt  }
0x5d: {  	_ =	shalt  }
0x5e: {  	_ =	shalt  }
0x5f: {  	_ =	shalt  }
0x60: {  	_ =	shalt  }
0x61: {  	_ =	shalt  }
0x62: {  	_ =	shalt  }
0x63: {  	_ =	shalt  }
0x64: {  	_ =	shalt  }
0x65: {  	_ =	shalt  }
0x66: {  	_ =	shalt  }
0x67: {  	_ =	shalt  }
0x68: {  	_ =	shalt  }
0x69: {  	_ =	shalt  }
0x6a: {  	_ =	shalt  }
0x6b: {  	_ =	shalt  }
0x6c: {  	_ =	shalt  }
0x6d: {  	_ =	shalt  }
0x6e: {  	_ =	shalt  }
0x6f: {  	_ =	shalt  }
0x70: {  	_ =	shalt  }
0x71: {  	_ =	shalt  }
0x72: {  	_ =	shalt  }
0x73: {  	_ =	shalt  }
0x74: {  	_ =	shalt  }
0x75: {  	_ =	shalt  }
0x76: {  	_ =	shalt  }
0x77: {  	_ =	shalt  }
0x78: {  	_ =	shalt  }
0x79: {  	_ =	shalt  }
0x7a: {  	_ =	shalt  }
0x7b: {  	_ =	shalt  }
0x7c: {  	_ =	shalt  }
0x7d: {  	_ =	shalt  }
0x7e: {  	_ =	shalt  }
0x7f: {  	_ =	shalt  }
0x80: {  	_ =	shalt  }
0x81: {  	_ =	shalt  }
0x82: {  	_ =	shalt  }
0x83: {  	_ =	shalt  }
0x84: {  	_ =	shalt  }
0x85: {  	_ =	shalt  }
0x86: {  	_ =	shalt  }
0x87: {  	_ =	shalt  }
.Lfunc_end0:
.L_simem_size_0:
called_computation.4_lowered:
.L_overlay_start_0:
0x88: {  	s2 =	sld [smem:$0x3FD9]  }
0x89: {  	s3 =	sld [smem:$0x3FFE];
	_ =	sdelay $0x1  }
0x8a: {  	s1 =	srdreg.scid  }
0x8b: {  	s0 =	sand.u32 $0x1, s1  }
0x8c: {  	s17 =	sshll.u32 s0, $0xA;
	s2 =	sadd.s32 s3, s2  }
0x8d: {  	s2 =	sadd.s32 s2, s17  }
0x8e: {  	[smem:$0x3FC3] =	sst s2  }
0x8f: {  	_ = 	snop  }
0x90: {  	s2 =	sld [smem:$0x3FD0];
	(tm) =	ssettm $0x1  }
0x91: {  	s18 =	sld [smem:$0x3FFB];
	_ =	sdelay $0x3  }
0x92: {  	_ =	strace s18  }
0x93: {  	s3 =	sld [smem:$0x3FFC];
	_ =	sdelay $0x3  }
0x94: {  	_ =	strace s3  }
0x95: {  	s3 =	sld [smem:$0x3FFD];
	_ =	sdelay $0x3  }
0x96: {  	_ =	strace s3  }
0x97: {  	_ =	strace $0x8FFFFFFF  }
0x98: {  	s19 =	sld [smem:$0x3FDB];
	_ =	sdelay $0x1  }
0x99: {  	s4 =	simm.s32 $_scs_section_size  }
0x9a: {  	s5 =	simm.s32 $_size__tile_overlayer_lowered;
	s6 =	simm.s32 $_tile_overlayer_lowered  }
0x9b: {  	s22 =	simm.s32 $0x1BFF;
	s21 =	sshll.u32 s6, $0x1;
	s3 =	sadd.s32 s4, s19  }
0x9c: {  	s7 =	simm.s32 $0x0;
	s20 =	sshll.u32 s5, $0x1;
	s5 =	sadd.s32 s21, s3  }
0x9d: {  	[timem:s7], [sflag:s22] =	dma.local [hbm:s5], s20  }
0x9e: {  	_ =	swait.ge [sflag:s22], s20  }
0x9f: {  	s4 =	ssub.s32 $0x0, s20;
	[sflag:s22] =	ssyncset.done $0x0  }
0xa0: {  	[sflag:s22] =	ssyncadd.s32 s4;
	_ =	sdelay $0x1  }
0xa1: {  	s23 =	simm.s32 $0x1B8B  }
0xa2: {  	_ =	swait.ge [sflag:s23], $0x1  }
0xa3: {  	[sflag:s23] =	ssyncset.done $0x0  }
0xa4: {  	s25 =	simm.s32 $0x1B8E;
	s24 =	sld [smem:$0x3FFE];
	[sflag:s23] =	ssyncadd.s32 $0xFFFFFFFF  }
0xa5: {  	s26 =	simm.s32 $execute0_lowered;
	[smem:$0x3FD2] =	sst s25  }
0xa6: {  	s5 =	sshll.u32 s26, $0x1;
	_ =	strace $0x80000052;
	[dreg:$0x1] =	wrdreg $0xFFFFFFFF  }
0xa7: {  	s28 =	simm.s32 $_size_execute0_lowered;
	s3 =	sadd.s32 s3, s5;
	[dreg:$0x0] =	wrdreg $0x0  }
0xa8: {  	s5 =	sshll.u32 s28, $0x1;
	[dreg:$0x2] =	wrdreg s3  }
0xa9: {  	[dreg:$0x3] =	wrdreg s5  }
0xaa: {  	[dreg:$0x4] =	wrdreg $0xC0  }
0xab: {  	_ =	task [dreg:s7], $0x5FFFF  }
0xac: {  	[dreg:$0x1] =	wrdreg $0xFFFFFFFF  }
0xad: {  	[dreg:$0x0] =	wrdreg $0x60  }
0xae: {  	[dreg:$0x2] =	wrdreg s2  }
0xaf: {  	[dreg:$0x3] =	wrdreg s24  }
0xb0: {  	[dreg:$0x4] =	wrdreg $0x68000  }
0xb1: {  	[dreg:$0x5] =	wrdreg $0x9  }
0xb2: {  	_ =	task.clear_ibuf [dreg:s7], $0x6FFFF;
	_ =	strace $0x90000052  }
0xb3: {  	s29 =	simm.s32 $0x9;
	_ =	strace $0x80000054  }
0xb4: {  	_ =	swait.ge [sflag:s29], $0x1  }
0xb5: {  	[sflag:s29] =	ssyncadd.s32 $0xFFFFFFFF  }
0xb6: {  	_ =	strace $0x90000054  }
0xb7: {  	_ =	sfence  }
0xb8: {  	s30 =	sld [smem:$0x0];
	_ =	sdelay $0x2  }
0xb9: {  	s31 =	sshll.u32 s1, $0xD;
	s1 =	sshrl.u32 s1, $0x2  }
0xba: {  	s3 =	sand.u32 $0x4000, s31;
	s1 =	sadd.s32 s1, s30  }
0xbb: {  	s0 =	sor.u32 s3, s0;
	s1 =	sshll.u32 s1, $0x11  }
0xbc: {  	s0 =	sor.u32 s1, s0  }
0xbd: {  	s0 =	sadd.s32 $0x8F2B, s0  }
0xbe: {  	[sflag:s0] =	ssyncadd.remote.s32 $0x1  }
0xbf: {  	_ =	sfence.sel $0xFFFF  }
0xc0: {  	[dreg:$0x0] =	wrdreg $0xFFFFFFFF;
	(pc) =	sbr.abs _section_cstart, $3  }
0xc1: {  	[dreg:$0x1] =	wrdreg $0xFFFFFFFF  }
0xc2: {  	_ =	task.clear_ibuf [dreg:s7], $0x2FFFF;
	_ =	strace $0x9FFFFFFF  }
0xc3: {  	(tm) =	ssettm $0x7FFFFFFF  }
tec
execute0_lowered:
.L_overlay_start_1:
0x0: {  	(tag) =	ssettag $0x1  }
0x1: {  	s1 =	rddreg [dreg:$0x0]  }
0x2: {  	s0 =	rddreg [dreg:$0x1];
	s8 =	stileid.u32  }
0x3: {  	s3 =	srdreg.scid;
	s7 =	smul.u32 $0x14000, s8  }
0x4: {  	s3 =	sand.u32 $0x1, s3;
	s24 =	sshll.u32 s8, $0x1;
	s8 =	smul.u32 $0x50000, s8  }
0x5: {  	s4 =	smul.u32 $0x140000, s3;
	s25 =	ssub.s32 $0x2, s3;
	s3 =	sor.u32 s3, s24  }
0x6: {  	s2 =	rddreg [dreg:$0x2];
	s5 =	simm.s32 $0x0;
	s9 =	smul.u32 $0x1400, s3  }
0x7: {  	[smem:$0x7FF] =	sst s5;
	s5 =	sadd.s32 $0x85000, s0;
	s6 =	sadd.s32 $0x5D000, s0  }
0x8: {  	_ =	strace $0x80000053;
	s8 =	sshrl.u32 s8, $0x2;
	s10 =	sadd.s32 s5, s9  }
0x9: {  	s8 =	sadd.s32 s8, s2;
	s11 =	sadd.s32 s6, s9;
	[dreg:$0x4] =	wrdreg s10  }
0xa: {  	s12 =	sadd.s32 $0x1000, s8;
	[dreg:$0x5] =	wrdreg s11  }
0xb: {  	s26 =	sshrl.u32 s25, $0x1;
	s13 =	sadd.s32 $0x2000, s8;
	[dreg:$0x6] =	wrdreg s12  }
0xc: {  	s4 =	sadd.s32 s7, s4;
	s14 =	sadd.s32 $0x3000, s8;
	[dreg:$0x7] =	wrdreg s13  }
0xd: {  	s7 =	smul.u32 $0x140, s3;
	s15 =	sadd.s32 $0x4000, s8;
	[dreg:$0x8] =	wrdreg s14  }
0xe: {  	s3 =	simm.s32 $0x5;
	s16 =	sadd.s32 $0x5000, s8;
	[dreg:$0x9] =	wrdreg s15  }
0xf: {  	s4 =	sshrl.u32 s4, $0x3;
	s17 =	sadd.s32 $0x6000, s8;
	[dreg:$0xa] =	wrdreg s16  }
0x10: {  	s18 =	sadd.s32 $0x7000, s8;
	s19 =	sadd.s32 $0x8000, s8;
	[dreg:$0xb] =	wrdreg s17  }
0x11: {  	s20 =	sadd.s32 $0x9000, s8;
	s21 =	sadd.s32 $0xA000, s8;
	[dreg:$0xc] =	wrdreg s18  }
0x12: {  	s22 =	sadd.s32 $0xB000, s8;
	s23 =	sadd.s32 $0xC000, s8;
	[dreg:$0xd] =	wrdreg s19  }
0x13: {  	s24 =	sadd.s32 $0xD000, s8;
	s28 =	sadd.s32 $0xF000, s8;
	[dreg:$0xe] =	wrdreg s20  }
0x14: {  	s29 =	sadd.s32 $0x10000, s8;
	s30 =	sadd.s32 $0x11000, s8;
	[dreg:$0xf] =	wrdreg s21  }
0x15: {  	s31 =	sadd.s32 $0x12000, s8;
	s9 =	simm.s32 $0x3800;
	[dreg:$0x10] =	wrdreg s22  }
0x16: {  	s0 =	sadd.s32 s4, s0;
	s4 =	ssub.s32 s25, s26;
	[dreg:$0x11] =	wrdreg s23  }
0x17: {  	[dreg:$0x12] =	wrdreg s24;
	s26 =	sadd.s32 $0xE000, s8;
	s10 =	simm.s32 $0x4800  }
0x18: {  	s11 =	simm.s32 $0x5800;
	s12 =	simm.s32 $0x2800;
	s13 =	simm.s32 $0x1  }
0x19: {  	s14 =	simm.s32 $0x2;
	s15 =	simm.s32 $0x3;
	s16 =	simm.s32 $0x4  }
0x1a: {  	s17 =	simm.s32 $0x2600;
	s18 =	simm.s32 $0x2680;
	s19 =	simm.s32 $0x2700  }
0x1b: {  	s20 =	simm.s32 $0x2780;
	s0 =	sadd.s32 $0xAD000, s0;
	[dreg:$0x15] =	wrdreg s26  }
0x1c: {  	s21 =	simm.s32 $0x0;
	s25 =	smax.u32 s4, $0x1;
	[dreg:$0x13] =	wrdreg s0  }
0x1d: {  	v0 =	vimm.f32 $0.0e+00;
	s4 =	simm.s32 $0x20;
	[dreg:$0x14] =	wrdreg s25;
	s0 =	sadd.s32 $0x13000, s8  }
.LBB2_1:
0x1e: {  	s22 =	simm.s32 $0x0;
	s23 =	rddreg [dreg:$0x4]  }
0x1f: {  	[tilespmem:s22], [sflag:$0x5] =	stream.linear.gather [hbm4b:s23+s22], $0x1400, $0x38;
	[tilespmem:$0x1A800] =	vst v63  }
0x20: {  	_ =	swait.ge [sflag:s3], $0x1400  }
0x21: {  	[sflag:s3] =	ssyncset.done $0x0  }
0x22: {  	s24 =	simm.s32 $0x1400;
	s26 =	rddreg [dreg:$0x5];
	[sflag:s3] =	ssyncadd.s32 $0xFFFFEC00  }
0x23: {  	[tilespmem:s24], [sflag:$0x5] =	stream.linear.gather [hbm4b:s26+s22], $0x1400, $0x38;
	[tilespmem:$0x1A800] =	vst v63  }
0x24: {  	_ =	swait.ge [sflag:s3], $0x1400  }
0x25: {  	[sflag:s3] =	ssyncset.done $0x0  }
0x26: {  	s24 =	simm.s32 $0x80;
	[sflag:s3] =	ssyncadd.s32 $0xFFFFEC00  }
0x27: {  	[tilespmem:s9], [sflag:$0x2] =	stream.indirect.gather [hbm4b:s1+s4], $0x80, s24, s4, $0xb8;
	[tilespmem:$0x1A800] =	vst v63  }
0x28: {  	s25 =	simm.s32 $0x100  }
0x29: {  	[tilespmem:s10], [sflag:$0x3] =	stream.indirect.gather [hbm4b:s1+s4], $0x80, s25, s4, $0xb8;
	[tilespmem:$0x1A800] =	vst v63  }
0x2a: {  	s23 =	simm.s32 $0x200;
	s26 =	simm.s32 $0x180;
	s22 =	simm.s32 $0x0  }
0x2b: {  	[tilespmem:s11], [sflag:$0x4] =	stream.indirect.gather [hbm4b:s1+s4], $0x80, s26, s4, $0xb8;
	[tilespmem:$0x1A800] =	vst v63  }
.LBB2_2:
0x2c: {  	p0 =	sne.s32 s23, $0x3E00;
	[tilespmem:s22+$0x2870] =	vst v0  }
0x2d: {  	[tilespmem:s22+$0x2800] =	vst v0  }
0x2e: {  	[tilespmem:s22+$0x2810] =	vst v0  }
.Ltmp0:
0x2f: {  	[tilespmem:s22+$0x2820] =	vst v0;
	(pc) =	sbr.rel @p0 .LBB2_2-.Ltmp0, $4  }
0x30: {  	[tilespmem:s22+$0x2830] =	vst v0  }
0x31: {  	[tilespmem:s22+$0x2840] =	vst v0  }
0x32: {  	[tilespmem:s22+$0x2850] =	vst v0  }
0x33: {  	[tilespmem:s22+$0x2860] =	vst v0;
	s22 =	sshra.s32 s23, $0x2;
	s23 =	sadd.s32 $0x200, s23  }
0x34: {  	[tilespmem:s22+$0x2870] =	vst v0  }
0x35: {  	[tilespmem:s22+$0x2800] =	vst v0  }
0x36: {  	[tilespmem:s22+$0x2810] =	vst v0  }
0x37: {  	[tilespmem:s22+$0x2820] =	vst v0  }
0x38: {  	[tilespmem:s22+$0x2830] =	vst v0  }
0x39: {  	[tilespmem:s22+$0x2840] =	vst v0  }
0x3a: {  	[tilespmem:s22+$0x2850] =	vst v0  }
0x3b: {  	[tilespmem:s22+$0x2860] =	vst v0  }
0x3c: {  	[spmem:s8] =	stream.linear.scatter [tilespmem:s12], [sflag:$0x5], $0x1000, $0x38;
	[tilespmem:$0x1A800] =	vst v63  }
0x3d: {  	_ =	swait.ge [sflag:s3], $0x1000  }
0x3e: {  	[sflag:s3] =	ssyncset.done $0x0  }
0x3f: {  	s25 =	rddreg [dreg:$0x6];
	[sflag:s3] =	ssyncadd.s32 $0xFFFFF000  }
0x40: {  	[spmem:s25] =	stream.linear.scatter [tilespmem:s12], [sflag:$0x5], $0x1000, $0x38;
	[tilespmem:$0x1A800] =	vst v63  }
0x41: {  	_ =	swait.ge [sflag:s3], $0x1000  }
0x42: {  	[sflag:s3] =	ssyncset.done $0x0  }
0x43: {  	s26 =	rddreg [dreg:$0x7];
	[sflag:s3] =	ssyncadd.s32 $0xFFFFF000  }
0x44: {  	[spmem:s26] =	stream.linear.scatter [tilespmem:s12], [sflag:$0x5], $0x1000, $0x38;
	[tilespmem:$0x1A800] =	vst v63  }
0x45: {  	_ =	swait.ge [sflag:s3], $0x1000  }
0x46: {  	[sflag:s3] =	ssyncset.done $0x0  }
0x47: {  	s23 =	rddreg [dreg:$0x8];
	[sflag:s3] =	ssyncadd.s32 $0xFFFFF000  }
0x48: {  	[spmem:s23] =	stream.linear.scatter [tilespmem:s12], [sflag:$0x5], $0x1000, $0x38;
	[tilespmem:$0x1A800] =	vst v63  }
0x49: {  	_ =	swait.ge [sflag:s3], $0x1000  }
0x4a: {  	[sflag:s3] =	ssyncset.done $0x0  }
0x4b: {  	s24 =	rddreg [dreg:$0x9];
	[sflag:s3] =	ssyncadd.s32 $0xFFFFF000  }
0x4c: {  	[spmem:s24] =	stream.linear.scatter [tilespmem:s12], [sflag:$0x5], $0x1000, $0x38;
	[tilespmem:$0x1A800] =	vst v63  }
0x4d: {  	_ =	swait.ge [sflag:s3], $0x1000  }
0x4e: {  	[sflag:s3] =	ssyncset.done $0x0  }
0x4f: {  	s25 =	rddreg [dreg:$0xa];
	[sflag:s3] =	ssyncadd.s32 $0xFFFFF000  }
0x50: {  	[spmem:s25] =	stream.linear.scatter [tilespmem:s12], [sflag:$0x5], $0x1000, $0x38;
	[tilespmem:$0x1A800] =	vst v63  }
0x51: {  	_ =	swait.ge [sflag:s3], $0x1000  }
0x52: {  	[sflag:s3] =	ssyncset.done $0x0  }
0x53: {  	s26 =	rddreg [dreg:$0xb];
	[sflag:s3] =	ssyncadd.s32 $0xFFFFF000  }
0x54: {  	[spmem:s26] =	stream.linear.scatter [tilespmem:s12], [sflag:$0x5], $0x1000, $0x38;
	[tilespmem:$0x1A800] =	vst v63  }
0x55: {  	_ =	swait.ge [sflag:s3], $0x1000  }
0x56: {  	[sflag:s3] =	ssyncset.done $0x0  }
0x57: {  	s23 =	rddreg [dreg:$0xc];
	[sflag:s3] =	ssyncadd.s32 $0xFFFFF000  }
0x58: {  	[spmem:s23] =	stream.linear.scatter [tilespmem:s12], [sflag:$0x5], $0x1000, $0x38;
	[tilespmem:$0x1A800] =	vst v63  }
0x59: {  	_ =	swait.ge [sflag:s3], $0x1000  }
0x5a: {  	[sflag:s3] =	ssyncset.done $0x0  }
0x5b: {  	s24 =	rddreg [dreg:$0xd];
	[sflag:s3] =	ssyncadd.s32 $0xFFFFF000  }
0x5c: {  	[spmem:s24] =	stream.linear.scatter [tilespmem:s12], [sflag:$0x5], $0x1000, $0x38;
	[tilespmem:$0x1A800] =	vst v63  }
0x5d: {  	_ =	swait.ge [sflag:s3], $0x1000  }
0x5e: {  	[sflag:s3] =	ssyncset.done $0x0  }
0x5f: {  	s25 =	rddreg [dreg:$0xe];
	[sflag:s3] =	ssyncadd.s32 $0xFFFFF000  }
0x60: {  	[spmem:s25] =	stream.linear.scatter [tilespmem:s12], [sflag:$0x5], $0x1000, $0x38;
	[tilespmem:$0x1A800] =	vst v63  }
0x61: {  	_ =	swait.ge [sflag:s3], $0x1000  }
0x62: {  	[sflag:s3] =	ssyncset.done $0x0  }
0x63: {  	s26 =	rddreg [dreg:$0xf];
	[sflag:s3] =	ssyncadd.s32 $0xFFFFF000  }
0x64: {  	[spmem:s26] =	stream.linear.scatter [tilespmem:s12], [sflag:$0x5], $0x1000, $0x38;
	[tilespmem:$0x1A800] =	vst v63  }
0x65: {  	_ =	swait.ge [sflag:s3], $0x1000  }
0x66: {  	[sflag:s3] =	ssyncset.done $0x0  }
0x67: {  	s23 =	rddreg [dreg:$0x10];
	[sflag:s3] =	ssyncadd.s32 $0xFFFFF000  }
0x68: {  	[spmem:s23] =	stream.linear.scatter [tilespmem:s12], [sflag:$0x5], $0x1000, $0x38;
	[tilespmem:$0x1A800] =	vst v63  }
0x69: {  	_ =	swait.ge [sflag:s3], $0x1000  }
0x6a: {  	[sflag:s3] =	ssyncset.done $0x0  }
0x6b: {  	s24 =	rddreg [dreg:$0x11];
	[sflag:s3] =	ssyncadd.s32 $0xFFFFF000  }
0x6c: {  	[spmem:s24] =	stream.linear.scatter [tilespmem:s12], [sflag:$0x5], $0x1000, $0x38;
	[tilespmem:$0x1A800] =	vst v63  }
0x6d: {  	_ =	swait.ge [sflag:s3], $0x1000  }
0x6e: {  	[sflag:s3] =	ssyncset.done $0x0  }
0x6f: {  	s25 =	rddreg [dreg:$0x12];
	[sflag:s3] =	ssyncadd.s32 $0xFFFFF000  }
0x70: {  	[spmem:s25] =	stream.linear.scatter [tilespmem:s12], [sflag:$0x5], $0x1000, $0x38;
	[tilespmem:$0x1A800] =	vst v63  }
0x71: {  	_ =	swait.ge [sflag:s3], $0x1000  }
0x72: {  	[sflag:s3] =	ssyncset.done $0x0  }
0x73: {  	s26 =	rddreg [dreg:$0x15];
	[sflag:s3] =	ssyncadd.s32 $0xFFFFF000  }
0x74: {  	[spmem:s26] =	stream.linear.scatter [tilespmem:s12], [sflag:$0x5], $0x1000, $0x38;
	[tilespmem:$0x1A800] =	vst v63  }
0x75: {  	_ =	swait.ge [sflag:s3], $0x1000  }
0x76: {  	[sflag:s3] =	ssyncset.done $0x0  }
0x77: {  	[sflag:s3] =	ssyncadd.s32 $0xFFFFF000  }
0x78: {  	[spmem:s28] =	stream.linear.scatter [tilespmem:s12], [sflag:$0x5], $0x1000, $0x38;
	[tilespmem:$0x1A800] =	vst v63  }
0x79: {  	_ =	swait.ge [sflag:s3], $0x1000  }
0x7a: {  	[sflag:s3] =	ssyncset.done $0x0  }
0x7b: {  	[sflag:s3] =	ssyncadd.s32 $0xFFFFF000  }
0x7c: {  	[spmem:s29] =	stream.linear.scatter [tilespmem:s12], [sflag:$0x5], $0x1000, $0x38;
	[tilespmem:$0x1A800] =	vst v63  }
0x7d: {  	_ =	swait.ge [sflag:s3], $0x1000  }
0x7e: {  	[sflag:s3] =	ssyncset.done $0x0  }
0x7f: {  	[sflag:s3] =	ssyncadd.s32 $0xFFFFF000  }
0x80: {  	[spmem:s30] =	stream.linear.scatter [tilespmem:s12], [sflag:$0x5], $0x1000, $0x38;
	[tilespmem:$0x1A800] =	vst v63  }
0x81: {  	_ =	swait.ge [sflag:s3], $0x1000  }
0x82: {  	[sflag:s3] =	ssyncset.done $0x0  }
0x83: {  	[sflag:s3] =	ssyncadd.s32 $0xFFFFF000  }
0x84: {  	[spmem:s31] =	stream.linear.scatter [tilespmem:s12], [sflag:$0x5], $0x1000, $0x38;
	[tilespmem:$0x1A800] =	vst v63  }
0x85: {  	_ =	swait.ge [sflag:s3], $0x1000  }
0x86: {  	[sflag:s3] =	ssyncset.done $0x0  }
0x87: {  	[sflag:s3] =	ssyncadd.s32 $0xFFFFF000  }
0x88: {  	[spmem:s0] =	stream.linear.scatter [tilespmem:s12], [sflag:$0x5], $0x1000, $0x38;
	[tilespmem:$0x1A800] =	vst v63  }
0x89: {  	_ =	swait.ge [sflag:s3], $0x1000  }
0x8a: {  	[sflag:s3] =	ssyncset.done $0x0  }
0x8b: {  	s22 =	simm.s32 $0x0;
	[sflag:s3] =	ssyncadd.s32 $0xFFFFF000  }
0x8c: {  	[tilespmem:s12], [sflag:$0x1] =	stream.indirect.gather [hbm4b:s1+s4], $0x80, s22, s4, $0xb8;
	[tilespmem:$0x1A800] =	vst v63  }
0x8d: {  	[bflag:$0x0] =	sbarrier.arrive $0xFFFF  }
.LBB2_4:
0x8e: {  	p0 =	seq.s32 s22, $0x0  }
0x8f: {  	s23 =	smul.u32 @!p0 $0x28, s22;
	_ =	sdelay $0x1  }
0x90: {  	s23 =	sadd.s32 @!p0 s7, s23  }
0x91: {  	s23 =	sshll.u32 @!p0 s23, $0x4  }
0x92: {  	s25 =	simm.s32 @!p0 $0x0;
	s24 =	sadd.s32 @!p0 s5, s23  }
0x93: {  	[tilespmem:s25], [sflag:$0x5] =	stream.linear.gather @!p0 [hbm4b:s24+s25], $0x1400, $0x38;
	[tilespmem:$0x1A800] =	vst v63  }
0x94: {  	s24 =	simm.s32 @!p0 $0x5  }
0x95: {  	_ =	swait.ge @!p0 [sflag:s24], $0x1400  }
0x96: {  	[sflag:s24] =	ssyncset.done @!p0 $0x0  }
0x97: {  	s26 =	simm.s32 @!p0 $0x1400;
	s23 =	sadd.s32 @!p0 s6, s23;
	[sflag:s24] =	ssyncadd.s32 @!p0 $0xFFFFEC00  }
0x98: {  	[tilespmem:s26], [sflag:$0x5] =	stream.linear.gather @!p0 [hbm4b:s23+s25], $0x1400, $0x38;
	[tilespmem:$0x1A800] =	vst v63  }
0x99: {  	_ =	swait.ge @!p0 [sflag:s24], $0x1400  }
0x9a: {  	[sflag:s24] =	ssyncset.done @!p0 $0x0  }
0x9b: {  	s23 =	simm.s32 @!p0 $0x20;
	[sflag:s24] =	ssyncadd.s32 @!p0 $0xFFFFEC00;
	s24 =	simm.s32 @!p0 $0x2800  }
0x9c: {  	[tilespmem:s24], [sflag:$0x1] =	stream.indirect.gather @!p0 [hbm4b:s1+s23], $0x80, s25, s23, $0xb8;
	[tilespmem:$0x1A800] =	vst v63  }
0x9d: {  	s24 =	simm.s32 @!p0 $0x80;
	s25 =	simm.s32 @!p0 $0x3800  }
0x9e: {  	[tilespmem:s25], [sflag:$0x2] =	stream.indirect.gather @!p0 [hbm4b:s1+s23], $0x80, s24, s23, $0xb8;
	[tilespmem:$0x1A800] =	vst v63  }
0x9f: {  	s24 =	simm.s32 @!p0 $0x100;
	s25 =	simm.s32 @!p0 $0x4800  }
0xa0: {  	[tilespmem:s25], [sflag:$0x3] =	stream.indirect.gather @!p0 [hbm4b:s1+s23], $0x80, s24, s23, $0xb8;
	[tilespmem:$0x1A800] =	vst v63  }
0xa1: {  	s24 =	simm.s32 @!p0 $0x180;
	s25 =	simm.s32 @!p0 $0x5800  }
0xa2: {  	[tilespmem:s25], [sflag:$0x4] =	stream.indirect.gather @!p0 [hbm4b:s1+s23], $0x80, s24, s23, $0xb8;
	[tilespmem:$0x1A800] =	vst v63  }
0xa3: {  	_ =	swait.ge [sflag:s13], $0x1000  }
0xa4: {  	[sflag:s13] =	ssyncset.done $0x0  }
0xa5: {  	s26 =	simm.s32 $0x1400;
	[sflag:s13] =	ssyncadd.s32 $0xFFFFF000  }
0xa6: {  	[spmem:s2] =	stream.indirect.scatter.add.f32 [tilespmem:s12], [sflag:$0x5], $0x80, s26, s4, $0xb8;
	[tilespmem:$0x1A800] =	vst v63  }
0xa7: {  	_ =	swait.ge [sflag:s3], $0x1000  }
0xa8: {  	[sflag:s3] =	ssyncset.done $0x0  }
0xa9: {  	s24 =	simm.s32 $0x200;
	[sflag:s3] =	ssyncadd.s32 $0xFFFFF000  }
0xaa: {  	[tilespmem:s12], [sflag:$0x1] =	stream.indirect.gather [hbm4b:s1+s4], $0x80, s24, s4, $0xb8;
	[tilespmem:$0x1A800] =	vst v63  }
0xab: {  	_ =	swait.ge [sflag:s14], $0x1000  }
0xac: {  	[sflag:s14] =	ssyncset.done $0x0  }
0xad: {  	s25 =	simm.s32 $0x1480;
	[sflag:s14] =	ssyncadd.s32 $0xFFFFF000  }
0xae: {  	[spmem:s2] =	stream.indirect.scatter.add.f32 [tilespmem:s9], [sflag:$0x5], $0x80, s25, s4, $0xb8;
	[tilespmem:$0x1A800] =	vst v63  }
0xaf: {  	_ =	swait.ge [sflag:s3], $0x1000  }
0xb0: {  	[sflag:s3] =	ssyncset.done $0x0  }
0xb1: {  	s26 =	simm.s32 $0x280;
	[sflag:s3] =	ssyncadd.s32 $0xFFFFF000  }
0xb2: {  	[tilespmem:s9], [sflag:$0x2] =	stream.indirect.gather [hbm4b:s1+s4], $0x80, s26, s4, $0xb8;
	[tilespmem:$0x1A800] =	vst v63  }
0xb3: {  	_ =	swait.ge [sflag:s15], $0x1000  }
0xb4: {  	[sflag:s15] =	ssyncset.done $0x0  }
0xb5: {  	s24 =	simm.s32 $0x1500;
	[sflag:s15] =	ssyncadd.s32 $0xFFFFF000  }
0xb6: {  	[spmem:s2] =	stream.indirect.scatter.add.f32 [tilespmem:s10], [sflag:$0x5], $0x80, s24, s4, $0xb8;
	[tilespmem:$0x1A800] =	vst v63  }
0xb7: {  	_ =	swait.ge [sflag:s3], $0x1000  }
0xb8: {  	[sflag:s3] =	ssyncset.done $0x0  }
0xb9: {  	s25 =	simm.s32 $0x300;
	[sflag:s3] =	ssyncadd.s32 $0xFFFFF000  }
0xba: {  	[tilespmem:s10], [sflag:$0x3] =	stream.indirect.gather [hbm4b:s1+s4], $0x80, s25, s4, $0xb8;
	[tilespmem:$0x1A800] =	vst v63  }
0xbb: {  	_ =	swait.ge [sflag:s16], $0x1000  }
0xbc: {  	[sflag:s16] =	ssyncset.done $0x0  }
0xbd: {  	s26 =	simm.s32 $0x1580;
	[sflag:s16] =	ssyncadd.s32 $0xFFFFF000  }
0xbe: {  	[spmem:s2] =	stream.indirect.scatter.add.f32 [tilespmem:s11], [sflag:$0x5], $0x80, s26, s4, $0xb8;
	[tilespmem:$0x1A800] =	vst v63  }
0xbf: {  	_ =	swait.ge [sflag:s3], $0x1000  }
0xc0: {  	[sflag:s3] =	ssyncset.done $0x0  }
0xc1: {  	s23 =	simm.s32 $0x800;
	s24 =	simm.s32 $0x380;
	[sflag:s3] =	ssyncadd.s32 $0xFFFFF000  }
.LBB2_5:
0xc2: {  	[tilespmem:s11], [sflag:$0x4] =	stream.indirect.gather [hbm4b:s1+s4], $0x80, s24, s4, $0xb8;
	[tilespmem:$0x1A800] =	vst v63  }
0xc3: {  	s24 =	smov.u32 s23  }
0xc4: {  	p0 =	sne.s32 s23, $0x4000;
	s23 =	sadd.s32 $0x800, s23;
	_ =	swait.ge [sflag:s13], $0x1000  }
0xc5: {  	s24 =	sshra.s32 s24, $0x2;
	[sflag:s13] =	ssyncset.done $0x0  }
0xc6: {  	s25 =	sadd.s32 $0x1400, s24;
	[sflag:s13] =	ssyncadd.s32 $0xFFFFF000  }
0xc7: {  	[spmem:s2] =	stream.indirect.scatter.add.f32 [tilespmem:s12], [sflag:$0x5], $0x80, s25, s4, $0xb8;
	[tilespmem:$0x1A800] =	vst v63  }
0xc8: {  	_ =	swait.ge [sflag:s3], $0x1000  }
0xc9: {  	[sflag:s3] =	ssyncset.done $0x0  }
0xca: {  	s25 =	sadd.s32 $0x200, s24;
	[sflag:s3] =	ssyncadd.s32 $0xFFFFF000  }
0xcb: {  	[tilespmem:s12], [sflag:$0x1] =	stream.indirect.gather [hbm4b:s1+s4], $0x80, s25, s4, $0xb8;
	[tilespmem:$0x1A800] =	vst v63  }
0xcc: {  	_ =	swait.ge [sflag:s14], $0x1000  }
0xcd: {  	[sflag:s14] =	ssyncset.done $0x0  }
0xce: {  	s25 =	sadd.s32 $0x1480, s24;
	[sflag:s14] =	ssyncadd.s32 $0xFFFFF000  }
0xcf: {  	[spmem:s2] =	stream.indirect.scatter.add.f32 [tilespmem:s9], [sflag:$0x5], $0x80, s25, s4, $0xb8;
	[tilespmem:$0x1A800] =	vst v63  }
0xd0: {  	_ =	swait.ge [sflag:s3], $0x1000  }
0xd1: {  	[sflag:s3] =	ssyncset.done $0x0  }
0xd2: {  	s25 =	sadd.s32 $0x280, s24;
	[sflag:s3] =	ssyncadd.s32 $0xFFFFF000  }
0xd3: {  	[tilespmem:s9], [sflag:$0x2] =	stream.indirect.gather [hbm4b:s1+s4], $0x80, s25, s4, $0xb8;
	[tilespmem:$0x1A800] =	vst v63  }
0xd4: {  	_ =	swait.ge [sflag:s15], $0x1000  }
0xd5: {  	[sflag:s15] =	ssyncset.done $0x0  }
0xd6: {  	s25 =	sadd.s32 $0x1500, s24;
	[sflag:s15] =	ssyncadd.s32 $0xFFFFF000  }
0xd7: {  	[spmem:s2] =	stream.indirect.scatter.add.f32 [tilespmem:s10], [sflag:$0x5], $0x80, s25, s4, $0xb8;
	[tilespmem:$0x1A800] =	vst v63  }
0xd8: {  	_ =	swait.ge [sflag:s3], $0x1000  }
0xd9: {  	[sflag:s3] =	ssyncset.done $0x0  }
0xda: {  	s25 =	sadd.s32 $0x300, s24;
	[sflag:s3] =	ssyncadd.s32 $0xFFFFF000  }
0xdb: {  	[tilespmem:s10], [sflag:$0x3] =	stream.indirect.gather [hbm4b:s1+s4], $0x80, s25, s4, $0xb8;
	[tilespmem:$0x1A800] =	vst v63  }
0xdc: {  	_ =	swait.ge [sflag:s16], $0x1000  }
0xdd: {  	[sflag:s16] =	ssyncset.done $0x0  }
.Ltmp1:
0xde: {  	s25 =	sadd.s32 $0x1580, s24;
	[sflag:s16] =	ssyncadd.s32 $0xFFFFF000;
	(pc) =	sbr.rel @p0 .LBB2_5-.Ltmp1, $4  }
0xdf: {  	[spmem:s2] =	stream.indirect.scatter.add.f32 [tilespmem:s11], [sflag:$0x5], $0x80, s25, s4, $0xb8;
	[tilespmem:$0x1A800] =	vst v63  }
0xe0: {  	_ =	swait.ge [sflag:s3], $0x1000  }
0xe1: {  	[sflag:s3] =	ssyncset.done $0x0  }
0xe2: {  	s24 =	sadd.s32 $0x380, s24;
	[sflag:s3] =	ssyncadd.s32 $0xFFFFF000  }
0xe3: {  	[tilespmem:s11], [sflag:$0x4] =	stream.indirect.gather [hbm4b:s1+s4], $0x80, s24, s4, $0xb8;
	[tilespmem:$0x1A800] =	vst v63  }
0xe4: {  	_ =	swait.ge [sflag:s13], $0x1000  }
0xe5: {  	[sflag:s13] =	ssyncset.done $0x0  }
0xe6: {  	[sflag:s13] =	ssyncadd.s32 $0xFFFFF000  }
0xe7: {  	[spmem:s2] =	stream.indirect.scatter.add.f32 [tilespmem:s12], [sflag:$0x5], $0x80, s17, s4, $0xb8;
	[tilespmem:$0x1A800] =	vst v63  }
0xe8: {  	_ =	swait.ge [sflag:s3], $0x1000  }
0xe9: {  	[sflag:s3] =	ssyncset.done $0x0  }
0xea: {  	[sflag:s3] =	ssyncadd.s32 $0xFFFFF000  }
0xeb: {  	_ =	swait.ge [sflag:s14], $0x1000  }
0xec: {  	[sflag:s14] =	ssyncset.done $0x0  }
0xed: {  	[sflag:s14] =	ssyncadd.s32 $0xFFFFF000  }
0xee: {  	[spmem:s2] =	stream.indirect.scatter.add.f32 [tilespmem:s9], [sflag:$0x5], $0x80, s18, s4, $0xb8;
	[tilespmem:$0x1A800] =	vst v63  }
0xef: {  	_ =	swait.ge [sflag:s3], $0x1000  }
0xf0: {  	[sflag:s3] =	ssyncset.done $0x0  }
0xf1: {  	[sflag:s3] =	ssyncadd.s32 $0xFFFFF000  }
0xf2: {  	_ =	swait.ge [sflag:s15], $0x1000  }
0xf3: {  	[sflag:s15] =	ssyncset.done $0x0  }
0xf4: {  	[sflag:s15] =	ssyncadd.s32 $0xFFFFF000  }
0xf5: {  	[spmem:s2] =	stream.indirect.scatter.add.f32 [tilespmem:s10], [sflag:$0x5], $0x80, s19, s4, $0xb8;
	[tilespmem:$0x1A800] =	vst v63  }
0xf6: {  	_ =	swait.ge [sflag:s3], $0x1000  }
0xf7: {  	[sflag:s3] =	ssyncset.done $0x0  }
0xf8: {  	[sflag:s3] =	ssyncadd.s32 $0xFFFFF000  }
0xf9: {  	s22 =	sadd.s32 $0x1, s22;
	_ =	swait.ge [sflag:s16], $0x1000  }
0xfa: {  	p0 =	sne.s32 s22, $0x8;
	[sflag:s16] =	ssyncset.done $0x0  }
.Ltmp2:
0xfb: {  	[sflag:s16] =	ssyncadd.s32 $0xFFFFF000;
	(pc) =	sbr.rel @p0 .LBB2_4-.Ltmp2, $4  }
0xfc: {  	[spmem:s2] =	stream.indirect.scatter.add.f32 [tilespmem:s11], [sflag:$0x5], $0x80, s20, s4, $0xb8;
	[tilespmem:$0x1A800] =	vst v63  }
0xfd: {  	_ =	swait.ge [sflag:s3], $0x1000  }
0xfe: {  	[sflag:s3] =	ssyncset.done $0x0  }
0xff: {  	[sflag:s3] =	ssyncadd.s32 $0xFFFFF000  }
0x100: {  	s22 =	stileid.u32  }
0x101: {  	[bflag:$0x0] =	sbarrier.arrive $0xFFFF;
	s22 =	sshll.u32 s22, $0x6  }
0x102: {  	s23 =	sshrl.u32 s8, $0x3;
	s24 =	rddreg [dreg:$0x13];
	s22 =	sor.u32 $0x1C05, s22  }
0x103: {  	[hbm:s24], [sflag:s22] =	dma.local [spmem:s23], $0x2800  }
0x104: {  	_ =	swait.ge [sflag:s3], $0x2800  }
0x105: {  	s21 =	sadd.s32 $0x1, s21;
	s26 =	rddreg [dreg:$0x14]  }
0x106: {  	p0 =	sne.s32 s21, s26  }
.Ltmp3:
0x107: {  	_ = 	snop;
	(pc) =	sbr.rel @p0 .LBB2_1-.Ltmp3, $3  }
0x108: {  	_ =	sdelay $0x1  }
0x109: {  	[sflag:s3] =	ssyncset.done $0x0  }
0x10a: {  	[sflag:s3] =	ssyncadd.s32 $0xFFFFD800  }
0x10b: {  	_ =	sfence.sel $0x180000  }
0x10c: {  	[bflag:$0x0] =	sbarrier.arrive $0xFFFF  }
0x10d: {  	_ =	strace $0x90000053  }
0x10e: {  	s0 =	stileid.u32;
	[bflag:$0x2] =	sbarrier.arrive $0xFFFF  }
0x10f: {  	p0 =	sne.s32 s0, $0x0;
	s0 =	rddreg [dreg:$0x3]  }
0x110: {  	s0 =	sadd.s32 @!p0 $0x100000, s0  }
0x111: {  	[sflag:s0] =	ssyncadd.tile.s32 @!p0 $0x1;
	_ =	shalt  }
.Lfunc_end2:
_tile_overlayer_lowered:
.L_overlay_start_2:
0x112: {  	(tag) =	ssettag $0x2  }
0x113: {  	s0 =	rddreg [dreg:$0x0];
	s2 =	stileid.u32  }
0x114: {  	s1 =	rddreg [dreg:$0x1];
	p0 =	sne.s32 s2, $0x0  }
0x115: {  	s3 =	rddreg [dreg:$0x2];
	[bflag:$0x3] =	sbarrier.arrive $0xFFFF;
	s2 =	simm.s32 @!p0 $0x1C05  }
0x116: {  	[timem:s3], [sflag:s2] =	dma.local @!p0 [hbm:s0], s1  }
0x117: {  	s0 =	simm.s32 @!p0 $0x5  }
0x118: {  	_ =	swait.ge @!p0 [sflag:s0], s1  }
0x119: {  	s1 =	ssub.s32 @!p0 $0x0, s1;
	[sflag:s0] =	ssyncset.done @!p0 $0x0  }
0x11a: {  	[sflag:s0] =	ssyncadd.s32 @!p0 s1  }
0x11b: {  	[bflag:$0x3] =	sbarrier.arrive $0xFFFF  }
0x11c: {  	_ =	shalt  }

</sc_bundles>
